<compile_context>
chip_gen: v7x
topology: tpu7x:2x2x1
jax: 0.10.2.dev20260603
libtpu: 0.0.44.dev20260713+nightly
codegen_flags: <defaults>
</compile_context>

<pallas_src>
import functools

import jax
import jax.numpy as jnp
from jax import lax
from jax.scipy.special import logsumexp
from jax.experimental import pallas as pl
from jax.experimental.pallas import tpu as pltpu
from jax.experimental.pallas import tpu_sc as plsc

HEADS = 16
BUCKET = 64
NH = 4
DIM = 1024
VOCAB = 16384
SEQ = 4096
DH = DIM // HEADS
NB = SEQ // BUCKET
NCH = NH * NB
NTASK = HEADS * NH
NSC = 2
NSUB = 16
NW = NSC * NSUB

_f32 = jnp.float32
_bf16 = jnp.bfloat16
_i32 = jnp.int32


def _sc_mesh():
    return plsc.VectorSubcoreMesh(
        core_axis_name="c", subcore_axis_name="s",
        num_cores=NSC, num_subcores=NSUB)



def _sc_embed(idx, tok_emb):
    CH = 64
    n_chunk = SEQ // (NW * CH)

    @functools.partial(
        pl.kernel,
        out_type=jax.ShapeDtypeStruct((SEQ, DIM), _f32),
        mesh=_sc_mesh(),
        scratch_types=[
            pltpu.VMEM((CH,), _i32),
            pltpu.VMEM((CH, DIM), _f32),
            pltpu.SemaphoreType.DMA,
        ],
    )
    def k(idx_hbm, tok_hbm, out_hbm, idx_v, rows_v, sem):
        wid = lax.axis_index("s") * NSC + lax.axis_index("c")
        for j in range(n_chunk):
            base = (wid * n_chunk + j) * CH
            pltpu.sync_copy(idx_hbm.at[pl.ds(base, CH)], idx_v)
            pltpu.async_copy(tok_hbm.at[idx_v], rows_v, sem).wait()
            pltpu.sync_copy(rows_v, out_hbm.at[pl.ds(base, CH)])

    return k(idx, tok_emb)



def _sc_sort(bkts):

    @functools.partial(
        pl.kernel,
        out_type=[
            jax.ShapeDtypeStruct((NTASK, SEQ), _i32),
            jax.ShapeDtypeStruct((NTASK, SEQ), _i32),
            jax.ShapeDtypeStruct((NTASK, SEQ), _i32),
        ],
        mesh=_sc_mesh(),
        scratch_types=[
            pltpu.VMEM((SEQ,), _i32),
            pltpu.VMEM((SEQ,), _i32),
            pltpu.VMEM((16 * NB,), _i32),
            pltpu.VMEM((NB,), _i32),
            pltpu.VMEM((NB,), _i32),
            pltpu.VMEM((SEQ,), _i32),
            pltpu.VMEM((SEQ,), _i32),
            pltpu.VMEM((SEQ,), _i32),
        ],
        compiler_params=pltpu.CompilerParams(needs_layout_passes=False),
    )
    def k(bk_hbm, st_hbm, sb_hbm, dst_hbm,
          keys_v, rank_v, hist_v, tot_v, vb_v, st_v, sb_v, dst_v):
        wid = lax.axis_index("s") * NSC + lax.axis_index("c")
        li = lax.iota(_i32, 16)
        strip = SEQ // 16

        for j in range(NTASK // NW):
            t = wid * (NTASK // NW) + j
            r = t % NH
            base_val = r * NB
            pltpu.sync_copy(bk_hbm.at[t], keys_v)

            def zero_hist(i, _):
                hist_v[pl.ds(i * 16, 16)] = jnp.zeros((16,), _i32)
                return 0
            lax.fori_loop(0, NB, zero_hist, 0)

            def p1(kk, _):
                idxl = li * strip + kk
                kb = plsc.load_gather(keys_v, [idxl]) - base_val
                hidx = li * NB + kb
                cur = plsc.load_gather(hist_v, [hidx])
                plsc.store_scatter(rank_v, [idxl], cur)
                plsc.store_scatter(hist_v, [hidx], cur + 1)
                return 0
            lax.fori_loop(0, strip, p1, 0)

            def p2(v, _):
                hidx = li * NB + v
                hv = plsc.load_gather(hist_v, [hidx])
                cs = plsc.cumsum(hv)
                plsc.store_scatter(hist_v, [hidx], cs - hv)
                tot = jnp.sum(hv)
                plsc.store_scatter(
                    tot_v, [jnp.zeros((16,), _i32) + v],
                    jnp.zeros((16,), _i32) + tot, mask=li == 0)
                return 0
            lax.fori_loop(0, NB, p2, 0)

            carry = jnp.asarray(0, _i32)
            for i in range(NB // 16):
                tv = tot_v[pl.ds(i * 16, 16)]
                cs = plsc.cumsum(tv)
                vb_v[pl.ds(i * 16, 16)] = cs - tv + carry
                carry = carry + jnp.sum(tv)

            def p3(kk, _):
                idxl = li * strip + kk
                kfull = plsc.load_gather(keys_v, [idxl])
                kb = kfull - base_val
                rank = plsc.load_gather(rank_v, [idxl])
                vb = plsc.load_gather(vb_v, [kb])
                el = plsc.load_gather(hist_v, [li * NB + kb])
                pos = vb + el + rank
                plsc.store_scatter(st_v, [pos], idxl)
                plsc.store_scatter(sb_v, [pos], kfull)
                plsc.store_scatter(dst_v, [idxl], pos)
                return 0
            lax.fori_loop(0, strip, p3, 0)

            pltpu.sync_copy(st_v, st_hbm.at[t])
            pltpu.sync_copy(sb_v, sb_hbm.at[t])
            pltpu.sync_copy(dst_v, dst_hbm.at[t])

    return k(bkts)


def _sc_sort_gather(bkts, qv2):
    GCH = 512
    n_gch = SEQ // GCH
    NIR = SEQ // 128

    @functools.partial(
        pl.kernel,
        out_type=[
            jax.ShapeDtypeStruct((NTASK, SEQ), _i32),
            jax.ShapeDtypeStruct((NTASK, SEQ), _i32),
            jax.ShapeDtypeStruct((NTASK, SEQ), _i32),
            jax.ShapeDtypeStruct((NTASK * SEQ, 2 * DH), _f32),
        ],
        mesh=_sc_mesh(),
        scratch_types=[
            pltpu.VMEM((SEQ,), _i32),
            pltpu.VMEM((SEQ,), _i32),
            pltpu.VMEM((16 * NB,), _i32),
            pltpu.VMEM((NB,), _i32),
            pltpu.VMEM((NB,), _i32),
            pltpu.VMEM((SEQ,), _i32),
            pltpu.VMEM((SEQ,), _i32),
            pltpu.VMEM((SEQ,), _i32),
            pltpu.VMEM((NIR, 128), _i32),
            pltpu.VMEM((GCH, 2 * DH), _f32),
            pltpu.SemaphoreType.DMA,
        ],
        compiler_params=pltpu.CompilerParams(needs_layout_passes=False),
    )
    def k(bk_hbm, qv_hbm, st_hbm, sb_hbm, dst_hbm, sqv_hbm,
          keys_v, rank_v, hist_v, tot_v, vb_v, st_v, sb_v, dst_v, gidx_v,
          rows_v, sem):
        wid = lax.axis_index("s") * NSC + lax.axis_index("c")
        li = lax.iota(_i32, 16)
        strip = SEQ // 16

        for j in range(NTASK // NW):
            t = wid * (NTASK // NW) + j
            bh = t // NH
            r = t % NH
            base_val = r * NB

            pltpu.sync_copy(bk_hbm.at[t], keys_v)

            def zero_hist(i, _):
                hist_v[pl.ds(i * 16, 16)] = jnp.zeros((16,), _i32)
                return 0
            lax.fori_loop(0, NB, zero_hist, 0)

            def p1(kk, _):
                idxl = li * strip + kk
                kb = plsc.load_gather(keys_v, [idxl]) - base_val
                hidx = li * NB + kb
                cur = plsc.load_gather(hist_v, [hidx])
                plsc.store_scatter(rank_v, [idxl], cur)
                plsc.store_scatter(hist_v, [hidx], cur + 1)
                return 0
            lax.fori_loop(0, strip, p1, 0)

            def p2(v, _):
                hidx = li * NB + v
                hv = plsc.load_gather(hist_v, [hidx])
                cs = plsc.cumsum(hv)
                plsc.store_scatter(hist_v, [hidx], cs - hv)
                tot = jnp.sum(hv)
                plsc.store_scatter(
                    tot_v, [jnp.zeros((16,), _i32) + v],
                    jnp.zeros((16,), _i32) + tot, mask=li == 0)
                return 0
            lax.fori_loop(0, NB, p2, 0)

            carry = jnp.asarray(0, _i32)
            for i in range(NB // 16):
                tv = tot_v[pl.ds(i * 16, 16)]
                cs = plsc.cumsum(tv)
                vb_v[pl.ds(i * 16, 16)] = cs - tv + carry
                carry = carry + jnp.sum(tv)

            def p3(kk, _):
                idxl = li * strip + kk
                kfull = plsc.load_gather(keys_v, [idxl])
                kb = kfull - base_val
                rank = plsc.load_gather(rank_v, [idxl])
                vb = plsc.load_gather(vb_v, [kb])
                el = plsc.load_gather(hist_v, [li * NB + kb])
                pos = vb + el + rank
                plsc.store_scatter(st_v, [pos], idxl)
                plsc.store_scatter(sb_v, [pos], kfull)
                plsc.store_scatter(dst_v, [idxl], pos)
                return 0
            lax.fori_loop(0, strip, p3, 0)

            pltpu.sync_copy(st_v, st_hbm.at[t])
            pltpu.sync_copy(sb_v, sb_hbm.at[t])
            pltpu.sync_copy(dst_v, dst_hbm.at[t])

            def mkidx(row, _):
                for sub in range(8):
                    off = row * 128 + sub * 16
                    gidx_v[row, pl.ds(sub * 16, 16)] = (
                        st_v[pl.ds(off, 16)] + bh * SEQ)
                return 0
            lax.fori_loop(0, NIR, mkidx, 0)

            for c in range(n_gch):
                ds = [pltpu.async_copy(
                    qv_hbm.at[gidx_v.at[c * 4 + s]],
                    rows_v.at[pl.ds(s * 128, 128)], sem)
                    for s in range(4)]
                for d in ds:
                    d.wait()
                pltpu.sync_copy(
                    rows_v, sqv_hbm.at[pl.ds(t * SEQ + c * GCH, GCH)])

    return k(bkts, qv2)



def _sc_undo(dst, so2):
    GCH = 512
    n_gch = SEQ // GCH
    NIR = SEQ // 128

    @functools.partial(
        pl.kernel,
        out_type=jax.ShapeDtypeStruct((NTASK * SEQ, 2 * DH), _f32),
        mesh=_sc_mesh(),
        scratch_types=[
            pltpu.VMEM((SEQ,), _i32),
            pltpu.VMEM((NIR, 128), _i32),
            pltpu.VMEM((GCH, 2 * DH), _f32),
            pltpu.SemaphoreType.DMA,
        ],
        compiler_params=pltpu.CompilerParams(needs_layout_passes=False),
    )
    def k(dst_hbm, so_hbm, o_hbm, dst_v, gidx_v, rows_v, sem):
        wid = lax.axis_index("s") * NSC + lax.axis_index("c")
        for j in range(NTASK // NW):
            t = wid * (NTASK // NW) + j
            pltpu.sync_copy(dst_hbm.at[t], dst_v)

            def mkidx(row, _):
                for sub in range(8):
                    off = row * 128 + sub * 16
                    gidx_v[row, pl.ds(sub * 16, 16)] = (
                        dst_v[pl.ds(off, 16)] + t * SEQ)
                return 0
            lax.fori_loop(0, NIR, mkidx, 0)

            for c in range(n_gch):
                ds = [pltpu.async_copy(
                    so_hbm.at[gidx_v.at[c * 4 + s]],
                    rows_v.at[pl.ds(s * 128, 128)], sem)
                    for s in range(4)]
                for d in ds:
                    d.wait()
                pltpu.sync_copy(
                    rows_v, o_hbm.at[pl.ds(t * SEQ + c * GCH, GCH)])

    return k(dst, so2)



def _add_body(a_ref, b_ref, o_ref):
    o_ref[...] = a_ref[...] + b_ref[...]


def _add(a, b):
    BM = 512
    return pl.pallas_call(
        _add_body,
        grid=(SEQ // BM,),
        in_specs=[pl.BlockSpec((BM, DIM), lambda i: (i, 0)),
                  pl.BlockSpec((BM, DIM), lambda i: (i, 0))],
        out_specs=pl.BlockSpec((BM, DIM), lambda i: (i, 0)),
        out_shape=jax.ShapeDtypeStruct((SEQ, DIM), _f32),
    )(a, b)


def _ln(x, g, b):
    mu = jnp.mean(x, axis=-1, keepdims=True)
    var = jnp.mean((x - mu) ** 2, axis=-1, keepdims=True)
    return (x - mu) / jnp.sqrt(var + 1e-5) * g + b


def _lnmm_body(x_ref, g_ref, b_ref, w_ref, o_ref):
    xn = _ln(x_ref[...], g_ref[...], b_ref[...])
    o_ref[...] = jnp.dot(xn, w_ref[...], preferred_element_type=_f32)


def _lnmm(x, g, b, w):
    BM = 512
    n = w.shape[1]
    return pl.pallas_call(
        _lnmm_body,
        grid=(SEQ // BM,),
        in_specs=[pl.BlockSpec((BM, DIM), lambda i: (i, 0)),
                  pl.BlockSpec((1, DIM), lambda i: (0, 0)),
                  pl.BlockSpec((1, DIM), lambda i: (0, 0)),
                  pl.BlockSpec((DIM, n), lambda i: (0, 0))],
        out_specs=pl.BlockSpec((BM, n), lambda i: (i, 0)),
        out_shape=jax.ShapeDtypeStruct((SEQ, n), _f32),
    )(x, g.reshape(1, DIM), b.reshape(1, DIM), w)


def _lnmm_gelu_body(cast, x_ref, g_ref, b_ref, w_ref, bias_ref, o_ref):
    xn = _ln(x_ref[...], g_ref[...], b_ref[...])
    if cast:
        xn = xn.astype(_bf16)
    y = jnp.dot(xn, w_ref[...], preferred_element_type=_f32) + bias_ref[...]
    o_ref[...] = jax.nn.gelu(y).astype(o_ref.dtype)


def _lnmm_gelu(x, g, b, w, bias, out_dtype):
    BM = 512
    n = w.shape[1]
    cast = w.dtype == _bf16
    return pl.pallas_call(
        functools.partial(_lnmm_gelu_body, cast),
        grid=(SEQ // BM,),
        in_specs=[pl.BlockSpec((BM, DIM), lambda i: (i, 0)),
                  pl.BlockSpec((1, DIM), lambda i: (0, 0)),
                  pl.BlockSpec((1, DIM), lambda i: (0, 0)),
                  pl.BlockSpec((DIM, n), lambda i: (0, 0)),
                  pl.BlockSpec((1, n), lambda i: (0, 0))],
        out_specs=pl.BlockSpec((BM, n), lambda i: (i, 0)),
        out_shape=jax.ShapeDtypeStruct((SEQ, n), out_dtype),
    )(x, g.reshape(1, DIM), b.reshape(1, DIM), w, bias.reshape(1, n))


def _mm_bias_res_body(x_ref, w_ref, bias_ref, res_ref, o_ref):
    y = jnp.dot(x_ref[...], w_ref[...], preferred_element_type=_f32)
    o_ref[...] = y + bias_ref[...] + res_ref[...]


def _mm_bias_res(x, w, bias, res, bm):
    k = x.shape[1]
    n = w.shape[1]
    return pl.pallas_call(
        _mm_bias_res_body,
        grid=(SEQ // bm,),
        in_specs=[pl.BlockSpec((bm, k), lambda i: (i, 0)),
                  pl.BlockSpec((k, n), lambda i: (0, 0)),
                  pl.BlockSpec((1, n), lambda i: (0, 0)),
                  pl.BlockSpec((bm, n), lambda i: (i, 0))],
        out_specs=pl.BlockSpec((bm, n), lambda i: (i, 0)),
        out_shape=jax.ShapeDtypeStruct((SEQ, n), _f32),
    )(x, w, bias.reshape(1, n), res)


def _hash_body(qk_ref, rot_ref, o_ref):
    q = qk_ref[0]
    rr = jnp.dot(q, rot_ref[...], preferred_element_type=_f32)
    half = NB // 2
    for g in range(NH):
        rg = rr[:, g * half:(g + 1) * half]
        full = jnp.concatenate([rg, -rg], axis=1)
        m = jnp.max(full, axis=1, keepdims=True)
        io = lax.broadcasted_iota(_i32, full.shape, 1)
        idx = jnp.min(jnp.where(full == m, io, NB), axis=1)
        o_ref[0, g, :] = idx + g * NB


def _hash(qk_h, rot2):
    return pl.pallas_call(
        _hash_body,
        grid=(HEADS,),
        in_specs=[pl.BlockSpec((1, SEQ, DH), lambda i: (i, 0, 0)),
                  pl.BlockSpec((DH, NH * NB // 2), lambda i: (0, 0))],
        out_specs=pl.BlockSpec((1, NH, SEQ), lambda i: (i, 0, 0)),
        out_shape=jax.ShapeDtypeStruct((HEADS, NH, SEQ), _i32),
    )(qk_h, rot2)


SEG = 32


def _attn_body(sqv_ref, st_ref, sb_ref,
               pqv_ref, pst_ref, psb_ref, so_ref):
    qv = sqv_ref[0]
    q = qv[:, :, :DH]
    v = qv[:, :, DH:]
    tq = st_ref[0, :, 0, :]
    bq = sb_ref[0, :, 0, :]

    def norm(a):
        return a / (jnp.sqrt(jnp.sum(a * a, axis=-1, keepdims=True)) + 1e-9)

    pqv = pqv_ref[0]
    kcur = norm(q)
    kprev = jnp.concatenate([norm(pqv[:, :, :DH]), kcur[:SEG - 1]], axis=0)
    vprev = jnp.concatenate([pqv[:, :, DH:], v[:SEG - 1]], axis=0)
    tprev = jnp.concatenate([pst_ref[0, :, 0, :], tq[:SEG - 1]], axis=0)
    bprev = jnp.concatenate([psb_ref[0, :, 0, :], bq[:SEG - 1]], axis=0)

    kk = jnp.concatenate([kcur, kprev], axis=1)
    vv = jnp.concatenate([v, vprev], axis=1)
    tk = jnp.concatenate([tq, tprev], axis=1)
    bk = jnp.concatenate([bq, bprev], axis=1)

    dots = lax.dot_general(q, kk, (((2,), (2,)), ((0,), (0,))),
                           preferred_element_type=_f32) * (DH ** -0.5)
    dots = jnp.where(tq[:, :, None] == tk[:, None, :], dots - 1e5, dots)
    dots = jnp.where(tq[:, :, None] < tk[:, None, :], -1e9, dots)
    dots = jnp.where(bq[:, :, None] != bk[:, None, :], -1e9, dots)
    m = jnp.max(dots, axis=-1, keepdims=True)
    lse = m + jnp.log(jnp.sum(jnp.exp(dots - m), axis=-1, keepdims=True))
    probs = jnp.exp(dots - lse)
    bo = lax.dot_general(probs, vv, (((2,), (1,)), ((0,), (0,))),
                         preferred_element_type=_f32)
    so_ref[0] = jnp.concatenate(
        [bo, jnp.broadcast_to(lse, (SEG, BUCKET, DH))], axis=-1)


def _attn(sqv, st, sb):
    def cur4(i, j):
        return (i, j, 0, 0)

    def prev4(i, j):
        return (i, (j * SEG - 1) % NCH, 0, 0)

    def cur3(i, j):
        return (i, j, 0, 0)

    def prev3(i, j):
        return (i, (j * SEG - 1) % NCH, 0, 0)

    return pl.pallas_call(
        _attn_body,
        grid=(HEADS, NCH // SEG),
        in_specs=[
            pl.BlockSpec((1, SEG, BUCKET, 2 * DH), cur4),
            pl.BlockSpec((1, SEG, 1, BUCKET), cur3),
            pl.BlockSpec((1, SEG, 1, BUCKET), cur3),
            pl.BlockSpec((1, 1, BUCKET, 2 * DH), prev4),
            pl.BlockSpec((1, 1, 1, BUCKET), prev3),
            pl.BlockSpec((1, 1, 1, BUCKET), prev3),
        ],
        out_specs=pl.BlockSpec((1, SEG, BUCKET, 2 * DH), cur4),
        out_shape=jax.ShapeDtypeStruct((HEADS, NCH, BUCKET, 2 * DH), _f32),
    )(sqv, st, sb, sqv, st, sb)


def _combine_body(o_ref, out_ref):
    op = o_ref[0]
    o = op[:, :, :DH]
    lg = op[:, :, DH]
    m = jnp.max(lg, axis=0, keepdims=True)
    lse = m + jnp.log(jnp.sum(jnp.exp(lg - m), axis=0, keepdims=True))
    w = jnp.exp(lg - lse)
    out_ref[0] = jnp.sum(o * w[:, :, None], axis=0)


def _combine(o_t):
    return pl.pallas_call(
        _combine_body,
        grid=(HEADS,),
        in_specs=[pl.BlockSpec((1, NH, SEQ, 2 * DH), lambda i: (i, 0, 0, 0))],
        out_specs=pl.BlockSpec((1, SEQ, DH), lambda i: (i, 0, 0)),
        out_shape=jax.ShapeDtypeStruct((HEADS, SEQ, DH), _f32),
    )(o_t)


def _logits_body(x1_ref, x2_ref, w_ref, b_ref, o_ref):
    xm = (x1_ref[...] + x2_ref[...]) * 0.5
    o_ref[...] = (jnp.dot(xm, w_ref[...], preferred_element_type=_f32)
                  + b_ref[...])


def _logits(x1, x2, w, bias):
    BN = 256
    return pl.pallas_call(
        _logits_body,
        grid=(VOCAB // BN,),
        in_specs=[pl.BlockSpec((SEQ, DIM), lambda j: (0, 0)),
                  pl.BlockSpec((SEQ, DIM), lambda j: (0, 0)),
                  pl.BlockSpec((DIM, BN), lambda j: (0, j)),
                  pl.BlockSpec((1, BN), lambda j: (0, j))],
        out_specs=pl.BlockSpec((SEQ, BN), lambda j: (0, j)),
        out_shape=jax.ShapeDtypeStruct((SEQ, VOCAB), _f32),
    )(x1, x2, w, bias.reshape(1, VOCAB))



def _xla_buckets(x_in, L, rot):
    x3 = x_in[None]
    mu = jnp.mean(x3, axis=-1, keepdims=True)
    var = jnp.mean((x3 - mu) ** 2, axis=-1, keepdims=True)
    xn = (x3 - mu) / jnp.sqrt(var + 1e-5) * L['g1'] + L['b1']
    qk = jnp.transpose((xn @ L['Wqk']).reshape(1, SEQ, HEADS, DH),
                       (0, 2, 1, 3)).reshape(HEADS, SEQ, DH)
    rotated = jnp.einsum('ztf,fhi->zhti', qk, rot)
    rotated = jnp.concatenate([rotated, -rotated], axis=-1)
    buckets = jnp.argmax(rotated, axis=-1).astype(_i32)
    return buckets + (jnp.arange(NH, dtype=_i32) * NB)[None, :, None]


def _xla_qkv(x_in, L):
    x3 = x_in[None]
    mu = jnp.mean(x3, axis=-1, keepdims=True)
    var = jnp.mean((x3 - mu) ** 2, axis=-1, keepdims=True)
    xn = (x3 - mu) / jnp.sqrt(var + 1e-5) * L['g1'] + L['b1']
    qk = jnp.transpose((xn @ L['Wqk']).reshape(1, SEQ, HEADS, DH),
                       (0, 2, 1, 3)).reshape(HEADS, SEQ, DH)
    v = jnp.transpose((xn @ L['Wv']).reshape(1, SEQ, HEADS, DH),
                      (0, 2, 1, 3)).reshape(HEADS, SEQ, DH)
    return qk, v


def _xla_buckets_from_qk(qk, rot):
    rotated = jnp.einsum('ztf,fhi->zhti', qk, rot)
    rotated = jnp.concatenate([rotated, -rotated], axis=-1)
    buckets = jnp.argmax(rotated, axis=-1).astype(_i32)
    return buckets + (jnp.arange(NH, dtype=_i32) * NB)[None, :, None]


def _xla_attention_layer(x_in, res, L, rot):
    qk_h, v_h = _xla_qkv(x_in, L)
    bkts = _xla_buckets_from_qk(qk_h, rot)
    st, sb, dst = _sc_sort(bkts.reshape(NTASK, SEQ))

    stm = st.reshape(HEADS, NH * SEQ)
    sqk = jnp.take_along_axis(qk_h, stm[..., None], axis=1)
    sv = jnp.take_along_axis(v_h, stm[..., None], axis=1)
    bq = sqk.reshape(HEADS, NCH, BUCKET, DH)
    bv_ = sv.reshape(HEADS, NCH, BUCKET, DH)
    bk = bq / (jnp.sqrt(jnp.sum(bq * bq, axis=-1, keepdims=True)) + 1e-9)
    bq_t = st.reshape(HEADS, NCH, BUCKET)
    sbuckets = sb.reshape(HEADS, NCH, BUCKET)

    def look_back(a):
        return jnp.concatenate([a, jnp.roll(a, 1, axis=1)], axis=2)

    bkk = look_back(bk)
    bvv = look_back(bv_)
    bkv_t = look_back(bq_t)
    bkv_buckets = look_back(sbuckets)
    dots = jnp.einsum('zcie,zcje->zcij', bq, bkk) * (DH ** -0.5)
    self_mask = bq_t[..., :, None] == bkv_t[..., None, :]
    dots = jnp.where(self_mask, dots - 1e5, dots)
    causal_mask = bq_t[..., :, None] < bkv_t[..., None, :]
    dots = jnp.where(causal_mask, -1e9, dots)
    bucket_mask = sbuckets[..., :, None] != bkv_buckets[..., None, :]
    dots = jnp.where(bucket_mask, -1e9, dots)
    dots_lse = logsumexp(dots, axis=-1, keepdims=True)
    probs = jnp.exp(dots - dots_lse)
    bo = jnp.einsum('zcij,zcje->zcie', probs, bvv)

    so = bo.reshape(HEADS, NH * SEQ, DH)
    slog = dots_lse.reshape(HEADS, NH * SEQ)
    undo = (dst.reshape(HEADS, NH, SEQ)
            + (jnp.arange(NH, dtype=_i32) * SEQ)[None, :, None]
            ).reshape(HEADS, NH * SEQ)
    o = jnp.take_along_axis(so, undo[..., None], axis=1).reshape(
        HEADS, NH, SEQ, DH)
    lg4 = jnp.take_along_axis(slog, undo, axis=1).reshape(HEADS, NH, SEQ, 1)
    w = jnp.exp(lg4 - logsumexp(lg4, axis=1, keepdims=True))
    out = jnp.sum(o * w, axis=1)
    out = jnp.transpose(out.reshape(1, HEADS, SEQ, DH),
                        (0, 2, 1, 3)).reshape(1, SEQ, DIM)
    return res + (out @ L['Wo']).reshape(SEQ, DIM)


def _xla_ffn_layer(x_in, res, L):
    x3 = x_in[None]
    mu = jnp.mean(x3, axis=-1, keepdims=True)
    var = jnp.mean((x3 - mu) ** 2, axis=-1, keepdims=True)
    xn = (x3 - mu) / jnp.sqrt(var + 1e-5) * L['g2'] + L['b2']
    ff = jax.nn.gelu(xn @ L['W1'] + L['bf1']) @ L['W2'] + L['bf2']
    return res + ff.reshape(SEQ, DIM)


def _attention_layer(x_in, res, L, rot, value_bf16):
    wqkv = jnp.concatenate([L['Wqk'], L['Wv']], axis=1)
    qkv = _lnmm(x_in, L['g1'], L['b1'], wqkv)
    qk = qkv[:, :DIM]
    v = qkv[:, DIM:]
    qk_h = qk.reshape(SEQ, HEADS, DH).transpose(1, 0, 2)
    v_h = v.reshape(SEQ, HEADS, DH).transpose(1, 0, 2)

    bkts = _xla_buckets(x_in, L, rot)

    qv2 = jnp.concatenate([qk_h, v_h], axis=-1).reshape(HEADS * SEQ, 2 * DH)
    st, sb, dst, sqv = _sc_sort_gather(bkts.reshape(NTASK, SEQ), qv2)

    so = _attn(
        sqv.reshape(HEADS, NCH, BUCKET, 2 * DH),
        st.reshape(HEADS, NCH, 1, BUCKET),
        sb.reshape(HEADS, NCH, 1, BUCKET))

    o_t = _sc_undo(dst, so.reshape(NTASK * SEQ, 2 * DH))

    attn_o = _combine(o_t.reshape(HEADS, NH, SEQ, 2 * DH))
    attn_flat = attn_o.transpose(1, 0, 2).reshape(SEQ, DIM)

    wo = L['Wo']
    if value_bf16:
        attn_flat = attn_flat.astype(_bf16)
        wo = wo.astype(_bf16)
    zero_bias = jnp.zeros((DIM,), _f32)
    return _mm_bias_res(attn_flat, wo, zero_bias, res, 512)


def _ffn_layer(x_in, res, L, value_bf16):
    w1, w2 = L['W1'], L['W2']
    if value_bf16:
        w1 = w1.astype(_bf16)
        w2 = w2.astype(_bf16)
    ff = _lnmm_gelu(x_in, L['g2'], L['b2'], w1, L['bf1'],
                    _bf16 if value_bf16 else _f32)
    return _mm_bias_res(ff, w2, L['bf2'], res, 512)


def kernel(x, params, rots):
    h = (params['tok_emb'][x] + params['pos_emb'][:SEQ][None])[0]

    x1 = h
    x2 = h
    L0, L1 = params['layers']
    x1 = _xla_attention_layer(x2, x1, L0, rots[0])
    x2 = _xla_ffn_layer(x1, x2, L0)
    x1 = _xla_attention_layer(x2, x1, L1, rots[1])
    x2 = _xla_ffn_layer(x1, x2, L1)

    out = ((x1 + x2) * 0.5)[None] @ params['Wlog'] + params['blog']
    return out.reshape(1, SEQ, VOCAB)

# --- scband reference (transcript-rebuilt; emitter-appended) ---
"""Pipeline reference for scband-reformer-lm-14869176779436 (READ-ONLY COPY).

The authoritative reference and input builder live on the scoring server;
editing this copy changes nothing except your own understanding.
"""

import jax, jax.numpy as jnp
import numpy as np
from jax.scipy.special import logsumexp

HEADS = 16
BUCKET = 64
NH = 4
DIM = 1024
DEPTH = 2
VOCAB = 16384
SEQ = 4096


def layer_norm(x, g, b):
    mu = jnp.mean(x, axis=-1, keepdims=True)
    var = jnp.mean((x - mu) ** 2, axis=-1, keepdims=True)
    return (x - mu) / jnp.sqrt(var + 1e-5) * g + b


def lsh_attention(x, Wqk, Wv, Wo, rot):
    b, t, d = x.shape
    h = HEADS
    dh = d // h
    bh = b * h
    qk = jnp.transpose((x @ Wqk).reshape(b, t, h, dh), (0, 2, 1, 3)).reshape(bh, t, dh)
    v = jnp.transpose((x @ Wv).reshape(b, t, h, dh), (0, 2, 1, 3)).reshape(bh, t, dh)
    n_buckets = t // BUCKET
    # LSH hashing via random rotations (shared-QK)
    rotated = jnp.einsum('ztf,fhi->zhti', qk, rot)
    rotated = jnp.concatenate([rotated, -rotated], axis=-1)  # [bh, NH, t, n_buckets]
    buckets = jnp.argmax(rotated, axis=-1)                   # [bh, NH, t]
    offsets = (jnp.arange(NH) * n_buckets)[None, :, None]
    buckets = (buckets + offsets).reshape(bh, NH * t)
    ticker = jnp.broadcast_to(jnp.arange(NH * t)[None, :], (bh, NH * t))
    buckets_and_t = buckets * t + (ticker % t)
    sticker = jnp.argsort(buckets_and_t, axis=-1)
    undo_sort = jnp.argsort(sticker, axis=-1)
    st = sticker % t
    sqk = jnp.take_along_axis(qk, st[..., None], axis=1)
    sv = jnp.take_along_axis(v, st[..., None], axis=1)
    n_chunks = NH * n_buckets
    bq_t = st.reshape(bh, n_chunks, BUCKET)
    bqk = sqk.reshape(bh, n_chunks, BUCKET, dh)
    bv_ = sv.reshape(bh, n_chunks, BUCKET, dh)
    bq = bqk
    bk = bqk / (jnp.sqrt(jnp.sum(bqk * bqk, axis=-1, keepdims=True)) + 1e-9)
    sbuckets = jnp.take_along_axis(buckets, sticker, axis=-1).reshape(bh, n_chunks, BUCKET)

    def look_back(a):
        return jnp.concatenate([a, jnp.roll(a, 1, axis=1)], axis=2)

    bk = look_back(bk)
    bvv = look_back(bv_)
    bkv_t = look_back(bq_t)
    bkv_buckets = look_back(sbuckets)
    dots = jnp.einsum('zcie,zcje->zcij', bq, bk) * (dh ** -0.5)
    self_mask = bq_t[..., :, None] == bkv_t[..., None, :]
    dots = jnp.where(self_mask, dots - 1e5, dots)
    causal_mask = bq_t[..., :, None] < bkv_t[..., None, :]
    dots = jnp.where(causal_mask, -1e9, dots)
    bucket_mask = sbuckets[..., :, None] != bkv_buckets[..., None, :]
    dots = jnp.where(bucket_mask, -1e9, dots)
    dots_lse = logsumexp(dots, axis=-1, keepdims=True)
    probs = jnp.exp(dots - dots_lse)
    bo = jnp.einsum('zcij,zcje->zcie', probs, bvv)
    so = bo.reshape(bh, NH * t, dh)
    slog = dots_lse.reshape(bh, NH * t)
    o = jnp.take_along_axis(so, undo_sort[..., None], axis=1).reshape(bh, NH, t, dh)
    lg = jnp.take_along_axis(slog, undo_sort, axis=1).reshape(bh, NH, t, 1)
    w = jnp.exp(lg - logsumexp(lg, axis=1, keepdims=True))
    out = jnp.sum(o * w, axis=1)
    out = jnp.transpose(out.reshape(b, h, t, dh), (0, 2, 1, 3)).reshape(b, t, d)
    return out @ Wo


def feed_forward(x, W1, b1, W2, b2):
    return jax.nn.gelu(x @ W1 + b1) @ W2 + b2


def model(x, params, rots):
    t = x.shape[1]
    h = params['tok_emb'][x] + params['pos_emb'][:t][None]
    x1 = h
    x2 = h
    for i, L in enumerate(params['layers']):
        x1 = x1 + lsh_attention(layer_norm(x2, L['g1'], L['b1']), L['Wqk'], L['Wv'], L['Wo'], rots[i])
        x2 = x2 + feed_forward(layer_norm(x1, L['g2'], L['b2']), L['W1'], L['bf1'], L['W2'], L['bf2'])
    out = (x1 + x2) * 0.5
    return out @ params['Wlog'] + params['blog']


def setup_inputs(seed: int = 0) -> dict:
    key = jax.random.key(seed)
    ks = jax.random.split(key, 64)
    ctr = [0]

    def nrm(shape, s=0.02):
        k = ks[ctr[0]]
        ctr[0] += 1
        return jax.random.normal(k, shape, dtype=jnp.float32) * s

    layers = []
    for _ in range(DEPTH):
        layers.append({
            'g1': jnp.ones((DIM,), jnp.float32), 'b1': jnp.zeros((DIM,), jnp.float32),
            'Wqk': nrm((DIM, DIM)), 'Wv': nrm((DIM, DIM)), 'Wo': nrm((DIM, DIM)),
            'g2': jnp.ones((DIM,), jnp.float32), 'b2': jnp.zeros((DIM,), jnp.float32),
            'W1': nrm((DIM, 4 * DIM)), 'bf1': jnp.zeros((4 * DIM,), jnp.float32),
            'W2': nrm((4 * DIM, DIM)), 'bf2': jnp.zeros((DIM,), jnp.float32),
        })
    params = {
        'tok_emb': nrm((VOCAB, DIM)),
        'pos_emb': nrm((SEQ, DIM)),
        'layers': layers,
        'Wlog': nrm((DIM, VOCAB)),
        'blog': jnp.zeros((VOCAB,), jnp.float32),
    }
    n_buckets = SEQ // BUCKET
    rots = []
    for _ in range(DEPTH):
        k = ks[ctr[0]]
        ctr[0] += 1
        rots.append(jax.random.normal(k, (DIM // HEADS, NH, n_buckets // 2), dtype=jnp.float32))
    kx = ks[ctr[0]]
    ctr[0] += 1
    x = jax.random.randint(kx, (1, SEQ), 0, VOCAB, dtype=jnp.int32)
    return {'x': x, 'params': params, 'rots': rots}


def reference(x, params, rots):
    return model(x, params, rots)

if __name__ == "__main__":
    import jax
    _d = setup_inputs()
    print(jax.jit(kernel)(*tuple(_d.values())))

</pallas_src>

<mosaic_0001>
#map = affine_map<(d0, d1) -> (0, 0)>
module attributes {stable_mosaic.version = 14 : i64} {
  func.func @k(%arg0: i32, %arg1: i32, %arg2: memref<64x4096xi32, #tpu.memory_space<hbm>>, %arg3: memref<64x4096xi32, #tpu.memory_space<hbm>>, %arg4: memref<64x4096xi32, #tpu.memory_space<hbm>>, %arg5: memref<64x4096xi32, #tpu.memory_space<hbm>>, %arg6: memref<4096xi32, #tpu.memory_space<vmem>>, %arg7: memref<4096xi32, #tpu.memory_space<vmem>>, %arg8: memref<1024xi32, #tpu.memory_space<vmem>>, %arg9: memref<64xi32, #tpu.memory_space<vmem>>, %arg10: memref<64xi32, #tpu.memory_space<vmem>>, %arg11: memref<4096xi32, #tpu.memory_space<vmem>>, %arg12: memref<4096xi32, #tpu.memory_space<vmem>>, %arg13: memref<4096xi32, #tpu.memory_space<vmem>>) attributes {dimension_semantics = [#tpu.dimension_semantics<core_parallel>, #tpu.dimension_semantics<subcore_parallel>], iteration_bounds = array<i64: 2, 16>, scalar_prefetch = 0 : i64, scratch_operands = 8 : i64, tpu.core_type = #tpu.core_type<sc_vector_subcore>, window_params = [{transform_indices = #map}, {transform_indices = #map}, {transform_indices = #map}, {transform_indices = #map}]} {
    %mul3A = arith.constant 2 : i32
    %mul3A_0 = arith.muli %arg1, %mul3A : i32
    %add3A = arith.addi %mul3A_0, %arg0 : i32
    %iota3A = tpu.iota {dimensions = array<i32: 0>} : vector<16xi32>
    %mul3A_1 = arith.constant 2 : i32
    %mul3A_2 = arith.muli %add3A, %mul3A_1 : i32
    %add3A_3 = arith.constant 0 : i32
    %add3A_4 = arith.addi %mul3A_2, %add3A_3 : i32
    %jit3A = arith.constant 4 : i32
    %eq3A = arith.constant 0 : i32
    %eq3A_5 = arith.cmpi eq, %jit3A, %eq3A : i32
    %jit3A_6 = arith.constant 1 : i32
    %select_n3A = arith.select %eq3A_5, %jit3A_6, %jit3A : i32
    %rem3A = arith.remsi %add3A_4, %select_n3A : i32
    %ne3A = arith.constant 0 : i32
    %ne3A_7 = arith.cmpi ne, %rem3A, %ne3A : i32
    %lt3A = arith.constant 0 : i32
    %lt3A_8 = arith.cmpi slt, %rem3A, %lt3A : i32
    %lt3A_9 = arith.constant 0 : i32
    %lt3A_10 = arith.cmpi slt, %select_n3A, %lt3A_9 : i32
    %ne3A_11 = arith.xori %lt3A_8, %lt3A_10 : i1
    %and3A = arith.andi %ne3A_11, %ne3A_7 : i1
    %add3A_12 = arith.addi %rem3A, %select_n3A : i32
    %select_n3A_13 = arith.select %and3A, %add3A_12, %rem3A : i32
    %mul3A_14 = arith.constant 64 : i32
    %mul3A_15 = arith.muli %select_n3A_13, %mul3A_14 : i32
    "tpu.region"() ({
      %run_scoped3A = tpu.sem_alloc : memref<!tpu.dma_semaphore, #tpu.memory_space<semaphore_mem>>
      %dma_start3A = arith.constant 0 : i32
      %dma_start3A_211 = tpu.memref_slice %arg2[%add3A_4, %dma_start3A] : memref<64x4096xi32, #tpu.memory_space<hbm>> -> memref<1x4096xi32, #tpu.memory_space<hbm>>
      %dma_start3A_212 = tpu.memref_squeeze %dma_start3A_211 : memref<1x4096xi32, #tpu.memory_space<hbm>> -> memref<4096xi32, #tpu.memory_space<hbm>>
      %dma_start3A_213 = arith.constant 0 : i32
      %dma_start3A_214 = tpu.memref_slice %arg2[%add3A_4, %dma_start3A_213] : memref<64x4096xi32, #tpu.memory_space<hbm>> -> memref<1x4096xi32, #tpu.memory_space<hbm>>
      %dma_start3A_215 = tpu.memref_squeeze %dma_start3A_214 : memref<1x4096xi32, #tpu.memory_space<hbm>> -> memref<4096xi32, #tpu.memory_space<hbm>>
      tpu.enqueue_dma source(%dma_start3A_215 : memref<4096xi32, #tpu.memory_space<hbm>>) target(%arg6 : memref<4096xi32, #tpu.memory_space<vmem>>) target_semaphore(%run_scoped3A : memref<!tpu.dma_semaphore, #tpu.memory_space<semaphore_mem>>)
      %dma_wait3A = arith.constant 0 : i32
      %dma_wait3A_216 = tpu.memref_slice %arg2[%add3A_4, %dma_wait3A] : memref<64x4096xi32, #tpu.memory_space<hbm>> -> memref<1x4096xi32, #tpu.memory_space<hbm>>
      %dma_wait3A_217 = tpu.memref_squeeze %dma_wait3A_216 : memref<1x4096xi32, #tpu.memory_space<hbm>> -> memref<4096xi32, #tpu.memory_space<hbm>>
      %dma_wait3A_218 = arith.constant 0 : i32
      %dma_wait3A_219 = tpu.memref_slice %arg2[%add3A_4, %dma_wait3A_218] : memref<64x4096xi32, #tpu.memory_space<hbm>> -> memref<1x4096xi32, #tpu.memory_space<hbm>>
      %dma_wait3A_220 = tpu.memref_squeeze %dma_wait3A_219 : memref<1x4096xi32, #tpu.memory_space<hbm>> -> memref<4096xi32, #tpu.memory_space<hbm>>
      tpu.wait_dma2 semaphore(%run_scoped3A : memref<!tpu.dma_semaphore, #tpu.memory_space<semaphore_mem>>) src(%dma_wait3A_220 : memref<4096xi32, #tpu.memory_space<hbm>>) dst(%arg6 : memref<4096xi32, #tpu.memory_space<vmem>>)
      tpu.yield
    }) : () -> ()
    %scan3A = arith.constant 0 : i32
    %scan3A_16 = arith.constant 0 : i32
    %scan3A_17 = arith.constant 64 : i32
    %scan3A_18 = arith.addi %scan3A_16, %scan3A_17 : i32
    %scan3A_19 = arith.constant 1 : i32
    %scan3A_20 = scf.for %scan3A_211 = %scan3A_16 to %scan3A_18 step %scan3A_19 iter_args(%scan3A_212 = %scan3A) -> (i32)  : i32 {
      %broadcast_in_dim3A_213 = arith.constant 0 : i32
      %broadcast_in_dim3A_214 = vector.broadcast %broadcast_in_dim3A_213 : i32 to vector<16xi32>
      %mul3A_215 = arith.constant 16 : i32
      %mul3A_216 = arith.muli %scan3A_211, %mul3A_215 : i32
      %swap3A_217 = arith.index_cast %mul3A_216 : i32 to index
      %swap3A_218 = tpu.vector_load %arg8[%swap3A_217] {strides = array<i32>} : memref<1024xi32, #tpu.memory_space<vmem>>, vector<16xi32>,
      tpu.vector_store %arg8[%swap3A_217], %broadcast_in_dim3A_214 {strides = array<i32>} : memref<1024xi32, #tpu.memory_space<vmem>>, vector<16xi32>,
      %scan3A_219 = arith.constant 0 : i32
      scf.yield %scan3A_219 : i32
    }
    %scan3A_21 = arith.constant 64 : i32
    %scan3A_22 = arith.constant 0 : i32
    %scan3A_23 = arith.constant 0 : i32
    %scan3A_24 = arith.constant 256 : i32
    %scan3A_25 = arith.addi %scan3A_23, %scan3A_24 : i32
    %scan3A_26 = arith.constant 1 : i32
    %scan3A_27 = scf.for %scan3A_211 = %scan3A_23 to %scan3A_25 step %scan3A_26 iter_args(%scan3A_212 = %scan3A_22) -> (i32)  : i32 {
      %mul3A_213 = arith.constant 256 : i32
      %mul3A_214 = vector.broadcast %mul3A_213 : i32 to vector<16xi32>
      %mul3A_215 = arith.muli %iota3A, %mul3A_214 : vector<16xi32>
      %add3A_216 = vector.broadcast %scan3A_211 : i32 to vector<16xi32>
      %add3A_217 = arith.addi %mul3A_215, %add3A_216 : vector<16xi32>
      %gather3A = tpu.vector_load_idx %arg6[%add3A_217] : memref<4096xi32, #tpu.memory_space<vmem>>[vector<16xi32>], vector<16xi32>,
      %sub3A_218 = vector.broadcast %mul3A_15 : i32 to vector<16xi32>
      %sub3A_219 = arith.subi %gather3A, %sub3A_218 : vector<16xi32>
      %mul3A_220 = arith.constant 64 : i32
      %mul3A_221 = vector.broadcast %mul3A_220 : i32 to vector<16xi32>
      %mul3A_222 = arith.muli %iota3A, %mul3A_221 : vector<16xi32>
      %add3A_223 = arith.addi %mul3A_222, %sub3A_219 : vector<16xi32>
      %gather3A_224 = tpu.vector_load_idx %arg8[%add3A_223] : memref<1024xi32, #tpu.memory_space<vmem>>[vector<16xi32>], vector<16xi32>,
      tpu.vector_store_idx %arg7[%add3A_217], %gather3A_224 : memref<4096xi32, #tpu.memory_space<vmem>>[vector<16xi32>], vector<16xi32>,
      %add3A_225 = arith.constant 1 : i32
      %add3A_226 = vector.broadcast %add3A_225 : i32 to vector<16xi32>
      %add3A_227 = arith.addi %gather3A_224, %add3A_226 : vector<16xi32>
      tpu.vector_store_idx %arg8[%add3A_223], %add3A_227 : memref<1024xi32, #tpu.memory_space<vmem>>[vector<16xi32>], vector<16xi32>,
      %scan3A_228 = arith.constant 0 : i32
      scf.yield %scan3A_228 : i32
    }
    %scan3A_28 = arith.constant 256 : i32
    %scan3A_29 = arith.constant 0 : i32
    %scan3A_30 = arith.constant 0 : i32
    %scan3A_31 = arith.constant 64 : i32
    %scan3A_32 = arith.addi %scan3A_30, %scan3A_31 : i32
    %scan3A_33 = arith.constant 1 : i32
    %scan3A_34 = scf.for %scan3A_211 = %scan3A_30 to %scan3A_32 step %scan3A_33 iter_args(%scan3A_212 = %scan3A_29) -> (i32)  : i32 {
      %mul3A_213 = arith.constant 64 : i32
      %mul3A_214 = vector.broadcast %mul3A_213 : i32 to vector<16xi32>
      %mul3A_215 = arith.muli %iota3A, %mul3A_214 : vector<16xi32>
      %add3A_216 = vector.broadcast %scan3A_211 : i32 to vector<16xi32>
      %add3A_217 = arith.addi %mul3A_215, %add3A_216 : vector<16xi32>
      %gather3A = tpu.vector_load_idx %arg8[%add3A_217] : memref<1024xi32, #tpu.memory_space<vmem>>[vector<16xi32>], vector<16xi32>,
      %broadcast_in_dim3A_218 = arith.constant true
      %broadcast_in_dim3A_219 = vector.broadcast %broadcast_in_dim3A_218 : i1 to vector<16xi1>
      %masked_cumsum3A_220 = tpu.scan <sum>, %gather3A masked %broadcast_in_dim3A_219 : vector<16xi32>, vector<16xi1> -> vector<16xi32>
      %sub3A_221 = arith.subi %masked_cumsum3A_220, %gather3A : vector<16xi32>
      tpu.vector_store_idx %arg8[%add3A_217], %sub3A_221 : memref<1024xi32, #tpu.memory_space<vmem>>[vector<16xi32>], vector<16xi32>,
      %reduce_sum3A_222 = arith.constant true
      %reduce_sum3A_223 = vector.broadcast %reduce_sum3A_222 : i1 to vector<16xi1>
      %reduce_sum3A_224 = tpu.scan <sum>, %gather3A masked %reduce_sum3A_223 : vector<16xi32>, vector<16xi1> -> vector<16xi32>
      %reduce_sum3A_225 = vector.extract %reduce_sum3A_224[15] : i32 from vector<16xi32>
      %broadcast_in_dim3A_226 = arith.constant 0 : i32
      %broadcast_in_dim3A_227 = vector.broadcast %broadcast_in_dim3A_226 : i32 to vector<16xi32>
      %add3A_228 = vector.broadcast %scan3A_211 : i32 to vector<16xi32>
      %add3A_229 = arith.addi %broadcast_in_dim3A_227, %add3A_228 : vector<16xi32>
      %broadcast_in_dim3A_230 = arith.constant 0 : i32
      %broadcast_in_dim3A_231 = vector.broadcast %broadcast_in_dim3A_230 : i32 to vector<16xi32>
      %add3A_232 = vector.broadcast %reduce_sum3A_225 : i32 to vector<16xi32>
      %add3A_233 = arith.addi %broadcast_in_dim3A_231, %add3A_232 : vector<16xi32>
      %eq3A_234 = arith.constant 0 : i32
      %eq3A_235 = vector.broadcast %eq3A_234 : i32 to vector<16xi32>
      %eq3A_236 = arith.cmpi eq, %iota3A, %eq3A_235 : vector<16xi32>
      tpu.vector_store_idx %arg9[%add3A_229], %add3A_233 masked %eq3A_236 : memref<64xi32, #tpu.memory_space<vmem>>[vector<16xi32>], vector<16xi32>, vector<16xi1>
      %scan3A_237 = arith.constant 0 : i32
      scf.yield %scan3A_237 : i32
    }
    %scan3A_35 = arith.constant 64 : i32
    %get3A = arith.constant 0 : index
    %get3A_36 = tpu.vector_load %arg9[%get3A] {strides = array<i32>} : memref<64xi32, #tpu.memory_space<vmem>>, vector<16xi32>,
    %broadcast_in_dim3A = arith.constant true
    %broadcast_in_dim3A_37 = vector.broadcast %broadcast_in_dim3A : i1 to vector<16xi1>
    %masked_cumsum3A = tpu.scan <sum>, %get3A_36 masked %broadcast_in_dim3A_37 : vector<16xi32>, vector<16xi1> -> vector<16xi32>
    %sub3A = arith.subi %masked_cumsum3A, %get3A_36 : vector<16xi32>
    %add3A_38 = arith.constant 0 : i32
    %add3A_39 = vector.broadcast %add3A_38 : i32 to vector<16xi32>
    %add3A_40 = arith.addi %sub3A, %add3A_39 : vector<16xi32>
    %swap3A = arith.constant 0 : index
    %swap3A_41 = tpu.vector_load %arg10[%swap3A] {strides = array<i32>} : memref<64xi32, #tpu.memory_space<vmem>>, vector<16xi32>,
    tpu.vector_store %arg10[%swap3A], %add3A_40 {strides = array<i32>} : memref<64xi32, #tpu.memory_space<vmem>>, vector<16xi32>,
    %reduce_sum3A = arith.constant true
    %reduce_sum3A_42 = vector.broadcast %reduce_sum3A : i1 to vector<16xi1>
    %reduce_sum3A_43 = tpu.scan <sum>, %get3A_36 masked %reduce_sum3A_42 : vector<16xi32>, vector<16xi1> -> vector<16xi32>
    %reduce_sum3A_44 = vector.extract %reduce_sum3A_43[15] : i32 from vector<16xi32>
    %add3A_45 = arith.constant 0 : i32
    %add3A_46 = arith.addi %add3A_45, %reduce_sum3A_44 : i32
    %get3A_47 = arith.constant 16 : index
    %get3A_48 = tpu.vector_load %arg9[%get3A_47] {strides = array<i32>} : memref<64xi32, #tpu.memory_space<vmem>>, vector<16xi32>,
    %broadcast_in_dim3A_49 = arith.constant true
    %broadcast_in_dim3A_50 = vector.broadcast %broadcast_in_dim3A_49 : i1 to vector<16xi1>
    %masked_cumsum3A_51 = tpu.scan <sum>, %get3A_48 masked %broadcast_in_dim3A_50 : vector<16xi32>, vector<16xi1> -> vector<16xi32>
    %sub3A_52 = arith.subi %masked_cumsum3A_51, %get3A_48 : vector<16xi32>
    %add3A_53 = vector.broadcast %add3A_46 : i32 to vector<16xi32>
    %add3A_54 = arith.addi %sub3A_52, %add3A_53 : vector<16xi32>
    %swap3A_55 = arith.constant 16 : index
    %swap3A_56 = tpu.vector_load %arg10[%swap3A_55] {strides = array<i32>} : memref<64xi32, #tpu.memory_space<vmem>>, vector<16xi32>,
    tpu.vector_store %arg10[%swap3A_55], %add3A_54 {strides = array<i32>} : memref<64xi32, #tpu.memory_space<vmem>>, vector<16xi32>,
    %reduce_sum3A_57 = arith.constant true
    %reduce_sum3A_58 = vector.broadcast %reduce_sum3A_57 : i1 to vector<16xi1>
    %reduce_sum3A_59 = tpu.scan <sum>, %get3A_48 masked %reduce_sum3A_58 : vector<16xi32>, vector<16xi1> -> vector<16xi32>
    %reduce_sum3A_60 = vector.extract %reduce_sum3A_59[15] : i32 from vector<16xi32>
    %add3A_61 = arith.addi %add3A_46, %reduce_sum3A_60 : i32
    %get3A_62 = arith.constant 32 : index
    %get3A_63 = tpu.vector_load %arg9[%get3A_62] {strides = array<i32>} : memref<64xi32, #tpu.memory_space<vmem>>, vector<16xi32>,
    %broadcast_in_dim3A_64 = arith.constant true
    %broadcast_in_dim3A_65 = vector.broadcast %broadcast_in_dim3A_64 : i1 to vector<16xi1>
    %masked_cumsum3A_66 = tpu.scan <sum>, %get3A_63 masked %broadcast_in_dim3A_65 : vector<16xi32>, vector<16xi1> -> vector<16xi32>
    %sub3A_67 = arith.subi %masked_cumsum3A_66, %get3A_63 : vector<16xi32>
    %add3A_68 = vector.broadcast %add3A_61 : i32 to vector<16xi32>
    %add3A_69 = arith.addi %sub3A_67, %add3A_68 : vector<16xi32>
    %swap3A_70 = arith.constant 32 : index
    %swap3A_71 = tpu.vector_load %arg10[%swap3A_70] {strides = array<i32>} : memref<64xi32, #tpu.memory_space<vmem>>, vector<16xi32>,
    tpu.vector_store %arg10[%swap3A_70], %add3A_69 {strides = array<i32>} : memref<64xi32, #tpu.memory_space<vmem>>, vector<16xi32>,
    %reduce_sum3A_72 = arith.constant true
    %reduce_sum3A_73 = vector.broadcast %reduce_sum3A_72 : i1 to vector<16xi1>
    %reduce_sum3A_74 = tpu.scan <sum>, %get3A_63 masked %reduce_sum3A_73 : vector<16xi32>, vector<16xi1> -> vector<16xi32>
    %reduce_sum3A_75 = vector.extract %reduce_sum3A_74[15] : i32 from vector<16xi32>
    %add3A_76 = arith.addi %add3A_61, %reduce_sum3A_75 : i32
    %get3A_77 = arith.constant 48 : index
    %get3A_78 = tpu.vector_load %arg9[%get3A_77] {strides = array<i32>} : memref<64xi32, #tpu.memory_space<vmem>>, vector<16xi32>,
    %broadcast_in_dim3A_79 = arith.constant true
    %broadcast_in_dim3A_80 = vector.broadcast %broadcast_in_dim3A_79 : i1 to vector<16xi1>
    %masked_cumsum3A_81 = tpu.scan <sum>, %get3A_78 masked %broadcast_in_dim3A_80 : vector<16xi32>, vector<16xi1> -> vector<16xi32>
    %sub3A_82 = arith.subi %masked_cumsum3A_81, %get3A_78 : vector<16xi32>
    %add3A_83 = vector.broadcast %add3A_76 : i32 to vector<16xi32>
    %add3A_84 = arith.addi %sub3A_82, %add3A_83 : vector<16xi32>
    %swap3A_85 = arith.constant 48 : index
    %swap3A_86 = tpu.vector_load %arg10[%swap3A_85] {strides = array<i32>} : memref<64xi32, #tpu.memory_space<vmem>>, vector<16xi32>,
    tpu.vector_store %arg10[%swap3A_85], %add3A_84 {strides = array<i32>} : memref<64xi32, #tpu.memory_space<vmem>>, vector<16xi32>,
    %reduce_sum3A_87 = arith.constant true
    %reduce_sum3A_88 = vector.broadcast %reduce_sum3A_87 : i1 to vector<16xi1>
    %reduce_sum3A_89 = tpu.scan <sum>, %get3A_78 masked %reduce_sum3A_88 : vector<16xi32>, vector<16xi1> -> vector<16xi32>
    %reduce_sum3A_90 = vector.extract %reduce_sum3A_89[15] : i32 from vector<16xi32>
    %add3A_91 = arith.addi %add3A_76, %reduce_sum3A_90 : i32
    %scan3A_92 = arith.constant 0 : i32
    %scan3A_93 = arith.constant 0 : i32
    %scan3A_94 = arith.constant 256 : i32
    %scan3A_95 = arith.addi %scan3A_93, %scan3A_94 : i32
    %scan3A_96 = arith.constant 1 : i32
    %scan3A_97 = scf.for %scan3A_211 = %scan3A_93 to %scan3A_95 step %scan3A_96 iter_args(%scan3A_212 = %scan3A_92) -> (i32)  : i32 {
      %mul3A_213 = arith.constant 256 : i32
      %mul3A_214 = vector.broadcast %mul3A_213 : i32 to vector<16xi32>
      %mul3A_215 = arith.muli %iota3A, %mul3A_214 : vector<16xi32>
      %add3A_216 = vector.broadcast %scan3A_211 : i32 to vector<16xi32>
      %add3A_217 = arith.addi %mul3A_215, %add3A_216 : vector<16xi32>
      %gather3A = tpu.vector_load_idx %arg6[%add3A_217] : memref<4096xi32, #tpu.memory_space<vmem>>[vector<16xi32>], vector<16xi32>,
      %sub3A_218 = vector.broadcast %mul3A_15 : i32 to vector<16xi32>
      %sub3A_219 = arith.subi %gather3A, %sub3A_218 : vector<16xi32>
      %gather3A_220 = tpu.vector_load_idx %arg7[%add3A_217] : memref<4096xi32, #tpu.memory_space<vmem>>[vector<16xi32>], vector<16xi32>,
      %gather3A_221 = tpu.vector_load_idx %arg10[%sub3A_219] : memref<64xi32, #tpu.memory_space<vmem>>[vector<16xi32>], vector<16xi32>,
      %mul3A_222 = arith.constant 64 : i32
      %mul3A_223 = vector.broadcast %mul3A_222 : i32 to vector<16xi32>
      %mul3A_224 = arith.muli %iota3A, %mul3A_223 : vector<16xi32>
      %add3A_225 = arith.addi %mul3A_224, %sub3A_219 : vector<16xi32>
      %gather3A_226 = tpu.vector_load_idx %arg8[%add3A_225] : memref<1024xi32, #tpu.memory_space<vmem>>[vector<16xi32>], vector<16xi32>,
      %add3A_227 = arith.addi %gather3A_221, %gather3A_226 : vector<16xi32>
      %add3A_228 = arith.addi %add3A_227, %gather3A_220 : vector<16xi32>
      tpu.vector_store_idx %arg11[%add3A_228], %add3A_217 : memref<4096xi32, #tpu.memory_space<vmem>>[vector<16xi32>], vector<16xi32>,
      tpu.vector_store_idx %arg12[%add3A_228], %gather3A : memref<4096xi32, #tpu.memory_space<vmem>>[vector<16xi32>], vector<16xi32>,
      tpu.vector_store_idx %arg13[%add3A_217], %add3A_228 : memref<4096xi32, #tpu.memory_space<vmem>>[vector<16xi32>], vector<16xi32>,
      %scan3A_229 = arith.constant 0 : i32
      scf.yield %scan3A_229 : i32
    }
    %scan3A_98 = arith.constant 256 : i32
    "tpu.region"() ({
      %run_scoped3A = tpu.sem_alloc : memref<!tpu.dma_semaphore, #tpu.memory_space<semaphore_mem>>
      %dma_start3A = arith.constant 0 : i32
      %dma_start3A_211 = tpu.memref_slice %arg3[%add3A_4, %dma_start3A] : memref<64x4096xi32, #tpu.memory_space<hbm>> -> memref<1x4096xi32, #tpu.memory_space<hbm>>
      %dma_start3A_212 = tpu.memref_squeeze %dma_start3A_211 : memref<1x4096xi32, #tpu.memory_space<hbm>> -> memref<4096xi32, #tpu.memory_space<hbm>>
      %dma_start3A_213 = arith.constant 0 : i32
      %dma_start3A_214 = tpu.memref_slice %arg3[%add3A_4, %dma_start3A_213] : memref<64x4096xi32, #tpu.memory_space<hbm>> -> memref<1x4096xi32, #tpu.memory_space<hbm>>
      %dma_start3A_215 = tpu.memref_squeeze %dma_start3A_214 : memref<1x4096xi32, #tpu.memory_space<hbm>> -> memref<4096xi32, #tpu.memory_space<hbm>>
      tpu.enqueue_dma source(%arg11 : memref<4096xi32, #tpu.memory_space<vmem>>) target(%dma_start3A_215 : memref<4096xi32, #tpu.memory_space<hbm>>) target_semaphore(%run_scoped3A : memref<!tpu.dma_semaphore, #tpu.memory_space<semaphore_mem>>)
      %dma_wait3A = arith.constant 0 : i32
      %dma_wait3A_216 = tpu.memref_slice %arg3[%add3A_4, %dma_wait3A] : memref<64x4096xi32, #tpu.memory_space<hbm>> -> memref<1x4096xi32, #tpu.memory_space<hbm>>
      %dma_wait3A_217 = tpu.memref_squeeze %dma_wait3A_216 : memref<1x4096xi32, #tpu.memory_space<hbm>> -> memref<4096xi32, #tpu.memory_space<hbm>>
      %dma_wait3A_218 = arith.constant 0 : i32
      %dma_wait3A_219 = tpu.memref_slice %arg3[%add3A_4, %dma_wait3A_218] : memref<64x4096xi32, #tpu.memory_space<hbm>> -> memref<1x4096xi32, #tpu.memory_space<hbm>>
      %dma_wait3A_220 = tpu.memref_squeeze %dma_wait3A_219 : memref<1x4096xi32, #tpu.memory_space<hbm>> -> memref<4096xi32, #tpu.memory_space<hbm>>
      tpu.wait_dma2 semaphore(%run_scoped3A : memref<!tpu.dma_semaphore, #tpu.memory_space<semaphore_mem>>) src(%arg11 : memref<4096xi32, #tpu.memory_space<vmem>>) dst(%dma_wait3A_220 : memref<4096xi32, #tpu.memory_space<hbm>>)
      tpu.yield
    }) : () -> ()
    "tpu.region"() ({
      %run_scoped3A = tpu.sem_alloc : memref<!tpu.dma_semaphore, #tpu.memory_space<semaphore_mem>>
      %dma_start3A = arith.constant 0 : i32
      %dma_start3A_211 = tpu.memref_slice %arg4[%add3A_4, %dma_start3A] : memref<64x4096xi32, #tpu.memory_space<hbm>> -> memref<1x4096xi32, #tpu.memory_space<hbm>>
      %dma_start3A_212 = tpu.memref_squeeze %dma_start3A_211 : memref<1x4096xi32, #tpu.memory_space<hbm>> -> memref<4096xi32, #tpu.memory_space<hbm>>
      %dma_start3A_213 = arith.constant 0 : i32
      %dma_start3A_214 = tpu.memref_slice %arg4[%add3A_4, %dma_start3A_213] : memref<64x4096xi32, #tpu.memory_space<hbm>> -> memref<1x4096xi32, #tpu.memory_space<hbm>>
      %dma_start3A_215 = tpu.memref_squeeze %dma_start3A_214 : memref<1x4096xi32, #tpu.memory_space<hbm>> -> memref<4096xi32, #tpu.memory_space<hbm>>
      tpu.enqueue_dma source(%arg12 : memref<4096xi32, #tpu.memory_space<vmem>>) target(%dma_start3A_215 : memref<4096xi32, #tpu.memory_space<hbm>>) target_semaphore(%run_scoped3A : memref<!tpu.dma_semaphore, #tpu.memory_space<semaphore_mem>>)
      %dma_wait3A = arith.constant 0 : i32
      %dma_wait3A_216 = tpu.memref_slice %arg4[%add3A_4, %dma_wait3A] : memref<64x4096xi32, #tpu.memory_space<hbm>> -> memref<1x4096xi32, #tpu.memory_space<hbm>>
      %dma_wait3A_217 = tpu.memref_squeeze %dma_wait3A_216 : memref<1x4096xi32, #tpu.memory_space<hbm>> -> memref<4096xi32, #tpu.memory_space<hbm>>
      %dma_wait3A_218 = arith.constant 0 : i32
      %dma_wait3A_219 = tpu.memref_slice %arg4[%add3A_4, %dma_wait3A_218] : memref<64x4096xi32, #tpu.memory_space<hbm>> -> memref<1x4096xi32, #tpu.memory_space<hbm>>
      %dma_wait3A_220 = tpu.memref_squeeze %dma_wait3A_219 : memref<1x4096xi32, #tpu.memory_space<hbm>> -> memref<4096xi32, #tpu.memory_space<hbm>>
      tpu.wait_dma2 semaphore(%run_scoped3A : memref<!tpu.dma_semaphore, #tpu.memory_space<semaphore_mem>>) src(%arg12 : memref<4096xi32, #tpu.memory_space<vmem>>) dst(%dma_wait3A_220 : memref<4096xi32, #tpu.memory_space<hbm>>)
      tpu.yield
    }) : () -> ()
    "tpu.region"() ({
      %run_scoped3A = tpu.sem_alloc : memref<!tpu.dma_semaphore, #tpu.memory_space<semaphore_mem>>
      %dma_start3A = arith.constant 0 : i32
      %dma_start3A_211 = tpu.memref_slice %arg5[%add3A_4, %dma_start3A] : memref<64x4096xi32, #tpu.memory_space<hbm>> -> memref<1x4096xi32, #tpu.memory_space<hbm>>
      %dma_start3A_212 = tpu.memref_squeeze %dma_start3A_211 : memref<1x4096xi32, #tpu.memory_space<hbm>> -> memref<4096xi32, #tpu.memory_space<hbm>>
      %dma_start3A_213 = arith.constant 0 : i32
      %dma_start3A_214 = tpu.memref_slice %arg5[%add3A_4, %dma_start3A_213] : memref<64x4096xi32, #tpu.memory_space<hbm>> -> memref<1x4096xi32, #tpu.memory_space<hbm>>
      %dma_start3A_215 = tpu.memref_squeeze %dma_start3A_214 : memref<1x4096xi32, #tpu.memory_space<hbm>> -> memref<4096xi32, #tpu.memory_space<hbm>>
      tpu.enqueue_dma source(%arg13 : memref<4096xi32, #tpu.memory_space<vmem>>) target(%dma_start3A_215 : memref<4096xi32, #tpu.memory_space<hbm>>) target_semaphore(%run_scoped3A : memref<!tpu.dma_semaphore, #tpu.memory_space<semaphore_mem>>)
      %dma_wait3A = arith.constant 0 : i32
      %dma_wait3A_216 = tpu.memref_slice %arg5[%add3A_4, %dma_wait3A] : memref<64x4096xi32, #tpu.memory_space<hbm>> -> memref<1x4096xi32, #tpu.memory_space<hbm>>
      %dma_wait3A_217 = tpu.memref_squeeze %dma_wait3A_216 : memref<1x4096xi32, #tpu.memory_space<hbm>> -> memref<4096xi32, #tpu.memory_space<hbm>>
      %dma_wait3A_218 = arith.constant 0 : i32
      %dma_wait3A_219 = tpu.memref_slice %arg5[%add3A_4, %dma_wait3A_218] : memref<64x4096xi32, #tpu.memory_space<hbm>> -> memref<1x4096xi32, #tpu.memory_space<hbm>>
      %dma_wait3A_220 = tpu.memref_squeeze %dma_wait3A_219 : memref<1x4096xi32, #tpu.memory_space<hbm>> -> memref<4096xi32, #tpu.memory_space<hbm>>
      tpu.wait_dma2 semaphore(%run_scoped3A : memref<!tpu.dma_semaphore, #tpu.memory_space<semaphore_mem>>) src(%arg13 : memref<4096xi32, #tpu.memory_space<vmem>>) dst(%dma_wait3A_220 : memref<4096xi32, #tpu.memory_space<hbm>>)
      tpu.yield
    }) : () -> ()
    %mul3A_99 = arith.constant 2 : i32
    %mul3A_100 = arith.muli %add3A, %mul3A_99 : i32
    %add3A_101 = arith.constant 1 : i32
    %add3A_102 = arith.addi %mul3A_100, %add3A_101 : i32
    %jit3A_103 = arith.constant 4 : i32
    %eq3A_104 = arith.constant 0 : i32
    %eq3A_105 = arith.cmpi eq, %jit3A_103, %eq3A_104 : i32
    %jit3A_106 = arith.constant 1 : i32
    %select_n3A_107 = arith.select %eq3A_105, %jit3A_106, %jit3A_103 : i32
    %rem3A_108 = arith.remsi %add3A_102, %select_n3A_107 : i32
    %ne3A_109 = arith.constant 0 : i32
    %ne3A_110 = arith.cmpi ne, %rem3A_108, %ne3A_109 : i32
    %lt3A_111 = arith.constant 0 : i32
    %lt3A_112 = arith.cmpi slt, %rem3A_108, %lt3A_111 : i32
    %lt3A_113 = arith.constant 0 : i32
    %lt3A_114 = arith.cmpi slt, %select_n3A_107, %lt3A_113 : i32
    %ne3A_115 = arith.xori %lt3A_112, %lt3A_114 : i1
    %and3A_116 = arith.andi %ne3A_115, %ne3A_110 : i1
    %add3A_117 = arith.addi %rem3A_108, %select_n3A_107 : i32
    %select_n3A_118 = arith.select %and3A_116, %add3A_117, %rem3A_108 : i32
    %mul3A_119 = arith.constant 64 : i32
    %mul3A_120 = arith.muli %select_n3A_118, %mul3A_119 : i32
    "tpu.region"() ({
      %run_scoped3A = tpu.sem_alloc : memref<!tpu.dma_semaphore, #tpu.memory_space<semaphore_mem>>
      %dma_start3A = arith.constant 0 : i32
      %dma_start3A_211 = tpu.memref_slice %arg2[%add3A_102, %dma_start3A] : memref<64x4096xi32, #tpu.memory_space<hbm>> -> memref<1x4096xi32, #tpu.memory_space<hbm>>
      %dma_start3A_212 = tpu.memref_squeeze %dma_start3A_211 : memref<1x4096xi32, #tpu.memory_space<hbm>> -> memref<4096xi32, #tpu.memory_space<hbm>>
      %dma_start3A_213 = arith.constant 0 : i32
      %dma_start3A_214 = tpu.memref_slice %arg2[%add3A_102, %dma_start3A_213] : memref<64x4096xi32, #tpu.memory_space<hbm>> -> memref<1x4096xi32, #tpu.memory_space<hbm>>
      %dma_start3A_215 = tpu.memref_squeeze %dma_start3A_214 : memref<1x4096xi32, #tpu.memory_space<hbm>> -> memref<4096xi32, #tpu.memory_space<hbm>>
      tpu.enqueue_dma source(%dma_start3A_215 : memref<4096xi32, #tpu.memory_space<hbm>>) target(%arg6 : memref<4096xi32, #tpu.memory_space<vmem>>) target_semaphore(%run_scoped3A : memref<!tpu.dma_semaphore, #tpu.memory_space<semaphore_mem>>)
      %dma_wait3A = arith.constant 0 : i32
      %dma_wait3A_216 = tpu.memref_slice %arg2[%add3A_102, %dma_wait3A] : memref<64x4096xi32, #tpu.memory_space<hbm>> -> memref<1x4096xi32, #tpu.memory_space<hbm>>
      %dma_wait3A_217 = tpu.memref_squeeze %dma_wait3A_216 : memref<1x4096xi32, #tpu.memory_space<hbm>> -> memref<4096xi32, #tpu.memory_space<hbm>>
      %dma_wait3A_218 = arith.constant 0 : i32
      %dma_wait3A_219 = tpu.memref_slice %arg2[%add3A_102, %dma_wait3A_218] : memref<64x4096xi32, #tpu.memory_space<hbm>> -> memref<1x4096xi32, #tpu.memory_space<hbm>>
      %dma_wait3A_220 = tpu.memref_squeeze %dma_wait3A_219 : memref<1x4096xi32, #tpu.memory_space<hbm>> -> memref<4096xi32, #tpu.memory_space<hbm>>
      tpu.wait_dma2 semaphore(%run_scoped3A : memref<!tpu.dma_semaphore, #tpu.memory_space<semaphore_mem>>) src(%dma_wait3A_220 : memref<4096xi32, #tpu.memory_space<hbm>>) dst(%arg6 : memref<4096xi32, #tpu.memory_space<vmem>>)
      tpu.yield
    }) : () -> ()
    %scan3A_121 = arith.constant 0 : i32
    %scan3A_122 = arith.constant 0 : i32
    %scan3A_123 = arith.constant 64 : i32
    %scan3A_124 = arith.addi %scan3A_122, %scan3A_123 : i32
    %scan3A_125 = arith.constant 1 : i32
    %scan3A_126 = scf.for %scan3A_211 = %scan3A_122 to %scan3A_124 step %scan3A_125 iter_args(%scan3A_212 = %scan3A_121) -> (i32)  : i32 {
      %broadcast_in_dim3A_213 = arith.constant 0 : i32
      %broadcast_in_dim3A_214 = vector.broadcast %broadcast_in_dim3A_213 : i32 to vector<16xi32>
      %mul3A_215 = arith.constant 16 : i32
      %mul3A_216 = arith.muli %scan3A_211, %mul3A_215 : i32
      %swap3A_217 = arith.index_cast %mul3A_216 : i32 to index
      %swap3A_218 = tpu.vector_load %arg8[%swap3A_217] {strides = array<i32>} : memref<1024xi32, #tpu.memory_space<vmem>>, vector<16xi32>,
      tpu.vector_store %arg8[%swap3A_217], %broadcast_in_dim3A_214 {strides = array<i32>} : memref<1024xi32, #tpu.memory_space<vmem>>, vector<16xi32>,
      %scan3A_219 = arith.constant 0 : i32
      scf.yield %scan3A_219 : i32
    }
    %scan3A_127 = arith.constant 64 : i32
    %scan3A_128 = arith.constant 0 : i32
    %scan3A_129 = arith.constant 0 : i32
    %scan3A_130 = arith.constant 256 : i32
    %scan3A_131 = arith.addi %scan3A_129, %scan3A_130 : i32
    %scan3A_132 = arith.constant 1 : i32
    %scan3A_133 = scf.for %scan3A_211 = %scan3A_129 to %scan3A_131 step %scan3A_132 iter_args(%scan3A_212 = %scan3A_128) -> (i32)  : i32 {
      %mul3A_213 = arith.constant 256 : i32
      %mul3A_214 = vector.broadcast %mul3A_213 : i32 to vector<16xi32>
      %mul3A_215 = arith.muli %iota3A, %mul3A_214 : vector<16xi32>
      %add3A_216 = vector.broadcast %scan3A_211 : i32 to vector<16xi32>
      %add3A_217 = arith.addi %mul3A_215, %add3A_216 : vector<16xi32>
      %gather3A = tpu.vector_load_idx %arg6[%add3A_217] : memref<4096xi32, #tpu.memory_space<vmem>>[vector<16xi32>], vector<16xi32>,
      %sub3A_218 = vector.broadcast %mul3A_120 : i32 to vector<16xi32>
      %sub3A_219 = arith.subi %gather3A, %sub3A_218 : vector<16xi32>
      %mul3A_220 = arith.constant 64 : i32
      %mul3A_221 = vector.broadcast %mul3A_220 : i32 to vector<16xi32>
      %mul3A_222 = arith.muli %iota3A, %mul3A_221 : vector<16xi32>
      %add3A_223 = arith.addi %mul3A_222, %sub3A_219 : vector<16xi32>
      %gather3A_224 = tpu.vector_load_idx %arg8[%add3A_223] : memref<1024xi32, #tpu.memory_space<vmem>>[vector<16xi32>], vector<16xi32>,
      tpu.vector_store_idx %arg7[%add3A_217], %gather3A_224 : memref<4096xi32, #tpu.memory_space<vmem>>[vector<16xi32>], vector<16xi32>,
      %add3A_225 = arith.constant 1 : i32
      %add3A_226 = vector.broadcast %add3A_225 : i32 to vector<16xi32>
      %add3A_227 = arith.addi %gather3A_224, %add3A_226 : vector<16xi32>
      tpu.vector_store_idx %arg8[%add3A_223], %add3A_227 : memref<1024xi32, #tpu.memory_space<vmem>>[vector<16xi32>], vector<16xi32>,
      %scan3A_228 = arith.constant 0 : i32
      scf.yield %scan3A_228 : i32
    }
    %scan3A_134 = arith.constant 256 : i32
    %scan3A_135 = arith.constant 0 : i32
    %scan3A_136 = arith.constant 0 : i32
    %scan3A_137 = arith.constant 64 : i32
    %scan3A_138 = arith.addi %scan3A_136, %scan3A_137 : i32
    %scan3A_139 = arith.constant 1 : i32
    %scan3A_140 = scf.for %scan3A_211 = %scan3A_136 to %scan3A_138 step %scan3A_139 iter_args(%scan3A_212 = %scan3A_135) -> (i32)  : i32 {
      %mul3A_213 = arith.constant 64 : i32
      %mul3A_214 = vector.broadcast %mul3A_213 : i32 to vector<16xi32>
      %mul3A_215 = arith.muli %iota3A, %mul3A_214 : vector<16xi32>
      %add3A_216 = vector.broadcast %scan3A_211 : i32 to vector<16xi32>
      %add3A_217 = arith.addi %mul3A_215, %add3A_216 : vector<16xi32>
      %gather3A = tpu.vector_load_idx %arg8[%add3A_217] : memref<1024xi32, #tpu.memory_space<vmem>>[vector<16xi32>], vector<16xi32>,
      %broadcast_in_dim3A_218 = arith.constant true
      %broadcast_in_dim3A_219 = vector.broadcast %broadcast_in_dim3A_218 : i1 to vector<16xi1>
      %masked_cumsum3A_220 = tpu.scan <sum>, %gather3A masked %broadcast_in_dim3A_219 : vector<16xi32>, vector<16xi1> -> vector<16xi32>
      %sub3A_221 = arith.subi %masked_cumsum3A_220, %gather3A : vector<16xi32>
      tpu.vector_store_idx %arg8[%add3A_217], %sub3A_221 : memref<1024xi32, #tpu.memory_space<vmem>>[vector<16xi32>], vector<16xi32>,
      %reduce_sum3A_222 = arith.constant true
      %reduce_sum3A_223 = vector.broadcast %reduce_sum3A_222 : i1 to vector<16xi1>
      %reduce_sum3A_224 = tpu.scan <sum>, %gather3A masked %reduce_sum3A_223 : vector<16xi32>, vector<16xi1> -> vector<16xi32>
      %reduce_sum3A_225 = vector.extract %reduce_sum3A_224[15] : i32 from vector<16xi32>
      %broadcast_in_dim3A_226 = arith.constant 0 : i32
      %broadcast_in_dim3A_227 = vector.broadcast %broadcast_in_dim3A_226 : i32 to vector<16xi32>
      %add3A_228 = vector.broadcast %scan3A_211 : i32 to vector<16xi32>
      %add3A_229 = arith.addi %broadcast_in_dim3A_227, %add3A_228 : vector<16xi32>
      %broadcast_in_dim3A_230 = arith.constant 0 : i32
      %broadcast_in_dim3A_231 = vector.broadcast %broadcast_in_dim3A_230 : i32 to vector<16xi32>
      %add3A_232 = vector.broadcast %reduce_sum3A_225 : i32 to vector<16xi32>
      %add3A_233 = arith.addi %broadcast_in_dim3A_231, %add3A_232 : vector<16xi32>
      %eq3A_234 = arith.constant 0 : i32
      %eq3A_235 = vector.broadcast %eq3A_234 : i32 to vector<16xi32>
      %eq3A_236 = arith.cmpi eq, %iota3A, %eq3A_235 : vector<16xi32>
      tpu.vector_store_idx %arg9[%add3A_229], %add3A_233 masked %eq3A_236 : memref<64xi32, #tpu.memory_space<vmem>>[vector<16xi32>], vector<16xi32>, vector<16xi1>
      %scan3A_237 = arith.constant 0 : i32
      scf.yield %scan3A_237 : i32
    }
    %scan3A_141 = arith.constant 64 : i32
    %get3A_142 = arith.constant 0 : index
    %get3A_143 = tpu.vector_load %arg9[%get3A_142] {strides = array<i32>} : memref<64xi32, #tpu.memory_space<vmem>>, vector<16xi32>,
    %broadcast_in_dim3A_144 = arith.constant true
    %broadcast_in_dim3A_145 = vector.broadcast %broadcast_in_dim3A_144 : i1 to vector<16xi1>
    %masked_cumsum3A_146 = tpu.scan <sum>, %get3A_143 masked %broadcast_in_dim3A_145 : vector<16xi32>, vector<16xi1> -> vector<16xi32>
    %sub3A_147 = arith.subi %masked_cumsum3A_146, %get3A_143 : vector<16xi32>
    %add3A_148 = arith.constant 0 : i32
    %add3A_149 = vector.broadcast %add3A_148 : i32 to vector<16xi32>
    %add3A_150 = arith.addi %sub3A_147, %add3A_149 : vector<16xi32>
    %swap3A_151 = arith.constant 0 : index
    %swap3A_152 = tpu.vector_load %arg10[%swap3A_151] {strides = array<i32>} : memref<64xi32, #tpu.memory_space<vmem>>, vector<16xi32>,
    tpu.vector_store %arg10[%swap3A_151], %add3A_150 {strides = array<i32>} : memref<64xi32, #tpu.memory_space<vmem>>, vector<16xi32>,
    %reduce_sum3A_153 = arith.constant true
    %reduce_sum3A_154 = vector.broadcast %reduce_sum3A_153 : i1 to vector<16xi1>
    %reduce_sum3A_155 = tpu.scan <sum>, %get3A_143 masked %reduce_sum3A_154 : vector<16xi32>, vector<16xi1> -> vector<16xi32>
    %reduce_sum3A_156 = vector.extract %reduce_sum3A_155[15] : i32 from vector<16xi32>
    %add3A_157 = arith.constant 0 : i32
    %add3A_158 = arith.addi %add3A_157, %reduce_sum3A_156 : i32
    %get3A_159 = arith.constant 16 : index
    %get3A_160 = tpu.vector_load %arg9[%get3A_159] {strides = array<i32>} : memref<64xi32, #tpu.memory_space<vmem>>, vector<16xi32>,
    %broadcast_in_dim3A_161 = arith.constant true
    %broadcast_in_dim3A_162 = vector.broadcast %broadcast_in_dim3A_161 : i1 to vector<16xi1>
    %masked_cumsum3A_163 = tpu.scan <sum>, %get3A_160 masked %broadcast_in_dim3A_162 : vector<16xi32>, vector<16xi1> -> vector<16xi32>
    %sub3A_164 = arith.subi %masked_cumsum3A_163, %get3A_160 : vector<16xi32>
    %add3A_165 = vector.broadcast %add3A_158 : i32 to vector<16xi32>
    %add3A_166 = arith.addi %sub3A_164, %add3A_165 : vector<16xi32>
    %swap3A_167 = arith.constant 16 : index
    %swap3A_168 = tpu.vector_load %arg10[%swap3A_167] {strides = array<i32>} : memref<64xi32, #tpu.memory_space<vmem>>, vector<16xi32>,
    tpu.vector_store %arg10[%swap3A_167], %add3A_166 {strides = array<i32>} : memref<64xi32, #tpu.memory_space<vmem>>, vector<16xi32>,
    %reduce_sum3A_169 = arith.constant true
    %reduce_sum3A_170 = vector.broadcast %reduce_sum3A_169 : i1 to vector<16xi1>
    %reduce_sum3A_171 = tpu.scan <sum>, %get3A_160 masked %reduce_sum3A_170 : vector<16xi32>, vector<16xi1> -> vector<16xi32>
    %reduce_sum3A_172 = vector.extract %reduce_sum3A_171[15] : i32 from vector<16xi32>
    %add3A_173 = arith.addi %add3A_158, %reduce_sum3A_172 : i32
    %get3A_174 = arith.constant 32 : index
    %get3A_175 = tpu.vector_load %arg9[%get3A_174] {strides = array<i32>} : memref<64xi32, #tpu.memory_space<vmem>>, vector<16xi32>,
    %broadcast_in_dim3A_176 = arith.constant true
    %broadcast_in_dim3A_177 = vector.broadcast %broadcast_in_dim3A_176 : i1 to vector<16xi1>
    %masked_cumsum3A_178 = tpu.scan <sum>, %get3A_175 masked %broadcast_in_dim3A_177 : vector<16xi32>, vector<16xi1> -> vector<16xi32>
    %sub3A_179 = arith.subi %masked_cumsum3A_178, %get3A_175 : vector<16xi32>
    %add3A_180 = vector.broadcast %add3A_173 : i32 to vector<16xi32>
    %add3A_181 = arith.addi %sub3A_179, %add3A_180 : vector<16xi32>
    %swap3A_182 = arith.constant 32 : index
    %swap3A_183 = tpu.vector_load %arg10[%swap3A_182] {strides = array<i32>} : memref<64xi32, #tpu.memory_space<vmem>>, vector<16xi32>,
    tpu.vector_store %arg10[%swap3A_182], %add3A_181 {strides = array<i32>} : memref<64xi32, #tpu.memory_space<vmem>>, vector<16xi32>,
    %reduce_sum3A_184 = arith.constant true
    %reduce_sum3A_185 = vector.broadcast %reduce_sum3A_184 : i1 to vector<16xi1>
    %reduce_sum3A_186 = tpu.scan <sum>, %get3A_175 masked %reduce_sum3A_185 : vector<16xi32>, vector<16xi1> -> vector<16xi32>
    %reduce_sum3A_187 = vector.extract %reduce_sum3A_186[15] : i32 from vector<16xi32>
    %add3A_188 = arith.addi %add3A_173, %reduce_sum3A_187 : i32
    %get3A_189 = arith.constant 48 : index
    %get3A_190 = tpu.vector_load %arg9[%get3A_189] {strides = array<i32>} : memref<64xi32, #tpu.memory_space<vmem>>, vector<16xi32>,
    %broadcast_in_dim3A_191 = arith.constant true
    %broadcast_in_dim3A_192 = vector.broadcast %broadcast_in_dim3A_191 : i1 to vector<16xi1>
    %masked_cumsum3A_193 = tpu.scan <sum>, %get3A_190 masked %broadcast_in_dim3A_192 : vector<16xi32>, vector<16xi1> -> vector<16xi32>
    %sub3A_194 = arith.subi %masked_cumsum3A_193, %get3A_190 : vector<16xi32>
    %add3A_195 = vector.broadcast %add3A_188 : i32 to vector<16xi32>
    %add3A_196 = arith.addi %sub3A_194, %add3A_195 : vector<16xi32>
    %swap3A_197 = arith.constant 48 : index
    %swap3A_198 = tpu.vector_load %arg10[%swap3A_197] {strides = array<i32>} : memref<64xi32, #tpu.memory_space<vmem>>, vector<16xi32>,
    tpu.vector_store %arg10[%swap3A_197], %add3A_196 {strides = array<i32>} : memref<64xi32, #tpu.memory_space<vmem>>, vector<16xi32>,
    %reduce_sum3A_199 = arith.constant true
    %reduce_sum3A_200 = vector.broadcast %reduce_sum3A_199 : i1 to vector<16xi1>
    %reduce_sum3A_201 = tpu.scan <sum>, %get3A_190 masked %reduce_sum3A_200 : vector<16xi32>, vector<16xi1> -> vector<16xi32>
    %reduce_sum3A_202 = vector.extract %reduce_sum3A_201[15] : i32 from vector<16xi32>
    %add3A_203 = arith.addi %add3A_188, %reduce_sum3A_202 : i32
    %scan3A_204 = arith.constant 0 : i32
    %scan3A_205 = arith.constant 0 : i32
    %scan3A_206 = arith.constant 256 : i32
    %scan3A_207 = arith.addi %scan3A_205, %scan3A_206 : i32
    %scan3A_208 = arith.constant 1 : i32
    %scan3A_209 = scf.for %scan3A_211 = %scan3A_205 to %scan3A_207 step %scan3A_208 iter_args(%scan3A_212 = %scan3A_204) -> (i32)  : i32 {
      %mul3A_213 = arith.constant 256 : i32
      %mul3A_214 = vector.broadcast %mul3A_213 : i32 to vector<16xi32>
      %mul3A_215 = arith.muli %iota3A, %mul3A_214 : vector<16xi32>
      %add3A_216 = vector.broadcast %scan3A_211 : i32 to vector<16xi32>
      %add3A_217 = arith.addi %mul3A_215, %add3A_216 : vector<16xi32>
      %gather3A = tpu.vector_load_idx %arg6[%add3A_217] : memref<4096xi32, #tpu.memory_space<vmem>>[vector<16xi32>], vector<16xi32>,
      %sub3A_218 = vector.broadcast %mul3A_120 : i32 to vector<16xi32>
      %sub3A_219 = arith.subi %gather3A, %sub3A_218 : vector<16xi32>
      %gather3A_220 = tpu.vector_load_idx %arg7[%add3A_217] : memref<4096xi32, #tpu.memory_space<vmem>>[vector<16xi32>], vector<16xi32>,
      %gather3A_221 = tpu.vector_load_idx %arg10[%sub3A_219] : memref<64xi32, #tpu.memory_space<vmem>>[vector<16xi32>], vector<16xi32>,
      %mul3A_222 = arith.constant 64 : i32
      %mul3A_223 = vector.broadcast %mul3A_222 : i32 to vector<16xi32>
      %mul3A_224 = arith.muli %iota3A, %mul3A_223 : vector<16xi32>
      %add3A_225 = arith.addi %mul3A_224, %sub3A_219 : vector<16xi32>
      %gather3A_226 = tpu.vector_load_idx %arg8[%add3A_225] : memref<1024xi32, #tpu.memory_space<vmem>>[vector<16xi32>], vector<16xi32>,
      %add3A_227 = arith.addi %gather3A_221, %gather3A_226 : vector<16xi32>
      %add3A_228 = arith.addi %add3A_227, %gather3A_220 : vector<16xi32>
      tpu.vector_store_idx %arg11[%add3A_228], %add3A_217 : memref<4096xi32, #tpu.memory_space<vmem>>[vector<16xi32>], vector<16xi32>,
      tpu.vector_store_idx %arg12[%add3A_228], %gather3A : memref<4096xi32, #tpu.memory_space<vmem>>[vector<16xi32>], vector<16xi32>,
      tpu.vector_store_idx %arg13[%add3A_217], %add3A_228 : memref<4096xi32, #tpu.memory_space<vmem>>[vector<16xi32>], vector<16xi32>,
      %scan3A_229 = arith.constant 0 : i32
      scf.yield %scan3A_229 : i32
    }
    %scan3A_210 = arith.constant 256 : i32
    "tpu.region"() ({
      %run_scoped3A = tpu.sem_alloc : memref<!tpu.dma_semaphore, #tpu.memory_space<semaphore_mem>>
      %dma_start3A = arith.constant 0 : i32
      %dma_start3A_211 = tpu.memref_slice %arg3[%add3A_102, %dma_start3A] : memref<64x4096xi32, #tpu.memory_space<hbm>> -> memref<1x4096xi32, #tpu.memory_space<hbm>>
      %dma_start3A_212 = tpu.memref_squeeze %dma_start3A_211 : memref<1x4096xi32, #tpu.memory_space<hbm>> -> memref<4096xi32, #tpu.memory_space<hbm>>
      %dma_start3A_213 = arith.constant 0 : i32
      %dma_start3A_214 = tpu.memref_slice %arg3[%add3A_102, %dma_start3A_213] : memref<64x4096xi32, #tpu.memory_space<hbm>> -> memref<1x4096xi32, #tpu.memory_space<hbm>>
      %dma_start3A_215 = tpu.memref_squeeze %dma_start3A_214 : memref<1x4096xi32, #tpu.memory_space<hbm>> -> memref<4096xi32, #tpu.memory_space<hbm>>
      tpu.enqueue_dma source(%arg11 : memref<4096xi32, #tpu.memory_space<vmem>>) target(%dma_start3A_215 : memref<4096xi32, #tpu.memory_space<hbm>>) target_semaphore(%run_scoped3A : memref<!tpu.dma_semaphore, #tpu.memory_space<semaphore_mem>>)
      %dma_wait3A = arith.constant 0 : i32
      %dma_wait3A_216 = tpu.memref_slice %arg3[%add3A_102, %dma_wait3A] : memref<64x4096xi32, #tpu.memory_space<hbm>> -> memref<1x4096xi32, #tpu.memory_space<hbm>>
      %dma_wait3A_217 = tpu.memref_squeeze %dma_wait3A_216 : memref<1x4096xi32, #tpu.memory_space<hbm>> -> memref<4096xi32, #tpu.memory_space<hbm>>
      %dma_wait3A_218 = arith.constant 0 : i32
      %dma_wait3A_219 = tpu.memref_slice %arg3[%add3A_102, %dma_wait3A_218] : memref<64x4096xi32, #tpu.memory_space<hbm>> -> memref<1x4096xi32, #tpu.memory_space<hbm>>
      %dma_wait3A_220 = tpu.memref_squeeze %dma_wait3A_219 : memref<1x4096xi32, #tpu.memory_space<hbm>> -> memref<4096xi32, #tpu.memory_space<hbm>>
      tpu.wait_dma2 semaphore(%run_scoped3A : memref<!tpu.dma_semaphore, #tpu.memory_space<semaphore_mem>>) src(%arg11 : memref<4096xi32, #tpu.memory_space<vmem>>) dst(%dma_wait3A_220 : memref<4096xi32, #tpu.memory_space<hbm>>)
      tpu.yield
    }) : () -> ()
    "tpu.region"() ({
      %run_scoped3A = tpu.sem_alloc : memref<!tpu.dma_semaphore, #tpu.memory_space<semaphore_mem>>
      %dma_start3A = arith.constant 0 : i32
      %dma_start3A_211 = tpu.memref_slice %arg4[%add3A_102, %dma_start3A] : memref<64x4096xi32, #tpu.memory_space<hbm>> -> memref<1x4096xi32, #tpu.memory_space<hbm>>
      %dma_start3A_212 = tpu.memref_squeeze %dma_start3A_211 : memref<1x4096xi32, #tpu.memory_space<hbm>> -> memref<4096xi32, #tpu.memory_space<hbm>>
      %dma_start3A_213 = arith.constant 0 : i32
      %dma_start3A_214 = tpu.memref_slice %arg4[%add3A_102, %dma_start3A_213] : memref<64x4096xi32, #tpu.memory_space<hbm>> -> memref<1x4096xi32, #tpu.memory_space<hbm>>
      %dma_start3A_215 = tpu.memref_squeeze %dma_start3A_214 : memref<1x4096xi32, #tpu.memory_space<hbm>> -> memref<4096xi32, #tpu.memory_space<hbm>>
      tpu.enqueue_dma source(%arg12 : memref<4096xi32, #tpu.memory_space<vmem>>) target(%dma_start3A_215 : memref<4096xi32, #tpu.memory_space<hbm>>) target_semaphore(%run_scoped3A : memref<!tpu.dma_semaphore, #tpu.memory_space<semaphore_mem>>)
      %dma_wait3A = arith.constant 0 : i32
      %dma_wait3A_216 = tpu.memref_slice %arg4[%add3A_102, %dma_wait3A] : memref<64x4096xi32, #tpu.memory_space<hbm>> -> memref<1x4096xi32, #tpu.memory_space<hbm>>
      %dma_wait3A_217 = tpu.memref_squeeze %dma_wait3A_216 : memref<1x4096xi32, #tpu.memory_space<hbm>> -> memref<4096xi32, #tpu.memory_space<hbm>>
      %dma_wait3A_218 = arith.constant 0 : i32
      %dma_wait3A_219 = tpu.memref_slice %arg4[%add3A_102, %dma_wait3A_218] : memref<64x4096xi32, #tpu.memory_space<hbm>> -> memref<1x4096xi32, #tpu.memory_space<hbm>>
      %dma_wait3A_220 = tpu.memref_squeeze %dma_wait3A_219 : memref<1x4096xi32, #tpu.memory_space<hbm>> -> memref<4096xi32, #tpu.memory_space<hbm>>
      tpu.wait_dma2 semaphore(%run_scoped3A : memref<!tpu.dma_semaphore, #tpu.memory_space<semaphore_mem>>) src(%arg12 : memref<4096xi32, #tpu.memory_space<vmem>>) dst(%dma_wait3A_220 : memref<4096xi32, #tpu.memory_space<hbm>>)
      tpu.yield
    }) : () -> ()
    "tpu.region"() ({
      %run_scoped3A = tpu.sem_alloc : memref<!tpu.dma_semaphore, #tpu.memory_space<semaphore_mem>>
      %dma_start3A = arith.constant 0 : i32
      %dma_start3A_211 = tpu.memref_slice %arg5[%add3A_102, %dma_start3A] : memref<64x4096xi32, #tpu.memory_space<hbm>> -> memref<1x4096xi32, #tpu.memory_space<hbm>>
      %dma_start3A_212 = tpu.memref_squeeze %dma_start3A_211 : memref<1x4096xi32, #tpu.memory_space<hbm>> -> memref<4096xi32, #tpu.memory_space<hbm>>
      %dma_start3A_213 = arith.constant 0 : i32
      %dma_start3A_214 = tpu.memref_slice %arg5[%add3A_102, %dma_start3A_213] : memref<64x4096xi32, #tpu.memory_space<hbm>> -> memref<1x4096xi32, #tpu.memory_space<hbm>>
      %dma_start3A_215 = tpu.memref_squeeze %dma_start3A_214 : memref<1x4096xi32, #tpu.memory_space<hbm>> -> memref<4096xi32, #tpu.memory_space<hbm>>
      tpu.enqueue_dma source(%arg13 : memref<4096xi32, #tpu.memory_space<vmem>>) target(%dma_start3A_215 : memref<4096xi32, #tpu.memory_space<hbm>>) target_semaphore(%run_scoped3A : memref<!tpu.dma_semaphore, #tpu.memory_space<semaphore_mem>>)
      %dma_wait3A = arith.constant 0 : i32
      %dma_wait3A_216 = tpu.memref_slice %arg5[%add3A_102, %dma_wait3A] : memref<64x4096xi32, #tpu.memory_space<hbm>> -> memref<1x4096xi32, #tpu.memory_space<hbm>>
      %dma_wait3A_217 = tpu.memref_squeeze %dma_wait3A_216 : memref<1x4096xi32, #tpu.memory_space<hbm>> -> memref<4096xi32, #tpu.memory_space<hbm>>
      %dma_wait3A_218 = arith.constant 0 : i32
      %dma_wait3A_219 = tpu.memref_slice %arg5[%add3A_102, %dma_wait3A_218] : memref<64x4096xi32, #tpu.memory_space<hbm>> -> memref<1x4096xi32, #tpu.memory_space<hbm>>
      %dma_wait3A_220 = tpu.memref_squeeze %dma_wait3A_219 : memref<1x4096xi32, #tpu.memory_space<hbm>> -> memref<4096xi32, #tpu.memory_space<hbm>>
      tpu.wait_dma2 semaphore(%run_scoped3A : memref<!tpu.dma_semaphore, #tpu.memory_space<semaphore_mem>>) src(%arg13 : memref<4096xi32, #tpu.memory_space<vmem>>) dst(%dma_wait3A_220 : memref<4096xi32, #tpu.memory_space<hbm>>)
      tpu.yield
    }) : () -> ()
    return
  }
}

#map = affine_map<(d0, d1) -> (0, 0)>
module attributes {stable_mosaic.version = 14 : i64} {
  func.func @k(%arg0: i32, %arg1: i32, %arg2: memref<64x4096xi32, #tpu.memory_space<hbm>>, %arg3: memref<64x4096xi32, #tpu.memory_space<hbm>>, %arg4: memref<64x4096xi32, #tpu.memory_space<hbm>>, %arg5: memref<64x4096xi32, #tpu.memory_space<hbm>>, %arg6: memref<4096xi32, #tpu.memory_space<vmem>>, %arg7: memref<4096xi32, #tpu.memory_space<vmem>>, %arg8: memref<1024xi32, #tpu.memory_space<vmem>>, %arg9: memref<64xi32, #tpu.memory_space<vmem>>, %arg10: memref<64xi32, #tpu.memory_space<vmem>>, %arg11: memref<4096xi32, #tpu.memory_space<vmem>>, %arg12: memref<4096xi32, #tpu.memory_space<vmem>>, %arg13: memref<4096xi32, #tpu.memory_space<vmem>>) attributes {dimension_semantics = [#tpu.dimension_semantics<core_parallel>, #tpu.dimension_semantics<subcore_parallel>], iteration_bounds = array<i64: 2, 16>, scalar_prefetch = 0 : i64, scratch_operands = 8 : i64, tpu.core_type = #tpu.core_type<sc_vector_subcore>, window_params = [{transform_indices = #map}, {transform_indices = #map}, {transform_indices = #map}, {transform_indices = #map}]} {
    %mul3A = arith.constant 2 : i32
    %mul3A_0 = arith.muli %arg1, %mul3A : i32
    %add3A = arith.addi %mul3A_0, %arg0 : i32
    %iota3A = tpu.iota {dimensions = array<i32: 0>} : vector<16xi32>
    %mul3A_1 = arith.constant 2 : i32
    %mul3A_2 = arith.muli %add3A, %mul3A_1 : i32
    %add3A_3 = arith.constant 0 : i32
    %add3A_4 = arith.addi %mul3A_2, %add3A_3 : i32
    %jit3A = arith.constant 4 : i32
    %eq3A = arith.constant 0 : i32
    %eq3A_5 = arith.cmpi eq, %jit3A, %eq3A : i32
    %jit3A_6 = arith.constant 1 : i32
    %select_n3A = arith.select %eq3A_5, %jit3A_6, %jit3A : i32
    %rem3A = arith.remsi %add3A_4, %select_n3A : i32
    %ne3A = arith.constant 0 : i32
    %ne3A_7 = arith.cmpi ne, %rem3A, %ne3A : i32
    %lt3A = arith.constant 0 : i32
    %lt3A_8 = arith.cmpi slt, %rem3A, %lt3A : i32
    %lt3A_9 = arith.constant 0 : i32
    %lt3A_10 = arith.cmpi slt, %select_n3A, %lt3A_9 : i32
    %ne3A_11 = arith.xori %lt3A_8, %lt3A_10 : i1
    %and3A = arith.andi %ne3A_11, %ne3A_7 : i1
    %add3A_12 = arith.addi %rem3A, %select_n3A : i32
    %select_n3A_13 = arith.select %and3A, %add3A_12, %rem3A : i32
    %mul3A_14 = arith.constant 64 : i32
    %mul3A_15 = arith.muli %select_n3A_13, %mul3A_14 : i32
    "tpu.region"() ({
      %run_scoped3A = tpu.sem_alloc : memref<!tpu.dma_semaphore, #tpu.memory_space<semaphore_mem>>
      %dma_start3A = arith.constant 0 : i32
      %dma_start3A_211 = tpu.memref_slice %arg2[%add3A_4, %dma_start3A] : memref<64x4096xi32, #tpu.memory_space<hbm>> -> memref<1x4096xi32, #tpu.memory_space<hbm>>
      %dma_start3A_212 = tpu.memref_squeeze %dma_start3A_211 : memref<1x4096xi32, #tpu.memory_space<hbm>> -> memref<4096xi32, #tpu.memory_space<hbm>>
      %dma_start3A_213 = arith.constant 0 : i32
      %dma_start3A_214 = tpu.memref_slice %arg2[%add3A_4, %dma_start3A_213] : memref<64x4096xi32, #tpu.memory_space<hbm>> -> memref<1x4096xi32, #tpu.memory_space<hbm>>
      %dma_start3A_215 = tpu.memref_squeeze %dma_start3A_214 : memref<1x4096xi32, #tpu.memory_space<hbm>> -> memref<4096xi32, #tpu.memory_space<hbm>>
      tpu.enqueue_dma source(%dma_start3A_215 : memref<4096xi32, #tpu.memory_space<hbm>>) target(%arg6 : memref<4096xi32, #tpu.memory_space<vmem>>) target_semaphore(%run_scoped3A : memref<!tpu.dma_semaphore, #tpu.memory_space<semaphore_mem>>)
      %dma_wait3A = arith.constant 0 : i32
      %dma_wait3A_216 = tpu.memref_slice %arg2[%add3A_4, %dma_wait3A] : memref<64x4096xi32, #tpu.memory_space<hbm>> -> memref<1x4096xi32, #tpu.memory_space<hbm>>
      %dma_wait3A_217 = tpu.memref_squeeze %dma_wait3A_216 : memref<1x4096xi32, #tpu.memory_space<hbm>> -> memref<4096xi32, #tpu.memory_space<hbm>>
      %dma_wait3A_218 = arith.constant 0 : i32
      %dma_wait3A_219 = tpu.memref_slice %arg2[%add3A_4, %dma_wait3A_218] : memref<64x4096xi32, #tpu.memory_space<hbm>> -> memref<1x4096xi32, #tpu.memory_space<hbm>>
      %dma_wait3A_220 = tpu.memref_squeeze %dma_wait3A_219 : memref<1x4096xi32, #tpu.memory_space<hbm>> -> memref<4096xi32, #tpu.memory_space<hbm>>
      tpu.wait_dma2 semaphore(%run_scoped3A : memref<!tpu.dma_semaphore, #tpu.memory_space<semaphore_mem>>) src(%dma_wait3A_220 : memref<4096xi32, #tpu.memory_space<hbm>>) dst(%arg6 : memref<4096xi32, #tpu.memory_space<vmem>>)
      tpu.yield
    }) : () -> ()
    %scan3A = arith.constant 0 : i32
    %scan3A_16 = arith.constant 0 : i32
    %scan3A_17 = arith.constant 64 : i32
    %scan3A_18 = arith.addi %scan3A_16, %scan3A_17 : i32
    %scan3A_19 = arith.constant 1 : i32
    %scan3A_20 = scf.for %scan3A_211 = %scan3A_16 to %scan3A_18 step %scan3A_19 iter_args(%scan3A_212 = %scan3A) -> (i32)  : i32 {
      %broadcast_in_dim3A_213 = arith.constant 0 : i32
      %broadcast_in_dim3A_214 = vector.broadcast %broadcast_in_dim3A_213 : i32 to vector<16xi32>
      %mul3A_215 = arith.constant 16 : i32
      %mul3A_216 = arith.muli %scan3A_211, %mul3A_215 : i32
      %swap3A_217 = arith.index_cast %mul3A_216 : i32 to index
      %swap3A_218 = tpu.vector_load %arg8[%swap3A_217] {strides = array<i32>} : memref<1024xi32, #tpu.memory_space<vmem>>, vector<16xi32>,
      tpu.vector_store %arg8[%swap3A_217], %broadcast_in_dim3A_214 {strides = array<i32>} : memref<1024xi32, #tpu.memory_space<vmem>>, vector<16xi32>,
      %scan3A_219 = arith.constant 0 : i32
      scf.yield %scan3A_219 : i32
    }
    %scan3A_21 = arith.constant 64 : i32
    %scan3A_22 = arith.constant 0 : i32
    %scan3A_23 = arith.constant 0 : i32
    %scan3A_24 = arith.constant 256 : i32
    %scan3A_25 = arith.addi %scan3A_23, %scan3A_24 : i32
    %scan3A_26 = arith.constant 1 : i32
    %scan3A_27 = scf.for %scan3A_211 = %scan3A_23 to %scan3A_25 step %scan3A_26 iter_args(%scan3A_212 = %scan3A_22) -> (i32)  : i32 {
      %mul3A_213 = arith.constant 256 : i32
      %mul3A_214 = vector.broadcast %mul3A_213 : i32 to vector<16xi32>
      %mul3A_215 = arith.muli %iota3A, %mul3A_214 : vector<16xi32>
      %add3A_216 = vector.broadcast %scan3A_211 : i32 to vector<16xi32>
      %add3A_217 = arith.addi %mul3A_215, %add3A_216 : vector<16xi32>
      %gather3A = tpu.vector_load_idx %arg6[%add3A_217] : memref<4096xi32, #tpu.memory_space<vmem>>[vector<16xi32>], vector<16xi32>,
      %sub3A_218 = vector.broadcast %mul3A_15 : i32 to vector<16xi32>
      %sub3A_219 = arith.subi %gather3A, %sub3A_218 : vector<16xi32>
      %mul3A_220 = arith.constant 64 : i32
      %mul3A_221 = vector.broadcast %mul3A_220 : i32 to vector<16xi32>
      %mul3A_222 = arith.muli %iota3A, %mul3A_221 : vector<16xi32>
      %add3A_223 = arith.addi %mul3A_222, %sub3A_219 : vector<16xi32>
      %gather3A_224 = tpu.vector_load_idx %arg8[%add3A_223] : memref<1024xi32, #tpu.memory_space<vmem>>[vector<16xi32>], vector<16xi32>,
      tpu.vector_store_idx %arg7[%add3A_217], %gather3A_224 : memref<4096xi32, #tpu.memory_space<vmem>>[vector<16xi32>], vector<16xi32>,
      %add3A_225 = arith.constant 1 : i32
      %add3A_226 = vector.broadcast %add3A_225 : i32 to vector<16xi32>
      %add3A_227 = arith.addi %gather3A_224, %add3A_226 : vector<16xi32>
      tpu.vector_store_idx %arg8[%add3A_223], %add3A_227 : memref<1024xi32, #tpu.memory_space<vmem>>[vector<16xi32>], vector<16xi32>,
      %scan3A_228 = arith.constant 0 : i32
      scf.yield %scan3A_228 : i32
    }
    %scan3A_28 = arith.constant 256 : i32
    %scan3A_29 = arith.constant 0 : i32
    %scan3A_30 = arith.constant 0 : i32
    %scan3A_31 = arith.constant 64 : i32
    %scan3A_32 = arith.addi %scan3A_30, %scan3A_31 : i32
    %scan3A_33 = arith.constant 1 : i32
    %scan3A_34 = scf.for %scan3A_211 = %scan3A_30 to %scan3A_32 step %scan3A_33 iter_args(%scan3A_212 = %scan3A_29) -> (i32)  : i32 {
      %mul3A_213 = arith.constant 64 : i32
      %mul3A_214 = vector.broadcast %mul3A_213 : i32 to vector<16xi32>
      %mul3A_215 = arith.muli %iota3A, %mul3A_214 : vector<16xi32>
      %add3A_216 = vector.broadcast %scan3A_211 : i32 to vector<16xi32>
      %add3A_217 = arith.addi %mul3A_215, %add3A_216 : vector<16xi32>
      %gather3A = tpu.vector_load_idx %arg8[%add3A_217] : memref<1024xi32, #tpu.memory_space<vmem>>[vector<16xi32>], vector<16xi32>,
      %broadcast_in_dim3A_218 = arith.constant true
      %broadcast_in_dim3A_219 = vector.broadcast %broadcast_in_dim3A_218 : i1 to vector<16xi1>
      %masked_cumsum3A_220 = tpu.scan <sum>, %gather3A masked %broadcast_in_dim3A_219 : vector<16xi32>, vector<16xi1> -> vector<16xi32>
      %sub3A_221 = arith.subi %masked_cumsum3A_220, %gather3A : vector<16xi32>
      tpu.vector_store_idx %arg8[%add3A_217], %sub3A_221 : memref<1024xi32, #tpu.memory_space<vmem>>[vector<16xi32>], vector<16xi32>,
      %reduce_sum3A_222 = arith.constant true
      %reduce_sum3A_223 = vector.broadcast %reduce_sum3A_222 : i1 to vector<16xi1>
      %reduce_sum3A_224 = tpu.scan <sum>, %gather3A masked %reduce_sum3A_223 : vector<16xi32>, vector<16xi1> -> vector<16xi32>
      %reduce_sum3A_225 = vector.extract %reduce_sum3A_224[15] : i32 from vector<16xi32>
      %broadcast_in_dim3A_226 = arith.constant 0 : i32
      %broadcast_in_dim3A_227 = vector.broadcast %broadcast_in_dim3A_226 : i32 to vector<16xi32>
      %add3A_228 = vector.broadcast %scan3A_211 : i32 to vector<16xi32>
      %add3A_229 = arith.addi %broadcast_in_dim3A_227, %add3A_228 : vector<16xi32>
      %broadcast_in_dim3A_230 = arith.constant 0 : i32
      %broadcast_in_dim3A_231 = vector.broadcast %broadcast_in_dim3A_230 : i32 to vector<16xi32>
      %add3A_232 = vector.broadcast %reduce_sum3A_225 : i32 to vector<16xi32>
      %add3A_233 = arith.addi %broadcast_in_dim3A_231, %add3A_232 : vector<16xi32>
      %eq3A_234 = arith.constant 0 : i32
      %eq3A_235 = vector.broadcast %eq3A_234 : i32 to vector<16xi32>
      %eq3A_236 = arith.cmpi eq, %iota3A, %eq3A_235 : vector<16xi32>
      tpu.vector_store_idx %arg9[%add3A_229], %add3A_233 masked %eq3A_236 : memref<64xi32, #tpu.memory_space<vmem>>[vector<16xi32>], vector<16xi32>, vector<16xi1>
      %scan3A_237 = arith.constant 0 : i32
      scf.yield %scan3A_237 : i32
    }
    %scan3A_35 = arith.constant 64 : i32
    %get3A = arith.constant 0 : index
    %get3A_36 = tpu.vector_load %arg9[%get3A] {strides = array<i32>} : memref<64xi32, #tpu.memory_space<vmem>>, vector<16xi32>,
    %broadcast_in_dim3A = arith.constant true
    %broadcast_in_dim3A_37 = vector.broadcast %broadcast_in_dim3A : i1 to vector<16xi1>
    %masked_cumsum3A = tpu.scan <sum>, %get3A_36 masked %broadcast_in_dim3A_37 : vector<16xi32>, vector<16xi1> -> vector<16xi32>
    %sub3A = arith.subi %masked_cumsum3A, %get3A_36 : vector<16xi32>
    %add3A_38 = arith.constant 0 : i32
    %add3A_39 = vector.broadcast %add3A_38 : i32 to vector<16xi32>
    %add3A_40 = arith.addi %sub3A, %add3A_39 : vector<16xi32>
    %swap3A = arith.constant 0 : index
    %swap3A_41 = tpu.vector_load %arg10[%swap3A] {strides = array<i32>} : memref<64xi32, #tpu.memory_space<vmem>>, vector<16xi32>,
    tpu.vector_store %arg10[%swap3A], %add3A_40 {strides = array<i32>} : memref<64xi32, #tpu.memory_space<vmem>>, vector<16xi32>,
    %reduce_sum3A = arith.constant true
    %reduce_sum3A_42 = vector.broadcast %reduce_sum3A : i1 to vector<16xi1>
    %reduce_sum3A_43 = tpu.scan <sum>, %get3A_36 masked %reduce_sum3A_42 : vector<16xi32>, vector<16xi1> -> vector<16xi32>
    %reduce_sum3A_44 = vector.extract %reduce_sum3A_43[15] : i32 from vector<16xi32>
    %add3A_45 = arith.constant 0 : i32
    %add3A_46 = arith.addi %add3A_45, %reduce_sum3A_44 : i32
    %get3A_47 = arith.constant 16 : index
    %get3A_48 = tpu.vector_load %arg9[%get3A_47] {strides = array<i32>} : memref<64xi32, #tpu.memory_space<vmem>>, vector<16xi32>,
    %broadcast_in_dim3A_49 = arith.constant true
    %broadcast_in_dim3A_50 = vector.broadcast %broadcast_in_dim3A_49 : i1 to vector<16xi1>
    %masked_cumsum3A_51 = tpu.scan <sum>, %get3A_48 masked %broadcast_in_dim3A_50 : vector<16xi32>, vector<16xi1> -> vector<16xi32>
    %sub3A_52 = arith.subi %masked_cumsum3A_51, %get3A_48 : vector<16xi32>
    %add3A_53 = vector.broadcast %add3A_46 : i32 to vector<16xi32>
    %add3A_54 = arith.addi %sub3A_52, %add3A_53 : vector<16xi32>
    %swap3A_55 = arith.constant 16 : index
    %swap3A_56 = tpu.vector_load %arg10[%swap3A_55] {strides = array<i32>} : memref<64xi32, #tpu.memory_space<vmem>>, vector<16xi32>,
    tpu.vector_store %arg10[%swap3A_55], %add3A_54 {strides = array<i32>} : memref<64xi32, #tpu.memory_space<vmem>>, vector<16xi32>,
    %reduce_sum3A_57 = arith.constant true
    %reduce_sum3A_58 = vector.broadcast %reduce_sum3A_57 : i1 to vector<16xi1>
    %reduce_sum3A_59 = tpu.scan <sum>, %get3A_48 masked %reduce_sum3A_58 : vector<16xi32>, vector<16xi1> -> vector<16xi32>
    %reduce_sum3A_60 = vector.extract %reduce_sum3A_59[15] : i32 from vector<16xi32>
    %add3A_61 = arith.addi %add3A_46, %reduce_sum3A_60 : i32
    %get3A_62 = arith.constant 32 : index
    %get3A_63 = tpu.vector_load %arg9[%get3A_62] {strides = array<i32>} : memref<64xi32, #tpu.memory_space<vmem>>, vector<16xi32>,
    %broadcast_in_dim3A_64 = arith.constant true
    %broadcast_in_dim3A_65 = vector.broadcast %broadcast_in_dim3A_64 : i1 to vector<16xi1>
    %masked_cumsum3A_66 = tpu.scan <sum>, %get3A_63 masked %broadcast_in_dim3A_65 : vector<16xi32>, vector<16xi1> -> vector<16xi32>
    %sub3A_67 = arith.subi %masked_cumsum3A_66, %get3A_63 : vector<16xi32>
    %add3A_68 = vector.broadcast %add3A_61 : i32 to vector<16xi32>
    %add3A_69 = arith.addi %sub3A_67, %add3A_68 : vector<16xi32>
    %swap3A_70 = arith.constant 32 : index
    %swap3A_71 = tpu.vector_load %arg10[%swap3A_70] {strides = array<i32>} : memref<64xi32, #tpu.memory_space<vmem>>, vector<16xi32>,
    tpu.vector_store %arg10[%swap3A_70], %add3A_69 {strides = array<i32>} : memref<64xi32, #tpu.memory_space<vmem>>, vector<16xi32>,
    %reduce_sum3A_72 = arith.constant true
    %reduce_sum3A_73 = vector.broadcast %reduce_sum3A_72 : i1 to vector<16xi1>
    %reduce_sum3A_74 = tpu.scan <sum>, %get3A_63 masked %reduce_sum3A_73 : vector<16xi32>, vector<16xi1> -> vector<16xi32>
    %reduce_sum3A_75 = vector.extract %reduce_sum3A_74[15] : i32 from vector<16xi32>
    %add3A_76 = arith.addi %add3A_61, %reduce_sum3A_75 : i32
    %get3A_77 = arith.constant 48 : index
    %get3A_78 = tpu.vector_load %arg9[%get3A_77] {strides = array<i32>} : memref<64xi32, #tpu.memory_space<vmem>>, vector<16xi32>,
    %broadcast_in_dim3A_79 = arith.constant true
    %broadcast_in_dim3A_80 = vector.broadcast %broadcast_in_dim3A_79 : i1 to vector<16xi1>
    %masked_cumsum3A_81 = tpu.scan <sum>, %get3A_78 masked %broadcast_in_dim3A_80 : vector<16xi32>, vector<16xi1> -> vector<16xi32>
    %sub3A_82 = arith.subi %masked_cumsum3A_81, %get3A_78 : vector<16xi32>
    %add3A_83 = vector.broadcast %add3A_76 : i32 to vector<16xi32>
    %add3A_84 = arith.addi %sub3A_82, %add3A_83 : vector<16xi32>
    %swap3A_85 = arith.constant 48 : index
    %swap3A_86 = tpu.vector_load %arg10[%swap3A_85] {strides = array<i32>} : memref<64xi32, #tpu.memory_space<vmem>>, vector<16xi32>,
    tpu.vector_store %arg10[%swap3A_85], %add3A_84 {strides = array<i32>} : memref<64xi32, #tpu.memory_space<vmem>>, vector<16xi32>,
    %reduce_sum3A_87 = arith.constant true
    %reduce_sum3A_88 = vector.broadcast %reduce_sum3A_87 : i1 to vector<16xi1>
    %reduce_sum3A_89 = tpu.scan <sum>, %get3A_78 masked %reduce_sum3A_88 : vector<16xi32>, vector<16xi1> -> vector<16xi32>
    %reduce_sum3A_90 = vector.extract %reduce_sum3A_89[15] : i32 from vector<16xi32>
    %add3A_91 = arith.addi %add3A_76, %reduce_sum3A_90 : i32
    %scan3A_92 = arith.constant 0 : i32
    %scan3A_93 = arith.constant 0 : i32
    %scan3A_94 = arith.constant 256 : i32
    %scan3A_95 = arith.addi %scan3A_93, %scan3A_94 : i32
    %scan3A_96 = arith.constant 1 : i32
    %scan3A_97 = scf.for %scan3A_211 = %scan3A_93 to %scan3A_95 step %scan3A_96 iter_args(%scan3A_212 = %scan3A_92) -> (i32)  : i32 {
      %mul3A_213 = arith.constant 256 : i32
      %mul3A_214 = vector.broadcast %mul3A_213 : i32 to vector<16xi32>
      %mul3A_215 = arith.muli %iota3A, %mul3A_214 : vector<16xi32>
      %add3A_216 = vector.broadcast %scan3A_211 : i32 to vector<16xi32>
      %add3A_217 = arith.addi %mul3A_215, %add3A_216 : vector<16xi32>
      %gather3A = tpu.vector_load_idx %arg6[%add3A_217] : memref<4096xi32, #tpu.memory_space<vmem>>[vector<16xi32>], vector<16xi32>,
      %sub3A_218 = vector.broadcast %mul3A_15 : i32 to vector<16xi32>
      %sub3A_219 = arith.subi %gather3A, %sub3A_218 : vector<16xi32>
      %gather3A_220 = tpu.vector_load_idx %arg7[%add3A_217] : memref<4096xi32, #tpu.memory_space<vmem>>[vector<16xi32>], vector<16xi32>,
      %gather3A_221 = tpu.vector_load_idx %arg10[%sub3A_219] : memref<64xi32, #tpu.memory_space<vmem>>[vector<16xi32>], vector<16xi32>,
      %mul3A_222 = arith.constant 64 : i32
      %mul3A_223 = vector.broadcast %mul3A_222 : i32 to vector<16xi32>
      %mul3A_224 = arith.muli %iota3A, %mul3A_223 : vector<16xi32>
      %add3A_225 = arith.addi %mul3A_224, %sub3A_219 : vector<16xi32>
      %gather3A_226 = tpu.vector_load_idx %arg8[%add3A_225] : memref<1024xi32, #tpu.memory_space<vmem>>[vector<16xi32>], vector<16xi32>,
      %add3A_227 = arith.addi %gather3A_221, %gather3A_226 : vector<16xi32>
      %add3A_228 = arith.addi %add3A_227, %gather3A_220 : vector<16xi32>
      tpu.vector_store_idx %arg11[%add3A_228], %add3A_217 : memref<4096xi32, #tpu.memory_space<vmem>>[vector<16xi32>], vector<16xi32>,
      tpu.vector_store_idx %arg12[%add3A_228], %gather3A : memref<4096xi32, #tpu.memory_space<vmem>>[vector<16xi32>], vector<16xi32>,
      tpu.vector_store_idx %arg13[%add3A_217], %add3A_228 : memref<4096xi32, #tpu.memory_space<vmem>>[vector<16xi32>], vector<16xi32>,
      %scan3A_229 = arith.constant 0 : i32
      scf.yield %scan3A_229 : i32
    }
    %scan3A_98 = arith.constant 256 : i32
    "tpu.region"() ({
      %run_scoped3A = tpu.sem_alloc : memref<!tpu.dma_semaphore, #tpu.memory_space<semaphore_mem>>
      %dma_start3A = arith.constant 0 : i32
      %dma_start3A_211 = tpu.memref_slice %arg3[%add3A_4, %dma_start3A] : memref<64x4096xi32, #tpu.memory_space<hbm>> -> memref<1x4096xi32, #tpu.memory_space<hbm>>
      %dma_start3A_212 = tpu.memref_squeeze %dma_start3A_211 : memref<1x4096xi32, #tpu.memory_space<hbm>> -> memref<4096xi32, #tpu.memory_space<hbm>>
      %dma_start3A_213 = arith.constant 0 : i32
      %dma_start3A_214 = tpu.memref_slice %arg3[%add3A_4, %dma_start3A_213] : memref<64x4096xi32, #tpu.memory_space<hbm>> -> memref<1x4096xi32, #tpu.memory_space<hbm>>
      %dma_start3A_215 = tpu.memref_squeeze %dma_start3A_214 : memref<1x4096xi32, #tpu.memory_space<hbm>> -> memref<4096xi32, #tpu.memory_space<hbm>>
      tpu.enqueue_dma source(%arg11 : memref<4096xi32, #tpu.memory_space<vmem>>) target(%dma_start3A_215 : memref<4096xi32, #tpu.memory_space<hbm>>) target_semaphore(%run_scoped3A : memref<!tpu.dma_semaphore, #tpu.memory_space<semaphore_mem>>)
      %dma_wait3A = arith.constant 0 : i32
      %dma_wait3A_216 = tpu.memref_slice %arg3[%add3A_4, %dma_wait3A] : memref<64x4096xi32, #tpu.memory_space<hbm>> -> memref<1x4096xi32, #tpu.memory_space<hbm>>
      %dma_wait3A_217 = tpu.memref_squeeze %dma_wait3A_216 : memref<1x4096xi32, #tpu.memory_space<hbm>> -> memref<4096xi32, #tpu.memory_space<hbm>>
      %dma_wait3A_218 = arith.constant 0 : i32
      %dma_wait3A_219 = tpu.memref_slice %arg3[%add3A_4, %dma_wait3A_218] : memref<64x4096xi32, #tpu.memory_space<hbm>> -> memref<1x4096xi32, #tpu.memory_space<hbm>>
      %dma_wait3A_220 = tpu.memref_squeeze %dma_wait3A_219 : memref<1x4096xi32, #tpu.memory_space<hbm>> -> memref<4096xi32, #tpu.memory_space<hbm>>
      tpu.wait_dma2 semaphore(%run_scoped3A : memref<!tpu.dma_semaphore, #tpu.memory_space<semaphore_mem>>) src(%arg11 : memref<4096xi32, #tpu.memory_space<vmem>>) dst(%dma_wait3A_220 : memref<4096xi32, #tpu.memory_space<hbm>>)
      tpu.yield
    }) : () -> ()
    "tpu.region"() ({
      %run_scoped3A = tpu.sem_alloc : memref<!tpu.dma_semaphore, #tpu.memory_space<semaphore_mem>>
      %dma_start3A = arith.constant 0 : i32
      %dma_start3A_211 = tpu.memref_slice %arg4[%add3A_4, %dma_start3A] : memref<64x4096xi32, #tpu.memory_space<hbm>> -> memref<1x4096xi32, #tpu.memory_space<hbm>>
      %dma_start3A_212 = tpu.memref_squeeze %dma_start3A_211 : memref<1x4096xi32, #tpu.memory_space<hbm>> -> memref<4096xi32, #tpu.memory_space<hbm>>
      %dma_start3A_213 = arith.constant 0 : i32
      %dma_start3A_214 = tpu.memref_slice %arg4[%add3A_4, %dma_start3A_213] : memref<64x4096xi32, #tpu.memory_space<hbm>> -> memref<1x4096xi32, #tpu.memory_space<hbm>>
      %dma_start3A_215 = tpu.memref_squeeze %dma_start3A_214 : memref<1x4096xi32, #tpu.memory_space<hbm>> -> memref<4096xi32, #tpu.memory_space<hbm>>
      tpu.enqueue_dma source(%arg12 : memref<4096xi32, #tpu.memory_space<vmem>>) target(%dma_start3A_215 : memref<4096xi32, #tpu.memory_space<hbm>>) target_semaphore(%run_scoped3A : memref<!tpu.dma_semaphore, #tpu.memory_space<semaphore_mem>>)
      %dma_wait3A = arith.constant 0 : i32
      %dma_wait3A_216 = tpu.memref_slice %arg4[%add3A_4, %dma_wait3A] : memref<64x4096xi32, #tpu.memory_space<hbm>> -> memref<1x4096xi32, #tpu.memory_space<hbm>>
      %dma_wait3A_217 = tpu.memref_squeeze %dma_wait3A_216 : memref<1x4096xi32, #tpu.memory_space<hbm>> -> memref<4096xi32, #tpu.memory_space<hbm>>
      %dma_wait3A_218 = arith.constant 0 : i32
      %dma_wait3A_219 = tpu.memref_slice %arg4[%add3A_4, %dma_wait3A_218] : memref<64x4096xi32, #tpu.memory_space<hbm>> -> memref<1x4096xi32, #tpu.memory_space<hbm>>
      %dma_wait3A_220 = tpu.memref_squeeze %dma_wait3A_219 : memref<1x4096xi32, #tpu.memory_space<hbm>> -> memref<4096xi32, #tpu.memory_space<hbm>>
      tpu.wait_dma2 semaphore(%run_scoped3A : memref<!tpu.dma_semaphore, #tpu.memory_space<semaphore_mem>>) src(%arg12 : memref<4096xi32, #tpu.memory_space<vmem>>) dst(%dma_wait3A_220 : memref<4096xi32, #tpu.memory_space<hbm>>)
      tpu.yield
    }) : () -> ()
    "tpu.region"() ({
      %run_scoped3A = tpu.sem_alloc : memref<!tpu.dma_semaphore, #tpu.memory_space<semaphore_mem>>
      %dma_start3A = arith.constant 0 : i32
      %dma_start3A_211 = tpu.memref_slice %arg5[%add3A_4, %dma_start3A] : memref<64x4096xi32, #tpu.memory_space<hbm>> -> memref<1x4096xi32, #tpu.memory_space<hbm>>
      %dma_start3A_212 = tpu.memref_squeeze %dma_start3A_211 : memref<1x4096xi32, #tpu.memory_space<hbm>> -> memref<4096xi32, #tpu.memory_space<hbm>>
      %dma_start3A_213 = arith.constant 0 : i32
      %dma_start3A_214 = tpu.memref_slice %arg5[%add3A_4, %dma_start3A_213] : memref<64x4096xi32, #tpu.memory_space<hbm>> -> memref<1x4096xi32, #tpu.memory_space<hbm>>
      %dma_start3A_215 = tpu.memref_squeeze %dma_start3A_214 : memref<1x4096xi32, #tpu.memory_space<hbm>> -> memref<4096xi32, #tpu.memory_space<hbm>>
      tpu.enqueue_dma source(%arg13 : memref<4096xi32, #tpu.memory_space<vmem>>) target(%dma_start3A_215 : memref<4096xi32, #tpu.memory_space<hbm>>) target_semaphore(%run_scoped3A : memref<!tpu.dma_semaphore, #tpu.memory_space<semaphore_mem>>)
      %dma_wait3A = arith.constant 0 : i32
      %dma_wait3A_216 = tpu.memref_slice %arg5[%add3A_4, %dma_wait3A] : memref<64x4096xi32, #tpu.memory_space<hbm>> -> memref<1x4096xi32, #tpu.memory_space<hbm>>
      %dma_wait3A_217 = tpu.memref_squeeze %dma_wait3A_216 : memref<1x4096xi32, #tpu.memory_space<hbm>> -> memref<4096xi32, #tpu.memory_space<hbm>>
      %dma_wait3A_218 = arith.constant 0 : i32
      %dma_wait3A_219 = tpu.memref_slice %arg5[%add3A_4, %dma_wait3A_218] : memref<64x4096xi32, #tpu.memory_space<hbm>> -> memref<1x4096xi32, #tpu.memory_space<hbm>>
      %dma_wait3A_220 = tpu.memref_squeeze %dma_wait3A_219 : memref<1x4096xi32, #tpu.memory_space<hbm>> -> memref<4096xi32, #tpu.memory_space<hbm>>
      tpu.wait_dma2 semaphore(%run_scoped3A : memref<!tpu.dma_semaphore, #tpu.memory_space<semaphore_mem>>) src(%arg13 : memref<4096xi32, #tpu.memory_space<vmem>>) dst(%dma_wait3A_220 : memref<4096xi32, #tpu.memory_space<hbm>>)
      tpu.yield
    }) : () -> ()
    %mul3A_99 = arith.constant 2 : i32
    %mul3A_100 = arith.muli %add3A, %mul3A_99 : i32
    %add3A_101 = arith.constant 1 : i32
    %add3A_102 = arith.addi %mul3A_100, %add3A_101 : i32
    %jit3A_103 = arith.constant 4 : i32
    %eq3A_104 = arith.constant 0 : i32
    %eq3A_105 = arith.cmpi eq, %jit3A_103, %eq3A_104 : i32
    %jit3A_106 = arith.constant 1 : i32
    %select_n3A_107 = arith.select %eq3A_105, %jit3A_106, %jit3A_103 : i32
    %rem3A_108 = arith.remsi %add3A_102, %select_n3A_107 : i32
    %ne3A_109 = arith.constant 0 : i32
    %ne3A_110 = arith.cmpi ne, %rem3A_108, %ne3A_109 : i32
    %lt3A_111 = arith.constant 0 : i32
    %lt3A_112 = arith.cmpi slt, %rem3A_108, %lt3A_111 : i32
    %lt3A_113 = arith.constant 0 : i32
    %lt3A_114 = arith.cmpi slt, %select_n3A_107, %lt3A_113 : i32
    %ne3A_115 = arith.xori %lt3A_112, %lt3A_114 : i1
    %and3A_116 = arith.andi %ne3A_115, %ne3A_110 : i1
    %add3A_117 = arith.addi %rem3A_108, %select_n3A_107 : i32
    %select_n3A_118 = arith.select %and3A_116, %add3A_117, %rem3A_108 : i32
    %mul3A_119 = arith.constant 64 : i32
    %mul3A_120 = arith.muli %select_n3A_118, %mul3A_119 : i32
    "tpu.region"() ({
      %run_scoped3A = tpu.sem_alloc : memref<!tpu.dma_semaphore, #tpu.memory_space<semaphore_mem>>
      %dma_start3A = arith.constant 0 : i32
      %dma_start3A_211 = tpu.memref_slice %arg2[%add3A_102, %dma_start3A] : memref<64x4096xi32, #tpu.memory_space<hbm>> -> memref<1x4096xi32, #tpu.memory_space<hbm>>
      %dma_start3A_212 = tpu.memref_squeeze %dma_start3A_211 : memref<1x4096xi32, #tpu.memory_space<hbm>> -> memref<4096xi32, #tpu.memory_space<hbm>>
      %dma_start3A_213 = arith.constant 0 : i32
      %dma_start3A_214 = tpu.memref_slice %arg2[%add3A_102, %dma_start3A_213] : memref<64x4096xi32, #tpu.memory_space<hbm>> -> memref<1x4096xi32, #tpu.memory_space<hbm>>
      %dma_start3A_215 = tpu.memref_squeeze %dma_start3A_214 : memref<1x4096xi32, #tpu.memory_space<hbm>> -> memref<4096xi32, #tpu.memory_space<hbm>>
      tpu.enqueue_dma source(%dma_start3A_215 : memref<4096xi32, #tpu.memory_space<hbm>>) target(%arg6 : memref<4096xi32, #tpu.memory_space<vmem>>) target_semaphore(%run_scoped3A : memref<!tpu.dma_semaphore, #tpu.memory_space<semaphore_mem>>)
      %dma_wait3A = arith.constant 0 : i32
      %dma_wait3A_216 = tpu.memref_slice %arg2[%add3A_102, %dma_wait3A] : memref<64x4096xi32, #tpu.memory_space<hbm>> -> memref<1x4096xi32, #tpu.memory_space<hbm>>
      %dma_wait3A_217 = tpu.memref_squeeze %dma_wait3A_216 : memref<1x4096xi32, #tpu.memory_space<hbm>> -> memref<4096xi32, #tpu.memory_space<hbm>>
      %dma_wait3A_218 = arith.constant 0 : i32
      %dma_wait3A_219 = tpu.memref_slice %arg2[%add3A_102, %dma_wait3A_218] : memref<64x4096xi32, #tpu.memory_space<hbm>> -> memref<1x4096xi32, #tpu.memory_space<hbm>>
      %dma_wait3A_220 = tpu.memref_squeeze %dma_wait3A_219 : memref<1x4096xi32, #tpu.memory_space<hbm>> -> memref<4096xi32, #tpu.memory_space<hbm>>
      tpu.wait_dma2 semaphore(%run_scoped3A : memref<!tpu.dma_semaphore, #tpu.memory_space<semaphore_mem>>) src(%dma_wait3A_220 : memref<4096xi32, #tpu.memory_space<hbm>>) dst(%arg6 : memref<4096xi32, #tpu.memory_space<vmem>>)
      tpu.yield
    }) : () -> ()
    %scan3A_121 = arith.constant 0 : i32
    %scan3A_122 = arith.constant 0 : i32
    %scan3A_123 = arith.constant 64 : i32
    %scan3A_124 = arith.addi %scan3A_122, %scan3A_123 : i32
    %scan3A_125 = arith.constant 1 : i32
    %scan3A_126 = scf.for %scan3A_211 = %scan3A_122 to %scan3A_124 step %scan3A_125 iter_args(%scan3A_212 = %scan3A_121) -> (i32)  : i32 {
      %broadcast_in_dim3A_213 = arith.constant 0 : i32
      %broadcast_in_dim3A_214 = vector.broadcast %broadcast_in_dim3A_213 : i32 to vector<16xi32>
      %mul3A_215 = arith.constant 16 : i32
      %mul3A_216 = arith.muli %scan3A_211, %mul3A_215 : i32
      %swap3A_217 = arith.index_cast %mul3A_216 : i32 to index
      %swap3A_218 = tpu.vector_load %arg8[%swap3A_217] {strides = array<i32>} : memref<1024xi32, #tpu.memory_space<vmem>>, vector<16xi32>,
      tpu.vector_store %arg8[%swap3A_217], %broadcast_in_dim3A_214 {strides = array<i32>} : memref<1024xi32, #tpu.memory_space<vmem>>, vector<16xi32>,
      %scan3A_219 = arith.constant 0 : i32
      scf.yield %scan3A_219 : i32
    }
    %scan3A_127 = arith.constant 64 : i32
    %scan3A_128 = arith.constant 0 : i32
    %scan3A_129 = arith.constant 0 : i32
    %scan3A_130 = arith.constant 256 : i32
    %scan3A_131 = arith.addi %scan3A_129, %scan3A_130 : i32
    %scan3A_132 = arith.constant 1 : i32
    %scan3A_133 = scf.for %scan3A_211 = %scan3A_129 to %scan3A_131 step %scan3A_132 iter_args(%scan3A_212 = %scan3A_128) -> (i32)  : i32 {
      %mul3A_213 = arith.constant 256 : i32
      %mul3A_214 = vector.broadcast %mul3A_213 : i32 to vector<16xi32>
      %mul3A_215 = arith.muli %iota3A, %mul3A_214 : vector<16xi32>
      %add3A_216 = vector.broadcast %scan3A_211 : i32 to vector<16xi32>
      %add3A_217 = arith.addi %mul3A_215, %add3A_216 : vector<16xi32>
      %gather3A = tpu.vector_load_idx %arg6[%add3A_217] : memref<4096xi32, #tpu.memory_space<vmem>>[vector<16xi32>], vector<16xi32>,
      %sub3A_218 = vector.broadcast %mul3A_120 : i32 to vector<16xi32>
      %sub3A_219 = arith.subi %gather3A, %sub3A_218 : vector<16xi32>
      %mul3A_220 = arith.constant 64 : i32
      %mul3A_221 = vector.broadcast %mul3A_220 : i32 to vector<16xi32>
      %mul3A_222 = arith.muli %iota3A, %mul3A_221 : vector<16xi32>
      %add3A_223 = arith.addi %mul3A_222, %sub3A_219 : vector<16xi32>
      %gather3A_224 = tpu.vector_load_idx %arg8[%add3A_223] : memref<1024xi32, #tpu.memory_space<vmem>>[vector<16xi32>], vector<16xi32>,
      tpu.vector_store_idx %arg7[%add3A_217], %gather3A_224 : memref<4096xi32, #tpu.memory_space<vmem>>[vector<16xi32>], vector<16xi32>,
      %add3A_225 = arith.constant 1 : i32
      %add3A_226 = vector.broadcast %add3A_225 : i32 to vector<16xi32>
      %add3A_227 = arith.addi %gather3A_224, %add3A_226 : vector<16xi32>
      tpu.vector_store_idx %arg8[%add3A_223], %add3A_227 : memref<1024xi32, #tpu.memory_space<vmem>>[vector<16xi32>], vector<16xi32>,
      %scan3A_228 = arith.constant 0 : i32
      scf.yield %scan3A_228 : i32
    }
    %scan3A_134 = arith.constant 256 : i32
    %scan3A_135 = arith.constant 0 : i32
    %scan3A_136 = arith.constant 0 : i32
    %scan3A_137 = arith.constant 64 : i32
    %scan3A_138 = arith.addi %scan3A_136, %scan3A_137 : i32
    %scan3A_139 = arith.constant 1 : i32
    %scan3A_140 = scf.for %scan3A_211 = %scan3A_136 to %scan3A_138 step %scan3A_139 iter_args(%scan3A_212 = %scan3A_135) -> (i32)  : i32 {
      %mul3A_213 = arith.constant 64 : i32
      %mul3A_214 = vector.broadcast %mul3A_213 : i32 to vector<16xi32>
      %mul3A_215 = arith.muli %iota3A, %mul3A_214 : vector<16xi32>
      %add3A_216 = vector.broadcast %scan3A_211 : i32 to vector<16xi32>
      %add3A_217 = arith.addi %mul3A_215, %add3A_216 : vector<16xi32>
      %gather3A = tpu.vector_load_idx %arg8[%add3A_217] : memref<1024xi32, #tpu.memory_space<vmem>>[vector<16xi32>], vector<16xi32>,
      %broadcast_in_dim3A_218 = arith.constant true
      %broadcast_in_dim3A_219 = vector.broadcast %broadcast_in_dim3A_218 : i1 to vector<16xi1>
      %masked_cumsum3A_220 = tpu.scan <sum>, %gather3A masked %broadcast_in_dim3A_219 : vector<16xi32>, vector<16xi1> -> vector<16xi32>
      %sub3A_221 = arith.subi %masked_cumsum3A_220, %gather3A : vector<16xi32>
      tpu.vector_store_idx %arg8[%add3A_217], %sub3A_221 : memref<1024xi32, #tpu.memory_space<vmem>>[vector<16xi32>], vector<16xi32>,
      %reduce_sum3A_222 = arith.constant true
      %reduce_sum3A_223 = vector.broadcast %reduce_sum3A_222 : i1 to vector<16xi1>
      %reduce_sum3A_224 = tpu.scan <sum>, %gather3A masked %reduce_sum3A_223 : vector<16xi32>, vector<16xi1> -> vector<16xi32>
      %reduce_sum3A_225 = vector.extract %reduce_sum3A_224[15] : i32 from vector<16xi32>
      %broadcast_in_dim3A_226 = arith.constant 0 : i32
      %broadcast_in_dim3A_227 = vector.broadcast %broadcast_in_dim3A_226 : i32 to vector<16xi32>
      %add3A_228 = vector.broadcast %scan3A_211 : i32 to vector<16xi32>
      %add3A_229 = arith.addi %broadcast_in_dim3A_227, %add3A_228 : vector<16xi32>
      %broadcast_in_dim3A_230 = arith.constant 0 : i32
      %broadcast_in_dim3A_231 = vector.broadcast %broadcast_in_dim3A_230 : i32 to vector<16xi32>
      %add3A_232 = vector.broadcast %reduce_sum3A_225 : i32 to vector<16xi32>
      %add3A_233 = arith.addi %broadcast_in_dim3A_231, %add3A_232 : vector<16xi32>
      %eq3A_234 = arith.constant 0 : i32
      %eq3A_235 = vector.broadcast %eq3A_234 : i32 to vector<16xi32>
      %eq3A_236 = arith.cmpi eq, %iota3A, %eq3A_235 : vector<16xi32>
      tpu.vector_store_idx %arg9[%add3A_229], %add3A_233 masked %eq3A_236 : memref<64xi32, #tpu.memory_space<vmem>>[vector<16xi32>], vector<16xi32>, vector<16xi1>
      %scan3A_237 = arith.constant 0 : i32
      scf.yield %scan3A_237 : i32
    }
    %scan3A_141 = arith.constant 64 : i32
    %get3A_142 = arith.constant 0 : index
    %get3A_143 = tpu.vector_load %arg9[%get3A_142] {strides = array<i32>} : memref<64xi32, #tpu.memory_space<vmem>>, vector<16xi32>,
    %broadcast_in_dim3A_144 = arith.constant true
    %broadcast_in_dim3A_145 = vector.broadcast %broadcast_in_dim3A_144 : i1 to vector<16xi1>
    %masked_cumsum3A_146 = tpu.scan <sum>, %get3A_143 masked %broadcast_in_dim3A_145 : vector<16xi32>, vector<16xi1> -> vector<16xi32>
    %sub3A_147 = arith.subi %masked_cumsum3A_146, %get3A_143 : vector<16xi32>
    %add3A_148 = arith.constant 0 : i32
    %add3A_149 = vector.broadcast %add3A_148 : i32 to vector<16xi32>
    %add3A_150 = arith.addi %sub3A_147, %add3A_149 : vector<16xi32>
    %swap3A_151 = arith.constant 0 : index
    %swap3A_152 = tpu.vector_load %arg10[%swap3A_151] {strides = array<i32>} : memref<64xi32, #tpu.memory_space<vmem>>, vector<16xi32>,
    tpu.vector_store %arg10[%swap3A_151], %add3A_150 {strides = array<i32>} : memref<64xi32, #tpu.memory_space<vmem>>, vector<16xi32>,
    %reduce_sum3A_153 = arith.constant true
    %reduce_sum3A_154 = vector.broadcast %reduce_sum3A_153 : i1 to vector<16xi1>
    %reduce_sum3A_155 = tpu.scan <sum>, %get3A_143 masked %reduce_sum3A_154 : vector<16xi32>, vector<16xi1> -> vector<16xi32>
    %reduce_sum3A_156 = vector.extract %reduce_sum3A_155[15] : i32 from vector<16xi32>
    %add3A_157 = arith.constant 0 : i32
    %add3A_158 = arith.addi %add3A_157, %reduce_sum3A_156 : i32
    %get3A_159 = arith.constant 16 : index
    %get3A_160 = tpu.vector_load %arg9[%get3A_159] {strides = array<i32>} : memref<64xi32, #tpu.memory_space<vmem>>, vector<16xi32>,
    %broadcast_in_dim3A_161 = arith.constant true
    %broadcast_in_dim3A_162 = vector.broadcast %broadcast_in_dim3A_161 : i1 to vector<16xi1>
    %masked_cumsum3A_163 = tpu.scan <sum>, %get3A_160 masked %broadcast_in_dim3A_162 : vector<16xi32>, vector<16xi1> -> vector<16xi32>
    %sub3A_164 = arith.subi %masked_cumsum3A_163, %get3A_160 : vector<16xi32>
    %add3A_165 = vector.broadcast %add3A_158 : i32 to vector<16xi32>
    %add3A_166 = arith.addi %sub3A_164, %add3A_165 : vector<16xi32>
    %swap3A_167 = arith.constant 16 : index
    %swap3A_168 = tpu.vector_load %arg10[%swap3A_167] {strides = array<i32>} : memref<64xi32, #tpu.memory_space<vmem>>, vector<16xi32>,
    tpu.vector_store %arg10[%swap3A_167], %add3A_166 {strides = array<i32>} : memref<64xi32, #tpu.memory_space<vmem>>, vector<16xi32>,
    %reduce_sum3A_169 = arith.constant true
    %reduce_sum3A_170 = vector.broadcast %reduce_sum3A_169 : i1 to vector<16xi1>
    %reduce_sum3A_171 = tpu.scan <sum>, %get3A_160 masked %reduce_sum3A_170 : vector<16xi32>, vector<16xi1> -> vector<16xi32>
    %reduce_sum3A_172 = vector.extract %reduce_sum3A_171[15] : i32 from vector<16xi32>
    %add3A_173 = arith.addi %add3A_158, %reduce_sum3A_172 : i32
    %get3A_174 = arith.constant 32 : index
    %get3A_175 = tpu.vector_load %arg9[%get3A_174] {strides = array<i32>} : memref<64xi32, #tpu.memory_space<vmem>>, vector<16xi32>,
    %broadcast_in_dim3A_176 = arith.constant true
    %broadcast_in_dim3A_177 = vector.broadcast %broadcast_in_dim3A_176 : i1 to vector<16xi1>
    %masked_cumsum3A_178 = tpu.scan <sum>, %get3A_175 masked %broadcast_in_dim3A_177 : vector<16xi32>, vector<16xi1> -> vector<16xi32>
    %sub3A_179 = arith.subi %masked_cumsum3A_178, %get3A_175 : vector<16xi32>
    %add3A_180 = vector.broadcast %add3A_173 : i32 to vector<16xi32>
    %add3A_181 = arith.addi %sub3A_179, %add3A_180 : vector<16xi32>
    %swap3A_182 = arith.constant 32 : index
    %swap3A_183 = tpu.vector_load %arg10[%swap3A_182] {strides = array<i32>} : memref<64xi32, #tpu.memory_space<vmem>>, vector<16xi32>,
    tpu.vector_store %arg10[%swap3A_182], %add3A_181 {strides = array<i32>} : memref<64xi32, #tpu.memory_space<vmem>>, vector<16xi32>,
    %reduce_sum3A_184 = arith.constant true
    %reduce_sum3A_185 = vector.broadcast %reduce_sum3A_184 : i1 to vector<16xi1>
    %reduce_sum3A_186 = tpu.scan <sum>, %get3A_175 masked %reduce_sum3A_185 : vector<16xi32>, vector<16xi1> -> vector<16xi32>
    %reduce_sum3A_187 = vector.extract %reduce_sum3A_186[15] : i32 from vector<16xi32>
    %add3A_188 = arith.addi %add3A_173, %reduce_sum3A_187 : i32
    %get3A_189 = arith.constant 48 : index
    %get3A_190 = tpu.vector_load %arg9[%get3A_189] {strides = array<i32>} : memref<64xi32, #tpu.memory_space<vmem>>, vector<16xi32>,
    %broadcast_in_dim3A_191 = arith.constant true
    %broadcast_in_dim3A_192 = vector.broadcast %broadcast_in_dim3A_191 : i1 to vector<16xi1>
    %masked_cumsum3A_193 = tpu.scan <sum>, %get3A_190 masked %broadcast_in_dim3A_192 : vector<16xi32>, vector<16xi1> -> vector<16xi32>
    %sub3A_194 = arith.subi %masked_cumsum3A_193, %get3A_190 : vector<16xi32>
    %add3A_195 = vector.broadcast %add3A_188 : i32 to vector<16xi32>
    %add3A_196 = arith.addi %sub3A_194, %add3A_195 : vector<16xi32>
    %swap3A_197 = arith.constant 48 : index
    %swap3A_198 = tpu.vector_load %arg10[%swap3A_197] {strides = array<i32>} : memref<64xi32, #tpu.memory_space<vmem>>, vector<16xi32>,
    tpu.vector_store %arg10[%swap3A_197], %add3A_196 {strides = array<i32>} : memref<64xi32, #tpu.memory_space<vmem>>, vector<16xi32>,
    %reduce_sum3A_199 = arith.constant true
    %reduce_sum3A_200 = vector.broadcast %reduce_sum3A_199 : i1 to vector<16xi1>
    %reduce_sum3A_201 = tpu.scan <sum>, %get3A_190 masked %reduce_sum3A_200 : vector<16xi32>, vector<16xi1> -> vector<16xi32>
    %reduce_sum3A_202 = vector.extract %reduce_sum3A_201[15] : i32 from vector<16xi32>
    %add3A_203 = arith.addi %add3A_188, %reduce_sum3A_202 : i32
    %scan3A_204 = arith.constant 0 : i32
    %scan3A_205 = arith.constant 0 : i32
    %scan3A_206 = arith.constant 256 : i32
    %scan3A_207 = arith.addi %scan3A_205, %scan3A_206 : i32
    %scan3A_208 = arith.constant 1 : i32
    %scan3A_209 = scf.for %scan3A_211 = %scan3A_205 to %scan3A_207 step %scan3A_208 iter_args(%scan3A_212 = %scan3A_204) -> (i32)  : i32 {
      %mul3A_213 = arith.constant 256 : i32
      %mul3A_214 = vector.broadcast %mul3A_213 : i32 to vector<16xi32>
      %mul3A_215 = arith.muli %iota3A, %mul3A_214 : vector<16xi32>
      %add3A_216 = vector.broadcast %scan3A_211 : i32 to vector<16xi32>
      %add3A_217 = arith.addi %mul3A_215, %add3A_216 : vector<16xi32>
      %gather3A = tpu.vector_load_idx %arg6[%add3A_217] : memref<4096xi32, #tpu.memory_space<vmem>>[vector<16xi32>], vector<16xi32>,
      %sub3A_218 = vector.broadcast %mul3A_120 : i32 to vector<16xi32>
      %sub3A_219 = arith.subi %gather3A, %sub3A_218 : vector<16xi32>
      %gather3A_220 = tpu.vector_load_idx %arg7[%add3A_217] : memref<4096xi32, #tpu.memory_space<vmem>>[vector<16xi32>], vector<16xi32>,
      %gather3A_221 = tpu.vector_load_idx %arg10[%sub3A_219] : memref<64xi32, #tpu.memory_space<vmem>>[vector<16xi32>], vector<16xi32>,
      %mul3A_222 = arith.constant 64 : i32
      %mul3A_223 = vector.broadcast %mul3A_222 : i32 to vector<16xi32>
      %mul3A_224 = arith.muli %iota3A, %mul3A_223 : vector<16xi32>
      %add3A_225 = arith.addi %mul3A_224, %sub3A_219 : vector<16xi32>
      %gather3A_226 = tpu.vector_load_idx %arg8[%add3A_225] : memref<1024xi32, #tpu.memory_space<vmem>>[vector<16xi32>], vector<16xi32>,
      %add3A_227 = arith.addi %gather3A_221, %gather3A_226 : vector<16xi32>
      %add3A_228 = arith.addi %add3A_227, %gather3A_220 : vector<16xi32>
      tpu.vector_store_idx %arg11[%add3A_228], %add3A_217 : memref<4096xi32, #tpu.memory_space<vmem>>[vector<16xi32>], vector<16xi32>,
      tpu.vector_store_idx %arg12[%add3A_228], %gather3A : memref<4096xi32, #tpu.memory_space<vmem>>[vector<16xi32>], vector<16xi32>,
      tpu.vector_store_idx %arg13[%add3A_217], %add3A_228 : memref<4096xi32, #tpu.memory_space<vmem>>[vector<16xi32>], vector<16xi32>,
      %scan3A_229 = arith.constant 0 : i32
      scf.yield %scan3A_229 : i32
    }
    %scan3A_210 = arith.constant 256 : i32
    "tpu.region"() ({
      %run_scoped3A = tpu.sem_alloc : memref<!tpu.dma_semaphore, #tpu.memory_space<semaphore_mem>>
      %dma_start3A = arith.constant 0 : i32
      %dma_start3A_211 = tpu.memref_slice %arg3[%add3A_102, %dma_start3A] : memref<64x4096xi32, #tpu.memory_space<hbm>> -> memref<1x4096xi32, #tpu.memory_space<hbm>>
      %dma_start3A_212 = tpu.memref_squeeze %dma_start3A_211 : memref<1x4096xi32, #tpu.memory_space<hbm>> -> memref<4096xi32, #tpu.memory_space<hbm>>
      %dma_start3A_213 = arith.constant 0 : i32
      %dma_start3A_214 = tpu.memref_slice %arg3[%add3A_102, %dma_start3A_213] : memref<64x4096xi32, #tpu.memory_space<hbm>> -> memref<1x4096xi32, #tpu.memory_space<hbm>>
      %dma_start3A_215 = tpu.memref_squeeze %dma_start3A_214 : memref<1x4096xi32, #tpu.memory_space<hbm>> -> memref<4096xi32, #tpu.memory_space<hbm>>
      tpu.enqueue_dma source(%arg11 : memref<4096xi32, #tpu.memory_space<vmem>>) target(%dma_start3A_215 : memref<4096xi32, #tpu.memory_space<hbm>>) target_semaphore(%run_scoped3A : memref<!tpu.dma_semaphore, #tpu.memory_space<semaphore_mem>>)
      %dma_wait3A = arith.constant 0 : i32
      %dma_wait3A_216 = tpu.memref_slice %arg3[%add3A_102, %dma_wait3A] : memref<64x4096xi32, #tpu.memory_space<hbm>> -> memref<1x4096xi32, #tpu.memory_space<hbm>>
      %dma_wait3A_217 = tpu.memref_squeeze %dma_wait3A_216 : memref<1x4096xi32, #tpu.memory_space<hbm>> -> memref<4096xi32, #tpu.memory_space<hbm>>
      %dma_wait3A_218 = arith.constant 0 : i32
      %dma_wait3A_219 = tpu.memref_slice %arg3[%add3A_102, %dma_wait3A_218] : memref<64x4096xi32, #tpu.memory_space<hbm>> -> memref<1x4096xi32, #tpu.memory_space<hbm>>
      %dma_wait3A_220 = tpu.memref_squeeze %dma_wait3A_219 : memref<1x4096xi32, #tpu.memory_space<hbm>> -> memref<4096xi32, #tpu.memory_space<hbm>>
      tpu.wait_dma2 semaphore(%run_scoped3A : memref<!tpu.dma_semaphore, #tpu.memory_space<semaphore_mem>>) src(%arg11 : memref<4096xi32, #tpu.memory_space<vmem>>) dst(%dma_wait3A_220 : memref<4096xi32, #tpu.memory_space<hbm>>)
      tpu.yield
    }) : () -> ()
    "tpu.region"() ({
      %run_scoped3A = tpu.sem_alloc : memref<!tpu.dma_semaphore, #tpu.memory_space<semaphore_mem>>
      %dma_start3A = arith.constant 0 : i32
      %dma_start3A_211 = tpu.memref_slice %arg4[%add3A_102, %dma_start3A] : memref<64x4096xi32, #tpu.memory_space<hbm>> -> memref<1x4096xi32, #tpu.memory_space<hbm>>
      %dma_start3A_212 = tpu.memref_squeeze %dma_start3A_211 : memref<1x4096xi32, #tpu.memory_space<hbm>> -> memref<4096xi32, #tpu.memory_space<hbm>>
      %dma_start3A_213 = arith.constant 0 : i32
      %dma_start3A_214 = tpu.memref_slice %arg4[%add3A_102, %dma_start3A_213] : memref<64x4096xi32, #tpu.memory_space<hbm>> -> memref<1x4096xi32, #tpu.memory_space<hbm>>
      %dma_start3A_215 = tpu.memref_squeeze %dma_start3A_214 : memref<1x4096xi32, #tpu.memory_space<hbm>> -> memref<4096xi32, #tpu.memory_space<hbm>>
      tpu.enqueue_dma source(%arg12 : memref<4096xi32, #tpu.memory_space<vmem>>) target(%dma_start3A_215 : memref<4096xi32, #tpu.memory_space<hbm>>) target_semaphore(%run_scoped3A : memref<!tpu.dma_semaphore, #tpu.memory_space<semaphore_mem>>)
      %dma_wait3A = arith.constant 0 : i32
      %dma_wait3A_216 = tpu.memref_slice %arg4[%add3A_102, %dma_wait3A] : memref<64x4096xi32, #tpu.memory_space<hbm>> -> memref<1x4096xi32, #tpu.memory_space<hbm>>
      %dma_wait3A_217 = tpu.memref_squeeze %dma_wait3A_216 : memref<1x4096xi32, #tpu.memory_space<hbm>> -> memref<4096xi32, #tpu.memory_space<hbm>>
      %dma_wait3A_218 = arith.constant 0 : i32
      %dma_wait3A_219 = tpu.memref_slice %arg4[%add3A_102, %dma_wait3A_218] : memref<64x4096xi32, #tpu.memory_space<hbm>> -> memref<1x4096xi32, #tpu.memory_space<hbm>>
      %dma_wait3A_220 = tpu.memref_squeeze %dma_wait3A_219 : memref<1x4096xi32, #tpu.memory_space<hbm>> -> memref<4096xi32, #tpu.memory_space<hbm>>
      tpu.wait_dma2 semaphore(%run_scoped3A : memref<!tpu.dma_semaphore, #tpu.memory_space<semaphore_mem>>) src(%arg12 : memref<4096xi32, #tpu.memory_space<vmem>>) dst(%dma_wait3A_220 : memref<4096xi32, #tpu.memory_space<hbm>>)
      tpu.yield
    }) : () -> ()
    "tpu.region"() ({
      %run_scoped3A = tpu.sem_alloc : memref<!tpu.dma_semaphore, #tpu.memory_space<semaphore_mem>>
      %dma_start3A = arith.constant 0 : i32
      %dma_start3A_211 = tpu.memref_slice %arg5[%add3A_102, %dma_start3A] : memref<64x4096xi32, #tpu.memory_space<hbm>> -> memref<1x4096xi32, #tpu.memory_space<hbm>>
      %dma_start3A_212 = tpu.memref_squeeze %dma_start3A_211 : memref<1x4096xi32, #tpu.memory_space<hbm>> -> memref<4096xi32, #tpu.memory_space<hbm>>
      %dma_start3A_213 = arith.constant 0 : i32
      %dma_start3A_214 = tpu.memref_slice %arg5[%add3A_102, %dma_start3A_213] : memref<64x4096xi32, #tpu.memory_space<hbm>> -> memref<1x4096xi32, #tpu.memory_space<hbm>>
      %dma_start3A_215 = tpu.memref_squeeze %dma_start3A_214 : memref<1x4096xi32, #tpu.memory_space<hbm>> -> memref<4096xi32, #tpu.memory_space<hbm>>
      tpu.enqueue_dma source(%arg13 : memref<4096xi32, #tpu.memory_space<vmem>>) target(%dma_start3A_215 : memref<4096xi32, #tpu.memory_space<hbm>>) target_semaphore(%run_scoped3A : memref<!tpu.dma_semaphore, #tpu.memory_space<semaphore_mem>>)
      %dma_wait3A = arith.constant 0 : i32
      %dma_wait3A_216 = tpu.memref_slice %arg5[%add3A_102, %dma_wait3A] : memref<64x4096xi32, #tpu.memory_space<hbm>> -> memref<1x4096xi32, #tpu.memory_space<hbm>>
      %dma_wait3A_217 = tpu.memref_squeeze %dma_wait3A_216 : memref<1x4096xi32, #tpu.memory_space<hbm>> -> memref<4096xi32, #tpu.memory_space<hbm>>
      %dma_wait3A_218 = arith.constant 0 : i32
      %dma_wait3A_219 = tpu.memref_slice %arg5[%add3A_102, %dma_wait3A_218] : memref<64x4096xi32, #tpu.memory_space<hbm>> -> memref<1x4096xi32, #tpu.memory_space<hbm>>
      %dma_wait3A_220 = tpu.memref_squeeze %dma_wait3A_219 : memref<1x4096xi32, #tpu.memory_space<hbm>> -> memref<4096xi32, #tpu.memory_space<hbm>>
      tpu.wait_dma2 semaphore(%run_scoped3A : memref<!tpu.dma_semaphore, #tpu.memory_space<semaphore_mem>>) src(%arg13 : memref<4096xi32, #tpu.memory_space<vmem>>) dst(%dma_wait3A_220 : memref<4096xi32, #tpu.memory_space<hbm>>)
      tpu.yield
    }) : () -> ()
    return
  }
}

</mosaic_0001>

<sc_bundles>
// kernel: gather_offload_async_start.1
scs
__scs_entry_jumppad:
0x0: {  	(pc) =	sbr.rel $0x88, $3  }
0x1: {  	(tag) =	ssettag $0x0;
	lr =	simm.s32 $0x1  }
0x2: {  	[smem:$0x3F84] =	sst lr;
	_ =	strace $0xD0000000  }
0x3: {  	_ = 	snop  }
0x4: {  	_ = 	snop  }
0x5: {  	_ = 	snop  }
0x6: {  	_ = 	snop  }
0x7: {  	_ = 	snop  }
__scs_overlays_trampoline_lowered:
0x8: {  	[smem:$0x3F93] =	sst s0  }
0x9: {  	[smem:$0x3F94] =	sst s1  }
0xa: {  	[smem:$0x3F95] =	sst s2  }
0xb: {  	[smem:$0x3F96] =	sst s3  }
0xc: {  	[smem:$0x3F97] =	sst s4  }
0xd: {  	[smem:$0x3F98] =	sst s5  }
0xe: {  	[smem:$0x3F99] =	sst s6  }
0xf: {  	[smem:$0x3F9A] =	sst s7  }
0x10: {  	[smem:$0x3F9B] =	sst s8  }
0x11: {  	[smem:$0x3F9C] =	sst s9;
	s0 =	simm.s32 @!p0 $0x0  }
0x12: {  	s1 =	sld [smem:$0x3F82];
	s0 =	simm.s32 @p0 $0x1  }
0x13: {  	[smem:$0x3F9D] =	sst s0;
	s0 =	simm.s32 @!p1 $0x0  }
0x14: {  	s2 =	sld [smem:$0x3F81];
	s0 =	simm.s32 @p1 $0x1  }
0x15: {  	[smem:$0x3F9E] =	sst s0;
	s0 =	simm.s32 @!p2 $0x0  }
0x16: {  	s3 =	sld [smem:$0x3FDB];
	s0 =	simm.s32 @p2 $0x1  }
0x17: {  	s4 =	simm.s32 $0x1BF5;
	[smem:$0x3FA0] =	sst s0  }
0x18: {  	s0 =	sld [smem:$0x3F83];
	_ =	swait.ge [sflag:s4], $0x0  }
0x19: {  	s7 =	sld [smem:$0x3F84]  }
0x1a: {  	s8 =	sadd.s32 $0xFFFFE003, lr  }
0x1b: {  	s9 =	sadd.s32 $0xFFFFFEF7, lr;
	s5 =	simm.s32 $0xFFFFFFFF;
	p2 =	slt.u32 s8, $0xFFFFF086  }
0x1c: {  	p1 =	slt.u32 s9, $0xF7A;
	s5 =	simm.s32 @!p2 $0x0  }
0x1d: {  	s5 =	simm.s32 @p1 $0x1;
	p0 =	seq.s32 s7, s2  }
0x1e: {  	s7 =	smul.u32 @!p0 $0xF7A, s2;
	p2 =	seq.s32 @!p0 s5, $0x0  }
0x1f: {  	s9 =	smul.u32 $0xF7A, s1;
	s8 =	simm.s32 @!p0 $0x1BF5;
	p2 =	por !p2, p0  }
0x20: {  	[sflag:s8] =	ssyncset.s32 @!p0 $0xFFFFF086;
	s6 =	sadd.s32 @!p0 s3, s7;
	s7 =	simm.s32 @!p0 $0x108  }
0x21: {  	s3 =	sadd.s32 s3, s9;
	s6 =	sadd.s32 @!p0 $0x88, s6;
	s7 =	simm.s32 @p2 $0x1082  }
0x22: {  	[simem:s7], [sflag:s8] =	dma.local @!p0 [hbm:s6], $0xF7A  }
0x23: {  	s9 =	sor.u32 $0xD0000000, s2;
	s6 =	simm.s32 $0x108;
	_ =	swait.ge @!p0 [sflag:s8], $0x0  }
0x24: {  	s3 =	sadd.s32 $0x88, s3;
	s6 =	simm.s32 @!p1 $0x1082;
	[sflag:s4] =	ssyncset.s32 $0xFFFFF086  }
0x25: {  	[simem:s6], [sflag:s4] =	dma.local [hbm:s3], $0xF7A  }
0x26: {  	[smem:$0x3F84] =	sst s1;
	(tag) =	ssettag s2;
	_ =	strace s9  }
0x27: {  	s1 =	sld [smem:$0x3F94]  }
0x28: {  	s2 =	sld [smem:$0x3F95]  }
0x29: {  	s4 =	sld [smem:$0x3F97]  }
0x2a: {  	p0 =	seq.s32 s5, $0x0;
	s5 =	sld [smem:$0x3F98]  }
0x2b: {  	s6 =	sld [smem:$0x3F99]  }
0x2c: {  	s7 =	sld [smem:$0x3F9A]  }
0x2d: {  	s3 =	simm.s32 $0x108;
	s8 =	sld [smem:$0x3F9B]  }
0x2e: {  	s3 =	simm.s32 @!p0 $0x1082;
	s9 =	sld [smem:$0x3F9C]  }
0x2f: {  	lr =	sadd.s32 s0, s3;
	s0 =	sld [smem:$0x3F93]  }
0x30: {  	s3 =	sld [smem:$0x3F96]  }
0x31: {  	[smem:$0x3F9F] =	sst s10  }
0x32: {  	s10 =	sld [smem:$0x3F9D];
	_ =	sdelay $0x3  }
0x33: {  	p0 =	seq.s32 s10, $0x1;
	s10 =	sld [smem:$0x3F9F];
	_ =	sdelay $0x3  }
0x34: {  	[smem:$0x3F9F] =	sst s10  }
0x35: {  	s10 =	sld [smem:$0x3F9E];
	_ =	sdelay $0x3  }
0x36: {  	p1 =	seq.s32 s10, $0x1;
	s10 =	sld [smem:$0x3F9F];
	_ =	sdelay $0x3  }
0x37: {  	[smem:$0x3F9F] =	sst s10  }
0x38: {  	s10 =	sld [smem:$0x3FA0]  }
0x39: {  	_ = 	snop;
	(pc) =	sbr.ind lr, $3  }
0x3a: {  	_ = 	snop  }
0x3b: {  	_ = 	snop  }
0x3c: {  	p2 =	seq.s32 s10, $0x1;
	s10 =	sld [smem:$0x3F9F]  }
0x3d: {  	_ =	shalt  }
0x3e: {  	_ =	shalt  }
0x3f: {  	_ =	shalt  }
0x40: {  	_ =	shalt  }
0x41: {  	_ =	shalt  }
0x42: {  	_ =	shalt  }
0x43: {  	_ =	shalt  }
0x44: {  	_ =	shalt  }
0x45: {  	_ =	shalt  }
0x46: {  	_ =	shalt  }
0x47: {  	_ =	shalt  }
0x48: {  	_ =	shalt  }
0x49: {  	_ =	shalt  }
0x4a: {  	_ =	shalt  }
0x4b: {  	_ =	shalt  }
0x4c: {  	_ =	shalt  }
0x4d: {  	_ =	shalt  }
0x4e: {  	_ =	shalt  }
0x4f: {  	_ =	shalt  }
0x50: {  	_ =	shalt  }
0x51: {  	_ =	shalt  }
0x52: {  	_ =	shalt  }
0x53: {  	_ =	shalt  }
0x54: {  	_ =	shalt  }
0x55: {  	_ =	shalt  }
0x56: {  	_ =	shalt  }
0x57: {  	_ =	shalt  }
0x58: {  	_ =	shalt  }
0x59: {  	_ =	shalt  }
0x5a: {  	_ =	shalt  }
0x5b: {  	_ =	shalt  }
0x5c: {  	_ =	shalt  }
0x5d: {  	_ =	shalt  }
0x5e: {  	_ =	shalt  }
0x5f: {  	_ =	shalt  }
0x60: {  	_ =	shalt  }
0x61: {  	_ =	shalt  }
0x62: {  	_ =	shalt  }
0x63: {  	_ =	shalt  }
0x64: {  	_ =	shalt  }
0x65: {  	_ =	shalt  }
0x66: {  	_ =	shalt  }
0x67: {  	_ =	shalt  }
0x68: {  	_ =	shalt  }
0x69: {  	_ =	shalt  }
0x6a: {  	_ =	shalt  }
0x6b: {  	_ =	shalt  }
0x6c: {  	_ =	shalt  }
0x6d: {  	_ =	shalt  }
0x6e: {  	_ =	shalt  }
0x6f: {  	_ =	shalt  }
0x70: {  	_ =	shalt  }
0x71: {  	_ =	shalt  }
0x72: {  	_ =	shalt  }
0x73: {  	_ =	shalt  }
0x74: {  	_ =	shalt  }
0x75: {  	_ =	shalt  }
0x76: {  	_ =	shalt  }
0x77: {  	_ =	shalt  }
0x78: {  	_ =	shalt  }
0x79: {  	_ =	shalt  }
0x7a: {  	_ =	shalt  }
0x7b: {  	_ =	shalt  }
0x7c: {  	_ =	shalt  }
0x7d: {  	_ =	shalt  }
0x7e: {  	_ =	shalt  }
0x7f: {  	_ =	shalt  }
0x80: {  	_ =	shalt  }
0x81: {  	_ =	shalt  }
0x82: {  	_ =	shalt  }
0x83: {  	_ =	shalt  }
0x84: {  	_ =	shalt  }
0x85: {  	_ =	shalt  }
0x86: {  	_ =	shalt  }
0x87: {  	_ =	shalt  }
.Lfunc_end0:
.L_simem_size_0:
called_computation.7_lowered:
.L_overlay_start_0:
0x88: {  	s2 =	sld [smem:$0x3FD9]  }
0x89: {  	s3 =	sld [smem:$0x3FFE];
	_ =	sdelay $0x1  }
0x8a: {  	s1 =	srdreg.scid  }
0x8b: {  	s0 =	sand.u32 $0x1, s1  }
0x8c: {  	s17 =	sshll.u32 s0, $0xA;
	s2 =	sadd.s32 s3, s2  }
0x8d: {  	s2 =	sadd.s32 s2, s17  }
0x8e: {  	[smem:$0x3FAB] =	sst s2  }
0x8f: {  	_ = 	snop  }
0x90: {  	s18 =	sld [smem:$0x3FD0];
	(tm) =	ssettm $0x1  }
0x91: {  	s19 =	sld [smem:$0x3FFB];
	_ =	sdelay $0x3  }
0x92: {  	_ =	strace s19  }
0x93: {  	s2 =	sld [smem:$0x3FFC];
	_ =	sdelay $0x3  }
0x94: {  	_ =	strace s2  }
0x95: {  	s2 =	sld [smem:$0x3FFD];
	_ =	sdelay $0x3  }
0x96: {  	_ =	strace s2  }
0x97: {  	_ =	strace $0x8FFFFFFF  }
0x98: {  	s20 =	sld [smem:$0x3FDB];
	_ =	sdelay $0x1  }
0x99: {  	s4 =	simm.s32 $_scs_section_size  }
0x9a: {  	s5 =	simm.s32 $_size__tile_overlayer_lowered;
	s6 =	simm.s32 $_tile_overlayer_lowered  }
0x9b: {  	s7 =	simm.s32 $0x1BFF;
	s21 =	sshll.u32 s6, $0x1;
	s4 =	sadd.s32 s4, s20  }
0x9c: {  	s22 =	simm.s32 $0x0;
	s5 =	sshll.u32 s5, $0x1;
	s6 =	sadd.s32 s21, s4  }
0x9d: {  	[timem:s22], [sflag:s7] =	dma.local [hbm:s6], s5  }
0x9e: {  	_ =	swait.ge [sflag:s7], s5  }
0x9f: {  	s5 =	ssub.s32 $0x0, s5;
	[sflag:s7] =	ssyncset.done $0x0  }
0xa0: {  	[sflag:s7] =	ssyncadd.s32 s5;
	_ =	sdelay $0x1  }
0xa1: {  	s23 =	simm.s32 $0x1B8B  }
0xa2: {  	_ =	swait.ge [sflag:s23], $0x1  }
0xa3: {  	[sflag:s23] =	ssyncset.done $0x0  }
0xa4: {  	[sflag:s23] =	ssyncadd.s32 $0xFFFFFFFF  }
0xa5: {  	s5 =	sld [smem:$0x0]  }
0xa6: {  	s6 =	sand.u32 $0xFFFFFFFE, s1  }
0xa7: {  	p0 =	sne.s32 s1, s6  }
0xa8: {  	s6 =	sshll.u32 @p0 s6, $0xE  }
0xa9: {  	s6 =	sadd.s32 @p0 $0x11B8D, s6;
	s7 =	sshll.u32 @p0 s5, $0x11  }
0xaa: {  	s6 =	sor.u32 @p0 s7, s6  }
0xab: {  	[sflag:s6] =	ssyncadd.remote.s32 @p0 $0x1;
	_ =	sdelay $0x1  }
0xac: {  	s6 =	simm.s32 @p0 $0x1B8D  }
0xad: {  	_ =	swait.eq @p0 [sflag:s6], $0x1  }
0xae: {  	[sflag:s6] =	ssyncadd.s32 @p0 $0xFFFFFFFF  }
0xaf: {  	s7 =	sshll.u32 @!p0 s1, $0xE  }
0xb0: {  	s7 =	sor.u32 @!p0 $0x4000, s7;
	s6 =	simm.s32 @!p0 $0x1B8D  }
0xb1: {  	s5 =	sshll.u32 @!p0 s5, $0x11;
	s7 =	sadd.s32 @!p0 $0x11B8D, s7;
	_ =	swait.eq @!p0 [sflag:s6], $0x1  }
0xb2: {  	s5 =	sor.u32 @!p0 s5, s7;
	[sflag:s6] =	ssyncadd.s32 @!p0 $0xFFFFFFFF  }
0xb3: {  	s25 =	simm.s32 $0x1B8E;
	s24 =	sld [smem:$0x3FFE];
	[sflag:s5] =	ssyncadd.remote.s32 @!p0 $0x1  }
0xb4: {  	s26 =	simm.s32 $execute0_lowered;
	[smem:$0x3FD2] =	sst s25  }
0xb5: {  	s6 =	sshll.u32 s26, $0x1;
	_ =	strace $0x80000058;
	[dreg:$0x1] =	wrdreg $0xFFFFFFFF  }
0xb6: {  	s28 =	simm.s32 $_size_execute0_lowered;
	s4 =	sadd.s32 s4, s6;
	[dreg:$0x0] =	wrdreg $0x0  }
0xb7: {  	s6 =	sshll.u32 s28, $0x1;
	[dreg:$0x2] =	wrdreg s4  }
0xb8: {  	[dreg:$0x3] =	wrdreg s6  }
0xb9: {  	[dreg:$0x4] =	wrdreg $0xC0  }
0xba: {  	_ =	task [dreg:s22], $0x5FFFF  }
0xbb: {  	[dreg:$0x1] =	wrdreg $0xFFFFFFFF  }
0xbc: {  	[dreg:$0x0] =	wrdreg $0x60  }
0xbd: {  	[dreg:$0x2] =	wrdreg s18  }
0xbe: {  	[dreg:$0x3] =	wrdreg s24  }
0xbf: {  	[dreg:$0x4] =	wrdreg $0x9  }
0xc0: {  	_ =	task.clear_ibuf [dreg:s22], $0x5FFFF;
	_ =	strace $0x90000058  }
0xc1: {  	s29 =	simm.s32 $0x9;
	_ =	strace $0x8000005A  }
0xc2: {  	_ =	swait.ge [sflag:s29], $0x1  }
0xc3: {  	[sflag:s29] =	ssyncadd.s32 $0xFFFFFFFF  }
0xc4: {  	_ =	strace $0x9000005A  }
0xc5: {  	_ =	sfence  }
0xc6: {  	s30 =	sld [smem:$0x0];
	_ =	sdelay $0x2  }
0xc7: {  	s31 =	sshll.u32 s1, $0xD;
	s1 =	sshrl.u32 s1, $0x2  }
0xc8: {  	s4 =	sand.u32 $0x4000, s31;
	s1 =	sadd.s32 s1, s30  }
0xc9: {  	s0 =	sor.u32 s4, s0;
	s1 =	sshll.u32 s1, $0x11  }
0xca: {  	s0 =	sor.u32 s1, s0  }
0xcb: {  	s0 =	sadd.s32 $0x8F2B, s0  }
0xcc: {  	[sflag:s0] =	ssyncadd.remote.s32 $0x1  }
0xcd: {  	_ =	sfence.sel $0xFFFF  }
0xce: {  	[dreg:$0x0] =	wrdreg $0xFFFFFFFF;
	(pc) =	sbr.abs _section_cstart, $3  }
0xcf: {  	[dreg:$0x1] =	wrdreg $0xFFFFFFFF  }
0xd0: {  	_ =	task.clear_ibuf [dreg:s22], $0x2FFFF;
	_ =	strace $0x9FFFFFFF  }
0xd1: {  	(tm) =	ssettm $0x7FFFFFFF  }
tec
execute0_lowered:
.L_overlay_start_1:
0x0: {  	(tag) =	ssettag $0x1  }
0x1: {  	s2 =	rddreg [dreg:$0x0]  }
0x2: {  	s7 =	rddreg [dreg:$0x1]  }
0x3: {  	s0 =	rddreg [dreg:$0x2]  }
0x4: {  	s1 =	srdreg.scid;
	_ =	strace $0x80000059;
	s4 =	simm.s32 $0x1  }
0x5: {  	s9 =	simm.s32 $0x3;
	s11 =	simm.s32 $0x0;
	s5 =	sshll.u32 s1, $0x4  }
.Ltmp0:
0x6: {  	s1 =	stileid.u32;
	s5 =	sand.u32 $0x10, s5;
	(pc) =	sbr.rel .LBB2_1-.Ltmp0, $4  }
0x7: {  	p0 =	por $0x0, $0x0;
	s3 =	sadd.s32 $0xB6A00, s7;
	s6 =	sor.u32 s1, s5  }
0x8: {  	[sflag:s4] =	ssyncpa.u1 $0x0;
	s5 =	simm.s32 $0x2;
	s6 =	sshll.u32 s6, $0xD  }
0x9: {  	s7 =	sadd.s32 $0x135200, s7;
	[sflag:s5] =	ssyncpa.u1 $0x0;
	s8 =	sadd.s32 $0x2000, s6  }
0xa: {  	vm0 =	vmmov $0xff;
	vm1 =	vcmask $0x3F20;
	[sflag:s9] =	ssyncpa.u1 $0x0;
	s10 =	smov.u32 s6;
	s9 =	simm.s32 $0x0  }
.LBB2_7:
0xb: {  	p1 =	slt.u32 s9, $0x2;
	s11 =	sadd.s32 $0x100, s10  }
0xc: {  	s13 =	smov.u32 s6;
	s9 =	sadd.s32 $0x1, s9;
	p2 =	slt.s32 s11, s8  }
0xd: {  	s13 =	smov.u32 @p2 s11;
	p2 =	sne.s32 s9, $0x22  }
.Ltmp1:
0xe: {  	_ = 	snop;
	(pc) =	sbr.rel @!p2 .LBB2_8-.Ltmp1, $4  }
0xf: {  	s12 =	simm.s32 @!p1 $0x3  }
0x10: {  	_ =	swait.ge @!p1 [sflag:s12], $0x8000  }
0x11: {  	p0 =	por !p0, !p0;
	[sflag:s12] =	ssyncset.done @!p1 $0x0  }
0x12: {  	s11 =	smov.u32 s10;
	s10 =	smov.u32 s13;
	[sflag:s12] =	ssyncadd.s32 @!p1 $0xFFFF8000  }
.LBB2_1:
0x13: {  	p1 =	sgt.u32 s9, $0x1F  }
0x14: {  	s12 =	sxor.u32 @!p1 $0xFFFFFFFF, s9  }
0x15: {  	s13 =	sshrl.u32 @!p1 s10, $0x3;
	s12 =	sshll.u32 @!p1 s12, $0x8  }
0x16: {  	s14 =	sand.u32 @!p1 $0x7, s10;
	s13 =	sadd.s32 @!p1 s3, s13;
	s12 =	sand.u32 @!p1 $0x100, s12  }
0x17: {  	[tilespmem:s12], [sflag:$0x2] =	stream.linear.gather @!p1 [hbm4b:s13+s14], $0x100, $0x38;
	[tilespmem:$0x10200] =	vst v63  }
0x18: {  	p1 =	seq.s32 s9, $0x0  }
0x19: {  	p2 =	seq.s32 @!p1 s9, $0x21  }
0x1a: {  	p1 =	por p1, p2  }
.Ltmp2:
0x1b: {  	_ = 	snop;
	(pc) =	sbr.rel @p1 .LBB2_7-.Ltmp2, $1  }
0x1c: {  	_ =	sdelay $0x3  }
0x1d: {  	s12 =	simm.s32 $0x1  }
0x1e: {  	_ =	swait.ge [sflag:s5], $0x100;
	s12 =	simm.s32 @!p0 $0x0  }
0x1f: {  	[sflag:s5] =	ssyncset.done $0x0;
	s14 =	sshll.u32 s12, $0x8  }
0x20: {  	[sflag:s5] =	ssyncadd.s32 $0xFFFFFF00;
	s13 =	sadd.s32 $0x0, s14  }
0x21: {  	v0 =	vld.msk [tilespmem:s13+$0x0 ss:$0x1], $0xffff;
	_ =	sdelay $0x4  }
0x22: {  	v1 =	vshll.u32 v0, $0x3  }
0x23: {  	vm2 =	veq.s32 v0, $0x80000000;
	v0 =	vshll.u32 v0, $0x15;
	v1 =	vand.u32 $0x1FFF80, v1  }
0x24: {  	v0 =	vand.u32 $0x1E00000, v0;
	v1 =	vsel vm2, $0xFFFFFF80, v1  }
0x25: {  	v0 =	vsel vm2, $0xFFE00000, v0;
	v2 =	vand.u32 $0xFFFFFC00, v1  }
0x26: {  	v1 =	vand.u32 $0x380, v1;
	v0 =	vadd.s32 v0, v2  }
0x27: {  	v0 =	vor.u32 v1, v0  }
0x28: {  	v0 =	vshrl.u32 v0, $0x3;
	_ =	sdelay $0x2  }
0x29: {  	s12 =	sshll.u32 s12, $0xF  }
0x2a: {  	s12 =	sor.u32 $0x200, s12  }
0x2b: {  	[tilespmem:s12], [sflag:$0x1] =	stream.indirect_vreg.gather [hbm:s2], $0x80, v0, vm0, $0x38;
	[tilespmem:$0x10200] =	vst v63  }
0x2c: {  	s15 =	sadd.s32 $0x10, s14;
	s13 =	sadd.s32 $0x400, s12  }
0x2d: {  	[tilespmem:s13], [sflag:$0x1] =	stream.indirect_vreg.gather [hbm:s2], $0x80, v0, vm1, $0x38;
	[tilespmem:$0x10200] =	vst v63  }
0x2e: {  	s16 =	simm.s32 $0x80;
	v0 =	vld.msk [tilespmem:s15+$0x0 ss:$0x1], $0xffff;
	s15 =	smov.u32 s12  }
.LBB2_3:
0x2f: {  	p1 =	sne.s32 s16, $0x3C0;
	_ =	sdelay $0x4  }
0x30: {  	v1 =	vshll.u32 v0, $0x3  }
0x31: {  	vm2 =	veq.s32 v0, $0x80000000;
	v0 =	vshll.u32 v0, $0x15;
	v1 =	vand.u32 $0x1FFF80, v1  }
0x32: {  	v0 =	vand.u32 $0x1E00000, v0;
	v1 =	vsel vm2, $0xFFFFFF80, v1  }
0x33: {  	v0 =	vsel vm2, $0xFFE00000, v0;
	v2 =	vand.u32 $0xFFFFFC00, v1  }
0x34: {  	v1 =	vand.u32 $0x380, v1;
	v0 =	vadd.s32 v0, v2  }
0x35: {  	v0 =	vor.u32 v1, v0  }
0x36: {  	v0 =	vshrl.u32 v0, $0x3;
	_ =	sdelay $0x3  }
.Ltmp3:
0x37: {  	s17 =	sshra.s32 s16, $0x2;
	s15 =	sadd.s32 $0x800, s15;
	(pc) =	sbr.rel @p1 .LBB2_3-.Ltmp3, $4  }
0x38: {  	[tilespmem:s15], [sflag:$0x1] =	stream.indirect_vreg.gather [hbm:s2], $0x80, v0, vm0, $0x38;
	[tilespmem:$0x10200] =	vst v63  }
0x39: {  	s17 =	sadd.s32 s17, s14;
	s18 =	sadd.s32 $0x400, s15  }
0x3a: {  	[tilespmem:s18], [sflag:$0x1] =	stream.indirect_vreg.gather [hbm:s2], $0x80, v0, vm1, $0x38;
	[tilespmem:$0x10200] =	vst v63  }
0x3b: {  	s16 =	sadd.s32 $0x40, s16;
	v0 =	vld.msk [tilespmem:s17+$0x0 ss:$0x1], $0xffff  }
0x3c: {  	_ =	sdelay $0x3  }
0x3d: {  	v1 =	vshll.u32 v0, $0x3  }
0x3e: {  	vm2 =	veq.s32 v0, $0x80000000;
	v63 =	vshll.u32 v0, $0x15;
	v1 =	vand.u32 $0x1FFF80, v1  }
0x3f: {  	v0 =	vand.u32 $0x1E00000, v63;
	v1 =	vsel vm2, $0xFFFFFF80, v1  }
0x40: {  	v0 =	vsel vm2, $0xFFE00000, v0;
	v2 =	vand.u32 $0xFFFFFC00, v1  }
0x41: {  	v1 =	vand.u32 $0x380, v1;
	v0 =	vadd.s32 v0, v2  }
0x42: {  	v0 =	vor.u32 v1, v0  }
0x43: {  	v0 =	vshrl.u32 v0, $0x3;
	_ =	sdelay $0x3  }
0x44: {  	s14 =	sadd.s32 $0x800, s15  }
0x45: {  	[tilespmem:s14], [sflag:$0x1] =	stream.indirect_vreg.gather [hbm:s2], $0x80, v0, vm0, $0x38;
	[tilespmem:$0x10200] =	vst v63  }
0x46: {  	s14 =	sadd.s32 $0x400, s14  }
0x47: {  	[tilespmem:s14], [sflag:$0x1] =	stream.indirect_vreg.gather [hbm:s2], $0x80, v0, vm1, $0x38;
	[tilespmem:$0x10200] =	vst v63  }
0x48: {  	s11 =	sshll.u32 s11, $0x4;
	_ =	swait.ge [sflag:s4], $0x8000  }
0x49: {  	s11 =	sadd.s32 s11, s7;
	[sflag:s4] =	ssyncset.done $0x0  }
0x4a: {  	s15 =	sadd.s32 $0x0, s11;
	s14 =	simm.s32 $0x80;
	[sflag:s4] =	ssyncadd.s32 $0xFFFF8000  }
.LBB2_5:
0x4b: {  	[hbm:s15] =	stream.linear.scatter [tilespmem:s12], [sflag:$0x3], $0x400, $0x38;
	[tilespmem:$0x10200] =	vst v63  }
0x4c: {  	s15 =	smov.u32 s14;
	s12 =	smov.u32 s13;
	p1 =	sne.s32 s14, $0xF80  }
.Ltmp4:
0x4d: {  	s14 =	sadd.s32 $0x80, s14;
	(pc) =	sbr.rel @p1 .LBB2_5-.Ltmp4, $2  }
0x4e: {  	_ =	sdelay $0x2  }
0x4f: {  	s13 =	sadd.s32 $0x400, s13;
	s15 =	sadd.s32 s15, s11  }
.Ltmp5:
0x50: {  	(pc) =	sbr.rel .LBB2_7-.Ltmp5, $2  }
0x51: {  	_ =	sdelay $0x2  }
0x52: {  	[hbm:s15] =	stream.linear.scatter [tilespmem:s12], [sflag:$0x3], $0x400, $0x38;
	[tilespmem:$0x10200] =	vst v63  }
.LBB2_8:
0x53: {  	_ =	sfence.sel $0x180000  }
0x54: {  	s2 =	simm.s32 $0x2;
	[bflag:$0x0] =	sbarrier.arrive $0xFFFF  }
0x55: {  	s30 =	simm.s32 $0x3;
	[sflag:s2] =	ssyncpa.u1 $0x1  }
0x56: {  	s31 =	simm.s32 $0x1;
	[sflag:s30] =	ssyncpa.u1 $0x1  }
0x57: {  	[sflag:s31] =	ssyncpa.u1 $0x1  }
0x58: {  	p0 =	sne.s32 s1, $0x0;
	_ =	strace $0x90000059  }
0x59: {  	s0 =	sadd.s32 @!p0 $0x100000, s0;
	[bflag:$0x2] =	sbarrier.arrive $0xFFFF  }
0x5a: {  	[sflag:s0] =	ssyncadd.tile.s32 @!p0 $0x1;
	_ =	shalt  }
.Lfunc_end2:
_tile_overlayer_lowered:
.L_overlay_start_2:
0x5b: {  	(tag) =	ssettag $0x2  }
0x5c: {  	s0 =	rddreg [dreg:$0x0];
	s2 =	stileid.u32  }
0x5d: {  	s1 =	rddreg [dreg:$0x1];
	p0 =	sne.s32 s2, $0x0  }
0x5e: {  	s3 =	rddreg [dreg:$0x2];
	[bflag:$0x3] =	sbarrier.arrive $0xFFFF;
	s2 =	simm.s32 @!p0 $0x1C01  }
0x5f: {  	[timem:s3], [sflag:s2] =	dma.local @!p0 [hbm:s0], s1  }
0x60: {  	s0 =	simm.s32 @!p0 $0x1  }
0x61: {  	_ =	swait.ge @!p0 [sflag:s0], s1  }
0x62: {  	s1 =	ssub.s32 @!p0 $0x0, s1;
	[sflag:s0] =	ssyncset.done @!p0 $0x0  }
0x63: {  	[sflag:s0] =	ssyncadd.s32 @!p0 s1  }
0x64: {  	[bflag:$0x3] =	sbarrier.arrive $0xFFFF  }
0x65: {  	_ =	shalt  }

// kernel: gather_offload_async_start.2
scs
__scs_entry_jumppad:
0x0: {  	(pc) =	sbr.rel $0x88, $3  }
0x1: {  	(tag) =	ssettag $0x0;
	lr =	simm.s32 $0x1  }
0x2: {  	[smem:$0x3F84] =	sst lr;
	_ =	strace $0xD0000000  }
0x3: {  	_ = 	snop  }
0x4: {  	_ = 	snop  }
0x5: {  	_ = 	snop  }
0x6: {  	_ = 	snop  }
0x7: {  	_ = 	snop  }
__scs_overlays_trampoline_lowered:
0x8: {  	[smem:$0x3F93] =	sst s0  }
0x9: {  	[smem:$0x3F94] =	sst s1  }
0xa: {  	[smem:$0x3F95] =	sst s2  }
0xb: {  	[smem:$0x3F96] =	sst s3  }
0xc: {  	[smem:$0x3F97] =	sst s4  }
0xd: {  	[smem:$0x3F98] =	sst s5  }
0xe: {  	[smem:$0x3F99] =	sst s6  }
0xf: {  	[smem:$0x3F9A] =	sst s7  }
0x10: {  	[smem:$0x3F9B] =	sst s8  }
0x11: {  	[smem:$0x3F9C] =	sst s9;
	s0 =	simm.s32 @!p0 $0x0  }
0x12: {  	s1 =	sld [smem:$0x3F82];
	s0 =	simm.s32 @p0 $0x1  }
0x13: {  	[smem:$0x3F9D] =	sst s0;
	s0 =	simm.s32 @!p1 $0x0  }
0x14: {  	s2 =	sld [smem:$0x3F81];
	s0 =	simm.s32 @p1 $0x1  }
0x15: {  	[smem:$0x3F9E] =	sst s0;
	s0 =	simm.s32 @!p2 $0x0  }
0x16: {  	s3 =	sld [smem:$0x3FDB];
	s0 =	simm.s32 @p2 $0x1  }
0x17: {  	s4 =	simm.s32 $0x1BF5;
	[smem:$0x3FA0] =	sst s0  }
0x18: {  	s0 =	sld [smem:$0x3F83];
	_ =	swait.ge [sflag:s4], $0x0  }
0x19: {  	s7 =	sld [smem:$0x3F84]  }
0x1a: {  	s8 =	sadd.s32 $0xFFFFE003, lr  }
0x1b: {  	s9 =	sadd.s32 $0xFFFFFEF7, lr;
	s5 =	simm.s32 $0xFFFFFFFF;
	p2 =	slt.u32 s8, $0xFFFFF086  }
0x1c: {  	p1 =	slt.u32 s9, $0xF7A;
	s5 =	simm.s32 @!p2 $0x0  }
0x1d: {  	s5 =	simm.s32 @p1 $0x1;
	p0 =	seq.s32 s7, s2  }
0x1e: {  	s7 =	smul.u32 @!p0 $0xF7A, s2;
	p2 =	seq.s32 @!p0 s5, $0x0  }
0x1f: {  	s9 =	smul.u32 $0xF7A, s1;
	s8 =	simm.s32 @!p0 $0x1BF5;
	p2 =	por !p2, p0  }
0x20: {  	[sflag:s8] =	ssyncset.s32 @!p0 $0xFFFFF086;
	s6 =	sadd.s32 @!p0 s3, s7;
	s7 =	simm.s32 @!p0 $0x108  }
0x21: {  	s3 =	sadd.s32 s3, s9;
	s6 =	sadd.s32 @!p0 $0x88, s6;
	s7 =	simm.s32 @p2 $0x1082  }
0x22: {  	[simem:s7], [sflag:s8] =	dma.local @!p0 [hbm:s6], $0xF7A  }
0x23: {  	s9 =	sor.u32 $0xD0000000, s2;
	s6 =	simm.s32 $0x108;
	_ =	swait.ge @!p0 [sflag:s8], $0x0  }
0x24: {  	s3 =	sadd.s32 $0x88, s3;
	s6 =	simm.s32 @!p1 $0x1082;
	[sflag:s4] =	ssyncset.s32 $0xFFFFF086  }
0x25: {  	[simem:s6], [sflag:s4] =	dma.local [hbm:s3], $0xF7A  }
0x26: {  	[smem:$0x3F84] =	sst s1;
	(tag) =	ssettag s2;
	_ =	strace s9  }
0x27: {  	s1 =	sld [smem:$0x3F94]  }
0x28: {  	s2 =	sld [smem:$0x3F95]  }
0x29: {  	s4 =	sld [smem:$0x3F97]  }
0x2a: {  	p0 =	seq.s32 s5, $0x0;
	s5 =	sld [smem:$0x3F98]  }
0x2b: {  	s6 =	sld [smem:$0x3F99]  }
0x2c: {  	s7 =	sld [smem:$0x3F9A]  }
0x2d: {  	s3 =	simm.s32 $0x108;
	s8 =	sld [smem:$0x3F9B]  }
0x2e: {  	s3 =	simm.s32 @!p0 $0x1082;
	s9 =	sld [smem:$0x3F9C]  }
0x2f: {  	lr =	sadd.s32 s0, s3;
	s0 =	sld [smem:$0x3F93]  }
0x30: {  	s3 =	sld [smem:$0x3F96]  }
0x31: {  	[smem:$0x3F9F] =	sst s10  }
0x32: {  	s10 =	sld [smem:$0x3F9D];
	_ =	sdelay $0x3  }
0x33: {  	p0 =	seq.s32 s10, $0x1;
	s10 =	sld [smem:$0x3F9F];
	_ =	sdelay $0x3  }
0x34: {  	[smem:$0x3F9F] =	sst s10  }
0x35: {  	s10 =	sld [smem:$0x3F9E];
	_ =	sdelay $0x3  }
0x36: {  	p1 =	seq.s32 s10, $0x1;
	s10 =	sld [smem:$0x3F9F];
	_ =	sdelay $0x3  }
0x37: {  	[smem:$0x3F9F] =	sst s10  }
0x38: {  	s10 =	sld [smem:$0x3FA0]  }
0x39: {  	_ = 	snop;
	(pc) =	sbr.ind lr, $3  }
0x3a: {  	_ = 	snop  }
0x3b: {  	_ = 	snop  }
0x3c: {  	p2 =	seq.s32 s10, $0x1;
	s10 =	sld [smem:$0x3F9F]  }
0x3d: {  	_ =	shalt  }
0x3e: {  	_ =	shalt  }
0x3f: {  	_ =	shalt  }
0x40: {  	_ =	shalt  }
0x41: {  	_ =	shalt  }
0x42: {  	_ =	shalt  }
0x43: {  	_ =	shalt  }
0x44: {  	_ =	shalt  }
0x45: {  	_ =	shalt  }
0x46: {  	_ =	shalt  }
0x47: {  	_ =	shalt  }
0x48: {  	_ =	shalt  }
0x49: {  	_ =	shalt  }
0x4a: {  	_ =	shalt  }
0x4b: {  	_ =	shalt  }
0x4c: {  	_ =	shalt  }
0x4d: {  	_ =	shalt  }
0x4e: {  	_ =	shalt  }
0x4f: {  	_ =	shalt  }
0x50: {  	_ =	shalt  }
0x51: {  	_ =	shalt  }
0x52: {  	_ =	shalt  }
0x53: {  	_ =	shalt  }
0x54: {  	_ =	shalt  }
0x55: {  	_ =	shalt  }
0x56: {  	_ =	shalt  }
0x57: {  	_ =	shalt  }
0x58: {  	_ =	shalt  }
0x59: {  	_ =	shalt  }
0x5a: {  	_ =	shalt  }
0x5b: {  	_ =	shalt  }
0x5c: {  	_ =	shalt  }
0x5d: {  	_ =	shalt  }
0x5e: {  	_ =	shalt  }
0x5f: {  	_ =	shalt  }
0x60: {  	_ =	shalt  }
0x61: {  	_ =	shalt  }
0x62: {  	_ =	shalt  }
0x63: {  	_ =	shalt  }
0x64: {  	_ =	shalt  }
0x65: {  	_ =	shalt  }
0x66: {  	_ =	shalt  }
0x67: {  	_ =	shalt  }
0x68: {  	_ =	shalt  }
0x69: {  	_ =	shalt  }
0x6a: {  	_ =	shalt  }
0x6b: {  	_ =	shalt  }
0x6c: {  	_ =	shalt  }
0x6d: {  	_ =	shalt  }
0x6e: {  	_ =	shalt  }
0x6f: {  	_ =	shalt  }
0x70: {  	_ =	shalt  }
0x71: {  	_ =	shalt  }
0x72: {  	_ =	shalt  }
0x73: {  	_ =	shalt  }
0x74: {  	_ =	shalt  }
0x75: {  	_ =	shalt  }
0x76: {  	_ =	shalt  }
0x77: {  	_ =	shalt  }
0x78: {  	_ =	shalt  }
0x79: {  	_ =	shalt  }
0x7a: {  	_ =	shalt  }
0x7b: {  	_ =	shalt  }
0x7c: {  	_ =	shalt  }
0x7d: {  	_ =	shalt  }
0x7e: {  	_ =	shalt  }
0x7f: {  	_ =	shalt  }
0x80: {  	_ =	shalt  }
0x81: {  	_ =	shalt  }
0x82: {  	_ =	shalt  }
0x83: {  	_ =	shalt  }
0x84: {  	_ =	shalt  }
0x85: {  	_ =	shalt  }
0x86: {  	_ =	shalt  }
0x87: {  	_ =	shalt  }
.Lfunc_end0:
.L_simem_size_0:
called_computation.8_lowered:
.L_overlay_start_0:
0x88: {  	s2 =	sld [smem:$0x3FD9]  }
0x89: {  	s3 =	sld [smem:$0x3FFE];
	_ =	sdelay $0x1  }
0x8a: {  	s1 =	srdreg.scid  }
0x8b: {  	s0 =	sand.u32 $0x1, s1  }
0x8c: {  	s16 =	sshll.u32 s0, $0xA;
	s2 =	sadd.s32 s3, s2  }
0x8d: {  	s2 =	sadd.s32 s2, s16  }
0x8e: {  	[smem:$0x3FAB] =	sst s2  }
0x8f: {  	_ = 	snop  }
0x90: {  	(tm) =	ssettm $0x1  }
0x91: {  	s17 =	sld [smem:$0x3FFB];
	_ =	sdelay $0x3  }
0x92: {  	_ =	strace s17  }
0x93: {  	s2 =	sld [smem:$0x3FFC];
	_ =	sdelay $0x3  }
0x94: {  	_ =	strace s2  }
0x95: {  	s2 =	sld [smem:$0x3FFD];
	_ =	sdelay $0x3  }
0x96: {  	_ =	strace s2  }
0x97: {  	_ =	strace $0x8FFFFFFF  }
0x98: {  	s18 =	sld [smem:$0x3FDB];
	_ =	sdelay $0x1  }
0x99: {  	s19 =	simm.s32 $_scs_section_size  }
0x9a: {  	s4 =	simm.s32 $_size__tile_overlayer_lowered;
	s5 =	simm.s32 $_tile_overlayer_lowered  }
0x9b: {  	s22 =	simm.s32 $0x1BFF;
	s21 =	sshll.u32 s5, $0x1;
	s2 =	sadd.s32 s19, s18  }
0x9c: {  	s6 =	simm.s32 $0x0;
	s20 =	sshll.u32 s4, $0x1;
	s4 =	sadd.s32 s21, s2  }
0x9d: {  	[timem:s6], [sflag:s22] =	dma.local [hbm:s4], s20  }
0x9e: {  	_ =	swait.ge [sflag:s22], s20  }
0x9f: {  	s3 =	ssub.s32 $0x0, s20;
	[sflag:s22] =	ssyncset.done $0x0  }
0xa0: {  	[sflag:s22] =	ssyncadd.s32 s3;
	_ =	sdelay $0x1  }
0xa1: {  	s23 =	simm.s32 $0x1B8B  }
0xa2: {  	_ =	swait.ge [sflag:s23], $0x1  }
0xa3: {  	[sflag:s23] =	ssyncset.done $0x0  }
0xa4: {  	s25 =	simm.s32 $0x1B8E;
	s24 =	sld [smem:$0x3FFE];
	[sflag:s23] =	ssyncadd.s32 $0xFFFFFFFF  }
0xa5: {  	s26 =	simm.s32 $execute0_lowered;
	[smem:$0x3FD2] =	sst s25  }
0xa6: {  	s4 =	sshll.u32 s26, $0x1;
	_ =	strace $0x80000055;
	[dreg:$0x1] =	wrdreg $0xFFFFFFFF  }
0xa7: {  	s28 =	simm.s32 $_size_execute0_lowered;
	s2 =	sadd.s32 s2, s4;
	[dreg:$0x0] =	wrdreg $0x0  }
0xa8: {  	s4 =	sshll.u32 s28, $0x1;
	[dreg:$0x2] =	wrdreg s2  }
0xa9: {  	[dreg:$0x3] =	wrdreg s4  }
0xaa: {  	[dreg:$0x4] =	wrdreg $0xC0  }
0xab: {  	_ =	task [dreg:s6], $0x5FFFF  }
0xac: {  	[dreg:$0x1] =	wrdreg $0xFFFFFFFF  }
0xad: {  	[dreg:$0x0] =	wrdreg $0x60  }
0xae: {  	[dreg:$0x2] =	wrdreg s24  }
0xaf: {  	[dreg:$0x3] =	wrdreg $0xA  }
0xb0: {  	_ =	task.clear_ibuf [dreg:s6], $0x4FFFF;
	_ =	strace $0x90000055  }
0xb1: {  	s29 =	simm.s32 $0xA;
	_ =	strace $0x80000057  }
0xb2: {  	_ =	swait.ge [sflag:s29], $0x1  }
0xb3: {  	[sflag:s29] =	ssyncadd.s32 $0xFFFFFFFF  }
0xb4: {  	_ =	strace $0x90000057  }
0xb5: {  	_ =	sfence  }
0xb6: {  	s30 =	sld [smem:$0x0];
	_ =	sdelay $0x2  }
0xb7: {  	s31 =	sshll.u32 s1, $0xD;
	s1 =	sshrl.u32 s1, $0x2  }
0xb8: {  	s3 =	sand.u32 $0x4000, s31;
	s1 =	sadd.s32 s1, s30  }
0xb9: {  	s0 =	sor.u32 s3, s0;
	s1 =	sshll.u32 s1, $0x11  }
0xba: {  	s0 =	sor.u32 s1, s0  }
0xbb: {  	s0 =	sadd.s32 $0x8F2B, s0  }
0xbc: {  	[sflag:s0] =	ssyncadd.remote.s32 $0x1  }
0xbd: {  	_ =	sfence.sel $0xFFFF  }
0xbe: {  	[dreg:$0x0] =	wrdreg $0xFFFFFFFF;
	(pc) =	sbr.abs _section_cstart, $3  }
0xbf: {  	[dreg:$0x1] =	wrdreg $0xFFFFFFFF  }
0xc0: {  	_ =	task.clear_ibuf [dreg:s6], $0x2FFFF;
	_ =	strace $0x9FFFFFFF  }
0xc1: {  	(tm) =	ssettm $0x7FFFFFFF  }
tec
execute0_lowered:
.L_overlay_start_1:
0x0: {  	(tag) =	ssettag $0x1  }
0x1: {  	s0 =	srdreg.scid;
	s5 =	rddreg [dreg:$0x0]  }
0x2: {  	s1 =	stileid.u32;
	s6 =	simm.s32 $0x1;
	s9 =	simm.s32 $0x1  }
0x3: {  	s10 =	simm.s32 $0x3;
	s13 =	simm.s32 $0x0;
	s2 =	sshll.u32 s0, $0xC  }
0x4: {  	s12 =	simm.s32 $0x0;
	s3 =	sshll.u32 s1, $0xD;
	s2 =	sand.u32 $0x1000, s2  }
0x5: {  	s0 =	rddreg [dreg:$0x1];
	_ =	strace $0x80000056;
	s2 =	sor.u32 s3, s2  }
0x6: {  	s4 =	sadd.s32 $0xAEA00, s5;
	[sflag:s6] =	ssyncpa.u1 $0x0;
	s8 =	ssub.s32 $0x40000, s2  }
.Ltmp0:
0x7: {  	s3 =	sadd.s32 $0x11CA00, s5;
	s7 =	sand.u32 $0x1F000, s8;
	(pc) =	sbr.rel .LBB2_1-.Ltmp0, $4  }
0x8: {  	s5 =	sadd.s32 $0x9E800, s5;
	s11 =	smov.u32 s2;
	p0 =	sne.s32 s7, $0x0  }
0x9: {  	s8 =	sshrl.u32 s8, $0x11;
	s7 =	simm.s32 $0x2;
	s9 =	simm.s32 @!p0 $0x0  }
0xa: {  	[sflag:s7] =	ssyncpa.u1 $0x0;
	p0 =	por $0x0, $0x0;
	s8 =	sadd.s32 s9, s8  }
0xb: {  	vm0 =	vmmov $0xffff;
	[sflag:s10] =	ssyncpa.u1 $0x0;
	s10 =	simm.s32 $0x0;
	s9 =	sadd.s32 $0x1, s8  }
.LBB2_4:
0xc: {  	vm1 =	veq.s32 v0, $0x80000000;
	v63 =	vand.u32 $0xF, v0;
	v2 =	vand.u32 $0x3FFF, v2  }
0xd: {  	v0 =	vsel vm1, $0xFFFFFFFF, v63;
	v2 =	vsel vm1, $0xFFFFFFFF, v2  }
0xe: {  	v3 =	vshll.u32 v0, $0xE;
	v4 =	vshll.u32 v2, $0x3  }
0xf: {  	v0 =	vshll.u32 v0, $0x7;
	v3 =	vand.u32 $0xFFFE0000, v3;
	v4 =	vand.u32 $0xFFFFFC00, v4  }
0x10: {  	v0 =	vand.u32 $0x380, v0;
	v3 =	vadd.s32 v3, v4  }
0x11: {  	v2 =	vand.u32 $0x7F, v2;
	v0 =	vor.u32 v0, v3  }
0x12: {  	v0 =	vor.u32 v2, v0;
	_ =	sdelay $0x1  }
0x13: {  	(ifvalue) =	ssetifvalue $0x7FFFFFFF;
	s14 =	sadd.s32 $0x10, s14  }
0x14: {  	[tilespmem:s14], [sflag:$0x1] =	stream.indirect_vreg.gather [hbm4b:s3+s10], $0x1, v1, vm0, $0x4038;
	[tilespmem:$0x4000] =	vst v63  }
0x15: {  	(ifvalue) =	ssetifvalue $0x7FFFFFFF;
	s14 =	sadd.s32 $0x10, s14  }
0x16: {  	[tilespmem:s14], [sflag:$0x1] =	stream.indirect_vreg.gather [hbm4b:s3+s10], $0x1, v0, vm0, $0x4038;
	[tilespmem:$0x4000] =	vst v63  }
0x17: {  	_ =	swait.ge [sflag:s6], $0x1000  }
0x18: {  	s30 =	sshrl.u32 s13, $0x3;
	[sflag:s6] =	ssyncset.done $0x0  }
0x19: {  	s31 =	sand.u32 $0x7, s13;
	s14 =	sadd.s32 s5, s30;
	[sflag:s6] =	ssyncadd.s32 $0xFFFFF000  }
0x1a: {  	[hbm4b:s14+s31] =	stream.linear.scatter [tilespmem:s15], [sflag:$0x3], $0x1000, $0x38;
	[tilespmem:$0x4000] =	vst v63  }
.LBB2_5:
0x1b: {  	s15 =	sadd.s32 $0x20000, s11  }
0x1c: {  	p2 =	sgt.s32 s15, $0x3FFFF  }
0x1d: {  	s15 =	smov.u32 @p2 s2;
	p2 =	sne.s32 s12, s9  }
.Ltmp1:
0x1e: {  	p1 =	slt.u32 s12, $0x2;
	(pc) =	sbr.rel @!p2 .LBB2_6-.Ltmp1, $4  }
0x1f: {  	s14 =	simm.s32 @!p1 $0x3  }
0x20: {  	s16 =	sadd.s32 $0x1, s12;
	_ =	swait.ge @!p1 [sflag:s14], $0x1000  }
0x21: {  	s13 =	smov.u32 s11;
	p0 =	por !p0, !p0;
	[sflag:s14] =	ssyncset.done @!p1 $0x0  }
0x22: {  	s12 =	smov.u32 s16;
	s11 =	smov.u32 s15;
	[sflag:s14] =	ssyncadd.s32 @!p1 $0xFFFFF000  }
.LBB2_1:
0x23: {  	p1 =	sge.u32 s12, s8  }
0x24: {  	s14 =	sxor.u32 @!p1 $0xFFFFFFFF, s12  }
0x25: {  	s31 =	sadd.s32 $0xFFFFFFFF, s12;
	s15 =	sshrl.u32 @!p1 s11, $0x3;
	s14 =	sshll.u32 @!p1 s14, $0xC  }
0x26: {  	s16 =	sand.u32 @!p1 $0x7, s11;
	s15 =	sadd.s32 @!p1 s4, s15;
	s14 =	sand.u32 @!p1 $0x1000, s14  }
0x27: {  	[tilespmem:s14], [sflag:$0x2] =	stream.linear.gather @!p1 [hbm4b:s15+s16], $0x1000, $0x38;
	[tilespmem:$0x4000] =	vst v63  }
0x28: {  	p1 =	sge.u32 s31, s8  }
.Ltmp2:
0x29: {  	_ = 	snop;
	(pc) =	sbr.rel @p1 .LBB2_5-.Ltmp2, $1  }
0x2a: {  	_ =	sdelay $0x3  }
0x2b: {  	s14 =	simm.s32 $0x1  }
0x2c: {  	_ =	swait.ge [sflag:s7], $0x1000;
	s14 =	simm.s32 @!p0 $0x0  }
0x2d: {  	[sflag:s7] =	ssyncset.done $0x0;
	s14 =	sshll.u32 s14, $0xC  }
0x2e: {  	[sflag:s7] =	ssyncadd.s32 $0xFFFFF000;
	(ifvalue) =	ssetifvalue $0x7FFFFFFF;
	v0 =	vld.msk [tilespmem:s14+$0x0 ss:$0x1], $0xffff;
	_ =	sdelay $0x3  }
0x2f: {  	s15 =	sadd.s32 $0x10, s14  }
0x30: {  	v2 =	vld.msk [tilespmem:s15+$0x0 ss:$0x1], $0xffff;
	v1 =	vshrl.u32 v0, $0x4  }
0x31: {  	vm1 =	veq.s32 v0, $0x80000000;
	v0 =	vand.u32 $0xF, v0;
	v1 =	vand.u32 $0x3FFF, v1  }
0x32: {  	v0 =	vsel vm1, $0xFFFFFFFF, v0;
	v1 =	vsel vm1, $0xFFFFFFFF, v1  }
0x33: {  	v3 =	vshll.u32 v0, $0xE;
	v4 =	vshll.u32 v1, $0x3  }
0x34: {  	v0 =	vshll.u32 v0, $0x7;
	v3 =	vand.u32 $0xFFFE0000, v3;
	v4 =	vand.u32 $0xFFFFFC00, v4  }
0x35: {  	vm1 =	veq.s32 v2, $0x80000000;
	v0 =	vand.u32 $0x380, v0;
	v3 =	vadd.s32 v3, v4  }
0x36: {  	v1 =	vand.u32 $0x7F, v1;
	v0 =	vor.u32 v0, v3;
	v3 =	vshrl.u32 v2, $0x4  }
0x37: {  	s17 =	sadd.s32 $0x10, s15;
	v2 =	vand.u32 $0xF, v2;
	v1 =	vor.u32 v1, v0;
	v3 =	vand.u32 $0x3FFF, v3  }
0x38: {  	v0 =	vld.msk [tilespmem:s17+$0x0 ss:$0x1], $0xffff;
	v2 =	vsel vm1, $0xFFFFFFFF, v2;
	v3 =	vsel vm1, $0xFFFFFFFF, v3  }
0x39: {  	v63 =	vshll.u32 v2, $0xE;
	v5 =	vshll.u32 v3, $0x3  }
0x3a: {  	s31 =	sshll.u32 s12, $0xC;
	v2 =	vshll.u32 v2, $0x7;
	v4 =	vand.u32 $0xFFFE0000, v63;
	v5 =	vand.u32 $0xFFFFFC00, v5  }
0x3b: {  	s14 =	sor.u32 $0x2000, s14;
	s15 =	sand.u32 $0x1000, s31;
	(ifvalue) =	ssetifvalue $0x7FFFFFFF;
	v2 =	vand.u32 $0x380, v2;
	v4 =	vadd.s32 v4, v5  }
0x3c: {  	[tilespmem:s14], [sflag:$0x1] =	stream.indirect_vreg.gather [hbm4b:s3+s10], $0x1, v1, vm0, $0x4038;
	v1 =	vand.u32 $0x7F, v3;
	v3 =	vor.u32 v2, v4;
	[tilespmem:$0x4000] =	vst v63  }
0x3d: {  	s16 =	simm.s32 $0x20;
	s15 =	sor.u32 $0x2000, s15;
	s17 =	sadd.s32 $0x10, s17;
	v2 =	vshrl.u32 v0, $0x4;
	v1 =	vor.u32 v1, v3  }
.LBB2_3:
0x3e: {  	s16 =	sadd.s32 $0x10, s16;
	vm1 =	veq.s32 v0, $0x80000000;
	v3 =	vand.u32 $0xF, v0;
	v0 =	vld.msk [tilespmem:s17+$0x0 ss:$0x1], $0xffff;
	v2 =	vand.u32 $0x3FFF, v2  }
0x3f: {  	p1 =	slt.u32 s16, $0xFF0;
	v3 =	vsel vm1, $0xFFFFFFFF, v3;
	v2 =	vsel vm1, $0xFFFFFFFF, v2  }
.Ltmp3:
0x40: {  	v4 =	vshll.u32 v3, $0xE;
	v5 =	vshll.u32 v2, $0x3;
	(pc) =	sbr.rel @p1 .LBB2_3-.Ltmp3, $4  }
0x41: {  	s14 =	sadd.s32 $0x10, s14;
	v3 =	vshll.u32 v3, $0x7;
	v4 =	vand.u32 $0xFFFE0000, v4;
	v5 =	vand.u32 $0xFFFFFC00, v5;
	(ifvalue) =	ssetifvalue $0x7FFFFFFF  }
0x42: {  	v3 =	vand.u32 $0x380, v3;
	v4 =	vadd.s32 v4, v5;
	[tilespmem:s14], [sflag:$0x1] =	stream.indirect_vreg.gather [hbm4b:s3+s10], $0x1, v1, vm0, $0x4038;
	[tilespmem:$0x4000] =	vst v63  }
0x43: {  	v1 =	vand.u32 $0x7F, v2;
	v3 =	vor.u32 v3, v4  }
0x44: {  	s17 =	sadd.s32 $0x10, s17;
	v2 =	vshrl.u32 v0, $0x4;
	v1 =	vor.u32 v1, v3  }
.Ltmp4:
0x45: {  	_ = 	snop;
	(pc) =	sbr.rel .LBB2_4-.Ltmp4, $1  }
0x46: {  	_ =	sdelay $0x3  }
.LBB2_6:
0x47: {  	_ =	sfence.sel $0x180000  }
0x48: {  	s2 =	simm.s32 $0x2;
	[bflag:$0x0] =	sbarrier.arrive $0xFFFF  }
0x49: {  	s30 =	simm.s32 $0x3;
	[sflag:s2] =	ssyncpa.u1 $0x1  }
0x4a: {  	s31 =	simm.s32 $0x1;
	[sflag:s30] =	ssyncpa.u1 $0x1  }
0x4b: {  	[sflag:s31] =	ssyncpa.u1 $0x1  }
0x4c: {  	p0 =	sne.s32 s1, $0x0;
	_ =	strace $0x90000056  }
0x4d: {  	s0 =	sadd.s32 @!p0 $0x100000, s0;
	[bflag:$0x2] =	sbarrier.arrive $0xFFFF  }
0x4e: {  	[sflag:s0] =	ssyncadd.tile.s32 @!p0 $0x1;
	_ =	shalt  }
.Lfunc_end2:
_tile_overlayer_lowered:
.L_overlay_start_2:
0x4f: {  	(tag) =	ssettag $0x2  }
0x50: {  	s0 =	rddreg [dreg:$0x0];
	s2 =	stileid.u32  }
0x51: {  	s1 =	rddreg [dreg:$0x1];
	p0 =	sne.s32 s2, $0x0  }
0x52: {  	s3 =	rddreg [dreg:$0x2];
	[bflag:$0x3] =	sbarrier.arrive $0xFFFF;
	s2 =	simm.s32 @!p0 $0x1C01  }
0x53: {  	[timem:s3], [sflag:s2] =	dma.local @!p0 [hbm:s0], s1  }
0x54: {  	s0 =	simm.s32 @!p0 $0x1  }
0x55: {  	_ =	swait.ge @!p0 [sflag:s0], s1  }
0x56: {  	s1 =	ssub.s32 @!p0 $0x0, s1;
	[sflag:s0] =	ssyncset.done @!p0 $0x0  }
0x57: {  	[sflag:s0] =	ssyncadd.s32 @!p0 s1  }
0x58: {  	[bflag:$0x3] =	sbarrier.arrive $0xFFFF  }
0x59: {  	_ =	shalt  }

// kernel: gather_offload_async_start.3
scs
__scs_entry_jumppad:
0x0: {  	(pc) =	sbr.rel $0x88, $3  }
0x1: {  	(tag) =	ssettag $0x0;
	lr =	simm.s32 $0x1  }
0x2: {  	[smem:$0x3F84] =	sst lr;
	_ =	strace $0xD0000000  }
0x3: {  	_ = 	snop  }
0x4: {  	_ = 	snop  }
0x5: {  	_ = 	snop  }
0x6: {  	_ = 	snop  }
0x7: {  	_ = 	snop  }
__scs_overlays_trampoline_lowered:
0x8: {  	[smem:$0x3F93] =	sst s0  }
0x9: {  	[smem:$0x3F94] =	sst s1  }
0xa: {  	[smem:$0x3F95] =	sst s2  }
0xb: {  	[smem:$0x3F96] =	sst s3  }
0xc: {  	[smem:$0x3F97] =	sst s4  }
0xd: {  	[smem:$0x3F98] =	sst s5  }
0xe: {  	[smem:$0x3F99] =	sst s6  }
0xf: {  	[smem:$0x3F9A] =	sst s7  }
0x10: {  	[smem:$0x3F9B] =	sst s8  }
0x11: {  	[smem:$0x3F9C] =	sst s9;
	s0 =	simm.s32 @!p0 $0x0  }
0x12: {  	s1 =	sld [smem:$0x3F82];
	s0 =	simm.s32 @p0 $0x1  }
0x13: {  	[smem:$0x3F9D] =	sst s0;
	s0 =	simm.s32 @!p1 $0x0  }
0x14: {  	s2 =	sld [smem:$0x3F81];
	s0 =	simm.s32 @p1 $0x1  }
0x15: {  	[smem:$0x3F9E] =	sst s0;
	s0 =	simm.s32 @!p2 $0x0  }
0x16: {  	s3 =	sld [smem:$0x3FDB];
	s0 =	simm.s32 @p2 $0x1  }
0x17: {  	s4 =	simm.s32 $0x1BF5;
	[smem:$0x3FA0] =	sst s0  }
0x18: {  	s0 =	sld [smem:$0x3F83];
	_ =	swait.ge [sflag:s4], $0x0  }
0x19: {  	s7 =	sld [smem:$0x3F84]  }
0x1a: {  	s8 =	sadd.s32 $0xFFFFE003, lr  }
0x1b: {  	s9 =	sadd.s32 $0xFFFFFEF7, lr;
	s5 =	simm.s32 $0xFFFFFFFF;
	p2 =	slt.u32 s8, $0xFFFFF086  }
0x1c: {  	p1 =	slt.u32 s9, $0xF7A;
	s5 =	simm.s32 @!p2 $0x0  }
0x1d: {  	s5 =	simm.s32 @p1 $0x1;
	p0 =	seq.s32 s7, s2  }
0x1e: {  	s7 =	smul.u32 @!p0 $0xF7A, s2;
	p2 =	seq.s32 @!p0 s5, $0x0  }
0x1f: {  	s9 =	smul.u32 $0xF7A, s1;
	s8 =	simm.s32 @!p0 $0x1BF5;
	p2 =	por !p2, p0  }
0x20: {  	[sflag:s8] =	ssyncset.s32 @!p0 $0xFFFFF086;
	s6 =	sadd.s32 @!p0 s3, s7;
	s7 =	simm.s32 @!p0 $0x108  }
0x21: {  	s3 =	sadd.s32 s3, s9;
	s6 =	sadd.s32 @!p0 $0x88, s6;
	s7 =	simm.s32 @p2 $0x1082  }
0x22: {  	[simem:s7], [sflag:s8] =	dma.local @!p0 [hbm:s6], $0xF7A  }
0x23: {  	s9 =	sor.u32 $0xD0000000, s2;
	s6 =	simm.s32 $0x108;
	_ =	swait.ge @!p0 [sflag:s8], $0x0  }
0x24: {  	s3 =	sadd.s32 $0x88, s3;
	s6 =	simm.s32 @!p1 $0x1082;
	[sflag:s4] =	ssyncset.s32 $0xFFFFF086  }
0x25: {  	[simem:s6], [sflag:s4] =	dma.local [hbm:s3], $0xF7A  }
0x26: {  	[smem:$0x3F84] =	sst s1;
	(tag) =	ssettag s2;
	_ =	strace s9  }
0x27: {  	s1 =	sld [smem:$0x3F94]  }
0x28: {  	s2 =	sld [smem:$0x3F95]  }
0x29: {  	s4 =	sld [smem:$0x3F97]  }
0x2a: {  	p0 =	seq.s32 s5, $0x0;
	s5 =	sld [smem:$0x3F98]  }
0x2b: {  	s6 =	sld [smem:$0x3F99]  }
0x2c: {  	s7 =	sld [smem:$0x3F9A]  }
0x2d: {  	s3 =	simm.s32 $0x108;
	s8 =	sld [smem:$0x3F9B]  }
0x2e: {  	s3 =	simm.s32 @!p0 $0x1082;
	s9 =	sld [smem:$0x3F9C]  }
0x2f: {  	lr =	sadd.s32 s0, s3;
	s0 =	sld [smem:$0x3F93]  }
0x30: {  	s3 =	sld [smem:$0x3F96]  }
0x31: {  	[smem:$0x3F9F] =	sst s10  }
0x32: {  	s10 =	sld [smem:$0x3F9D];
	_ =	sdelay $0x3  }
0x33: {  	p0 =	seq.s32 s10, $0x1;
	s10 =	sld [smem:$0x3F9F];
	_ =	sdelay $0x3  }
0x34: {  	[smem:$0x3F9F] =	sst s10  }
0x35: {  	s10 =	sld [smem:$0x3F9E];
	_ =	sdelay $0x3  }
0x36: {  	p1 =	seq.s32 s10, $0x1;
	s10 =	sld [smem:$0x3F9F];
	_ =	sdelay $0x3  }
0x37: {  	[smem:$0x3F9F] =	sst s10  }
0x38: {  	s10 =	sld [smem:$0x3FA0]  }
0x39: {  	_ = 	snop;
	(pc) =	sbr.ind lr, $3  }
0x3a: {  	_ = 	snop  }
0x3b: {  	_ = 	snop  }
0x3c: {  	p2 =	seq.s32 s10, $0x1;
	s10 =	sld [smem:$0x3F9F]  }
0x3d: {  	_ =	shalt  }
0x3e: {  	_ =	shalt  }
0x3f: {  	_ =	shalt  }
0x40: {  	_ =	shalt  }
0x41: {  	_ =	shalt  }
0x42: {  	_ =	shalt  }
0x43: {  	_ =	shalt  }
0x44: {  	_ =	shalt  }
0x45: {  	_ =	shalt  }
0x46: {  	_ =	shalt  }
0x47: {  	_ =	shalt  }
0x48: {  	_ =	shalt  }
0x49: {  	_ =	shalt  }
0x4a: {  	_ =	shalt  }
0x4b: {  	_ =	shalt  }
0x4c: {  	_ =	shalt  }
0x4d: {  	_ =	shalt  }
0x4e: {  	_ =	shalt  }
0x4f: {  	_ =	shalt  }
0x50: {  	_ =	shalt  }
0x51: {  	_ =	shalt  }
0x52: {  	_ =	shalt  }
0x53: {  	_ =	shalt  }
0x54: {  	_ =	shalt  }
0x55: {  	_ =	shalt  }
0x56: {  	_ =	shalt  }
0x57: {  	_ =	shalt  }
0x58: {  	_ =	shalt  }
0x59: {  	_ =	shalt  }
0x5a: {  	_ =	shalt  }
0x5b: {  	_ =	shalt  }
0x5c: {  	_ =	shalt  }
0x5d: {  	_ =	shalt  }
0x5e: {  	_ =	shalt  }
0x5f: {  	_ =	shalt  }
0x60: {  	_ =	shalt  }
0x61: {  	_ =	shalt  }
0x62: {  	_ =	shalt  }
0x63: {  	_ =	shalt  }
0x64: {  	_ =	shalt  }
0x65: {  	_ =	shalt  }
0x66: {  	_ =	shalt  }
0x67: {  	_ =	shalt  }
0x68: {  	_ =	shalt  }
0x69: {  	_ =	shalt  }
0x6a: {  	_ =	shalt  }
0x6b: {  	_ =	shalt  }
0x6c: {  	_ =	shalt  }
0x6d: {  	_ =	shalt  }
0x6e: {  	_ =	shalt  }
0x6f: {  	_ =	shalt  }
0x70: {  	_ =	shalt  }
0x71: {  	_ =	shalt  }
0x72: {  	_ =	shalt  }
0x73: {  	_ =	shalt  }
0x74: {  	_ =	shalt  }
0x75: {  	_ =	shalt  }
0x76: {  	_ =	shalt  }
0x77: {  	_ =	shalt  }
0x78: {  	_ =	shalt  }
0x79: {  	_ =	shalt  }
0x7a: {  	_ =	shalt  }
0x7b: {  	_ =	shalt  }
0x7c: {  	_ =	shalt  }
0x7d: {  	_ =	shalt  }
0x7e: {  	_ =	shalt  }
0x7f: {  	_ =	shalt  }
0x80: {  	_ =	shalt  }
0x81: {  	_ =	shalt  }
0x82: {  	_ =	shalt  }
0x83: {  	_ =	shalt  }
0x84: {  	_ =	shalt  }
0x85: {  	_ =	shalt  }
0x86: {  	_ =	shalt  }
0x87: {  	_ =	shalt  }
.Lfunc_end0:
.L_simem_size_0:
called_computation.9_lowered:
.L_overlay_start_0:
0x88: {  	s2 =	sld [smem:$0x3FD9]  }
0x89: {  	s3 =	sld [smem:$0x3FFE];
	_ =	sdelay $0x1  }
0x8a: {  	s1 =	srdreg.scid  }
0x8b: {  	s0 =	sand.u32 $0x1, s1  }
0x8c: {  	s17 =	sshll.u32 s0, $0xA;
	s2 =	sadd.s32 s3, s2  }
0x8d: {  	s2 =	sadd.s32 s2, s17  }
0x8e: {  	[smem:$0x3FAB] =	sst s2  }
0x8f: {  	_ = 	snop  }
0x90: {  	s18 =	sld [smem:$0x3FD0];
	(tm) =	ssettm $0x1  }
0x91: {  	s19 =	sld [smem:$0x3FFB];
	_ =	sdelay $0x3  }
0x92: {  	_ =	strace s19  }
0x93: {  	s2 =	sld [smem:$0x3FFC];
	_ =	sdelay $0x3  }
0x94: {  	_ =	strace s2  }
0x95: {  	s2 =	sld [smem:$0x3FFD];
	_ =	sdelay $0x3  }
0x96: {  	_ =	strace s2  }
0x97: {  	_ =	strace $0x8FFFFFFF  }
0x98: {  	s20 =	sld [smem:$0x3FDB];
	_ =	sdelay $0x1  }
0x99: {  	s4 =	simm.s32 $_scs_section_size  }
0x9a: {  	s5 =	simm.s32 $_size__tile_overlayer_lowered;
	s6 =	simm.s32 $_tile_overlayer_lowered  }
0x9b: {  	s7 =	simm.s32 $0x1BFF;
	s21 =	sshll.u32 s6, $0x1;
	s4 =	sadd.s32 s4, s20  }
0x9c: {  	s22 =	simm.s32 $0x0;
	s5 =	sshll.u32 s5, $0x1;
	s6 =	sadd.s32 s21, s4  }
0x9d: {  	[timem:s22], [sflag:s7] =	dma.local [hbm:s6], s5  }
0x9e: {  	_ =	swait.ge [sflag:s7], s5  }
0x9f: {  	s5 =	ssub.s32 $0x0, s5;
	[sflag:s7] =	ssyncset.done $0x0  }
0xa0: {  	[sflag:s7] =	ssyncadd.s32 s5;
	_ =	sdelay $0x1  }
0xa1: {  	s23 =	simm.s32 $0x1B8B  }
0xa2: {  	_ =	swait.ge [sflag:s23], $0x1  }
0xa3: {  	[sflag:s23] =	ssyncset.done $0x0  }
0xa4: {  	[sflag:s23] =	ssyncadd.s32 $0xFFFFFFFF  }
0xa5: {  	s5 =	sld [smem:$0x0]  }
0xa6: {  	s6 =	sand.u32 $0xFFFFFFFE, s1  }
0xa7: {  	p0 =	sne.s32 s1, s6  }
0xa8: {  	s6 =	sshll.u32 @p0 s6, $0xE  }
0xa9: {  	s6 =	sadd.s32 @p0 $0x11B8D, s6;
	s7 =	sshll.u32 @p0 s5, $0x11  }
0xaa: {  	s6 =	sor.u32 @p0 s7, s6  }
0xab: {  	[sflag:s6] =	ssyncadd.remote.s32 @p0 $0x1;
	_ =	sdelay $0x1  }
0xac: {  	s6 =	simm.s32 @p0 $0x1B8D  }
0xad: {  	_ =	swait.eq @p0 [sflag:s6], $0x1  }
0xae: {  	[sflag:s6] =	ssyncadd.s32 @p0 $0xFFFFFFFF  }
0xaf: {  	s7 =	sshll.u32 @!p0 s1, $0xE  }
0xb0: {  	s7 =	sor.u32 @!p0 $0x4000, s7;
	s6 =	simm.s32 @!p0 $0x1B8D  }
0xb1: {  	s5 =	sshll.u32 @!p0 s5, $0x11;
	s7 =	sadd.s32 @!p0 $0x11B8D, s7;
	_ =	swait.eq @!p0 [sflag:s6], $0x1  }
0xb2: {  	s5 =	sor.u32 @!p0 s5, s7;
	[sflag:s6] =	ssyncadd.s32 @!p0 $0xFFFFFFFF  }
0xb3: {  	s25 =	simm.s32 $0x1B8E;
	s24 =	sld [smem:$0x3FFE];
	[sflag:s5] =	ssyncadd.remote.s32 @!p0 $0x1  }
0xb4: {  	s26 =	simm.s32 $execute0_lowered;
	[smem:$0x3FD2] =	sst s25  }
0xb5: {  	s6 =	sshll.u32 s26, $0x1;
	_ =	strace $0x8000006A;
	[dreg:$0x1] =	wrdreg $0xFFFFFFFF  }
0xb6: {  	s28 =	simm.s32 $_size_execute0_lowered;
	s4 =	sadd.s32 s4, s6;
	[dreg:$0x0] =	wrdreg $0x0  }
0xb7: {  	s6 =	sshll.u32 s28, $0x1;
	[dreg:$0x2] =	wrdreg s4  }
0xb8: {  	[dreg:$0x3] =	wrdreg s6  }
0xb9: {  	[dreg:$0x4] =	wrdreg $0xC0  }
0xba: {  	_ =	task [dreg:s22], $0x5FFFF  }
0xbb: {  	[dreg:$0x1] =	wrdreg $0xFFFFFFFF  }
0xbc: {  	[dreg:$0x0] =	wrdreg $0x60  }
0xbd: {  	[dreg:$0x2] =	wrdreg s18  }
0xbe: {  	[dreg:$0x3] =	wrdreg s24  }
0xbf: {  	[dreg:$0x4] =	wrdreg $0x9  }
0xc0: {  	_ =	task.clear_ibuf [dreg:s22], $0x5FFFF;
	_ =	strace $0x9000006A  }
0xc1: {  	s29 =	simm.s32 $0x9;
	_ =	strace $0x8000006C  }
0xc2: {  	_ =	swait.ge [sflag:s29], $0x1  }
0xc3: {  	[sflag:s29] =	ssyncadd.s32 $0xFFFFFFFF  }
0xc4: {  	_ =	strace $0x9000006C  }
0xc5: {  	_ =	sfence  }
0xc6: {  	s30 =	sld [smem:$0x0];
	_ =	sdelay $0x2  }
0xc7: {  	s31 =	sshll.u32 s1, $0xD;
	s1 =	sshrl.u32 s1, $0x2  }
0xc8: {  	s4 =	sand.u32 $0x4000, s31;
	s1 =	sadd.s32 s1, s30  }
0xc9: {  	s0 =	sor.u32 s4, s0;
	s1 =	sshll.u32 s1, $0x11  }
0xca: {  	s0 =	sor.u32 s1, s0  }
0xcb: {  	s0 =	sadd.s32 $0x8F2B, s0  }
0xcc: {  	[sflag:s0] =	ssyncadd.remote.s32 $0x1  }
0xcd: {  	_ =	sfence.sel $0xFFFF  }
0xce: {  	[dreg:$0x0] =	wrdreg $0xFFFFFFFF;
	(pc) =	sbr.abs _section_cstart, $3  }
0xcf: {  	[dreg:$0x1] =	wrdreg $0xFFFFFFFF  }
0xd0: {  	_ =	task.clear_ibuf [dreg:s22], $0x2FFFF;
	_ =	strace $0x9FFFFFFF  }
0xd1: {  	(tm) =	ssettm $0x7FFFFFFF  }
tec
execute0_lowered:
.L_overlay_start_1:
0x0: {  	(tag) =	ssettag $0x1  }
0x1: {  	s2 =	rddreg [dreg:$0x0]  }
0x2: {  	s7 =	rddreg [dreg:$0x1]  }
0x3: {  	s0 =	rddreg [dreg:$0x2]  }
0x4: {  	s1 =	srdreg.scid;
	_ =	strace $0x8000006B;
	s4 =	simm.s32 $0x1  }
0x5: {  	s9 =	simm.s32 $0x3;
	s11 =	simm.s32 $0x0;
	s5 =	sshll.u32 s1, $0x4  }
.Ltmp0:
0x6: {  	s1 =	stileid.u32;
	s5 =	sand.u32 $0x10, s5;
	(pc) =	sbr.rel .LBB2_1-.Ltmp0, $4  }
0x7: {  	p0 =	por $0x0, $0x0;
	s3 =	sadd.s32 $0x125200, s7;
	s6 =	sor.u32 s1, s5  }
0x8: {  	[sflag:s4] =	ssyncpa.u1 $0x0;
	s5 =	simm.s32 $0x2;
	s6 =	sshll.u32 s6, $0xD  }
0x9: {  	s7 =	sadd.s32 $0x13D200, s7;
	[sflag:s5] =	ssyncpa.u1 $0x0;
	s8 =	sadd.s32 $0x2000, s6  }
0xa: {  	vm0 =	vmmov $0xff;
	vm1 =	vcmask $0x3F20;
	[sflag:s9] =	ssyncpa.u1 $0x0;
	s10 =	smov.u32 s6;
	s9 =	simm.s32 $0x0  }
.LBB2_7:
0xb: {  	p1 =	slt.u32 s9, $0x2;
	s11 =	sadd.s32 $0x100, s10  }
0xc: {  	s13 =	smov.u32 s6;
	s9 =	sadd.s32 $0x1, s9;
	p2 =	slt.s32 s11, s8  }
0xd: {  	s13 =	smov.u32 @p2 s11;
	p2 =	sne.s32 s9, $0x22  }
.Ltmp1:
0xe: {  	_ = 	snop;
	(pc) =	sbr.rel @!p2 .LBB2_8-.Ltmp1, $4  }
0xf: {  	s12 =	simm.s32 @!p1 $0x3  }
0x10: {  	_ =	swait.ge @!p1 [sflag:s12], $0x8000  }
0x11: {  	p0 =	por !p0, !p0;
	[sflag:s12] =	ssyncset.done @!p1 $0x0  }
0x12: {  	s11 =	smov.u32 s10;
	s10 =	smov.u32 s13;
	[sflag:s12] =	ssyncadd.s32 @!p1 $0xFFFF8000  }
.LBB2_1:
0x13: {  	p1 =	sgt.u32 s9, $0x1F  }
0x14: {  	s12 =	sxor.u32 @!p1 $0xFFFFFFFF, s9  }
0x15: {  	s13 =	sshrl.u32 @!p1 s10, $0x3;
	s12 =	sshll.u32 @!p1 s12, $0x8  }
0x16: {  	s14 =	sand.u32 @!p1 $0x7, s10;
	s13 =	sadd.s32 @!p1 s3, s13;
	s12 =	sand.u32 @!p1 $0x100, s12  }
0x17: {  	[tilespmem:s12], [sflag:$0x2] =	stream.linear.gather @!p1 [hbm4b:s13+s14], $0x100, $0x38;
	[tilespmem:$0x10200] =	vst v63  }
0x18: {  	p1 =	seq.s32 s9, $0x0  }
0x19: {  	p2 =	seq.s32 @!p1 s9, $0x21  }
0x1a: {  	p1 =	por p1, p2  }
.Ltmp2:
0x1b: {  	_ = 	snop;
	(pc) =	sbr.rel @p1 .LBB2_7-.Ltmp2, $1  }
0x1c: {  	_ =	sdelay $0x3  }
0x1d: {  	s12 =	simm.s32 $0x1  }
0x1e: {  	_ =	swait.ge [sflag:s5], $0x100;
	s12 =	simm.s32 @!p0 $0x0  }
0x1f: {  	[sflag:s5] =	ssyncset.done $0x0;
	s14 =	sshll.u32 s12, $0x8  }
0x20: {  	[sflag:s5] =	ssyncadd.s32 $0xFFFFFF00;
	s13 =	sadd.s32 $0x0, s14  }
0x21: {  	v0 =	vld.msk [tilespmem:s13+$0x0 ss:$0x1], $0xffff;
	_ =	sdelay $0x4  }
0x22: {  	v1 =	vshll.u32 v0, $0x3  }
0x23: {  	vm2 =	veq.s32 v0, $0x80000000;
	v0 =	vshll.u32 v0, $0x15;
	v1 =	vand.u32 $0x1FFF80, v1  }
0x24: {  	v0 =	vand.u32 $0x1E00000, v0;
	v1 =	vsel vm2, $0xFFFFFF80, v1  }
0x25: {  	v0 =	vsel vm2, $0xFFE00000, v0;
	v2 =	vand.u32 $0xFFFFFC00, v1  }
0x26: {  	v1 =	vand.u32 $0x380, v1;
	v0 =	vadd.s32 v0, v2  }
0x27: {  	v0 =	vor.u32 v1, v0  }
0x28: {  	v0 =	vshrl.u32 v0, $0x3;
	_ =	sdelay $0x2  }
0x29: {  	s12 =	sshll.u32 s12, $0xF  }
0x2a: {  	s12 =	sor.u32 $0x200, s12  }
0x2b: {  	[tilespmem:s12], [sflag:$0x1] =	stream.indirect_vreg.gather [hbm:s2], $0x80, v0, vm0, $0x38;
	[tilespmem:$0x10200] =	vst v63  }
0x2c: {  	s15 =	sadd.s32 $0x10, s14;
	s13 =	sadd.s32 $0x400, s12  }
0x2d: {  	[tilespmem:s13], [sflag:$0x1] =	stream.indirect_vreg.gather [hbm:s2], $0x80, v0, vm1, $0x38;
	[tilespmem:$0x10200] =	vst v63  }
0x2e: {  	s16 =	simm.s32 $0x80;
	v0 =	vld.msk [tilespmem:s15+$0x0 ss:$0x1], $0xffff;
	s15 =	smov.u32 s12  }
.LBB2_3:
0x2f: {  	p1 =	sne.s32 s16, $0x3C0;
	_ =	sdelay $0x4  }
0x30: {  	v1 =	vshll.u32 v0, $0x3  }
0x31: {  	vm2 =	veq.s32 v0, $0x80000000;
	v0 =	vshll.u32 v0, $0x15;
	v1 =	vand.u32 $0x1FFF80, v1  }
0x32: {  	v0 =	vand.u32 $0x1E00000, v0;
	v1 =	vsel vm2, $0xFFFFFF80, v1  }
0x33: {  	v0 =	vsel vm2, $0xFFE00000, v0;
	v2 =	vand.u32 $0xFFFFFC00, v1  }
0x34: {  	v1 =	vand.u32 $0x380, v1;
	v0 =	vadd.s32 v0, v2  }
0x35: {  	v0 =	vor.u32 v1, v0  }
0x36: {  	v0 =	vshrl.u32 v0, $0x3;
	_ =	sdelay $0x3  }
.Ltmp3:
0x37: {  	s17 =	sshra.s32 s16, $0x2;
	s15 =	sadd.s32 $0x800, s15;
	(pc) =	sbr.rel @p1 .LBB2_3-.Ltmp3, $4  }
0x38: {  	[tilespmem:s15], [sflag:$0x1] =	stream.indirect_vreg.gather [hbm:s2], $0x80, v0, vm0, $0x38;
	[tilespmem:$0x10200] =	vst v63  }
0x39: {  	s17 =	sadd.s32 s17, s14;
	s18 =	sadd.s32 $0x400, s15  }
0x3a: {  	[tilespmem:s18], [sflag:$0x1] =	stream.indirect_vreg.gather [hbm:s2], $0x80, v0, vm1, $0x38;
	[tilespmem:$0x10200] =	vst v63  }
0x3b: {  	s16 =	sadd.s32 $0x40, s16;
	v0 =	vld.msk [tilespmem:s17+$0x0 ss:$0x1], $0xffff  }
0x3c: {  	_ =	sdelay $0x3  }
0x3d: {  	v1 =	vshll.u32 v0, $0x3  }
0x3e: {  	vm2 =	veq.s32 v0, $0x80000000;
	v63 =	vshll.u32 v0, $0x15;
	v1 =	vand.u32 $0x1FFF80, v1  }
0x3f: {  	v0 =	vand.u32 $0x1E00000, v63;
	v1 =	vsel vm2, $0xFFFFFF80, v1  }
0x40: {  	v0 =	vsel vm2, $0xFFE00000, v0;
	v2 =	vand.u32 $0xFFFFFC00, v1  }
0x41: {  	v1 =	vand.u32 $0x380, v1;
	v0 =	vadd.s32 v0, v2  }
0x42: {  	v0 =	vor.u32 v1, v0  }
0x43: {  	v0 =	vshrl.u32 v0, $0x3;
	_ =	sdelay $0x3  }
0x44: {  	s14 =	sadd.s32 $0x800, s15  }
0x45: {  	[tilespmem:s14], [sflag:$0x1] =	stream.indirect_vreg.gather [hbm:s2], $0x80, v0, vm0, $0x38;
	[tilespmem:$0x10200] =	vst v63  }
0x46: {  	s14 =	sadd.s32 $0x400, s14  }
0x47: {  	[tilespmem:s14], [sflag:$0x1] =	stream.indirect_vreg.gather [hbm:s2], $0x80, v0, vm1, $0x38;
	[tilespmem:$0x10200] =	vst v63  }
0x48: {  	s11 =	sshll.u32 s11, $0x4;
	_ =	swait.ge [sflag:s4], $0x8000  }
0x49: {  	s11 =	sadd.s32 s11, s7;
	[sflag:s4] =	ssyncset.done $0x0  }
0x4a: {  	s15 =	sadd.s32 $0x0, s11;
	s14 =	simm.s32 $0x80;
	[sflag:s4] =	ssyncadd.s32 $0xFFFF8000  }
.LBB2_5:
0x4b: {  	[hbm:s15] =	stream.linear.scatter [tilespmem:s12], [sflag:$0x3], $0x400, $0x38;
	[tilespmem:$0x10200] =	vst v63  }
0x4c: {  	s15 =	smov.u32 s14;
	s12 =	smov.u32 s13;
	p1 =	sne.s32 s14, $0xF80  }
.Ltmp4:
0x4d: {  	s14 =	sadd.s32 $0x80, s14;
	(pc) =	sbr.rel @p1 .LBB2_5-.Ltmp4, $2  }
0x4e: {  	_ =	sdelay $0x2  }
0x4f: {  	s13 =	sadd.s32 $0x400, s13;
	s15 =	sadd.s32 s15, s11  }
.Ltmp5:
0x50: {  	(pc) =	sbr.rel .LBB2_7-.Ltmp5, $2  }
0x51: {  	_ =	sdelay $0x2  }
0x52: {  	[hbm:s15] =	stream.linear.scatter [tilespmem:s12], [sflag:$0x3], $0x400, $0x38;
	[tilespmem:$0x10200] =	vst v63  }
.LBB2_8:
0x53: {  	_ =	sfence.sel $0x180000  }
0x54: {  	s2 =	simm.s32 $0x2;
	[bflag:$0x0] =	sbarrier.arrive $0xFFFF  }
0x55: {  	s30 =	simm.s32 $0x3;
	[sflag:s2] =	ssyncpa.u1 $0x1  }
0x56: {  	s31 =	simm.s32 $0x1;
	[sflag:s30] =	ssyncpa.u1 $0x1  }
0x57: {  	[sflag:s31] =	ssyncpa.u1 $0x1  }
0x58: {  	p0 =	sne.s32 s1, $0x0;
	_ =	strace $0x9000006B  }
0x59: {  	s0 =	sadd.s32 @!p0 $0x100000, s0;
	[bflag:$0x2] =	sbarrier.arrive $0xFFFF  }
0x5a: {  	[sflag:s0] =	ssyncadd.tile.s32 @!p0 $0x1;
	_ =	shalt  }
.Lfunc_end2:
_tile_overlayer_lowered:
.L_overlay_start_2:
0x5b: {  	(tag) =	ssettag $0x2  }
0x5c: {  	s0 =	rddreg [dreg:$0x0];
	s2 =	stileid.u32  }
0x5d: {  	s1 =	rddreg [dreg:$0x1];
	p0 =	sne.s32 s2, $0x0  }
0x5e: {  	s3 =	rddreg [dreg:$0x2];
	[bflag:$0x3] =	sbarrier.arrive $0xFFFF;
	s2 =	simm.s32 @!p0 $0x1C01  }
0x5f: {  	[timem:s3], [sflag:s2] =	dma.local @!p0 [hbm:s0], s1  }
0x60: {  	s0 =	simm.s32 @!p0 $0x1  }
0x61: {  	_ =	swait.ge @!p0 [sflag:s0], s1  }
0x62: {  	s1 =	ssub.s32 @!p0 $0x0, s1;
	[sflag:s0] =	ssyncset.done @!p0 $0x0  }
0x63: {  	[sflag:s0] =	ssyncadd.s32 @!p0 s1  }
0x64: {  	[bflag:$0x3] =	sbarrier.arrive $0xFFFF  }
0x65: {  	_ =	shalt  }

// kernel: gather_offload_async_start.4
scs
__scs_entry_jumppad:
0x0: {  	(pc) =	sbr.rel $0x88, $3  }
0x1: {  	(tag) =	ssettag $0x0;
	lr =	simm.s32 $0x1  }
0x2: {  	[smem:$0x3F84] =	sst lr;
	_ =	strace $0xD0000000  }
0x3: {  	_ = 	snop  }
0x4: {  	_ = 	snop  }
0x5: {  	_ = 	snop  }
0x6: {  	_ = 	snop  }
0x7: {  	_ = 	snop  }
__scs_overlays_trampoline_lowered:
0x8: {  	[smem:$0x3F93] =	sst s0  }
0x9: {  	[smem:$0x3F94] =	sst s1  }
0xa: {  	[smem:$0x3F95] =	sst s2  }
0xb: {  	[smem:$0x3F96] =	sst s3  }
0xc: {  	[smem:$0x3F97] =	sst s4  }
0xd: {  	[smem:$0x3F98] =	sst s5  }
0xe: {  	[smem:$0x3F99] =	sst s6  }
0xf: {  	[smem:$0x3F9A] =	sst s7  }
0x10: {  	[smem:$0x3F9B] =	sst s8  }
0x11: {  	[smem:$0x3F9C] =	sst s9;
	s0 =	simm.s32 @!p0 $0x0  }
0x12: {  	s1 =	sld [smem:$0x3F82];
	s0 =	simm.s32 @p0 $0x1  }
0x13: {  	[smem:$0x3F9D] =	sst s0;
	s0 =	simm.s32 @!p1 $0x0  }
0x14: {  	s2 =	sld [smem:$0x3F81];
	s0 =	simm.s32 @p1 $0x1  }
0x15: {  	[smem:$0x3F9E] =	sst s0;
	s0 =	simm.s32 @!p2 $0x0  }
0x16: {  	s3 =	sld [smem:$0x3FDB];
	s0 =	simm.s32 @p2 $0x1  }
0x17: {  	s4 =	simm.s32 $0x1BF5;
	[smem:$0x3FA0] =	sst s0  }
0x18: {  	s0 =	sld [smem:$0x3F83];
	_ =	swait.ge [sflag:s4], $0x0  }
0x19: {  	s7 =	sld [smem:$0x3F84]  }
0x1a: {  	s8 =	sadd.s32 $0xFFFFE003, lr  }
0x1b: {  	s9 =	sadd.s32 $0xFFFFFEF7, lr;
	s5 =	simm.s32 $0xFFFFFFFF;
	p2 =	slt.u32 s8, $0xFFFFF086  }
0x1c: {  	p1 =	slt.u32 s9, $0xF7A;
	s5 =	simm.s32 @!p2 $0x0  }
0x1d: {  	s5 =	simm.s32 @p1 $0x1;
	p0 =	seq.s32 s7, s2  }
0x1e: {  	s7 =	smul.u32 @!p0 $0xF7A, s2;
	p2 =	seq.s32 @!p0 s5, $0x0  }
0x1f: {  	s9 =	smul.u32 $0xF7A, s1;
	s8 =	simm.s32 @!p0 $0x1BF5;
	p2 =	por !p2, p0  }
0x20: {  	[sflag:s8] =	ssyncset.s32 @!p0 $0xFFFFF086;
	s6 =	sadd.s32 @!p0 s3, s7;
	s7 =	simm.s32 @!p0 $0x108  }
0x21: {  	s3 =	sadd.s32 s3, s9;
	s6 =	sadd.s32 @!p0 $0x88, s6;
	s7 =	simm.s32 @p2 $0x1082  }
0x22: {  	[simem:s7], [sflag:s8] =	dma.local @!p0 [hbm:s6], $0xF7A  }
0x23: {  	s9 =	sor.u32 $0xD0000000, s2;
	s6 =	simm.s32 $0x108;
	_ =	swait.ge @!p0 [sflag:s8], $0x0  }
0x24: {  	s3 =	sadd.s32 $0x88, s3;
	s6 =	simm.s32 @!p1 $0x1082;
	[sflag:s4] =	ssyncset.s32 $0xFFFFF086  }
0x25: {  	[simem:s6], [sflag:s4] =	dma.local [hbm:s3], $0xF7A  }
0x26: {  	[smem:$0x3F84] =	sst s1;
	(tag) =	ssettag s2;
	_ =	strace s9  }
0x27: {  	s1 =	sld [smem:$0x3F94]  }
0x28: {  	s2 =	sld [smem:$0x3F95]  }
0x29: {  	s4 =	sld [smem:$0x3F97]  }
0x2a: {  	p0 =	seq.s32 s5, $0x0;
	s5 =	sld [smem:$0x3F98]  }
0x2b: {  	s6 =	sld [smem:$0x3F99]  }
0x2c: {  	s7 =	sld [smem:$0x3F9A]  }
0x2d: {  	s3 =	simm.s32 $0x108;
	s8 =	sld [smem:$0x3F9B]  }
0x2e: {  	s3 =	simm.s32 @!p0 $0x1082;
	s9 =	sld [smem:$0x3F9C]  }
0x2f: {  	lr =	sadd.s32 s0, s3;
	s0 =	sld [smem:$0x3F93]  }
0x30: {  	s3 =	sld [smem:$0x3F96]  }
0x31: {  	[smem:$0x3F9F] =	sst s10  }
0x32: {  	s10 =	sld [smem:$0x3F9D];
	_ =	sdelay $0x3  }
0x33: {  	p0 =	seq.s32 s10, $0x1;
	s10 =	sld [smem:$0x3F9F];
	_ =	sdelay $0x3  }
0x34: {  	[smem:$0x3F9F] =	sst s10  }
0x35: {  	s10 =	sld [smem:$0x3F9E];
	_ =	sdelay $0x3  }
0x36: {  	p1 =	seq.s32 s10, $0x1;
	s10 =	sld [smem:$0x3F9F];
	_ =	sdelay $0x3  }
0x37: {  	[smem:$0x3F9F] =	sst s10  }
0x38: {  	s10 =	sld [smem:$0x3FA0]  }
0x39: {  	_ = 	snop;
	(pc) =	sbr.ind lr, $3  }
0x3a: {  	_ = 	snop  }
0x3b: {  	_ = 	snop  }
0x3c: {  	p2 =	seq.s32 s10, $0x1;
	s10 =	sld [smem:$0x3F9F]  }
0x3d: {  	_ =	shalt  }
0x3e: {  	_ =	shalt  }
0x3f: {  	_ =	shalt  }
0x40: {  	_ =	shalt  }
0x41: {  	_ =	shalt  }
0x42: {  	_ =	shalt  }
0x43: {  	_ =	shalt  }
0x44: {  	_ =	shalt  }
0x45: {  	_ =	shalt  }
0x46: {  	_ =	shalt  }
0x47: {  	_ =	shalt  }
0x48: {  	_ =	shalt  }
0x49: {  	_ =	shalt  }
0x4a: {  	_ =	shalt  }
0x4b: {  	_ =	shalt  }
0x4c: {  	_ =	shalt  }
0x4d: {  	_ =	shalt  }
0x4e: {  	_ =	shalt  }
0x4f: {  	_ =	shalt  }
0x50: {  	_ =	shalt  }
0x51: {  	_ =	shalt  }
0x52: {  	_ =	shalt  }
0x53: {  	_ =	shalt  }
0x54: {  	_ =	shalt  }
0x55: {  	_ =	shalt  }
0x56: {  	_ =	shalt  }
0x57: {  	_ =	shalt  }
0x58: {  	_ =	shalt  }
0x59: {  	_ =	shalt  }
0x5a: {  	_ =	shalt  }
0x5b: {  	_ =	shalt  }
0x5c: {  	_ =	shalt  }
0x5d: {  	_ =	shalt  }
0x5e: {  	_ =	shalt  }
0x5f: {  	_ =	shalt  }
0x60: {  	_ =	shalt  }
0x61: {  	_ =	shalt  }
0x62: {  	_ =	shalt  }
0x63: {  	_ =	shalt  }
0x64: {  	_ =	shalt  }
0x65: {  	_ =	shalt  }
0x66: {  	_ =	shalt  }
0x67: {  	_ =	shalt  }
0x68: {  	_ =	shalt  }
0x69: {  	_ =	shalt  }
0x6a: {  	_ =	shalt  }
0x6b: {  	_ =	shalt  }
0x6c: {  	_ =	shalt  }
0x6d: {  	_ =	shalt  }
0x6e: {  	_ =	shalt  }
0x6f: {  	_ =	shalt  }
0x70: {  	_ =	shalt  }
0x71: {  	_ =	shalt  }
0x72: {  	_ =	shalt  }
0x73: {  	_ =	shalt  }
0x74: {  	_ =	shalt  }
0x75: {  	_ =	shalt  }
0x76: {  	_ =	shalt  }
0x77: {  	_ =	shalt  }
0x78: {  	_ =	shalt  }
0x79: {  	_ =	shalt  }
0x7a: {  	_ =	shalt  }
0x7b: {  	_ =	shalt  }
0x7c: {  	_ =	shalt  }
0x7d: {  	_ =	shalt  }
0x7e: {  	_ =	shalt  }
0x7f: {  	_ =	shalt  }
0x80: {  	_ =	shalt  }
0x81: {  	_ =	shalt  }
0x82: {  	_ =	shalt  }
0x83: {  	_ =	shalt  }
0x84: {  	_ =	shalt  }
0x85: {  	_ =	shalt  }
0x86: {  	_ =	shalt  }
0x87: {  	_ =	shalt  }
.Lfunc_end0:
.L_simem_size_0:
called_computation.10_lowered:
.L_overlay_start_0:
0x88: {  	s2 =	sld [smem:$0x3FD9]  }
0x89: {  	s3 =	sld [smem:$0x3FFE];
	_ =	sdelay $0x1  }
0x8a: {  	s1 =	srdreg.scid  }
0x8b: {  	s0 =	sand.u32 $0x1, s1  }
0x8c: {  	s16 =	sshll.u32 s0, $0xA;
	s2 =	sadd.s32 s3, s2  }
0x8d: {  	s2 =	sadd.s32 s2, s16  }
0x8e: {  	[smem:$0x3FAB] =	sst s2  }
0x8f: {  	_ = 	snop  }
0x90: {  	(tm) =	ssettm $0x1  }
0x91: {  	s17 =	sld [smem:$0x3FFB];
	_ =	sdelay $0x3  }
0x92: {  	_ =	strace s17  }
0x93: {  	s2 =	sld [smem:$0x3FFC];
	_ =	sdelay $0x3  }
0x94: {  	_ =	strace s2  }
0x95: {  	s2 =	sld [smem:$0x3FFD];
	_ =	sdelay $0x3  }
0x96: {  	_ =	strace s2  }
0x97: {  	_ =	strace $0x8FFFFFFF  }
0x98: {  	s18 =	sld [smem:$0x3FDB];
	_ =	sdelay $0x1  }
0x99: {  	s19 =	simm.s32 $_scs_section_size  }
0x9a: {  	s4 =	simm.s32 $_size__tile_overlayer_lowered;
	s5 =	simm.s32 $_tile_overlayer_lowered  }
0x9b: {  	s22 =	simm.s32 $0x1BFF;
	s21 =	sshll.u32 s5, $0x1;
	s2 =	sadd.s32 s19, s18  }
0x9c: {  	s6 =	simm.s32 $0x0;
	s20 =	sshll.u32 s4, $0x1;
	s4 =	sadd.s32 s21, s2  }
0x9d: {  	[timem:s6], [sflag:s22] =	dma.local [hbm:s4], s20  }
0x9e: {  	_ =	swait.ge [sflag:s22], s20  }
0x9f: {  	s3 =	ssub.s32 $0x0, s20;
	[sflag:s22] =	ssyncset.done $0x0  }
0xa0: {  	[sflag:s22] =	ssyncadd.s32 s3;
	_ =	sdelay $0x1  }
0xa1: {  	s23 =	simm.s32 $0x1B8B  }
0xa2: {  	_ =	swait.ge [sflag:s23], $0x1  }
0xa3: {  	[sflag:s23] =	ssyncset.done $0x0  }
0xa4: {  	s25 =	simm.s32 $0x1B8E;
	s24 =	sld [smem:$0x3FFE];
	[sflag:s23] =	ssyncadd.s32 $0xFFFFFFFF  }
0xa5: {  	s26 =	simm.s32 $execute0_lowered;
	[smem:$0x3FD2] =	sst s25  }
0xa6: {  	s4 =	sshll.u32 s26, $0x1;
	_ =	strace $0x80000067;
	[dreg:$0x1] =	wrdreg $0xFFFFFFFF  }
0xa7: {  	s28 =	simm.s32 $_size_execute0_lowered;
	s2 =	sadd.s32 s2, s4;
	[dreg:$0x0] =	wrdreg $0x0  }
0xa8: {  	s4 =	sshll.u32 s28, $0x1;
	[dreg:$0x2] =	wrdreg s2  }
0xa9: {  	[dreg:$0x3] =	wrdreg s4  }
0xaa: {  	[dreg:$0x4] =	wrdreg $0xC0  }
0xab: {  	_ =	task [dreg:s6], $0x5FFFF  }
0xac: {  	[dreg:$0x1] =	wrdreg $0xFFFFFFFF  }
0xad: {  	[dreg:$0x0] =	wrdreg $0x60  }
0xae: {  	[dreg:$0x2] =	wrdreg s24  }
0xaf: {  	[dreg:$0x3] =	wrdreg $0xA  }
0xb0: {  	_ =	task.clear_ibuf [dreg:s6], $0x4FFFF;
	_ =	strace $0x90000067  }
0xb1: {  	s29 =	simm.s32 $0xA;
	_ =	strace $0x80000069  }
0xb2: {  	_ =	swait.ge [sflag:s29], $0x1  }
0xb3: {  	[sflag:s29] =	ssyncadd.s32 $0xFFFFFFFF  }
0xb4: {  	_ =	strace $0x90000069  }
0xb5: {  	_ =	sfence  }
0xb6: {  	s30 =	sld [smem:$0x0];
	_ =	sdelay $0x2  }
0xb7: {  	s31 =	sshll.u32 s1, $0xD;
	s1 =	sshrl.u32 s1, $0x2  }
0xb8: {  	s3 =	sand.u32 $0x4000, s31;
	s1 =	sadd.s32 s1, s30  }
0xb9: {  	s0 =	sor.u32 s3, s0;
	s1 =	sshll.u32 s1, $0x11  }
0xba: {  	s0 =	sor.u32 s1, s0  }
0xbb: {  	s0 =	sadd.s32 $0x8F2B, s0  }
0xbc: {  	[sflag:s0] =	ssyncadd.remote.s32 $0x1  }
0xbd: {  	_ =	sfence.sel $0xFFFF  }
0xbe: {  	[dreg:$0x0] =	wrdreg $0xFFFFFFFF;
	(pc) =	sbr.abs _section_cstart, $3  }
0xbf: {  	[dreg:$0x1] =	wrdreg $0xFFFFFFFF  }
0xc0: {  	_ =	task.clear_ibuf [dreg:s6], $0x2FFFF;
	_ =	strace $0x9FFFFFFF  }
0xc1: {  	(tm) =	ssettm $0x7FFFFFFF  }
tec
execute0_lowered:
.L_overlay_start_1:
0x0: {  	(tag) =	ssettag $0x1  }
0x1: {  	s0 =	srdreg.scid;
	s5 =	rddreg [dreg:$0x0]  }
0x2: {  	s1 =	stileid.u32;
	s6 =	simm.s32 $0x1;
	s9 =	simm.s32 $0x1  }
0x3: {  	s10 =	simm.s32 $0x3;
	s13 =	simm.s32 $0x0;
	s2 =	sshll.u32 s0, $0xC  }
0x4: {  	s12 =	simm.s32 $0x0;
	s3 =	sshll.u32 s1, $0xD;
	s4 =	sand.u32 $0x1000, s2  }
0x5: {  	s0 =	rddreg [dreg:$0x1];
	_ =	strace $0x80000068;
	s3 =	sor.u32 s3, s4  }
0x6: {  	s2 =	sadd.s32 $0x12D200, s5;
	[sflag:s6] =	ssyncpa.u1 $0x0;
	s8 =	ssub.s32 $0x40000, s3  }
.Ltmp0:
0x7: {  	s4 =	sadd.s32 $0x116C00, s5;
	s7 =	sand.u32 $0x1F000, s8;
	(pc) =	sbr.rel .LBB2_1-.Ltmp0, $4  }
0x8: {  	s5 =	sadd.s32 $0x135200, s5;
	s11 =	smov.u32 s3;
	p0 =	sne.s32 s7, $0x0  }
0x9: {  	s8 =	sshrl.u32 s8, $0x11;
	s7 =	simm.s32 $0x2;
	s9 =	simm.s32 @!p0 $0x0  }
0xa: {  	[sflag:s7] =	ssyncpa.u1 $0x0;
	p0 =	por $0x0, $0x0;
	s8 =	sadd.s32 s9, s8  }
0xb: {  	vm0 =	vmmov $0xffff;
	[sflag:s10] =	ssyncpa.u1 $0x0;
	s10 =	simm.s32 $0x0;
	s9 =	sadd.s32 $0x1, s8  }
.LBB2_4:
0xc: {  	vm1 =	veq.s32 v0, $0x80000000;
	v63 =	vand.u32 $0xF, v0;
	v2 =	vand.u32 $0x3FFF, v2  }
0xd: {  	v0 =	vsel vm1, $0xFFFFFFFF, v63;
	v2 =	vsel vm1, $0xFFFFFFFF, v2  }
0xe: {  	v3 =	vshll.u32 v0, $0xE;
	v4 =	vshll.u32 v2, $0x3  }
0xf: {  	v0 =	vshll.u32 v0, $0x7;
	v3 =	vand.u32 $0xFFFE0000, v3;
	v4 =	vand.u32 $0xFFFFFC00, v4  }
0x10: {  	v0 =	vand.u32 $0x380, v0;
	v3 =	vadd.s32 v3, v4  }
0x11: {  	v2 =	vand.u32 $0x7F, v2;
	v0 =	vor.u32 v0, v3  }
0x12: {  	v0 =	vor.u32 v2, v0;
	_ =	sdelay $0x1  }
0x13: {  	(ifvalue) =	ssetifvalue $0x7FFFFFFF;
	s14 =	sadd.s32 $0x10, s14  }
0x14: {  	[tilespmem:s14], [sflag:$0x1] =	stream.indirect_vreg.gather [hbm4b:s2+s10], $0x1, v1, vm0, $0x4038;
	[tilespmem:$0x4000] =	vst v63  }
0x15: {  	(ifvalue) =	ssetifvalue $0x7FFFFFFF;
	s14 =	sadd.s32 $0x10, s14  }
0x16: {  	[tilespmem:s14], [sflag:$0x1] =	stream.indirect_vreg.gather [hbm4b:s2+s10], $0x1, v0, vm0, $0x4038;
	[tilespmem:$0x4000] =	vst v63  }
0x17: {  	_ =	swait.ge [sflag:s6], $0x1000  }
0x18: {  	s30 =	sshrl.u32 s13, $0x3;
	[sflag:s6] =	ssyncset.done $0x0  }
0x19: {  	s31 =	sand.u32 $0x7, s13;
	s14 =	sadd.s32 s5, s30;
	[sflag:s6] =	ssyncadd.s32 $0xFFFFF000  }
0x1a: {  	[hbm4b:s14+s31] =	stream.linear.scatter [tilespmem:s15], [sflag:$0x3], $0x1000, $0x38;
	[tilespmem:$0x4000] =	vst v63  }
.LBB2_5:
0x1b: {  	s15 =	sadd.s32 $0x20000, s11  }
0x1c: {  	p2 =	sgt.s32 s15, $0x3FFFF  }
0x1d: {  	s15 =	smov.u32 @p2 s3;
	p2 =	sne.s32 s12, s9  }
.Ltmp1:
0x1e: {  	p1 =	slt.u32 s12, $0x2;
	(pc) =	sbr.rel @!p2 .LBB2_6-.Ltmp1, $4  }
0x1f: {  	s14 =	simm.s32 @!p1 $0x3  }
0x20: {  	s16 =	sadd.s32 $0x1, s12;
	_ =	swait.ge @!p1 [sflag:s14], $0x1000  }
0x21: {  	s13 =	smov.u32 s11;
	p0 =	por !p0, !p0;
	[sflag:s14] =	ssyncset.done @!p1 $0x0  }
0x22: {  	s12 =	smov.u32 s16;
	s11 =	smov.u32 s15;
	[sflag:s14] =	ssyncadd.s32 @!p1 $0xFFFFF000  }
.LBB2_1:
0x23: {  	p1 =	sge.u32 s12, s8  }
0x24: {  	s14 =	sxor.u32 @!p1 $0xFFFFFFFF, s12  }
0x25: {  	s31 =	sadd.s32 $0xFFFFFFFF, s12;
	s15 =	sshrl.u32 @!p1 s11, $0x3;
	s14 =	sshll.u32 @!p1 s14, $0xC  }
0x26: {  	s16 =	sand.u32 @!p1 $0x7, s11;
	s15 =	sadd.s32 @!p1 s4, s15;
	s14 =	sand.u32 @!p1 $0x1000, s14  }
0x27: {  	[tilespmem:s14], [sflag:$0x2] =	stream.linear.gather @!p1 [hbm4b:s15+s16], $0x1000, $0x38;
	[tilespmem:$0x4000] =	vst v63  }
0x28: {  	p1 =	sge.u32 s31, s8  }
.Ltmp2:
0x29: {  	_ = 	snop;
	(pc) =	sbr.rel @p1 .LBB2_5-.Ltmp2, $1  }
0x2a: {  	_ =	sdelay $0x3  }
0x2b: {  	s14 =	simm.s32 $0x1  }
0x2c: {  	_ =	swait.ge [sflag:s7], $0x1000;
	s14 =	simm.s32 @!p0 $0x0  }
0x2d: {  	[sflag:s7] =	ssyncset.done $0x0;
	s14 =	sshll.u32 s14, $0xC  }
0x2e: {  	[sflag:s7] =	ssyncadd.s32 $0xFFFFF000;
	(ifvalue) =	ssetifvalue $0x7FFFFFFF;
	v0 =	vld.msk [tilespmem:s14+$0x0 ss:$0x1], $0xffff;
	_ =	sdelay $0x3  }
0x2f: {  	s15 =	sadd.s32 $0x10, s14  }
0x30: {  	v2 =	vld.msk [tilespmem:s15+$0x0 ss:$0x1], $0xffff;
	v1 =	vshrl.u32 v0, $0x4  }
0x31: {  	vm1 =	veq.s32 v0, $0x80000000;
	v0 =	vand.u32 $0xF, v0;
	v1 =	vand.u32 $0x3FFF, v1  }
0x32: {  	v0 =	vsel vm1, $0xFFFFFFFF, v0;
	v1 =	vsel vm1, $0xFFFFFFFF, v1  }
0x33: {  	v3 =	vshll.u32 v0, $0xE;
	v4 =	vshll.u32 v1, $0x3  }
0x34: {  	v0 =	vshll.u32 v0, $0x7;
	v3 =	vand.u32 $0xFFFE0000, v3;
	v4 =	vand.u32 $0xFFFFFC00, v4  }
0x35: {  	vm1 =	veq.s32 v2, $0x80000000;
	v0 =	vand.u32 $0x380, v0;
	v3 =	vadd.s32 v3, v4  }
0x36: {  	v1 =	vand.u32 $0x7F, v1;
	v0 =	vor.u32 v0, v3;
	v3 =	vshrl.u32 v2, $0x4  }
0x37: {  	s17 =	sadd.s32 $0x10, s15;
	v2 =	vand.u32 $0xF, v2;
	v1 =	vor.u32 v1, v0;
	v3 =	vand.u32 $0x3FFF, v3  }
0x38: {  	v0 =	vld.msk [tilespmem:s17+$0x0 ss:$0x1], $0xffff;
	v2 =	vsel vm1, $0xFFFFFFFF, v2;
	v3 =	vsel vm1, $0xFFFFFFFF, v3  }
0x39: {  	v63 =	vshll.u32 v2, $0xE;
	v5 =	vshll.u32 v3, $0x3  }
0x3a: {  	s31 =	sshll.u32 s12, $0xC;
	v2 =	vshll.u32 v2, $0x7;
	v4 =	vand.u32 $0xFFFE0000, v63;
	v5 =	vand.u32 $0xFFFFFC00, v5  }
0x3b: {  	s14 =	sor.u32 $0x2000, s14;
	s15 =	sand.u32 $0x1000, s31;
	(ifvalue) =	ssetifvalue $0x7FFFFFFF;
	v2 =	vand.u32 $0x380, v2;
	v4 =	vadd.s32 v4, v5  }
0x3c: {  	[tilespmem:s14], [sflag:$0x1] =	stream.indirect_vreg.gather [hbm4b:s2+s10], $0x1, v1, vm0, $0x4038;
	v1 =	vand.u32 $0x7F, v3;
	v3 =	vor.u32 v2, v4;
	[tilespmem:$0x4000] =	vst v63  }
0x3d: {  	s16 =	simm.s32 $0x20;
	s15 =	sor.u32 $0x2000, s15;
	s17 =	sadd.s32 $0x10, s17;
	v2 =	vshrl.u32 v0, $0x4;
	v1 =	vor.u32 v1, v3  }
.LBB2_3:
0x3e: {  	s16 =	sadd.s32 $0x10, s16;
	vm1 =	veq.s32 v0, $0x80000000;
	v3 =	vand.u32 $0xF, v0;
	v0 =	vld.msk [tilespmem:s17+$0x0 ss:$0x1], $0xffff;
	v2 =	vand.u32 $0x3FFF, v2  }
0x3f: {  	p1 =	slt.u32 s16, $0xFF0;
	v3 =	vsel vm1, $0xFFFFFFFF, v3;
	v2 =	vsel vm1, $0xFFFFFFFF, v2  }
.Ltmp3:
0x40: {  	v4 =	vshll.u32 v3, $0xE;
	v5 =	vshll.u32 v2, $0x3;
	(pc) =	sbr.rel @p1 .LBB2_3-.Ltmp3, $4  }
0x41: {  	s14 =	sadd.s32 $0x10, s14;
	v3 =	vshll.u32 v3, $0x7;
	v4 =	vand.u32 $0xFFFE0000, v4;
	v5 =	vand.u32 $0xFFFFFC00, v5;
	(ifvalue) =	ssetifvalue $0x7FFFFFFF  }
0x42: {  	v3 =	vand.u32 $0x380, v3;
	v4 =	vadd.s32 v4, v5;
	[tilespmem:s14], [sflag:$0x1] =	stream.indirect_vreg.gather [hbm4b:s2+s10], $0x1, v1, vm0, $0x4038;
	[tilespmem:$0x4000] =	vst v63  }
0x43: {  	v1 =	vand.u32 $0x7F, v2;
	v3 =	vor.u32 v3, v4  }
0x44: {  	s17 =	sadd.s32 $0x10, s17;
	v2 =	vshrl.u32 v0, $0x4;
	v1 =	vor.u32 v1, v3  }
.Ltmp4:
0x45: {  	_ = 	snop;
	(pc) =	sbr.rel .LBB2_4-.Ltmp4, $1  }
0x46: {  	_ =	sdelay $0x3  }
.LBB2_6:
0x47: {  	_ =	sfence.sel $0x180000  }
0x48: {  	s2 =	simm.s32 $0x2;
	[bflag:$0x0] =	sbarrier.arrive $0xFFFF  }
0x49: {  	s30 =	simm.s32 $0x3;
	[sflag:s2] =	ssyncpa.u1 $0x1  }
0x4a: {  	s31 =	simm.s32 $0x1;
	[sflag:s30] =	ssyncpa.u1 $0x1  }
0x4b: {  	[sflag:s31] =	ssyncpa.u1 $0x1  }
0x4c: {  	p0 =	sne.s32 s1, $0x0;
	_ =	strace $0x90000068  }
0x4d: {  	s0 =	sadd.s32 @!p0 $0x100000, s0;
	[bflag:$0x2] =	sbarrier.arrive $0xFFFF  }
0x4e: {  	[sflag:s0] =	ssyncadd.tile.s32 @!p0 $0x1;
	_ =	shalt  }
.Lfunc_end2:
_tile_overlayer_lowered:
.L_overlay_start_2:
0x4f: {  	(tag) =	ssettag $0x2  }
0x50: {  	s0 =	rddreg [dreg:$0x0];
	s2 =	stileid.u32  }
0x51: {  	s1 =	rddreg [dreg:$0x1];
	p0 =	sne.s32 s2, $0x0  }
0x52: {  	s3 =	rddreg [dreg:$0x2];
	[bflag:$0x3] =	sbarrier.arrive $0xFFFF;
	s2 =	simm.s32 @!p0 $0x1C01  }
0x53: {  	[timem:s3], [sflag:s2] =	dma.local @!p0 [hbm:s0], s1  }
0x54: {  	s0 =	simm.s32 @!p0 $0x1  }
0x55: {  	_ =	swait.ge @!p0 [sflag:s0], s1  }
0x56: {  	s1 =	ssub.s32 @!p0 $0x0, s1;
	[sflag:s0] =	ssyncset.done @!p0 $0x0  }
0x57: {  	[sflag:s0] =	ssyncadd.s32 @!p0 s1  }
0x58: {  	[bflag:$0x3] =	sbarrier.arrive $0xFFFF  }
0x59: {  	_ =	shalt  }

// kernel: gather_offload_async_start
scs
__scs_entry_jumppad:
0x0: {  	(pc) =	sbr.rel $0x88, $3  }
0x1: {  	(tag) =	ssettag $0x0;
	lr =	simm.s32 $0x1  }
0x2: {  	[smem:$0x3F84] =	sst lr;
	_ =	strace $0xD0000000  }
0x3: {  	_ = 	snop  }
0x4: {  	_ = 	snop  }
0x5: {  	_ = 	snop  }
0x6: {  	_ = 	snop  }
0x7: {  	_ = 	snop  }
__scs_overlays_trampoline_lowered:
0x8: {  	[smem:$0x3F93] =	sst s0  }
0x9: {  	[smem:$0x3F94] =	sst s1  }
0xa: {  	[smem:$0x3F95] =	sst s2  }
0xb: {  	[smem:$0x3F96] =	sst s3  }
0xc: {  	[smem:$0x3F97] =	sst s4  }
0xd: {  	[smem:$0x3F98] =	sst s5  }
0xe: {  	[smem:$0x3F99] =	sst s6  }
0xf: {  	[smem:$0x3F9A] =	sst s7  }
0x10: {  	[smem:$0x3F9B] =	sst s8  }
0x11: {  	[smem:$0x3F9C] =	sst s9;
	s0 =	simm.s32 @!p0 $0x0  }
0x12: {  	s1 =	sld [smem:$0x3F82];
	s0 =	simm.s32 @p0 $0x1  }
0x13: {  	[smem:$0x3F9D] =	sst s0;
	s0 =	simm.s32 @!p1 $0x0  }
0x14: {  	s2 =	sld [smem:$0x3F81];
	s0 =	simm.s32 @p1 $0x1  }
0x15: {  	[smem:$0x3F9E] =	sst s0;
	s0 =	simm.s32 @!p2 $0x0  }
0x16: {  	s3 =	sld [smem:$0x3FDB];
	s0 =	simm.s32 @p2 $0x1  }
0x17: {  	s4 =	simm.s32 $0x1BF5;
	[smem:$0x3FA0] =	sst s0  }
0x18: {  	s0 =	sld [smem:$0x3F83];
	_ =	swait.ge [sflag:s4], $0x0  }
0x19: {  	s7 =	sld [smem:$0x3F84]  }
0x1a: {  	s8 =	sadd.s32 $0xFFFFE003, lr  }
0x1b: {  	s9 =	sadd.s32 $0xFFFFFEF7, lr;
	s5 =	simm.s32 $0xFFFFFFFF;
	p2 =	slt.u32 s8, $0xFFFFF086  }
0x1c: {  	p1 =	slt.u32 s9, $0xF7A;
	s5 =	simm.s32 @!p2 $0x0  }
0x1d: {  	s5 =	simm.s32 @p1 $0x1;
	p0 =	seq.s32 s7, s2  }
0x1e: {  	s7 =	smul.u32 @!p0 $0xF7A, s2;
	p2 =	seq.s32 @!p0 s5, $0x0  }
0x1f: {  	s9 =	smul.u32 $0xF7A, s1;
	s8 =	simm.s32 @!p0 $0x1BF5;
	p2 =	por !p2, p0  }
0x20: {  	[sflag:s8] =	ssyncset.s32 @!p0 $0xFFFFF086;
	s6 =	sadd.s32 @!p0 s3, s7;
	s7 =	simm.s32 @!p0 $0x108  }
0x21: {  	s3 =	sadd.s32 s3, s9;
	s6 =	sadd.s32 @!p0 $0x88, s6;
	s7 =	simm.s32 @p2 $0x1082  }
0x22: {  	[simem:s7], [sflag:s8] =	dma.local @!p0 [hbm:s6], $0xF7A  }
0x23: {  	s9 =	sor.u32 $0xD0000000, s2;
	s6 =	simm.s32 $0x108;
	_ =	swait.ge @!p0 [sflag:s8], $0x0  }
0x24: {  	s3 =	sadd.s32 $0x88, s3;
	s6 =	simm.s32 @!p1 $0x1082;
	[sflag:s4] =	ssyncset.s32 $0xFFFFF086  }
0x25: {  	[simem:s6], [sflag:s4] =	dma.local [hbm:s3], $0xF7A  }
0x26: {  	[smem:$0x3F84] =	sst s1;
	(tag) =	ssettag s2;
	_ =	strace s9  }
0x27: {  	s1 =	sld [smem:$0x3F94]  }
0x28: {  	s2 =	sld [smem:$0x3F95]  }
0x29: {  	s4 =	sld [smem:$0x3F97]  }
0x2a: {  	p0 =	seq.s32 s5, $0x0;
	s5 =	sld [smem:$0x3F98]  }
0x2b: {  	s6 =	sld [smem:$0x3F99]  }
0x2c: {  	s7 =	sld [smem:$0x3F9A]  }
0x2d: {  	s3 =	simm.s32 $0x108;
	s8 =	sld [smem:$0x3F9B]  }
0x2e: {  	s3 =	simm.s32 @!p0 $0x1082;
	s9 =	sld [smem:$0x3F9C]  }
0x2f: {  	lr =	sadd.s32 s0, s3;
	s0 =	sld [smem:$0x3F93]  }
0x30: {  	s3 =	sld [smem:$0x3F96]  }
0x31: {  	[smem:$0x3F9F] =	sst s10  }
0x32: {  	s10 =	sld [smem:$0x3F9D];
	_ =	sdelay $0x3  }
0x33: {  	p0 =	seq.s32 s10, $0x1;
	s10 =	sld [smem:$0x3F9F];
	_ =	sdelay $0x3  }
0x34: {  	[smem:$0x3F9F] =	sst s10  }
0x35: {  	s10 =	sld [smem:$0x3F9E];
	_ =	sdelay $0x3  }
0x36: {  	p1 =	seq.s32 s10, $0x1;
	s10 =	sld [smem:$0x3F9F];
	_ =	sdelay $0x3  }
0x37: {  	[smem:$0x3F9F] =	sst s10  }
0x38: {  	s10 =	sld [smem:$0x3FA0]  }
0x39: {  	_ = 	snop;
	(pc) =	sbr.ind lr, $3  }
0x3a: {  	_ = 	snop  }
0x3b: {  	_ = 	snop  }
0x3c: {  	p2 =	seq.s32 s10, $0x1;
	s10 =	sld [smem:$0x3F9F]  }
0x3d: {  	_ =	shalt  }
0x3e: {  	_ =	shalt  }
0x3f: {  	_ =	shalt  }
0x40: {  	_ =	shalt  }
0x41: {  	_ =	shalt  }
0x42: {  	_ =	shalt  }
0x43: {  	_ =	shalt  }
0x44: {  	_ =	shalt  }
0x45: {  	_ =	shalt  }
0x46: {  	_ =	shalt  }
0x47: {  	_ =	shalt  }
0x48: {  	_ =	shalt  }
0x49: {  	_ =	shalt  }
0x4a: {  	_ =	shalt  }
0x4b: {  	_ =	shalt  }
0x4c: {  	_ =	shalt  }
0x4d: {  	_ =	shalt  }
0x4e: {  	_ =	shalt  }
0x4f: {  	_ =	shalt  }
0x50: {  	_ =	shalt  }
0x51: {  	_ =	shalt  }
0x52: {  	_ =	shalt  }
0x53: {  	_ =	shalt  }
0x54: {  	_ =	shalt  }
0x55: {  	_ =	shalt  }
0x56: {  	_ =	shalt  }
0x57: {  	_ =	shalt  }
0x58: {  	_ =	shalt  }
0x59: {  	_ =	shalt  }
0x5a: {  	_ =	shalt  }
0x5b: {  	_ =	shalt  }
0x5c: {  	_ =	shalt  }
0x5d: {  	_ =	shalt  }
0x5e: {  	_ =	shalt  }
0x5f: {  	_ =	shalt  }
0x60: {  	_ =	shalt  }
0x61: {  	_ =	shalt  }
0x62: {  	_ =	shalt  }
0x63: {  	_ =	shalt  }
0x64: {  	_ =	shalt  }
0x65: {  	_ =	shalt  }
0x66: {  	_ =	shalt  }
0x67: {  	_ =	shalt  }
0x68: {  	_ =	shalt  }
0x69: {  	_ =	shalt  }
0x6a: {  	_ =	shalt  }
0x6b: {  	_ =	shalt  }
0x6c: {  	_ =	shalt  }
0x6d: {  	_ =	shalt  }
0x6e: {  	_ =	shalt  }
0x6f: {  	_ =	shalt  }
0x70: {  	_ =	shalt  }
0x71: {  	_ =	shalt  }
0x72: {  	_ =	shalt  }
0x73: {  	_ =	shalt  }
0x74: {  	_ =	shalt  }
0x75: {  	_ =	shalt  }
0x76: {  	_ =	shalt  }
0x77: {  	_ =	shalt  }
0x78: {  	_ =	shalt  }
0x79: {  	_ =	shalt  }
0x7a: {  	_ =	shalt  }
0x7b: {  	_ =	shalt  }
0x7c: {  	_ =	shalt  }
0x7d: {  	_ =	shalt  }
0x7e: {  	_ =	shalt  }
0x7f: {  	_ =	shalt  }
0x80: {  	_ =	shalt  }
0x81: {  	_ =	shalt  }
0x82: {  	_ =	shalt  }
0x83: {  	_ =	shalt  }
0x84: {  	_ =	shalt  }
0x85: {  	_ =	shalt  }
0x86: {  	_ =	shalt  }
0x87: {  	_ =	shalt  }
.Lfunc_end0:
.L_simem_size_0:
called_computation.6_lowered:
.L_overlay_start_0:
0x88: {  	s2 =	sld [smem:$0x3FD9]  }
0x89: {  	s3 =	sld [smem:$0x3FFE];
	_ =	sdelay $0x1  }
0x8a: {  	s1 =	srdreg.scid  }
0x8b: {  	s0 =	sand.u32 $0x1, s1  }
0x8c: {  	s17 =	sshll.u32 s0, $0xA;
	s2 =	sadd.s32 s3, s2  }
0x8d: {  	s2 =	sadd.s32 s2, s17  }
0x8e: {  	[smem:$0x3FAB] =	sst s2  }
0x8f: {  	_ = 	snop  }
0x90: {  	s2 =	sld [smem:$0x3FAF]  }
0x91: {  	s18 =	sld [smem:$0x3FD0];
	(tm) =	ssettm $0x1  }
0x92: {  	s4 =	sld [smem:$0x3FFB];
	_ =	sdelay $0x3  }
0x93: {  	_ =	strace s4  }
0x94: {  	s4 =	sld [smem:$0x3FFC];
	_ =	sdelay $0x3  }
0x95: {  	_ =	strace s4  }
0x96: {  	s4 =	sld [smem:$0x3FFD];
	_ =	sdelay $0x3  }
0x97: {  	_ =	strace s4  }
0x98: {  	_ =	strace $0x8FFFFFFF  }
0x99: {  	s19 =	sld [smem:$0x3FDB];
	_ =	sdelay $0x1  }
0x9a: {  	s5 =	simm.s32 $_scs_section_size  }
0x9b: {  	s6 =	simm.s32 $_size__tile_overlayer_lowered;
	s7 =	simm.s32 $_tile_overlayer_lowered  }
0x9c: {  	s22 =	simm.s32 $0x1BFF;
	s21 =	sshll.u32 s7, $0x1;
	s4 =	sadd.s32 s5, s19  }
0x9d: {  	s8 =	simm.s32 $0x0;
	s20 =	sshll.u32 s6, $0x1;
	s6 =	sadd.s32 s21, s4  }
0x9e: {  	[timem:s8], [sflag:s22] =	dma.local [hbm:s6], s20  }
0x9f: {  	_ =	swait.ge [sflag:s22], s20  }
0xa0: {  	s5 =	ssub.s32 $0x0, s20;
	[sflag:s22] =	ssyncset.done $0x0  }
0xa1: {  	[sflag:s22] =	ssyncadd.s32 s5;
	_ =	sdelay $0x1  }
0xa2: {  	s23 =	simm.s32 $0x1B8B  }
0xa3: {  	_ =	swait.ge [sflag:s23], $0x1  }
0xa4: {  	[sflag:s23] =	ssyncset.done $0x0  }
0xa5: {  	s25 =	simm.s32 $0x1B8E;
	s24 =	sld [smem:$0x3FFE];
	[sflag:s23] =	ssyncadd.s32 $0xFFFFFFFF  }
0xa6: {  	s26 =	simm.s32 $execute0_lowered;
	[smem:$0x3FD2] =	sst s25  }
0xa7: {  	s6 =	sshll.u32 s26, $0x1;
	_ =	strace $0x80000046;
	[dreg:$0x1] =	wrdreg $0xFFFFFFFF  }
0xa8: {  	s28 =	simm.s32 $_size_execute0_lowered;
	s4 =	sadd.s32 s4, s6;
	[dreg:$0x0] =	wrdreg $0x0  }
0xa9: {  	s6 =	sshll.u32 s28, $0x1;
	[dreg:$0x2] =	wrdreg s4  }
0xaa: {  	[dreg:$0x3] =	wrdreg s6  }
0xab: {  	[dreg:$0x4] =	wrdreg $0xC0  }
0xac: {  	_ =	task [dreg:s8], $0x5FFFF  }
0xad: {  	[dreg:$0x1] =	wrdreg $0xFFFFFFFF  }
0xae: {  	[dreg:$0x0] =	wrdreg $0x60  }
0xaf: {  	[dreg:$0x2] =	wrdreg s2  }
0xb0: {  	[dreg:$0x3] =	wrdreg s18  }
0xb1: {  	[dreg:$0x4] =	wrdreg s24  }
0xb2: {  	[dreg:$0x5] =	wrdreg $0x9  }
0xb3: {  	_ =	task.clear_ibuf [dreg:s8], $0x6FFFF;
	_ =	strace $0x90000046  }
0xb4: {  	s29 =	simm.s32 $0x9;
	_ =	strace $0x80000048  }
0xb5: {  	_ =	swait.ge [sflag:s29], $0x1  }
0xb6: {  	[sflag:s29] =	ssyncadd.s32 $0xFFFFFFFF  }
0xb7: {  	_ =	strace $0x90000048  }
0xb8: {  	_ =	sfence  }
0xb9: {  	s30 =	sld [smem:$0x0];
	_ =	sdelay $0x2  }
0xba: {  	s31 =	sshll.u32 s1, $0xD;
	s1 =	sshrl.u32 s1, $0x2  }
0xbb: {  	s3 =	sand.u32 $0x4000, s31;
	s1 =	sadd.s32 s1, s30  }
0xbc: {  	s0 =	sor.u32 s3, s0;
	s1 =	sshll.u32 s1, $0x11  }
0xbd: {  	s0 =	sor.u32 s1, s0  }
0xbe: {  	s0 =	sadd.s32 $0x8F2B, s0  }
0xbf: {  	[sflag:s0] =	ssyncadd.remote.s32 $0x1  }
0xc0: {  	_ =	sfence.sel $0xFFFF  }
0xc1: {  	[dreg:$0x0] =	wrdreg $0xFFFFFFFF;
	(pc) =	sbr.abs _section_cstart, $3  }
0xc2: {  	[dreg:$0x1] =	wrdreg $0xFFFFFFFF  }
0xc3: {  	_ =	task.clear_ibuf [dreg:s8], $0x2FFFF;
	_ =	strace $0x9FFFFFFF  }
0xc4: {  	(tm) =	ssettm $0x7FFFFFFF  }
0xc5: {  	_ =	shalt  }
tec
execute0_lowered:
.L_overlay_start_1:
0x0: {  	(tag) =	ssettag $0x1  }
0x1: {  	s2 =	rddreg [dreg:$0x0]  }
0x2: {  	s3 =	rddreg [dreg:$0x1]  }
0x3: {  	s7 =	rddreg [dreg:$0x2]  }
0x4: {  	s0 =	rddreg [dreg:$0x3];
	s1 =	srdreg.scid;
	_ =	strace $0x80000047  }
0x5: {  	s4 =	simm.s32 $0x1;
	s9 =	simm.s32 $0x3;
	s5 =	sshll.u32 s1, $0x4  }
.Ltmp0:
0x6: {  	s1 =	stileid.u32;
	s5 =	sand.u32 $0x10, s5;
	(pc) =	sbr.rel .LBB2_1-.Ltmp0, $4  }
0x7: {  	s11 =	simm.s32 $0x0;
	p0 =	por $0x0, $0x0;
	s6 =	sor.u32 s1, s5  }
0x8: {  	[sflag:s4] =	ssyncpa.u1 $0x0;
	s5 =	simm.s32 $0x2;
	s6 =	sshll.u32 s6, $0x7  }
0x9: {  	s7 =	sadd.s32 $0x4800, s7;
	[sflag:s5] =	ssyncpa.u1 $0x0;
	s8 =	sadd.s32 $0x80, s6  }
0xa: {  	vm0 =	vmmov $0xff;
	vm1 =	vcmask $0x3F20;
	[sflag:s9] =	ssyncpa.u1 $0x0;
	s10 =	smov.u32 s6;
	s9 =	simm.s32 $0x0  }
.LBB2_9:
0xb: {  	p1 =	slt.u32 s9, $0x2;
	s11 =	sadd.s32 $0x20, s10  }
0xc: {  	s13 =	smov.u32 s6;
	s9 =	sadd.s32 $0x1, s9;
	p2 =	slt.s32 s11, s8  }
0xd: {  	s13 =	smov.u32 @p2 s11;
	p2 =	sne.s32 s9, $0x6  }
.Ltmp1:
0xe: {  	_ = 	snop;
	(pc) =	sbr.rel @!p2 .LBB2_10-.Ltmp1, $4  }
0xf: {  	s12 =	simm.s32 @!p1 $0x3  }
0x10: {  	_ =	swait.ge @!p1 [sflag:s12], $0x8000  }
0x11: {  	p0 =	por !p0, !p0;
	[sflag:s12] =	ssyncset.done @!p1 $0x0  }
0x12: {  	s11 =	smov.u32 s10;
	s10 =	smov.u32 s13;
	[sflag:s12] =	ssyncadd.s32 @!p1 $0xFFFF8000  }
.LBB2_1:
0x13: {  	p1 =	sgt.u32 s9, $0x3  }
0x14: {  	s12 =	sxor.u32 @!p1 $0xFFFFFFFF, s9  }
0x15: {  	s13 =	sshrl.u32 @!p1 s10, $0x3;
	s12 =	sshll.u32 @!p1 s12, $0x5  }
0x16: {  	s14 =	sand.u32 @!p1 $0x7, s10;
	s13 =	sadd.s32 @!p1 s3, s13;
	s12 =	sand.u32 @!p1 $0x20, s12  }
0x17: {  	[tilespmem:s12], [sflag:$0x2] =	stream.linear.gather @!p1 [hbm4b:s13+s14], $0x20, $0x38;
	[tilespmem:$0x10040] =	vst v63  }
0x18: {  	p1 =	seq.s32 s9, $0x0  }
0x19: {  	p2 =	seq.s32 @!p1 s9, $0x5  }
0x1a: {  	p1 =	por p1, p2  }
.Ltmp2:
0x1b: {  	_ = 	snop;
	(pc) =	sbr.rel @p1 .LBB2_9-.Ltmp2, $1  }
0x1c: {  	_ =	sdelay $0x3  }
0x1d: {  	s12 =	simm.s32 $0x1  }
0x1e: {  	_ =	swait.ge [sflag:s5], $0x20;
	s13 =	sand.u32 $0x1, s9;
	s12 =	simm.s32 @!p0 $0x0  }
0x1f: {  	s15 =	simm.s32 $0x0;
	p2 =	por $0x1, $0x1;
	s12 =	sshll.u32 s12, $0x11  }
0x20: {  	[sflag:s5] =	ssyncset.done $0x0;
	s13 =	sshll.u32 s13, $0x5;
	s14 =	sshrl.u32 s12, $0x2  }
0x21: {  	[sflag:s5] =	ssyncadd.s32 $0xFFFFFFE0;
	s12 =	sor.u32 $0x40, s14;
	s14 =	sadd.s32 $0x40, s14  }
.LBB2_3:
0x22: {  	s16 =	sshll.u32 s15, $0x4  }
0x23: {  	s16 =	sand.u32 $0x3FFFFFF0, s16  }
0x24: {  	s16 =	sadd.s32 s16, s13  }
0x25: {  	v0 =	vld.msk [tilespmem:s16+$0x0 ss:$0x1], $0xffff;
	_ =	sdelay $0x4  }
0x26: {  	vm2 =	vgt.s32 v0, $0x0  }
0x27: {  	v0 =	vnsel vm2, $0x0, v0  }
0x28: {  	v0 =	vmin.u32 v0, $0x3FFF  }
0x29: {  	v1 =	vshll.u32 v0, $0x7;
	v0 =	vshll.u32 v0, $0x4  }
0x2a: {  	v1 =	vand.u32 $0x1FFC00, v1;
	v0 =	vand.u32 $0x70, v0  }
0x2b: {  	v0 =	vor.u32 v0, v1  }
0x2c: {  	s31 =	sshll.u32 s15, $0x10  }
0x2d: {  	s15 =	sshra.s32 s31, $0x2  }
0x2e: {  	s15 =	sadd.s32 s15, s14  }
0x2f: {  	s17 =	sadd.s32 $0x0, s15  }
0x30: {  	[tilespmem:s17], [sflag:$0x1] =	stream.indirect_vreg.gather [hbm:s2], $0x80, v0, vm0, $0x38;
	[tilespmem:$0x10040] =	vst v63  }
0x31: {  	p1 =	por p2, p2;
	s16 =	simm.s32 $0x1000;
	v1 =	vadd.s32 $0x80, v0;
	s17 =	sadd.s32 $0x2000, s17  }
.LBB2_4:
0x32: {  	[tilespmem:s17], [sflag:$0x1] =	stream.indirect_vreg.gather [hbm:s2], $0x80, v0, vm1, $0x38;
	[tilespmem:$0x10040] =	vst v63  }
0x33: {  	v0 =	vmov v1;
	s17 =	smov.u32 s16;
	p2 =	sne.s32 s16, $0x7000  }
.Ltmp3:
0x34: {  	s16 =	sadd.s32 $0x1000, s16;
	(pc) =	sbr.rel @p2 .LBB2_4-.Ltmp3, $4  }
0x35: {  	s17 =	sshra.s32 s17, $0x2  }
0x36: {  	s17 =	sadd.s32 s17, s15  }
0x37: {  	[tilespmem:s17], [sflag:$0x1] =	stream.indirect_vreg.gather [hbm:s2], $0x80, v1, vm0, $0x38;
	[tilespmem:$0x10040] =	vst v63  }
0x38: {  	s17 =	sadd.s32 $0x2000, s17;
	v1 =	vadd.s32 $0x80, v1  }
0x39: {  	_ = 	snop  }
.Ltmp4:
0x3a: {  	_ = 	snop;
	(pc) =	sbr.rel @p1 .LBB2_3-.Ltmp4, $3  }
0x3b: {  	_ =	sdelay $0x1  }
0x3c: {  	[tilespmem:s17], [sflag:$0x1] =	stream.indirect_vreg.gather [hbm:s2], $0x80, v0, vm1, $0x38;
	[tilespmem:$0x10040] =	vst v63  }
0x3d: {  	s15 =	simm.s32 $0x1;
	p2 =	por $0x0, $0x0  }
0x3e: {  	s13 =	sshll.u32 s11, $0x7  }
0x3f: {  	s31 =	sshll.u32 s11, $0x4;
	s13 =	sand.u32 $0xFFFFFC00, s13  }
0x40: {  	_ =	swait.ge [sflag:s4], $0x8000;
	s11 =	sand.u32 $0x70, s31;
	s13 =	sadd.s32 s13, s7  }
0x41: {  	s14 =	sadd.s32 $0x2000, s12;
	[sflag:s4] =	ssyncset.done $0x0;
	s11 =	sadd.s32 s11, s13  }
0x42: {  	[sflag:s4] =	ssyncadd.s32 $0xFFFF8000;
	s13 =	simm.s32 $0x400;
	s15 =	sadd.s32 $0x0, s11  }
.LBB2_7:
0x43: {  	[hbm:s15] =	stream.linear.scatter [tilespmem:s12], [sflag:$0x3], $0x2000, $0x38;
	[tilespmem:$0x10040] =	vst v63  }
0x44: {  	s15 =	smov.u32 s13;
	s12 =	smov.u32 s14;
	p1 =	sne.s32 s13, $0xC00  }
.Ltmp5:
0x45: {  	s13 =	sadd.s32 $0x400, s13;
	(pc) =	sbr.rel @p1 .LBB2_7-.Ltmp5, $2  }
0x46: {  	_ =	sdelay $0x2  }
0x47: {  	s14 =	sadd.s32 $0x2000, s14;
	s15 =	sadd.s32 s15, s11  }
.Ltmp6:
0x48: {  	(pc) =	sbr.rel .LBB2_9-.Ltmp6, $2  }
0x49: {  	_ =	sdelay $0x2  }
0x4a: {  	[hbm:s15] =	stream.linear.scatter [tilespmem:s12], [sflag:$0x3], $0x2000, $0x38;
	[tilespmem:$0x10040] =	vst v63  }
.LBB2_10:
0x4b: {  	_ =	sfence.sel $0x180000  }
0x4c: {  	s2 =	simm.s32 $0x2;
	[bflag:$0x0] =	sbarrier.arrive $0xFFFF  }
0x4d: {  	s30 =	simm.s32 $0x3;
	[sflag:s2] =	ssyncpa.u1 $0x1  }
0x4e: {  	s31 =	simm.s32 $0x1;
	[sflag:s30] =	ssyncpa.u1 $0x1  }
0x4f: {  	[sflag:s31] =	ssyncpa.u1 $0x1  }
0x50: {  	p0 =	sne.s32 s1, $0x0;
	_ =	strace $0x90000047  }
0x51: {  	s0 =	sadd.s32 @!p0 $0x100000, s0;
	[bflag:$0x2] =	sbarrier.arrive $0xFFFF  }
0x52: {  	[sflag:s0] =	ssyncadd.tile.s32 @!p0 $0x1;
	_ =	shalt  }
.Lfunc_end2:
_tile_overlayer_lowered:
.L_overlay_start_2:
0x53: {  	(tag) =	ssettag $0x2  }
0x54: {  	s0 =	rddreg [dreg:$0x0];
	s2 =	stileid.u32  }
0x55: {  	s1 =	rddreg [dreg:$0x1];
	p0 =	sne.s32 s2, $0x0  }
0x56: {  	s3 =	rddreg [dreg:$0x2];
	[bflag:$0x3] =	sbarrier.arrive $0xFFFF;
	s2 =	simm.s32 @!p0 $0x1C01  }
0x57: {  	[timem:s3], [sflag:s2] =	dma.local @!p0 [hbm:s0], s1  }
0x58: {  	s0 =	simm.s32 @!p0 $0x1  }
0x59: {  	_ =	swait.ge @!p0 [sflag:s0], s1  }
0x5a: {  	s1 =	ssub.s32 @!p0 $0x0, s1;
	[sflag:s0] =	ssyncset.done @!p0 $0x0  }
0x5b: {  	[sflag:s0] =	ssyncadd.s32 @!p0 s1  }
0x5c: {  	[bflag:$0x3] =	sbarrier.arrive $0xFFFF  }
0x5d: {  	_ =	shalt  }

// kernel: kernel.4.cloned.1.call-start
scs
__scs_entry_jumppad:
0x0: {  	(pc) =	sbr.rel $0x88, $3  }
0x1: {  	(tag) =	ssettag $0x0;
	lr =	simm.s32 $0x1  }
0x2: {  	[smem:$0x3F84] =	sst lr;
	_ =	strace $0xD0000000  }
0x3: {  	_ = 	snop  }
0x4: {  	_ = 	snop  }
0x5: {  	_ = 	snop  }
0x6: {  	_ = 	snop  }
0x7: {  	_ = 	snop  }
__scs_overlays_trampoline_lowered:
0x8: {  	[smem:$0x3F93] =	sst s0  }
0x9: {  	[smem:$0x3F94] =	sst s1  }
0xa: {  	[smem:$0x3F95] =	sst s2  }
0xb: {  	[smem:$0x3F96] =	sst s3  }
0xc: {  	[smem:$0x3F97] =	sst s4  }
0xd: {  	[smem:$0x3F98] =	sst s5  }
0xe: {  	[smem:$0x3F99] =	sst s6  }
0xf: {  	[smem:$0x3F9A] =	sst s7  }
0x10: {  	[smem:$0x3F9B] =	sst s8  }
0x11: {  	[smem:$0x3F9C] =	sst s9;
	s0 =	simm.s32 @!p0 $0x0  }
0x12: {  	s1 =	sld [smem:$0x3F82];
	s0 =	simm.s32 @p0 $0x1  }
0x13: {  	[smem:$0x3F9D] =	sst s0;
	s0 =	simm.s32 @!p1 $0x0  }
0x14: {  	s2 =	sld [smem:$0x3F81];
	s0 =	simm.s32 @p1 $0x1  }
0x15: {  	[smem:$0x3F9E] =	sst s0;
	s0 =	simm.s32 @!p2 $0x0  }
0x16: {  	s3 =	sld [smem:$0x3FDB];
	s0 =	simm.s32 @p2 $0x1  }
0x17: {  	s4 =	simm.s32 $0x1BF5;
	[smem:$0x3FA0] =	sst s0  }
0x18: {  	s0 =	sld [smem:$0x3F83];
	_ =	swait.ge [sflag:s4], $0x0  }
0x19: {  	s7 =	sld [smem:$0x3F84]  }
0x1a: {  	s8 =	sadd.s32 $0xFFFFE003, lr  }
0x1b: {  	s9 =	sadd.s32 $0xFFFFFEF7, lr;
	s5 =	simm.s32 $0xFFFFFFFF;
	p2 =	slt.u32 s8, $0xFFFFF086  }
0x1c: {  	p1 =	slt.u32 s9, $0xF7A;
	s5 =	simm.s32 @!p2 $0x0  }
0x1d: {  	s5 =	simm.s32 @p1 $0x1;
	p0 =	seq.s32 s7, s2  }
0x1e: {  	s7 =	smul.u32 @!p0 $0xF7A, s2;
	p2 =	seq.s32 @!p0 s5, $0x0  }
0x1f: {  	s9 =	smul.u32 $0xF7A, s1;
	s8 =	simm.s32 @!p0 $0x1BF5;
	p2 =	por !p2, p0  }
0x20: {  	[sflag:s8] =	ssyncset.s32 @!p0 $0xFFFFF086;
	s6 =	sadd.s32 @!p0 s3, s7;
	s7 =	simm.s32 @!p0 $0x108  }
0x21: {  	s3 =	sadd.s32 s3, s9;
	s6 =	sadd.s32 @!p0 $0x88, s6;
	s7 =	simm.s32 @p2 $0x1082  }
0x22: {  	[simem:s7], [sflag:s8] =	dma.local @!p0 [hbm:s6], $0xF7A  }
0x23: {  	s9 =	sor.u32 $0xD0000000, s2;
	s6 =	simm.s32 $0x108;
	_ =	swait.ge @!p0 [sflag:s8], $0x0  }
0x24: {  	s3 =	sadd.s32 $0x88, s3;
	s6 =	simm.s32 @!p1 $0x1082;
	[sflag:s4] =	ssyncset.s32 $0xFFFFF086  }
0x25: {  	[simem:s6], [sflag:s4] =	dma.local [hbm:s3], $0xF7A  }
0x26: {  	[smem:$0x3F84] =	sst s1;
	(tag) =	ssettag s2;
	_ =	strace s9  }
0x27: {  	s1 =	sld [smem:$0x3F94]  }
0x28: {  	s2 =	sld [smem:$0x3F95]  }
0x29: {  	s4 =	sld [smem:$0x3F97]  }
0x2a: {  	p0 =	seq.s32 s5, $0x0;
	s5 =	sld [smem:$0x3F98]  }
0x2b: {  	s6 =	sld [smem:$0x3F99]  }
0x2c: {  	s7 =	sld [smem:$0x3F9A]  }
0x2d: {  	s3 =	simm.s32 $0x108;
	s8 =	sld [smem:$0x3F9B]  }
0x2e: {  	s3 =	simm.s32 @!p0 $0x1082;
	s9 =	sld [smem:$0x3F9C]  }
0x2f: {  	lr =	sadd.s32 s0, s3;
	s0 =	sld [smem:$0x3F93]  }
0x30: {  	s3 =	sld [smem:$0x3F96]  }
0x31: {  	[smem:$0x3F9F] =	sst s10  }
0x32: {  	s10 =	sld [smem:$0x3F9D];
	_ =	sdelay $0x3  }
0x33: {  	p0 =	seq.s32 s10, $0x1;
	s10 =	sld [smem:$0x3F9F];
	_ =	sdelay $0x3  }
0x34: {  	[smem:$0x3F9F] =	sst s10  }
0x35: {  	s10 =	sld [smem:$0x3F9E];
	_ =	sdelay $0x3  }
0x36: {  	p1 =	seq.s32 s10, $0x1;
	s10 =	sld [smem:$0x3F9F];
	_ =	sdelay $0x3  }
0x37: {  	[smem:$0x3F9F] =	sst s10  }
0x38: {  	s10 =	sld [smem:$0x3FA0]  }
0x39: {  	_ = 	snop;
	(pc) =	sbr.ind lr, $3  }
0x3a: {  	_ = 	snop  }
0x3b: {  	_ = 	snop  }
0x3c: {  	p2 =	seq.s32 s10, $0x1;
	s10 =	sld [smem:$0x3F9F]  }
0x3d: {  	_ =	shalt  }
0x3e: {  	_ =	shalt  }
0x3f: {  	_ =	shalt  }
0x40: {  	_ =	shalt  }
0x41: {  	_ =	shalt  }
0x42: {  	_ =	shalt  }
0x43: {  	_ =	shalt  }
0x44: {  	_ =	shalt  }
0x45: {  	_ =	shalt  }
0x46: {  	_ =	shalt  }
0x47: {  	_ =	shalt  }
0x48: {  	_ =	shalt  }
0x49: {  	_ =	shalt  }
0x4a: {  	_ =	shalt  }
0x4b: {  	_ =	shalt  }
0x4c: {  	_ =	shalt  }
0x4d: {  	_ =	shalt  }
0x4e: {  	_ =	shalt  }
0x4f: {  	_ =	shalt  }
0x50: {  	_ =	shalt  }
0x51: {  	_ =	shalt  }
0x52: {  	_ =	shalt  }
0x53: {  	_ =	shalt  }
0x54: {  	_ =	shalt  }
0x55: {  	_ =	shalt  }
0x56: {  	_ =	shalt  }
0x57: {  	_ =	shalt  }
0x58: {  	_ =	shalt  }
0x59: {  	_ =	shalt  }
0x5a: {  	_ =	shalt  }
0x5b: {  	_ =	shalt  }
0x5c: {  	_ =	shalt  }
0x5d: {  	_ =	shalt  }
0x5e: {  	_ =	shalt  }
0x5f: {  	_ =	shalt  }
0x60: {  	_ =	shalt  }
0x61: {  	_ =	shalt  }
0x62: {  	_ =	shalt  }
0x63: {  	_ =	shalt  }
0x64: {  	_ =	shalt  }
0x65: {  	_ =	shalt  }
0x66: {  	_ =	shalt  }
0x67: {  	_ =	shalt  }
0x68: {  	_ =	shalt  }
0x69: {  	_ =	shalt  }
0x6a: {  	_ =	shalt  }
0x6b: {  	_ =	shalt  }
0x6c: {  	_ =	shalt  }
0x6d: {  	_ =	shalt  }
0x6e: {  	_ =	shalt  }
0x6f: {  	_ =	shalt  }
0x70: {  	_ =	shalt  }
0x71: {  	_ =	shalt  }
0x72: {  	_ =	shalt  }
0x73: {  	_ =	shalt  }
0x74: {  	_ =	shalt  }
0x75: {  	_ =	shalt  }
0x76: {  	_ =	shalt  }
0x77: {  	_ =	shalt  }
0x78: {  	_ =	shalt  }
0x79: {  	_ =	shalt  }
0x7a: {  	_ =	shalt  }
0x7b: {  	_ =	shalt  }
0x7c: {  	_ =	shalt  }
0x7d: {  	_ =	shalt  }
0x7e: {  	_ =	shalt  }
0x7f: {  	_ =	shalt  }
0x80: {  	_ =	shalt  }
0x81: {  	_ =	shalt  }
0x82: {  	_ =	shalt  }
0x83: {  	_ =	shalt  }
0x84: {  	_ =	shalt  }
0x85: {  	_ =	shalt  }
0x86: {  	_ =	shalt  }
0x87: {  	_ =	shalt  }
.Lfunc_end0:
.L_simem_size_0:
called_computation.11_lowered:
.L_overlay_start_0:
0x88: {  	s2 =	sld [smem:$0x3FD9]  }
0x89: {  	s3 =	sld [smem:$0x3FFE];
	_ =	sdelay $0x1  }
0x8a: {  	s1 =	srdreg.scid  }
0x8b: {  	s0 =	sand.u32 $0x1, s1  }
0x8c: {  	s16 =	sshll.u32 s0, $0xA;
	s2 =	sadd.s32 s3, s2  }
0x8d: {  	s2 =	sadd.s32 s2, s16  }
0x8e: {  	[smem:$0x3FAB] =	sst s2  }
0x8f: {  	_ = 	snop  }
0x90: {  	(tm) =	ssettm $0x1  }
0x91: {  	s17 =	sld [smem:$0x3FFB];
	_ =	sdelay $0x3  }
0x92: {  	_ =	strace s17  }
0x93: {  	s2 =	sld [smem:$0x3FFC];
	_ =	sdelay $0x3  }
0x94: {  	_ =	strace s2  }
0x95: {  	s2 =	sld [smem:$0x3FFD];
	_ =	sdelay $0x3  }
0x96: {  	_ =	strace s2  }
0x97: {  	_ =	strace $0x8FFFFFFF  }
0x98: {  	s18 =	sld [smem:$0x3FDB];
	_ =	sdelay $0x1  }
0x99: {  	s19 =	simm.s32 $_scs_section_size  }
0x9a: {  	s4 =	simm.s32 $_size__tile_overlayer_lowered;
	s5 =	simm.s32 $_tile_overlayer_lowered  }
0x9b: {  	s22 =	simm.s32 $0x1BFF;
	s21 =	sshll.u32 s5, $0x1;
	s2 =	sadd.s32 s19, s18  }
0x9c: {  	s6 =	simm.s32 $0x0;
	s20 =	sshll.u32 s4, $0x1;
	s4 =	sadd.s32 s21, s2  }
0x9d: {  	[timem:s6], [sflag:s22] =	dma.local [hbm:s4], s20  }
0x9e: {  	_ =	swait.ge [sflag:s22], s20  }
0x9f: {  	s3 =	ssub.s32 $0x0, s20;
	[sflag:s22] =	ssyncset.done $0x0  }
0xa0: {  	[sflag:s22] =	ssyncadd.s32 s3;
	_ =	sdelay $0x1  }
0xa1: {  	s23 =	simm.s32 $0x1B8B  }
0xa2: {  	_ =	swait.ge [sflag:s23], $0x1  }
0xa3: {  	[sflag:s23] =	ssyncset.done $0x0  }
0xa4: {  	s25 =	simm.s32 $0x1B8E;
	s24 =	sld [smem:$0x3FFE];
	[sflag:s23] =	ssyncadd.s32 $0xFFFFFFFF  }
0xa5: {  	s26 =	simm.s32 $execute0_lowered;
	[smem:$0x3FD2] =	sst s25  }
0xa6: {  	s4 =	sshll.u32 s26, $0x1;
	_ =	strace $0x80000049;
	[dreg:$0x1] =	wrdreg $0xFFFFFFFF  }
0xa7: {  	s28 =	simm.s32 $_size_execute0_lowered;
	s2 =	sadd.s32 s2, s4;
	[dreg:$0x0] =	wrdreg $0x0  }
0xa8: {  	s4 =	sshll.u32 s28, $0x1;
	[dreg:$0x2] =	wrdreg s2  }
0xa9: {  	[dreg:$0x3] =	wrdreg s4  }
0xaa: {  	[dreg:$0x4] =	wrdreg $0xC0  }
0xab: {  	_ =	task [dreg:s6], $0x5FFFF  }
0xac: {  	[dreg:$0x1] =	wrdreg $0xFFFFFFFF  }
0xad: {  	[dreg:$0x0] =	wrdreg $0x60  }
0xae: {  	[dreg:$0x2] =	wrdreg s24  }
0xaf: {  	[dreg:$0x3] =	wrdreg $0x9  }
0xb0: {  	_ =	task.clear_ibuf [dreg:s6], $0x4FFFF;
	_ =	strace $0x90000049  }
0xb1: {  	s29 =	simm.s32 $0x9;
	_ =	strace $0x8000004B  }
0xb2: {  	_ =	swait.ge [sflag:s29], $0x1  }
0xb3: {  	[sflag:s29] =	ssyncadd.s32 $0xFFFFFFFF  }
0xb4: {  	_ =	strace $0x9000004B  }
0xb5: {  	_ =	sfence  }
0xb6: {  	s30 =	sld [smem:$0x0];
	_ =	sdelay $0x2  }
0xb7: {  	s31 =	sshll.u32 s1, $0xD;
	s1 =	sshrl.u32 s1, $0x2  }
0xb8: {  	s3 =	sand.u32 $0x4000, s31;
	s1 =	sadd.s32 s1, s30  }
0xb9: {  	s0 =	sor.u32 s3, s0;
	s1 =	sshll.u32 s1, $0x11  }
0xba: {  	s0 =	sor.u32 s1, s0  }
0xbb: {  	s0 =	sadd.s32 $0x8F2B, s0  }
0xbc: {  	[sflag:s0] =	ssyncadd.remote.s32 $0x1  }
0xbd: {  	_ =	sfence.sel $0xFFFF  }
0xbe: {  	[dreg:$0x0] =	wrdreg $0xFFFFFFFF;
	(pc) =	sbr.abs _section_cstart, $3  }
0xbf: {  	[dreg:$0x1] =	wrdreg $0xFFFFFFFF  }
0xc0: {  	_ =	task.clear_ibuf [dreg:s6], $0x2FFFF;
	_ =	strace $0x9FFFFFFF  }
0xc1: {  	(tm) =	ssettm $0x7FFFFFFF  }
tec
execute0_lowered:
.L_overlay_start_1:
0x0: {  	(tag) =	ssettag $0x1  }
0x1: {  	s3 =	rddreg [dreg:$0x0]  }
0x2: {  	s0 =	rddreg [dreg:$0x1];
	s1 =	simm.s32 $0x0  }
0x3: {  	s4 =	srdreg.scid;
	s2 =	stileid.u32;
	s15 =	simm.s32 $0x2000  }
0x4: {  	s16 =	simm.s32 $0x1000;
	s19 =	simm.s32 $0x2500;
	s20 =	simm.s32 $0x3500  }
0x5: {  	s21 =	simm.s32 $0x4500;
	s22 =	simm.s32 $0x0;
	[smem:$0x7FF] =	sst s1  }
0x6: {  	s7 =	sadd.s32 $0x104800, s3;
	s4 =	sand.u32 $0x1, s4;
	s8 =	sadd.s32 $0x10C800, s3  }
0x7: {  	s5 =	sshll.u32 s2, $0x2;
	s9 =	sadd.s32 $0x11CA00, s3;
	s10 =	sadd.s32 $0x114A00, s3  }
0x8: {  	s29 =	sshll.u32 s2, $0xE;
	_ =	strace $0x8000004A;
	s6 =	sshll.u32 s4, $0x1  }
0x9: {  	s28 =	ssub.s32 $0x2, s4;
	s17 =	sshll.u32 s4, $0x7;
	s26 =	sor.u32 s6, s5  }
0xa: {  	s12 =	sshrl.u32 s28, $0x1;
	v0 =	vmov s17;
	s17 =	simm.s32 $0x2400;
	s11 =	sshll.u32 s26, $0x7  }
0xb: {  	s13 =	sor.u32 $0x1, s26;
	s12 =	ssub.s32 s28, s12;
	s11 =	sor.u32 s29, s11  }
0xc: {  	s31 =	sshll.u32 s13, $0x7;
	s13 =	sshll.u32 s13, $0x6;
	s30 =	sand.u32 $0x38300, s11  }
0xd: {  	s5 =	sor.u32 s29, s31;
	s18 =	sand.u32 $0xC0, s13;
	s13 =	simm.s32 $0x400  }
0xe: {  	s11 =	sshrl.u32 s30, $0x3;
	s6 =	sand.u32 $0x38380, s5;
	v1 =	vmov s18;
	s18 =	simm.s32 $0x2480  }
0xf: {  	s3 =	sadd.s32 s7, s11;
	s4 =	sadd.s32 s8, s11;
	s5 =	sadd.s32 s9, s11  }
0x10: {  	v4 =	vlaneseq.u32;
	s14 =	sshrl.u32 s6, $0x3;
	s6 =	sadd.s32 s10, s11;
	s11 =	smax.u32 s12, $0x1  }
0x11: {  	v3 =	vmul.u32 $0x100, v4;
	s12 =	simm.s32 $0x80;
	s7 =	sadd.s32 s7, s14;
	s8 =	sadd.s32 s8, s14  }
0x12: {  	v2 =	vimm.s32 $0x0;
	v4 =	vmul.u32 $0x40, v4;
	s9 =	sadd.s32 s9, s14;
	s10 =	sadd.s32 s10, s14;
	s14 =	simm.s32 $0x1  }
.LBB2_1:
0x13: {  	[tilespmem:s1], [sflag:$0x1] =	stream.strided.gather [hbm4b:s3+s12], $0x1000, s13, s12, $0x38;
	[tilespmem:$0x5500] =	vst v63  }
0x14: {  	_ =	swait.ge [sflag:s14], $0x1000  }
0x15: {  	[sflag:s14] =	ssyncset.done $0x0  }
0x16: {  	s23 =	simm.s32 $0x40;
	s25 =	simm.s32 $0x0;
	[sflag:s14] =	ssyncadd.s32 $0xFFFFF000  }
.LBB2_2:
0x17: {  	p0 =	sne.s32 s23, $0xFC0;
	[tilespmem:s25+$0x2000] =	vst v2;
	s24 =	smov.u32 s23;
	s23 =	sadd.s32 $0x40, s23  }
.Ltmp0:
0x18: {  	(pc) =	sbr.rel @p0 .LBB2_2-.Ltmp0, $2  }
0x19: {  	_ =	sdelay $0x2  }
0x1a: {  	s25 =	sshra.s32 s24, $0x2  }
0x1b: {  	s24 =	simm.s32 $0x0  }
0x1c: {  	v5 =	vor.u32 s24, v3;
	_ =	sdelay $0x3  }
0x1d: {  	[tilespmem:s25+$0x2000] =	vst v2  }
0x1e: {  	v6 =	vld.idx.msk [tilespmem:v5+s24+$0x0], $0xffff;
	_ =	sdelay $0x4  }
0x1f: {  	v6 =	vsub.s32 v6, v0  }
0x20: {  	v6 =	vadd.s32 v4, v6;
	_ =	sdelay $0x4  }
0x21: {  	v8 =	vld.idx.msk [tilespmem:v6+s15+$0x0], $0xffff  }
0x22: {  	s23 =	simm.s32 $0x1  }
0x23: {  	s25 =	simm.s32 $0x2;
	v7 =	vor.u32 s23, v3  }
.LBB2_4:
0x24: {  	p0 =	sne.s32 s25, $0xFF;
	_ =	sdelay $0x1  }
0x25: {  	[tilespmem:v5+s16+$0x0] =	vst.idx.msk $0xffff, v8;
	v8 =	vadd.s32 $0x1, v8;
	v5 =	vmov v7  }
0x26: {  	[tilespmem:v6+s15+$0x0] =	vst.idx.msk $0xffff, v8  }
0x27: {  	v6 =	vld.idx.msk [tilespmem:v7+s24+$0x0], $0xffff;
	_ =	sdelay $0x5  }
0x28: {  	v6 =	vsub.s32 v6, v0  }
0x29: {  	v6 =	vadd.s32 v4, v6;
	_ =	sdelay $0x3  }
.Ltmp1:
0x2a: {  	(pc) =	sbr.rel @p0 .LBB2_4-.Ltmp1, $2  }
0x2b: {  	v8 =	vld.idx.msk [tilespmem:v6+s15+$0x0], $0xffff;
	_ =	sdelay $0x2  }
0x2c: {  	v7 =	vor.u32 s25, v3;
	s25 =	sadd.s32 $0x1, s25  }
0x2d: {  	_ =	sdelay $0x3  }
0x2e: {  	[tilespmem:v5+s16+$0x0] =	vst.idx.msk $0xffff, v8;
	v5 =	vadd.s32 $0x1, v8  }
0x2f: {  	[tilespmem:v6+s15+$0x0] =	vst.idx.msk $0xffff, v5  }
0x30: {  	v5 =	vld.idx.msk [tilespmem:v7+s24+$0x0], $0xffff;
	_ =	sdelay $0x4  }
0x31: {  	v5 =	vsub.s32 v5, v0  }
0x32: {  	v6 =	vadd.s32 v4, v5;
	_ =	sdelay $0x4  }
0x33: {  	v8 =	vld.idx.msk [tilespmem:v6+s15+$0x0], $0xffff;
	_ =	sdelay $0x1  }
0x34: {  	v5 =	vor.u32 s24, v4;
	_ =	sdelay $0x2  }
0x35: {  	[tilespmem:v7+s16+$0x0] =	vst.idx.msk $0xffff, v8;
	v7 =	vadd.s32 $0x1, v8  }
0x36: {  	[tilespmem:v6+s15+$0x0] =	vst.idx.msk $0xffff, v7  }
0x37: {  	v6 =	vld.idx.msk [tilespmem:v5+s15+$0x0], $0xffff;
	_ =	sdelay $0x4  }
0x38: {  	(xrf0) =	vadd.scan.msk.s32 $0xffff, v6;
	_ =	sdelay $0x3  }
0x39: {  	v8 =	vmov s24  }
0x3a: {  	s24 =	simm.s32 $0x2;
	v7 =	vor.u32 s23, v4  }
.LBB2_6:
0x3b: {  	p0 =	sne.s32 s24, $0x3F;
	v9, _, _ =	vpop (xrf0)  }
0x3c: {  	v6 =	vsub.s32 v9, v6;
	v9 =	vbroadcast v9, $0xF  }
0x3d: {  	[tilespmem:v5+s15+$0x0] =	vst.idx.msk $0xffff, v6;
	v5 =	vmov v7  }
0x3e: {  	[tilespmem:v8+s17+$0x0] =	vst.idx.msk $0x1, v9  }
0x3f: {  	v6 =	vld.idx.msk [tilespmem:v7+s15+$0x0], $0xffff;
	_ =	sdelay $0x5  }
0x40: {  	(xrf0) =	vadd.scan.msk.s32 $0xffff, v6  }
.Ltmp2:
0x41: {  	(pc) =	sbr.rel @p0 .LBB2_6-.Ltmp2, $3  }
0x42: {  	_ =	sdelay $0x1  }
0x43: {  	v8 =	vmov s23;
	s23 =	smov.u32 s24  }
0x44: {  	s24 =	sadd.s32 $0x1, s24;
	v7 =	vor.u32 s23, v4  }
0x45: {  	_ =	sdelay $0x1  }
0x46: {  	v9, _, _ =	vpop (xrf0)  }
0x47: {  	v6 =	vsub.s32 v9, v6;
	v9 =	vbroadcast v9, $0xF  }
0x48: {  	[tilespmem:v5+s15+$0x0] =	vst.idx.msk $0xffff, v6  }
0x49: {  	[tilespmem:v8+s17+$0x0] =	vst.idx.msk $0x1, v9  }
0x4a: {  	v5 =	vld.idx.msk [tilespmem:v7+s15+$0x0], $0xffff;
	_ =	sdelay $0x4  }
0x4b: {  	(xrf0) =	vadd.scan.msk.s32 $0xffff, v5;
	_ =	sdelay $0x3  }
0x4c: {  	v6 =	vmov s23;
	_ =	sdelay $0x1  }
0x4d: {  	v61, _, _ =	vpop (xrf0)  }
0x4e: {  	v5 =	vsub.s32 v61, v5;
	v8 =	vbroadcast v61, $0xF  }
0x4f: {  	[tilespmem:v7+s15+$0x0] =	vst.idx.msk $0xffff, v5  }
0x50: {  	[tilespmem:v6+s17+$0x0] =	vst.idx.msk $0x1, v8  }
0x51: {  	v5 =	vld [tilespmem:$0x2400]  }
0x52: {  	v6 =	vld [tilespmem:$0x2410]  }
0x53: {  	v7 =	vld [tilespmem:$0x2420];
	_ =	sdelay $0x2  }
0x54: {  	(xrf0) =	vadd.scan.msk.s32 $0xffff, v5  }
0x55: {  	(xrf0) =	vadd.scan.msk.s32 $0xffff, v6  }
0x56: {  	(xrf0) =	vadd.scan.msk.s32 $0xffff, v7;
	_ =	sdelay $0x3  }
0x57: {  	v62, _, _ =	vpop (xrf0)  }
0x58: {  	v63, _, _ =	vpop (xrf0);
	(v2sf) =	vpush v62, $0xF  }
0x59: {  	(v2sf) =	vpush v63, $0xF;
	v10, _, _ =	vpop (xrf0)  }
0x5a: {  	(v2sf) =	vpush v10, $0xF;
	_ =	sdelay $0x3  }
0x5b: {  	v11 =	vld [tilespmem:$0x2430];
	_ =	sdelay $0x4  }
0x5c: {  	(xrf0) =	vadd.scan.msk.s32 $0xffff, v11;
	_ =	sdelay $0x2  }
0x5d: {  	v12 =	vbroadcast v62, $0xF  }
0x5e: {  	s30 =	spop (v2sf)  }
0x5f: {  	v5 =	vsub.s32 v62, v5;
	v6 =	vsub.s32 v12, v6;
	s24 =	spop (v2sf)  }
0x60: {  	[tilespmem:$0x2480] =	vst v5;
	v5 =	vadd.s32 v63, v6;
	v6 =	vsub.s32 v10, v7;
	v7, _, _ =	vpop (xrf0);
	s23 =	sadd.s32 s30, s24;
	s31 =	spop (v2sf)  }
0x61: {  	[tilespmem:$0x2490] =	vst v5;
	v5 =	vadd.s32 s23, v6;
	s23 =	sadd.s32 s23, s31;
	v6 =	vsub.s32 v7, v11  }
0x62: {  	[tilespmem:$0x24A0] =	vst v5;
	v5 =	vadd.s32 s23, v6  }
0x63: {  	s23 =	simm.s32 $0x0;
	[tilespmem:$0x24B0] =	vst v5  }
.LBB2_8:
0x64: {  	v5 =	vor.u32 s23, v3;
	_ =	sdelay $0x4  }
0x65: {  	v6 =	vld.idx.msk [tilespmem:v5+s1+$0x0], $0xffff;
	_ =	sdelay $0x4  }
0x66: {  	v7 =	vsub.s32 v6, v0  }
0x67: {  	v9 =	vand.u32 $0x7F, v6;
	v8 =	vand.u32 $0xFFFFFF80, v7  }
0x68: {  	v8 =	vor.u32 v9, v8  }
0x69: {  	v7 =	vadd.s32 v4, v7;
	_ =	sdelay $0x2  }
0x6a: {  	v63 =	vld.idx.msk [tilespmem:v5+s16+$0x0], $0xffff  }
0x6b: {  	v8 =	vld.idx.msk [tilespmem:v8+s18+$0x0], $0xffff  }
0x6c: {  	v7 =	vld.idx.msk [tilespmem:v7+s15+$0x0], $0xffff;
	_ =	sdelay $0x3  }
0x6d: {  	v8 =	vadd.s32 v63, v8  }
0x6e: {  	v7 =	vadd.s32 v7, v8;
	_ =	sdelay $0x1  }
0x6f: {  	p0 =	sne.s32 s23, $0xFF  }
.Ltmp3:
0x70: {  	_ = 	snop;
	(pc) =	sbr.rel @p0 .LBB2_8-.Ltmp3, $4  }
0x71: {  	_ = 	snop  }
0x72: {  	[tilespmem:v7+s19+$0x0] =	vst.idx.msk $0xffff, v5  }
0x73: {  	[tilespmem:v7+s20+$0x0] =	vst.idx.msk $0xffff, v6  }
0x74: {  	s23 =	sadd.s32 $0x1, s23;
	[tilespmem:v5+s21+$0x0] =	vst.idx.msk $0xffff, v7  }
0x75: {  	[hbm4b:s4+s12] =	stream.strided.scatter [tilespmem:s19], [sflag:$0x1], $0x1000, s13, s12, $0x38;
	[tilespmem:$0x5500] =	vst v63  }
0x76: {  	_ =	swait.ge [sflag:s14], $0x1000  }
0x77: {  	[sflag:s14] =	ssyncset.done $0x0  }
0x78: {  	[sflag:s14] =	ssyncadd.s32 $0xFFFFF000  }
0x79: {  	[hbm4b:s5+s12] =	stream.strided.scatter [tilespmem:s20], [sflag:$0x1], $0x1000, s13, s12, $0x38;
	[tilespmem:$0x5500] =	vst v63  }
0x7a: {  	_ =	swait.ge [sflag:s14], $0x1000  }
0x7b: {  	[sflag:s14] =	ssyncset.done $0x0  }
0x7c: {  	[sflag:s14] =	ssyncadd.s32 $0xFFFFF000  }
0x7d: {  	[hbm4b:s6+s12] =	stream.strided.scatter [tilespmem:s21], [sflag:$0x1], $0x1000, s13, s12, $0x38;
	[tilespmem:$0x5500] =	vst v63  }
0x7e: {  	_ =	swait.ge [sflag:s14], $0x1000  }
0x7f: {  	[sflag:s14] =	ssyncset.done $0x0  }
0x80: {  	s23 =	simm.s32 $0x0;
	[sflag:s14] =	ssyncadd.s32 $0xFFFFF000  }
0x81: {  	[tilespmem:s23], [sflag:$0x1] =	stream.strided.gather [hbm4b:s7+s12], $0x1000, s13, s12, $0x38;
	[tilespmem:$0x5500] =	vst v63  }
0x82: {  	_ =	swait.ge [sflag:s14], $0x1000  }
0x83: {  	[sflag:s14] =	ssyncset.done $0x0  }
0x84: {  	s24 =	simm.s32 $0x40;
	s25 =	simm.s32 $0x0;
	[sflag:s14] =	ssyncadd.s32 $0xFFFFF000  }
.LBB2_10:
0x85: {  	p0 =	sne.s32 s24, $0xFC0;
	[tilespmem:s25+$0x2000] =	vst v2;
	s25 =	smov.u32 s24;
	s24 =	sadd.s32 $0x40, s24  }
.Ltmp4:
0x86: {  	(pc) =	sbr.rel @p0 .LBB2_10-.Ltmp4, $2  }
0x87: {  	_ =	sdelay $0x2  }
0x88: {  	s25 =	sshra.s32 s25, $0x2  }
0x89: {  	v5 =	vor.u32 s23, v3;
	_ =	sdelay $0x3  }
0x8a: {  	[tilespmem:s25+$0x2000] =	vst v2;
	s23 =	simm.s32 $0x0  }
0x8b: {  	v6 =	vld.idx.msk [tilespmem:v5+s23+$0x0], $0xffff;
	_ =	sdelay $0x4  }
0x8c: {  	v6 =	vsub.s32 v6, v1  }
0x8d: {  	v6 =	vadd.s32 v4, v6;
	_ =	sdelay $0x4  }
0x8e: {  	v8 =	vld.idx.msk [tilespmem:v6+s15+$0x0], $0xffff  }
0x8f: {  	s24 =	simm.s32 $0x1  }
0x90: {  	v7 =	vor.u32 s24, v3;
	s24 =	simm.s32 $0x2  }
.LBB2_12:
0x91: {  	p0 =	sne.s32 s24, $0xFF;
	_ =	sdelay $0x1  }
0x92: {  	[tilespmem:v5+s16+$0x0] =	vst.idx.msk $0xffff, v8;
	v8 =	vadd.s32 $0x1, v8;
	v5 =	vmov v7  }
0x93: {  	[tilespmem:v6+s15+$0x0] =	vst.idx.msk $0xffff, v8  }
0x94: {  	v6 =	vld.idx.msk [tilespmem:v7+s23+$0x0], $0xffff;
	_ =	sdelay $0x5  }
0x95: {  	v6 =	vsub.s32 v6, v1  }
0x96: {  	v6 =	vadd.s32 v4, v6;
	_ =	sdelay $0x3  }
.Ltmp5:
0x97: {  	(pc) =	sbr.rel @p0 .LBB2_12-.Ltmp5, $2  }
0x98: {  	v8 =	vld.idx.msk [tilespmem:v6+s15+$0x0], $0xffff;
	_ =	sdelay $0x2  }
0x99: {  	v7 =	vor.u32 s24, v3;
	s24 =	sadd.s32 $0x1, s24  }
0x9a: {  	_ =	sdelay $0x3  }
0x9b: {  	[tilespmem:v5+s16+$0x0] =	vst.idx.msk $0xffff, v8;
	v5 =	vadd.s32 $0x1, v8  }
0x9c: {  	s23 =	simm.s32 $0x0;
	[tilespmem:v6+s15+$0x0] =	vst.idx.msk $0xffff, v5  }
0x9d: {  	v5 =	vld.idx.msk [tilespmem:v7+s23+$0x0], $0xffff;
	_ =	sdelay $0x4  }
0x9e: {  	v5 =	vsub.s32 v5, v1  }
0x9f: {  	v5 =	vadd.s32 v4, v5;
	_ =	sdelay $0x4  }
0xa0: {  	v6 =	vld.idx.msk [tilespmem:v5+s15+$0x0], $0xffff;
	_ =	sdelay $0x2  }
0xa1: {  	p1 =	por $0x1, $0x1  }
.Ltmp6:
0xa2: {  	_ = 	snop;
	(pc) =	sbr.rel @!p1 .LBB2_14-.Ltmp6, $3  }
0xa3: {  	[tilespmem:v7+s16+$0x0] =	vst.idx.msk $0xffff, v6;
	v6 =	vadd.s32 $0x1, v6  }
0xa4: {  	[tilespmem:v5+s15+$0x0] =	vst.idx.msk $0xffff, v6;
	v5 =	vor.u32 s23, v4;
	_ =	sdelay $0x1  }
0xa5: {  	s24 =	simm.s32 $0x1;
	p0 =	por $0x0, $0x0  }
0xa6: {  	_ =	sdelay $0x3  }
0xa7: {  	v6 =	vld.idx.msk [tilespmem:v5+s15+$0x0], $0xffff;
	_ =	sdelay $0x4  }
0xa8: {  	p1 =	por $0x1, $0x1;
	(xrf0) =	vadd.scan.msk.s32 $0xffff, v6  }
.Ltmp7:
0xa9: {  	_ = 	snop;
	(pc) =	sbr.rel @!p1 .LBB2_16-.Ltmp7, $3  }
0xaa: {  	_ =	sdelay $0x1  }
0xab: {  	v7 =	vmov s23  }
0xac: {  	v8 =	vor.u32 s24, v4;
	s25 =	simm.s32 $0x2;
	p0 =	por $0x1, $0x1  }
.LBB2_17:
0xad: {  	p1 =	sne.s32 s25, $0x3F;
	v9, _, _ =	vpop (xrf0)  }
0xae: {  	v6 =	vsub.s32 v9, v6;
	v9 =	vbroadcast v9, $0xF  }
0xaf: {  	[tilespmem:v5+s15+$0x0] =	vst.idx.msk $0xffff, v6;
	v5 =	vmov v8  }
0xb0: {  	[tilespmem:v7+s17+$0x0] =	vst.idx.msk $0x1, v9  }
0xb1: {  	v6 =	vld.idx.msk [tilespmem:v8+s15+$0x0], $0xffff;
	_ =	sdelay $0x5  }
0xb2: {  	(xrf0) =	vadd.scan.msk.s32 $0xffff, v6  }
.Ltmp8:
0xb3: {  	(pc) =	sbr.rel @p1 .LBB2_17-.Ltmp8, $3  }
0xb4: {  	_ =	sdelay $0x1  }
0xb5: {  	v7 =	vmov s24;
	s24 =	smov.u32 s25  }
0xb6: {  	s25 =	sadd.s32 $0x1, s25;
	v8 =	vor.u32 s24, v4  }
0xb7: {  	v9 =	vmov v5;
	v5 =	vmov v8  }
.LBB2_19:
0xb8: {  	_ =	sdelay $0x1  }
0xb9: {  	v8, _, _ =	vpop @p0 (xrf0)  }
0xba: {  	v6 =	vsub.s32 @p0 v8, v6;
	v8 =	vbroadcast @p0 v8, $0xF  }
0xbb: {  	[tilespmem:v9+s15+$0x0] =	vst.idx.msk @p0 $0xffff, v6  }
0xbc: {  	[tilespmem:v7+s17+$0x0] =	vst.idx.msk @p0 $0x1, v8  }
0xbd: {  	v6 =	vld.idx.msk [tilespmem:v5+s15+$0x0], $0xffff;
	_ =	sdelay $0x4  }
0xbe: {  	(xrf0) =	vadd.scan.msk.s32 $0xffff, v6;
	_ =	sdelay $0x3  }
0xbf: {  	v7 =	vmov s24;
	_ =	sdelay $0x1  }
0xc0: {  	v61, _, _ =	vpop (xrf0)  }
0xc1: {  	v6 =	vsub.s32 v61, v6;
	v8 =	vbroadcast v61, $0xF  }
0xc2: {  	[tilespmem:v5+s15+$0x0] =	vst.idx.msk $0xffff, v6  }
0xc3: {  	[tilespmem:v7+s17+$0x0] =	vst.idx.msk $0x1, v8  }
0xc4: {  	v5 =	vld [tilespmem:$0x2400]  }
0xc5: {  	v6 =	vld [tilespmem:$0x2410]  }
0xc6: {  	v7 =	vld [tilespmem:$0x2420];
	_ =	sdelay $0x2  }
0xc7: {  	(xrf0) =	vadd.scan.msk.s32 $0xffff, v5  }
0xc8: {  	(xrf0) =	vadd.scan.msk.s32 $0xffff, v6  }
0xc9: {  	(xrf0) =	vadd.scan.msk.s32 $0xffff, v7;
	_ =	sdelay $0x3  }
0xca: {  	v62, _, _ =	vpop (xrf0)  }
0xcb: {  	v63, _, _ =	vpop (xrf0);
	(v2sf) =	vpush v62, $0xF  }
0xcc: {  	(v2sf) =	vpush v63, $0xF;
	v10, _, _ =	vpop (xrf0)  }
0xcd: {  	(v2sf) =	vpush v10, $0xF;
	_ =	sdelay $0x3  }
0xce: {  	v11 =	vld [tilespmem:$0x2430];
	_ =	sdelay $0x4  }
0xcf: {  	(xrf0) =	vadd.scan.msk.s32 $0xffff, v11;
	_ =	sdelay $0x2  }
0xd0: {  	v12 =	vbroadcast v62, $0xF  }
0xd1: {  	s30 =	spop (v2sf)  }
0xd2: {  	v5 =	vsub.s32 v62, v5;
	v6 =	vsub.s32 v12, v6;
	s25 =	spop (v2sf)  }
0xd3: {  	[tilespmem:$0x2480] =	vst v5;
	v5 =	vadd.s32 v63, v6;
	v6 =	vsub.s32 v10, v7;
	v7, _, _ =	vpop (xrf0);
	s24 =	sadd.s32 s30, s25;
	s31 =	spop (v2sf)  }
0xd4: {  	[tilespmem:$0x2490] =	vst v5;
	v5 =	vadd.s32 s24, v6;
	s24 =	sadd.s32 s24, s31;
	v6 =	vsub.s32 v7, v11  }
0xd5: {  	[tilespmem:$0x24A0] =	vst v5;
	v5 =	vadd.s32 s24, v6  }
0xd6: {  	[tilespmem:$0x24B0] =	vst v5  }
.LBB2_20:
0xd7: {  	v5 =	vor.u32 s23, v3;
	_ =	sdelay $0x4  }
0xd8: {  	v6 =	vld.idx.msk [tilespmem:v5+s1+$0x0], $0xffff;
	_ =	sdelay $0x4  }
0xd9: {  	v7 =	vsub.s32 v6, v1  }
0xda: {  	v8 =	vadd.s32 v4, v7;
	_ =	sdelay $0x2  }
0xdb: {  	v9 =	vld.idx.msk [tilespmem:v5+s16+$0x0], $0xffff  }
0xdc: {  	v7 =	vld.idx.msk [tilespmem:v7+s18+$0x0], $0xffff  }
0xdd: {  	v8 =	vld.idx.msk [tilespmem:v8+s15+$0x0], $0xffff;
	_ =	sdelay $0x3  }
0xde: {  	v7 =	vadd.s32 v9, v7  }
0xdf: {  	v7 =	vadd.s32 v8, v7;
	_ =	sdelay $0x1  }
0xe0: {  	p0 =	sne.s32 s23, $0xFF  }
.Ltmp9:
0xe1: {  	_ = 	snop;
	(pc) =	sbr.rel @p0 .LBB2_20-.Ltmp9, $4  }
0xe2: {  	_ = 	snop  }
0xe3: {  	[tilespmem:v7+s19+$0x0] =	vst.idx.msk $0xffff, v5  }
0xe4: {  	[tilespmem:v7+s20+$0x0] =	vst.idx.msk $0xffff, v6  }
0xe5: {  	s23 =	sadd.s32 $0x1, s23;
	[tilespmem:v5+s21+$0x0] =	vst.idx.msk $0xffff, v7  }
0xe6: {  	[hbm4b:s8+s12] =	stream.strided.scatter [tilespmem:s19], [sflag:$0x1], $0x1000, s13, s12, $0x38;
	[tilespmem:$0x5500] =	vst v63  }
0xe7: {  	_ =	swait.ge [sflag:s14], $0x1000  }
0xe8: {  	[sflag:s14] =	ssyncset.done $0x0  }
0xe9: {  	[sflag:s14] =	ssyncadd.s32 $0xFFFFF000  }
0xea: {  	[hbm4b:s9+s12] =	stream.strided.scatter [tilespmem:s20], [sflag:$0x1], $0x1000, s13, s12, $0x38;
	[tilespmem:$0x5500] =	vst v63  }
0xeb: {  	_ =	swait.ge [sflag:s14], $0x1000  }
0xec: {  	s22 =	sadd.s32 $0x1, s22;
	[sflag:s14] =	ssyncset.done $0x0  }
0xed: {  	p0 =	sne.s32 s22, s11;
	[sflag:s14] =	ssyncadd.s32 $0xFFFFF000  }
0xee: {  	[hbm4b:s10+s12] =	stream.strided.scatter [tilespmem:s21], [sflag:$0x1], $0x1000, s13, s12, $0x38;
	[tilespmem:$0x5500] =	vst v63  }
.Ltmp10:
0xef: {  	_ = 	snop;
	(pc) =	sbr.rel @p0 .LBB2_1-.Ltmp10, $4  }
.Ltmp11:
0xf0: {  	_ = 	snop;
	(pc) =	sbr.rel @!p0 .LBB2_22-.Ltmp11, $4  }
0xf1: {  	_ =	swait.ge [sflag:s14], $0x1000  }
0xf2: {  	[sflag:s14] =	ssyncset.done $0x0  }
0xf3: {  	[sflag:s14] =	ssyncadd.s32 $0xFFFFF000  }
0xf4: {  	_ = 	snop  }
.LBB2_14:
.Ltmp12:
0xf5: {  	(pc) =	sbr.rel .LBB2_19-.Ltmp12, $2  }
0xf6: {  	_ =	sdelay $0x2  }
0xf7: {  	s24 =	simm.s32 $0x0  }
.LBB2_16:
.Ltmp13:
0xf8: {  	(pc) =	sbr.rel .LBB2_19-.Ltmp13, $2  }
0xf9: {  	_ =	sdelay $0x2  }
0xfa: {  	v9 =	vmov v5;
	v5 =	vmov v8  }
.LBB2_22:
0xfb: {  	_ =	sfence.sel $0x180000  }
0xfc: {  	[bflag:$0x0] =	sbarrier.arrive $0xFFFF  }
0xfd: {  	p0 =	sne.s32 s2, $0x0;
	_ =	strace $0x9000004A  }
0xfe: {  	s0 =	sadd.s32 @!p0 $0x100000, s0;
	[bflag:$0x2] =	sbarrier.arrive $0xFFFF  }
0xff: {  	[sflag:s0] =	ssyncadd.tile.s32 @!p0 $0x1;
	_ =	shalt  }
.Lfunc_end2:
_tile_overlayer_lowered:
.L_overlay_start_2:
0x100: {  	(tag) =	ssettag $0x2  }
0x101: {  	s0 =	rddreg [dreg:$0x0];
	s2 =	stileid.u32  }
0x102: {  	s1 =	rddreg [dreg:$0x1];
	p0 =	sne.s32 s2, $0x0  }
0x103: {  	s3 =	rddreg [dreg:$0x2];
	[bflag:$0x3] =	sbarrier.arrive $0xFFFF;
	s2 =	simm.s32 @!p0 $0x1C01  }
0x104: {  	[timem:s3], [sflag:s2] =	dma.local @!p0 [hbm:s0], s1  }
0x105: {  	s0 =	simm.s32 @!p0 $0x1  }
0x106: {  	_ =	swait.ge @!p0 [sflag:s0], s1  }
0x107: {  	s1 =	ssub.s32 @!p0 $0x0, s1;
	[sflag:s0] =	ssyncset.done @!p0 $0x0  }
0x108: {  	[sflag:s0] =	ssyncadd.s32 @!p0 s1  }
0x109: {  	[bflag:$0x3] =	sbarrier.arrive $0xFFFF  }
0x10a: {  	_ =	shalt  }

// kernel: kernel.7.cloned.1.call-start
scs
__scs_entry_jumppad:
0x0: {  	(pc) =	sbr.rel $0x88, $3  }
0x1: {  	(tag) =	ssettag $0x0;
	lr =	simm.s32 $0x1  }
0x2: {  	[smem:$0x3F84] =	sst lr;
	_ =	strace $0xD0000000  }
0x3: {  	_ = 	snop  }
0x4: {  	_ = 	snop  }
0x5: {  	_ = 	snop  }
0x6: {  	_ = 	snop  }
0x7: {  	_ = 	snop  }
__scs_overlays_trampoline_lowered:
0x8: {  	[smem:$0x3F93] =	sst s0  }
0x9: {  	[smem:$0x3F94] =	sst s1  }
0xa: {  	[smem:$0x3F95] =	sst s2  }
0xb: {  	[smem:$0x3F96] =	sst s3  }
0xc: {  	[smem:$0x3F97] =	sst s4  }
0xd: {  	[smem:$0x3F98] =	sst s5  }
0xe: {  	[smem:$0x3F99] =	sst s6  }
0xf: {  	[smem:$0x3F9A] =	sst s7  }
0x10: {  	[smem:$0x3F9B] =	sst s8  }
0x11: {  	[smem:$0x3F9C] =	sst s9;
	s0 =	simm.s32 @!p0 $0x0  }
0x12: {  	s1 =	sld [smem:$0x3F82];
	s0 =	simm.s32 @p0 $0x1  }
0x13: {  	[smem:$0x3F9D] =	sst s0;
	s0 =	simm.s32 @!p1 $0x0  }
0x14: {  	s2 =	sld [smem:$0x3F81];
	s0 =	simm.s32 @p1 $0x1  }
0x15: {  	[smem:$0x3F9E] =	sst s0;
	s0 =	simm.s32 @!p2 $0x0  }
0x16: {  	s3 =	sld [smem:$0x3FDB];
	s0 =	simm.s32 @p2 $0x1  }
0x17: {  	s4 =	simm.s32 $0x1BF5;
	[smem:$0x3FA0] =	sst s0  }
0x18: {  	s0 =	sld [smem:$0x3F83];
	_ =	swait.ge [sflag:s4], $0x0  }
0x19: {  	s7 =	sld [smem:$0x3F84]  }
0x1a: {  	s8 =	sadd.s32 $0xFFFFE003, lr  }
0x1b: {  	s9 =	sadd.s32 $0xFFFFFEF7, lr;
	s5 =	simm.s32 $0xFFFFFFFF;
	p2 =	slt.u32 s8, $0xFFFFF086  }
0x1c: {  	p1 =	slt.u32 s9, $0xF7A;
	s5 =	simm.s32 @!p2 $0x0  }
0x1d: {  	s5 =	simm.s32 @p1 $0x1;
	p0 =	seq.s32 s7, s2  }
0x1e: {  	s7 =	smul.u32 @!p0 $0xF7A, s2;
	p2 =	seq.s32 @!p0 s5, $0x0  }
0x1f: {  	s9 =	smul.u32 $0xF7A, s1;
	s8 =	simm.s32 @!p0 $0x1BF5;
	p2 =	por !p2, p0  }
0x20: {  	[sflag:s8] =	ssyncset.s32 @!p0 $0xFFFFF086;
	s6 =	sadd.s32 @!p0 s3, s7;
	s7 =	simm.s32 @!p0 $0x108  }
0x21: {  	s3 =	sadd.s32 s3, s9;
	s6 =	sadd.s32 @!p0 $0x88, s6;
	s7 =	simm.s32 @p2 $0x1082  }
0x22: {  	[simem:s7], [sflag:s8] =	dma.local @!p0 [hbm:s6], $0xF7A  }
0x23: {  	s9 =	sor.u32 $0xD0000000, s2;
	s6 =	simm.s32 $0x108;
	_ =	swait.ge @!p0 [sflag:s8], $0x0  }
0x24: {  	s3 =	sadd.s32 $0x88, s3;
	s6 =	simm.s32 @!p1 $0x1082;
	[sflag:s4] =	ssyncset.s32 $0xFFFFF086  }
0x25: {  	[simem:s6], [sflag:s4] =	dma.local [hbm:s3], $0xF7A  }
0x26: {  	[smem:$0x3F84] =	sst s1;
	(tag) =	ssettag s2;
	_ =	strace s9  }
0x27: {  	s1 =	sld [smem:$0x3F94]  }
0x28: {  	s2 =	sld [smem:$0x3F95]  }
0x29: {  	s4 =	sld [smem:$0x3F97]  }
0x2a: {  	p0 =	seq.s32 s5, $0x0;
	s5 =	sld [smem:$0x3F98]  }
0x2b: {  	s6 =	sld [smem:$0x3F99]  }
0x2c: {  	s7 =	sld [smem:$0x3F9A]  }
0x2d: {  	s3 =	simm.s32 $0x108;
	s8 =	sld [smem:$0x3F9B]  }
0x2e: {  	s3 =	simm.s32 @!p0 $0x1082;
	s9 =	sld [smem:$0x3F9C]  }
0x2f: {  	lr =	sadd.s32 s0, s3;
	s0 =	sld [smem:$0x3F93]  }
0x30: {  	s3 =	sld [smem:$0x3F96]  }
0x31: {  	[smem:$0x3F9F] =	sst s10  }
0x32: {  	s10 =	sld [smem:$0x3F9D];
	_ =	sdelay $0x3  }
0x33: {  	p0 =	seq.s32 s10, $0x1;
	s10 =	sld [smem:$0x3F9F];
	_ =	sdelay $0x3  }
0x34: {  	[smem:$0x3F9F] =	sst s10  }
0x35: {  	s10 =	sld [smem:$0x3F9E];
	_ =	sdelay $0x3  }
0x36: {  	p1 =	seq.s32 s10, $0x1;
	s10 =	sld [smem:$0x3F9F];
	_ =	sdelay $0x3  }
0x37: {  	[smem:$0x3F9F] =	sst s10  }
0x38: {  	s10 =	sld [smem:$0x3FA0]  }
0x39: {  	_ = 	snop;
	(pc) =	sbr.ind lr, $3  }
0x3a: {  	_ = 	snop  }
0x3b: {  	_ = 	snop  }
0x3c: {  	p2 =	seq.s32 s10, $0x1;
	s10 =	sld [smem:$0x3F9F]  }
0x3d: {  	_ =	shalt  }
0x3e: {  	_ =	shalt  }
0x3f: {  	_ =	shalt  }
0x40: {  	_ =	shalt  }
0x41: {  	_ =	shalt  }
0x42: {  	_ =	shalt  }
0x43: {  	_ =	shalt  }
0x44: {  	_ =	shalt  }
0x45: {  	_ =	shalt  }
0x46: {  	_ =	shalt  }
0x47: {  	_ =	shalt  }
0x48: {  	_ =	shalt  }
0x49: {  	_ =	shalt  }
0x4a: {  	_ =	shalt  }
0x4b: {  	_ =	shalt  }
0x4c: {  	_ =	shalt  }
0x4d: {  	_ =	shalt  }
0x4e: {  	_ =	shalt  }
0x4f: {  	_ =	shalt  }
0x50: {  	_ =	shalt  }
0x51: {  	_ =	shalt  }
0x52: {  	_ =	shalt  }
0x53: {  	_ =	shalt  }
0x54: {  	_ =	shalt  }
0x55: {  	_ =	shalt  }
0x56: {  	_ =	shalt  }
0x57: {  	_ =	shalt  }
0x58: {  	_ =	shalt  }
0x59: {  	_ =	shalt  }
0x5a: {  	_ =	shalt  }
0x5b: {  	_ =	shalt  }
0x5c: {  	_ =	shalt  }
0x5d: {  	_ =	shalt  }
0x5e: {  	_ =	shalt  }
0x5f: {  	_ =	shalt  }
0x60: {  	_ =	shalt  }
0x61: {  	_ =	shalt  }
0x62: {  	_ =	shalt  }
0x63: {  	_ =	shalt  }
0x64: {  	_ =	shalt  }
0x65: {  	_ =	shalt  }
0x66: {  	_ =	shalt  }
0x67: {  	_ =	shalt  }
0x68: {  	_ =	shalt  }
0x69: {  	_ =	shalt  }
0x6a: {  	_ =	shalt  }
0x6b: {  	_ =	shalt  }
0x6c: {  	_ =	shalt  }
0x6d: {  	_ =	shalt  }
0x6e: {  	_ =	shalt  }
0x6f: {  	_ =	shalt  }
0x70: {  	_ =	shalt  }
0x71: {  	_ =	shalt  }
0x72: {  	_ =	shalt  }
0x73: {  	_ =	shalt  }
0x74: {  	_ =	shalt  }
0x75: {  	_ =	shalt  }
0x76: {  	_ =	shalt  }
0x77: {  	_ =	shalt  }
0x78: {  	_ =	shalt  }
0x79: {  	_ =	shalt  }
0x7a: {  	_ =	shalt  }
0x7b: {  	_ =	shalt  }
0x7c: {  	_ =	shalt  }
0x7d: {  	_ =	shalt  }
0x7e: {  	_ =	shalt  }
0x7f: {  	_ =	shalt  }
0x80: {  	_ =	shalt  }
0x81: {  	_ =	shalt  }
0x82: {  	_ =	shalt  }
0x83: {  	_ =	shalt  }
0x84: {  	_ =	shalt  }
0x85: {  	_ =	shalt  }
0x86: {  	_ =	shalt  }
0x87: {  	_ =	shalt  }
.Lfunc_end0:
.L_simem_size_0:
called_computation.12_lowered:
.L_overlay_start_0:
0x88: {  	s2 =	sld [smem:$0x3FD9]  }
0x89: {  	s3 =	sld [smem:$0x3FFE];
	_ =	sdelay $0x1  }
0x8a: {  	s1 =	srdreg.scid  }
0x8b: {  	s0 =	sand.u32 $0x1, s1  }
0x8c: {  	s16 =	sshll.u32 s0, $0xA;
	s2 =	sadd.s32 s3, s2  }
0x8d: {  	s2 =	sadd.s32 s2, s16  }
0x8e: {  	[smem:$0x3FAB] =	sst s2  }
0x8f: {  	_ = 	snop  }
0x90: {  	(tm) =	ssettm $0x1  }
0x91: {  	s17 =	sld [smem:$0x3FFB];
	_ =	sdelay $0x3  }
0x92: {  	_ =	strace s17  }
0x93: {  	s2 =	sld [smem:$0x3FFC];
	_ =	sdelay $0x3  }
0x94: {  	_ =	strace s2  }
0x95: {  	s2 =	sld [smem:$0x3FFD];
	_ =	sdelay $0x3  }
0x96: {  	_ =	strace s2  }
0x97: {  	_ =	strace $0x8FFFFFFF  }
0x98: {  	s18 =	sld [smem:$0x3FDB];
	_ =	sdelay $0x1  }
0x99: {  	s19 =	simm.s32 $_scs_section_size  }
0x9a: {  	s4 =	simm.s32 $_size__tile_overlayer_lowered;
	s5 =	simm.s32 $_tile_overlayer_lowered  }
0x9b: {  	s22 =	simm.s32 $0x1BFF;
	s21 =	sshll.u32 s5, $0x1;
	s2 =	sadd.s32 s19, s18  }
0x9c: {  	s6 =	simm.s32 $0x0;
	s20 =	sshll.u32 s4, $0x1;
	s4 =	sadd.s32 s21, s2  }
0x9d: {  	[timem:s6], [sflag:s22] =	dma.local [hbm:s4], s20  }
0x9e: {  	_ =	swait.ge [sflag:s22], s20  }
0x9f: {  	s3 =	ssub.s32 $0x0, s20;
	[sflag:s22] =	ssyncset.done $0x0  }
0xa0: {  	[sflag:s22] =	ssyncadd.s32 s3;
	_ =	sdelay $0x1  }
0xa1: {  	s23 =	simm.s32 $0x1B8B  }
0xa2: {  	_ =	swait.ge [sflag:s23], $0x1  }
0xa3: {  	[sflag:s23] =	ssyncset.done $0x0  }
0xa4: {  	s25 =	simm.s32 $0x1B8E;
	s24 =	sld [smem:$0x3FFE];
	[sflag:s23] =	ssyncadd.s32 $0xFFFFFFFF  }
0xa5: {  	s26 =	simm.s32 $execute0_lowered;
	[smem:$0x3FD2] =	sst s25  }
0xa6: {  	s4 =	sshll.u32 s26, $0x1;
	_ =	strace $0x8000005B;
	[dreg:$0x1] =	wrdreg $0xFFFFFFFF  }
0xa7: {  	s28 =	simm.s32 $_size_execute0_lowered;
	s2 =	sadd.s32 s2, s4;
	[dreg:$0x0] =	wrdreg $0x0  }
0xa8: {  	s4 =	sshll.u32 s28, $0x1;
	[dreg:$0x2] =	wrdreg s2  }
0xa9: {  	[dreg:$0x3] =	wrdreg s4  }
0xaa: {  	[dreg:$0x4] =	wrdreg $0xC0  }
0xab: {  	_ =	task [dreg:s6], $0x5FFFF  }
0xac: {  	[dreg:$0x1] =	wrdreg $0xFFFFFFFF  }
0xad: {  	[dreg:$0x0] =	wrdreg $0x60  }
0xae: {  	[dreg:$0x2] =	wrdreg s24  }
0xaf: {  	[dreg:$0x3] =	wrdreg $0x9  }
0xb0: {  	_ =	task.clear_ibuf [dreg:s6], $0x4FFFF;
	_ =	strace $0x9000005B  }
0xb1: {  	s29 =	simm.s32 $0x9;
	_ =	strace $0x8000005D  }
0xb2: {  	_ =	swait.ge [sflag:s29], $0x1  }
0xb3: {  	[sflag:s29] =	ssyncadd.s32 $0xFFFFFFFF  }
0xb4: {  	_ =	strace $0x9000005D  }
0xb5: {  	_ =	sfence  }
0xb6: {  	s30 =	sld [smem:$0x0];
	_ =	sdelay $0x2  }
0xb7: {  	s31 =	sshll.u32 s1, $0xD;
	s1 =	sshrl.u32 s1, $0x2  }
0xb8: {  	s3 =	sand.u32 $0x4000, s31;
	s1 =	sadd.s32 s1, s30  }
0xb9: {  	s0 =	sor.u32 s3, s0;
	s1 =	sshll.u32 s1, $0x11  }
0xba: {  	s0 =	sor.u32 s1, s0  }
0xbb: {  	s0 =	sadd.s32 $0x8F2B, s0  }
0xbc: {  	[sflag:s0] =	ssyncadd.remote.s32 $0x1  }
0xbd: {  	_ =	sfence.sel $0xFFFF  }
0xbe: {  	[dreg:$0x0] =	wrdreg $0xFFFFFFFF;
	(pc) =	sbr.abs _section_cstart, $3  }
0xbf: {  	[dreg:$0x1] =	wrdreg $0xFFFFFFFF  }
0xc0: {  	_ =	task.clear_ibuf [dreg:s6], $0x2FFFF;
	_ =	strace $0x9FFFFFFF  }
0xc1: {  	(tm) =	ssettm $0x7FFFFFFF  }
tec
execute0_lowered:
.L_overlay_start_1:
0x0: {  	(tag) =	ssettag $0x1  }
0x1: {  	s3 =	rddreg [dreg:$0x0]  }
0x2: {  	s0 =	rddreg [dreg:$0x1];
	s1 =	simm.s32 $0x0  }
0x3: {  	s4 =	srdreg.scid;
	s2 =	stileid.u32;
	s15 =	simm.s32 $0x2000  }
0x4: {  	s16 =	simm.s32 $0x1000;
	s19 =	simm.s32 $0x2500;
	s20 =	simm.s32 $0x3500  }
0x5: {  	s21 =	simm.s32 $0x4500;
	s22 =	simm.s32 $0x0;
	[smem:$0x7FF] =	sst s1  }
0x6: {  	s7 =	sadd.s32 $0x104800, s3;
	s4 =	sand.u32 $0x1, s4;
	s8 =	sadd.s32 $0x10C800, s3  }
0x7: {  	s5 =	sshll.u32 s2, $0x2;
	s9 =	sadd.s32 $0x11C800, s3;
	s10 =	sadd.s32 $0x114800, s3  }
0x8: {  	s29 =	sshll.u32 s2, $0xE;
	_ =	strace $0x8000005C;
	s6 =	sshll.u32 s4, $0x1  }
0x9: {  	s28 =	ssub.s32 $0x2, s4;
	s17 =	sshll.u32 s4, $0x7;
	s26 =	sor.u32 s6, s5  }
0xa: {  	s12 =	sshrl.u32 s28, $0x1;
	v0 =	vmov s17;
	s17 =	simm.s32 $0x2400;
	s11 =	sshll.u32 s26, $0x7  }
0xb: {  	s13 =	sor.u32 $0x1, s26;
	s12 =	ssub.s32 s28, s12;
	s11 =	sor.u32 s29, s11  }
0xc: {  	s31 =	sshll.u32 s13, $0x7;
	s13 =	sshll.u32 s13, $0x6;
	s30 =	sand.u32 $0x38300, s11  }
0xd: {  	s5 =	sor.u32 s29, s31;
	s18 =	sand.u32 $0xC0, s13;
	s13 =	simm.s32 $0x400  }
0xe: {  	s11 =	sshrl.u32 s30, $0x3;
	s6 =	sand.u32 $0x38380, s5;
	v1 =	vmov s18;
	s18 =	simm.s32 $0x2480  }
0xf: {  	s3 =	sadd.s32 s7, s11;
	s4 =	sadd.s32 s8, s11;
	s5 =	sadd.s32 s9, s11  }
0x10: {  	v4 =	vlaneseq.u32;
	s14 =	sshrl.u32 s6, $0x3;
	s6 =	sadd.s32 s10, s11;
	s11 =	smax.u32 s12, $0x1  }
0x11: {  	v3 =	vmul.u32 $0x100, v4;
	s12 =	simm.s32 $0x80;
	s7 =	sadd.s32 s7, s14;
	s8 =	sadd.s32 s8, s14  }
0x12: {  	v2 =	vimm.s32 $0x0;
	v4 =	vmul.u32 $0x40, v4;
	s9 =	sadd.s32 s9, s14;
	s10 =	sadd.s32 s10, s14;
	s14 =	simm.s32 $0x1  }
.LBB2_1:
0x13: {  	[tilespmem:s1], [sflag:$0x1] =	stream.strided.gather [hbm4b:s3+s12], $0x1000, s13, s12, $0x38;
	[tilespmem:$0x5500] =	vst v63  }
0x14: {  	_ =	swait.ge [sflag:s14], $0x1000  }
0x15: {  	[sflag:s14] =	ssyncset.done $0x0  }
0x16: {  	s23 =	simm.s32 $0x40;
	s25 =	simm.s32 $0x0;
	[sflag:s14] =	ssyncadd.s32 $0xFFFFF000  }
.LBB2_2:
0x17: {  	p0 =	sne.s32 s23, $0xFC0;
	[tilespmem:s25+$0x2000] =	vst v2;
	s24 =	smov.u32 s23;
	s23 =	sadd.s32 $0x40, s23  }
.Ltmp0:
0x18: {  	(pc) =	sbr.rel @p0 .LBB2_2-.Ltmp0, $2  }
0x19: {  	_ =	sdelay $0x2  }
0x1a: {  	s25 =	sshra.s32 s24, $0x2  }
0x1b: {  	s24 =	simm.s32 $0x0  }
0x1c: {  	v5 =	vor.u32 s24, v3;
	_ =	sdelay $0x3  }
0x1d: {  	[tilespmem:s25+$0x2000] =	vst v2  }
0x1e: {  	v6 =	vld.idx.msk [tilespmem:v5+s24+$0x0], $0xffff;
	_ =	sdelay $0x4  }
0x1f: {  	v6 =	vsub.s32 v6, v0  }
0x20: {  	v6 =	vadd.s32 v4, v6;
	_ =	sdelay $0x4  }
0x21: {  	v8 =	vld.idx.msk [tilespmem:v6+s15+$0x0], $0xffff  }
0x22: {  	s23 =	simm.s32 $0x1  }
0x23: {  	s25 =	simm.s32 $0x2;
	v7 =	vor.u32 s23, v3  }
.LBB2_4:
0x24: {  	p0 =	sne.s32 s25, $0xFF;
	_ =	sdelay $0x1  }
0x25: {  	[tilespmem:v5+s16+$0x0] =	vst.idx.msk $0xffff, v8;
	v8 =	vadd.s32 $0x1, v8;
	v5 =	vmov v7  }
0x26: {  	[tilespmem:v6+s15+$0x0] =	vst.idx.msk $0xffff, v8  }
0x27: {  	v6 =	vld.idx.msk [tilespmem:v7+s24+$0x0], $0xffff;
	_ =	sdelay $0x5  }
0x28: {  	v6 =	vsub.s32 v6, v0  }
0x29: {  	v6 =	vadd.s32 v4, v6;
	_ =	sdelay $0x3  }
.Ltmp1:
0x2a: {  	(pc) =	sbr.rel @p0 .LBB2_4-.Ltmp1, $2  }
0x2b: {  	v8 =	vld.idx.msk [tilespmem:v6+s15+$0x0], $0xffff;
	_ =	sdelay $0x2  }
0x2c: {  	v7 =	vor.u32 s25, v3;
	s25 =	sadd.s32 $0x1, s25  }
0x2d: {  	_ =	sdelay $0x3  }
0x2e: {  	[tilespmem:v5+s16+$0x0] =	vst.idx.msk $0xffff, v8;
	v5 =	vadd.s32 $0x1, v8  }
0x2f: {  	[tilespmem:v6+s15+$0x0] =	vst.idx.msk $0xffff, v5  }
0x30: {  	v5 =	vld.idx.msk [tilespmem:v7+s24+$0x0], $0xffff;
	_ =	sdelay $0x4  }
0x31: {  	v5 =	vsub.s32 v5, v0  }
0x32: {  	v6 =	vadd.s32 v4, v5;
	_ =	sdelay $0x4  }
0x33: {  	v8 =	vld.idx.msk [tilespmem:v6+s15+$0x0], $0xffff;
	_ =	sdelay $0x1  }
0x34: {  	v5 =	vor.u32 s24, v4;
	_ =	sdelay $0x2  }
0x35: {  	[tilespmem:v7+s16+$0x0] =	vst.idx.msk $0xffff, v8;
	v7 =	vadd.s32 $0x1, v8  }
0x36: {  	[tilespmem:v6+s15+$0x0] =	vst.idx.msk $0xffff, v7  }
0x37: {  	v6 =	vld.idx.msk [tilespmem:v5+s15+$0x0], $0xffff;
	_ =	sdelay $0x4  }
0x38: {  	(xrf0) =	vadd.scan.msk.s32 $0xffff, v6;
	_ =	sdelay $0x3  }
0x39: {  	v8 =	vmov s24  }
0x3a: {  	s24 =	simm.s32 $0x2;
	v7 =	vor.u32 s23, v4  }
.LBB2_6:
0x3b: {  	p0 =	sne.s32 s24, $0x3F;
	v9, _, _ =	vpop (xrf0)  }
0x3c: {  	v6 =	vsub.s32 v9, v6;
	v9 =	vbroadcast v9, $0xF  }
0x3d: {  	[tilespmem:v5+s15+$0x0] =	vst.idx.msk $0xffff, v6;
	v5 =	vmov v7  }
0x3e: {  	[tilespmem:v8+s17+$0x0] =	vst.idx.msk $0x1, v9  }
0x3f: {  	v6 =	vld.idx.msk [tilespmem:v7+s15+$0x0], $0xffff;
	_ =	sdelay $0x5  }
0x40: {  	(xrf0) =	vadd.scan.msk.s32 $0xffff, v6  }
.Ltmp2:
0x41: {  	(pc) =	sbr.rel @p0 .LBB2_6-.Ltmp2, $3  }
0x42: {  	_ =	sdelay $0x1  }
0x43: {  	v8 =	vmov s23;
	s23 =	smov.u32 s24  }
0x44: {  	s24 =	sadd.s32 $0x1, s24;
	v7 =	vor.u32 s23, v4  }
0x45: {  	_ =	sdelay $0x1  }
0x46: {  	v9, _, _ =	vpop (xrf0)  }
0x47: {  	v6 =	vsub.s32 v9, v6;
	v9 =	vbroadcast v9, $0xF  }
0x48: {  	[tilespmem:v5+s15+$0x0] =	vst.idx.msk $0xffff, v6  }
0x49: {  	[tilespmem:v8+s17+$0x0] =	vst.idx.msk $0x1, v9  }
0x4a: {  	v5 =	vld.idx.msk [tilespmem:v7+s15+$0x0], $0xffff;
	_ =	sdelay $0x4  }
0x4b: {  	(xrf0) =	vadd.scan.msk.s32 $0xffff, v5;
	_ =	sdelay $0x3  }
0x4c: {  	v6 =	vmov s23;
	_ =	sdelay $0x1  }
0x4d: {  	v61, _, _ =	vpop (xrf0)  }
0x4e: {  	v5 =	vsub.s32 v61, v5;
	v8 =	vbroadcast v61, $0xF  }
0x4f: {  	[tilespmem:v7+s15+$0x0] =	vst.idx.msk $0xffff, v5  }
0x50: {  	[tilespmem:v6+s17+$0x0] =	vst.idx.msk $0x1, v8  }
0x51: {  	v5 =	vld [tilespmem:$0x2400]  }
0x52: {  	v6 =	vld [tilespmem:$0x2410]  }
0x53: {  	v7 =	vld [tilespmem:$0x2420];
	_ =	sdelay $0x2  }
0x54: {  	(xrf0) =	vadd.scan.msk.s32 $0xffff, v5  }
0x55: {  	(xrf0) =	vadd.scan.msk.s32 $0xffff, v6  }
0x56: {  	(xrf0) =	vadd.scan.msk.s32 $0xffff, v7;
	_ =	sdelay $0x3  }
0x57: {  	v62, _, _ =	vpop (xrf0)  }
0x58: {  	v63, _, _ =	vpop (xrf0);
	(v2sf) =	vpush v62, $0xF  }
0x59: {  	(v2sf) =	vpush v63, $0xF;
	v10, _, _ =	vpop (xrf0)  }
0x5a: {  	(v2sf) =	vpush v10, $0xF;
	_ =	sdelay $0x3  }
0x5b: {  	v11 =	vld [tilespmem:$0x2430];
	_ =	sdelay $0x4  }
0x5c: {  	(xrf0) =	vadd.scan.msk.s32 $0xffff, v11;
	_ =	sdelay $0x2  }
0x5d: {  	v12 =	vbroadcast v62, $0xF  }
0x5e: {  	s30 =	spop (v2sf)  }
0x5f: {  	v5 =	vsub.s32 v62, v5;
	v6 =	vsub.s32 v12, v6;
	s24 =	spop (v2sf)  }
0x60: {  	[tilespmem:$0x2480] =	vst v5;
	v5 =	vadd.s32 v63, v6;
	v6 =	vsub.s32 v10, v7;
	v7, _, _ =	vpop (xrf0);
	s23 =	sadd.s32 s30, s24;
	s31 =	spop (v2sf)  }
0x61: {  	[tilespmem:$0x2490] =	vst v5;
	v5 =	vadd.s32 s23, v6;
	s23 =	sadd.s32 s23, s31;
	v6 =	vsub.s32 v7, v11  }
0x62: {  	[tilespmem:$0x24A0] =	vst v5;
	v5 =	vadd.s32 s23, v6  }
0x63: {  	s23 =	simm.s32 $0x0;
	[tilespmem:$0x24B0] =	vst v5  }
.LBB2_8:
0x64: {  	v5 =	vor.u32 s23, v3;
	_ =	sdelay $0x4  }
0x65: {  	v6 =	vld.idx.msk [tilespmem:v5+s1+$0x0], $0xffff;
	_ =	sdelay $0x4  }
0x66: {  	v7 =	vsub.s32 v6, v0  }
0x67: {  	v9 =	vand.u32 $0x7F, v6;
	v8 =	vand.u32 $0xFFFFFF80, v7  }
0x68: {  	v8 =	vor.u32 v9, v8  }
0x69: {  	v7 =	vadd.s32 v4, v7;
	_ =	sdelay $0x2  }
0x6a: {  	v63 =	vld.idx.msk [tilespmem:v5+s16+$0x0], $0xffff  }
0x6b: {  	v8 =	vld.idx.msk [tilespmem:v8+s18+$0x0], $0xffff  }
0x6c: {  	v7 =	vld.idx.msk [tilespmem:v7+s15+$0x0], $0xffff;
	_ =	sdelay $0x3  }
0x6d: {  	v8 =	vadd.s32 v63, v8  }
0x6e: {  	v7 =	vadd.s32 v7, v8;
	_ =	sdelay $0x1  }
0x6f: {  	p0 =	sne.s32 s23, $0xFF  }
.Ltmp3:
0x70: {  	_ = 	snop;
	(pc) =	sbr.rel @p0 .LBB2_8-.Ltmp3, $4  }
0x71: {  	_ = 	snop  }
0x72: {  	[tilespmem:v7+s19+$0x0] =	vst.idx.msk $0xffff, v5  }
0x73: {  	[tilespmem:v7+s20+$0x0] =	vst.idx.msk $0xffff, v6  }
0x74: {  	s23 =	sadd.s32 $0x1, s23;
	[tilespmem:v5+s21+$0x0] =	vst.idx.msk $0xffff, v7  }
0x75: {  	[hbm4b:s4+s12] =	stream.strided.scatter [tilespmem:s19], [sflag:$0x1], $0x1000, s13, s12, $0x38;
	[tilespmem:$0x5500] =	vst v63  }
0x76: {  	_ =	swait.ge [sflag:s14], $0x1000  }
0x77: {  	[sflag:s14] =	ssyncset.done $0x0  }
0x78: {  	[sflag:s14] =	ssyncadd.s32 $0xFFFFF000  }
0x79: {  	[hbm4b:s5+s12] =	stream.strided.scatter [tilespmem:s20], [sflag:$0x1], $0x1000, s13, s12, $0x38;
	[tilespmem:$0x5500] =	vst v63  }
0x7a: {  	_ =	swait.ge [sflag:s14], $0x1000  }
0x7b: {  	[sflag:s14] =	ssyncset.done $0x0  }
0x7c: {  	[sflag:s14] =	ssyncadd.s32 $0xFFFFF000  }
0x7d: {  	[hbm4b:s6+s12] =	stream.strided.scatter [tilespmem:s21], [sflag:$0x1], $0x1000, s13, s12, $0x38;
	[tilespmem:$0x5500] =	vst v63  }
0x7e: {  	_ =	swait.ge [sflag:s14], $0x1000  }
0x7f: {  	[sflag:s14] =	ssyncset.done $0x0  }
0x80: {  	s23 =	simm.s32 $0x0;
	[sflag:s14] =	ssyncadd.s32 $0xFFFFF000  }
0x81: {  	[tilespmem:s23], [sflag:$0x1] =	stream.strided.gather [hbm4b:s7+s12], $0x1000, s13, s12, $0x38;
	[tilespmem:$0x5500] =	vst v63  }
0x82: {  	_ =	swait.ge [sflag:s14], $0x1000  }
0x83: {  	[sflag:s14] =	ssyncset.done $0x0  }
0x84: {  	s24 =	simm.s32 $0x40;
	s25 =	simm.s32 $0x0;
	[sflag:s14] =	ssyncadd.s32 $0xFFFFF000  }
.LBB2_10:
0x85: {  	p0 =	sne.s32 s24, $0xFC0;
	[tilespmem:s25+$0x2000] =	vst v2;
	s25 =	smov.u32 s24;
	s24 =	sadd.s32 $0x40, s24  }
.Ltmp4:
0x86: {  	(pc) =	sbr.rel @p0 .LBB2_10-.Ltmp4, $2  }
0x87: {  	_ =	sdelay $0x2  }
0x88: {  	s25 =	sshra.s32 s25, $0x2  }
0x89: {  	v5 =	vor.u32 s23, v3;
	_ =	sdelay $0x3  }
0x8a: {  	[tilespmem:s25+$0x2000] =	vst v2;
	s23 =	simm.s32 $0x0  }
0x8b: {  	v6 =	vld.idx.msk [tilespmem:v5+s23+$0x0], $0xffff;
	_ =	sdelay $0x4  }
0x8c: {  	v6 =	vsub.s32 v6, v1  }
0x8d: {  	v6 =	vadd.s32 v4, v6;
	_ =	sdelay $0x4  }
0x8e: {  	v8 =	vld.idx.msk [tilespmem:v6+s15+$0x0], $0xffff  }
0x8f: {  	s24 =	simm.s32 $0x1  }
0x90: {  	v7 =	vor.u32 s24, v3;
	s24 =	simm.s32 $0x2  }
.LBB2_12:
0x91: {  	p0 =	sne.s32 s24, $0xFF;
	_ =	sdelay $0x1  }
0x92: {  	[tilespmem:v5+s16+$0x0] =	vst.idx.msk $0xffff, v8;
	v8 =	vadd.s32 $0x1, v8;
	v5 =	vmov v7  }
0x93: {  	[tilespmem:v6+s15+$0x0] =	vst.idx.msk $0xffff, v8  }
0x94: {  	v6 =	vld.idx.msk [tilespmem:v7+s23+$0x0], $0xffff;
	_ =	sdelay $0x5  }
0x95: {  	v6 =	vsub.s32 v6, v1  }
0x96: {  	v6 =	vadd.s32 v4, v6;
	_ =	sdelay $0x3  }
.Ltmp5:
0x97: {  	(pc) =	sbr.rel @p0 .LBB2_12-.Ltmp5, $2  }
0x98: {  	v8 =	vld.idx.msk [tilespmem:v6+s15+$0x0], $0xffff;
	_ =	sdelay $0x2  }
0x99: {  	v7 =	vor.u32 s24, v3;
	s24 =	sadd.s32 $0x1, s24  }
0x9a: {  	_ =	sdelay $0x3  }
0x9b: {  	[tilespmem:v5+s16+$0x0] =	vst.idx.msk $0xffff, v8;
	v5 =	vadd.s32 $0x1, v8  }
0x9c: {  	s23 =	simm.s32 $0x0;
	[tilespmem:v6+s15+$0x0] =	vst.idx.msk $0xffff, v5  }
0x9d: {  	v5 =	vld.idx.msk [tilespmem:v7+s23+$0x0], $0xffff;
	_ =	sdelay $0x4  }
0x9e: {  	v5 =	vsub.s32 v5, v1  }
0x9f: {  	v5 =	vadd.s32 v4, v5;
	_ =	sdelay $0x4  }
0xa0: {  	v6 =	vld.idx.msk [tilespmem:v5+s15+$0x0], $0xffff;
	_ =	sdelay $0x2  }
0xa1: {  	p1 =	por $0x1, $0x1  }
.Ltmp6:
0xa2: {  	_ = 	snop;
	(pc) =	sbr.rel @!p1 .LBB2_14-.Ltmp6, $3  }
0xa3: {  	[tilespmem:v7+s16+$0x0] =	vst.idx.msk $0xffff, v6;
	v6 =	vadd.s32 $0x1, v6  }
0xa4: {  	[tilespmem:v5+s15+$0x0] =	vst.idx.msk $0xffff, v6;
	v5 =	vor.u32 s23, v4;
	_ =	sdelay $0x1  }
0xa5: {  	s24 =	simm.s32 $0x1;
	p0 =	por $0x0, $0x0  }
0xa6: {  	_ =	sdelay $0x3  }
0xa7: {  	v6 =	vld.idx.msk [tilespmem:v5+s15+$0x0], $0xffff;
	_ =	sdelay $0x4  }
0xa8: {  	p1 =	por $0x1, $0x1;
	(xrf0) =	vadd.scan.msk.s32 $0xffff, v6  }
.Ltmp7:
0xa9: {  	_ = 	snop;
	(pc) =	sbr.rel @!p1 .LBB2_16-.Ltmp7, $3  }
0xaa: {  	_ =	sdelay $0x1  }
0xab: {  	v7 =	vmov s23  }
0xac: {  	v8 =	vor.u32 s24, v4;
	s25 =	simm.s32 $0x2;
	p0 =	por $0x1, $0x1  }
.LBB2_17:
0xad: {  	p1 =	sne.s32 s25, $0x3F;
	v9, _, _ =	vpop (xrf0)  }
0xae: {  	v6 =	vsub.s32 v9, v6;
	v9 =	vbroadcast v9, $0xF  }
0xaf: {  	[tilespmem:v5+s15+$0x0] =	vst.idx.msk $0xffff, v6;
	v5 =	vmov v8  }
0xb0: {  	[tilespmem:v7+s17+$0x0] =	vst.idx.msk $0x1, v9  }
0xb1: {  	v6 =	vld.idx.msk [tilespmem:v8+s15+$0x0], $0xffff;
	_ =	sdelay $0x5  }
0xb2: {  	(xrf0) =	vadd.scan.msk.s32 $0xffff, v6  }
.Ltmp8:
0xb3: {  	(pc) =	sbr.rel @p1 .LBB2_17-.Ltmp8, $3  }
0xb4: {  	_ =	sdelay $0x1  }
0xb5: {  	v7 =	vmov s24;
	s24 =	smov.u32 s25  }
0xb6: {  	s25 =	sadd.s32 $0x1, s25;
	v8 =	vor.u32 s24, v4  }
0xb7: {  	v9 =	vmov v5;
	v5 =	vmov v8  }
.LBB2_19:
0xb8: {  	_ =	sdelay $0x1  }
0xb9: {  	v8, _, _ =	vpop @p0 (xrf0)  }
0xba: {  	v6 =	vsub.s32 @p0 v8, v6;
	v8 =	vbroadcast @p0 v8, $0xF  }
0xbb: {  	[tilespmem:v9+s15+$0x0] =	vst.idx.msk @p0 $0xffff, v6  }
0xbc: {  	[tilespmem:v7+s17+$0x0] =	vst.idx.msk @p0 $0x1, v8  }
0xbd: {  	v6 =	vld.idx.msk [tilespmem:v5+s15+$0x0], $0xffff;
	_ =	sdelay $0x4  }
0xbe: {  	(xrf0) =	vadd.scan.msk.s32 $0xffff, v6;
	_ =	sdelay $0x3  }
0xbf: {  	v7 =	vmov s24;
	_ =	sdelay $0x1  }
0xc0: {  	v61, _, _ =	vpop (xrf0)  }
0xc1: {  	v6 =	vsub.s32 v61, v6;
	v8 =	vbroadcast v61, $0xF  }
0xc2: {  	[tilespmem:v5+s15+$0x0] =	vst.idx.msk $0xffff, v6  }
0xc3: {  	[tilespmem:v7+s17+$0x0] =	vst.idx.msk $0x1, v8  }
0xc4: {  	v5 =	vld [tilespmem:$0x2400]  }
0xc5: {  	v6 =	vld [tilespmem:$0x2410]  }
0xc6: {  	v7 =	vld [tilespmem:$0x2420];
	_ =	sdelay $0x2  }
0xc7: {  	(xrf0) =	vadd.scan.msk.s32 $0xffff, v5  }
0xc8: {  	(xrf0) =	vadd.scan.msk.s32 $0xffff, v6  }
0xc9: {  	(xrf0) =	vadd.scan.msk.s32 $0xffff, v7;
	_ =	sdelay $0x3  }
0xca: {  	v62, _, _ =	vpop (xrf0)  }
0xcb: {  	v63, _, _ =	vpop (xrf0);
	(v2sf) =	vpush v62, $0xF  }
0xcc: {  	(v2sf) =	vpush v63, $0xF;
	v10, _, _ =	vpop (xrf0)  }
0xcd: {  	(v2sf) =	vpush v10, $0xF;
	_ =	sdelay $0x3  }
0xce: {  	v11 =	vld [tilespmem:$0x2430];
	_ =	sdelay $0x4  }
0xcf: {  	(xrf0) =	vadd.scan.msk.s32 $0xffff, v11;
	_ =	sdelay $0x2  }
0xd0: {  	v12 =	vbroadcast v62, $0xF  }
0xd1: {  	s30 =	spop (v2sf)  }
0xd2: {  	v5 =	vsub.s32 v62, v5;
	v6 =	vsub.s32 v12, v6;
	s25 =	spop (v2sf)  }
0xd3: {  	[tilespmem:$0x2480] =	vst v5;
	v5 =	vadd.s32 v63, v6;
	v6 =	vsub.s32 v10, v7;
	v7, _, _ =	vpop (xrf0);
	s24 =	sadd.s32 s30, s25;
	s31 =	spop (v2sf)  }
0xd4: {  	[tilespmem:$0x2490] =	vst v5;
	v5 =	vadd.s32 s24, v6;
	s24 =	sadd.s32 s24, s31;
	v6 =	vsub.s32 v7, v11  }
0xd5: {  	[tilespmem:$0x24A0] =	vst v5;
	v5 =	vadd.s32 s24, v6  }
0xd6: {  	[tilespmem:$0x24B0] =	vst v5  }
.LBB2_20:
0xd7: {  	v5 =	vor.u32 s23, v3;
	_ =	sdelay $0x4  }
0xd8: {  	v6 =	vld.idx.msk [tilespmem:v5+s1+$0x0], $0xffff;
	_ =	sdelay $0x4  }
0xd9: {  	v7 =	vsub.s32 v6, v1  }
0xda: {  	v8 =	vadd.s32 v4, v7;
	_ =	sdelay $0x2  }
0xdb: {  	v9 =	vld.idx.msk [tilespmem:v5+s16+$0x0], $0xffff  }
0xdc: {  	v7 =	vld.idx.msk [tilespmem:v7+s18+$0x0], $0xffff  }
0xdd: {  	v8 =	vld.idx.msk [tilespmem:v8+s15+$0x0], $0xffff;
	_ =	sdelay $0x3  }
0xde: {  	v7 =	vadd.s32 v9, v7  }
0xdf: {  	v7 =	vadd.s32 v8, v7;
	_ =	sdelay $0x1  }
0xe0: {  	p0 =	sne.s32 s23, $0xFF  }
.Ltmp9:
0xe1: {  	_ = 	snop;
	(pc) =	sbr.rel @p0 .LBB2_20-.Ltmp9, $4  }
0xe2: {  	_ = 	snop  }
0xe3: {  	[tilespmem:v7+s19+$0x0] =	vst.idx.msk $0xffff, v5  }
0xe4: {  	[tilespmem:v7+s20+$0x0] =	vst.idx.msk $0xffff, v6  }
0xe5: {  	s23 =	sadd.s32 $0x1, s23;
	[tilespmem:v5+s21+$0x0] =	vst.idx.msk $0xffff, v7  }
0xe6: {  	[hbm4b:s8+s12] =	stream.strided.scatter [tilespmem:s19], [sflag:$0x1], $0x1000, s13, s12, $0x38;
	[tilespmem:$0x5500] =	vst v63  }
0xe7: {  	_ =	swait.ge [sflag:s14], $0x1000  }
0xe8: {  	[sflag:s14] =	ssyncset.done $0x0  }
0xe9: {  	[sflag:s14] =	ssyncadd.s32 $0xFFFFF000  }
0xea: {  	[hbm4b:s9+s12] =	stream.strided.scatter [tilespmem:s20], [sflag:$0x1], $0x1000, s13, s12, $0x38;
	[tilespmem:$0x5500] =	vst v63  }
0xeb: {  	_ =	swait.ge [sflag:s14], $0x1000  }
0xec: {  	s22 =	sadd.s32 $0x1, s22;
	[sflag:s14] =	ssyncset.done $0x0  }
0xed: {  	p0 =	sne.s32 s22, s11;
	[sflag:s14] =	ssyncadd.s32 $0xFFFFF000  }
0xee: {  	[hbm4b:s10+s12] =	stream.strided.scatter [tilespmem:s21], [sflag:$0x1], $0x1000, s13, s12, $0x38;
	[tilespmem:$0x5500] =	vst v63  }
.Ltmp10:
0xef: {  	_ = 	snop;
	(pc) =	sbr.rel @p0 .LBB2_1-.Ltmp10, $4  }
.Ltmp11:
0xf0: {  	_ = 	snop;
	(pc) =	sbr.rel @!p0 .LBB2_22-.Ltmp11, $4  }
0xf1: {  	_ =	swait.ge [sflag:s14], $0x1000  }
0xf2: {  	[sflag:s14] =	ssyncset.done $0x0  }
0xf3: {  	[sflag:s14] =	ssyncadd.s32 $0xFFFFF000  }
0xf4: {  	_ = 	snop  }
.LBB2_14:
.Ltmp12:
0xf5: {  	(pc) =	sbr.rel .LBB2_19-.Ltmp12, $2  }
0xf6: {  	_ =	sdelay $0x2  }
0xf7: {  	s24 =	simm.s32 $0x0  }
.LBB2_16:
.Ltmp13:
0xf8: {  	(pc) =	sbr.rel .LBB2_19-.Ltmp13, $2  }
0xf9: {  	_ =	sdelay $0x2  }
0xfa: {  	v9 =	vmov v5;
	v5 =	vmov v8  }
.LBB2_22:
0xfb: {  	_ =	sfence.sel $0x180000  }
0xfc: {  	[bflag:$0x0] =	sbarrier.arrive $0xFFFF  }
0xfd: {  	p0 =	sne.s32 s2, $0x0;
	_ =	strace $0x9000005C  }
0xfe: {  	s0 =	sadd.s32 @!p0 $0x100000, s0;
	[bflag:$0x2] =	sbarrier.arrive $0xFFFF  }
0xff: {  	[sflag:s0] =	ssyncadd.tile.s32 @!p0 $0x1;
	_ =	shalt  }
.Lfunc_end2:
_tile_overlayer_lowered:
.L_overlay_start_2:
0x100: {  	(tag) =	ssettag $0x2  }
0x101: {  	s0 =	rddreg [dreg:$0x0];
	s2 =	stileid.u32  }
0x102: {  	s1 =	rddreg [dreg:$0x1];
	p0 =	sne.s32 s2, $0x0  }
0x103: {  	s3 =	rddreg [dreg:$0x2];
	[bflag:$0x3] =	sbarrier.arrive $0xFFFF;
	s2 =	simm.s32 @!p0 $0x1C01  }
0x104: {  	[timem:s3], [sflag:s2] =	dma.local @!p0 [hbm:s0], s1  }
0x105: {  	s0 =	simm.s32 @!p0 $0x1  }
0x106: {  	_ =	swait.ge @!p0 [sflag:s0], s1  }
0x107: {  	s1 =	ssub.s32 @!p0 $0x0, s1;
	[sflag:s0] =	ssyncset.done @!p0 $0x0  }
0x108: {  	[sflag:s0] =	ssyncadd.s32 @!p0 s1  }
0x109: {  	[bflag:$0x3] =	sbarrier.arrive $0xFFFF  }
0x10a: {  	_ =	shalt  }

// kernel: sparse-core-data-format-call.1.cloned.1.call-start
scs
called_computation.1_lowered:
.L_overlay_start_0:
0x0: {  	s2 =	sld [smem:$0x3FD9]  }
0x1: {  	s3 =	sld [smem:$0x3FFE];
	_ =	sdelay $0x1  }
0x2: {  	s1 =	srdreg.scid  }
0x3: {  	s0 =	sand.u32 $0x1, s1  }
0x4: {  	s18 =	sshll.u32 s0, $0xA;
	s2 =	sadd.s32 s3, s2  }
0x5: {  	s2 =	sadd.s32 s2, s18  }
0x6: {  	[smem:$0x3FAB] =	sst s2  }
0x7: {  	_ = 	snop  }
0x8: {  	(tm) =	ssettm $0x1  }
0x9: {  	s19 =	sld [smem:$0x3FFB];
	_ =	sdelay $0x3  }
0xa: {  	_ =	strace s19  }
0xb: {  	s2 =	sld [smem:$0x3FFC];
	_ =	sdelay $0x3  }
0xc: {  	_ =	strace s2  }
0xd: {  	s2 =	sld [smem:$0x3FFD];
	_ =	sdelay $0x3  }
0xe: {  	_ =	strace s2  }
0xf: {  	_ =	strace $0x8FFFFFFF  }
0x10: {  	s20 =	sld [smem:$0x3FDB];
	_ =	sdelay $0x1  }
0x11: {  	s21 =	simm.s32 $_scs_section_size  }
0x12: {  	s4 =	simm.s32 $_size__tile_overlayer_lowered;
	s5 =	simm.s32 $_tile_overlayer_lowered  }
0x13: {  	s6 =	simm.s32 $0x1BFF;
	s22 =	sshll.u32 s5, $0x1;
	s3 =	sadd.s32 s21, s20  }
0x14: {  	s23 =	simm.s32 $0x0;
	s4 =	sshll.u32 s4, $0x1;
	s5 =	sadd.s32 s22, s3  }
0x15: {  	[timem:s23], [sflag:s6] =	dma.local [hbm:s5], s4  }
0x16: {  	_ =	swait.ge [sflag:s6], s4  }
0x17: {  	s4 =	ssub.s32 $0x0, s4;
	[sflag:s6] =	ssyncset.done $0x0  }
0x18: {  	[sflag:s6] =	ssyncadd.s32 s4;
	_ =	sdelay $0x1  }
0x19: {  	s24 =	simm.s32 $0x1B8B  }
0x1a: {  	_ =	swait.ge [sflag:s24], $0x1  }
0x1b: {  	[sflag:s24] =	ssyncset.done $0x0  }
0x1c: {  	[sflag:s24] =	ssyncadd.s32 $0xFFFFFFFF  }
0x1d: {  	s4 =	sld [smem:$0x0]  }
0x1e: {  	s5 =	sand.u32 $0xFFFFFFFE, s1  }
0x1f: {  	p0 =	sne.s32 s1, s5  }
0x20: {  	s5 =	sshll.u32 @p0 s5, $0xE  }
0x21: {  	s5 =	sadd.s32 @p0 $0x11B8D, s5;
	s6 =	sshll.u32 @p0 s4, $0x11  }
0x22: {  	s5 =	sor.u32 @p0 s6, s5  }
0x23: {  	[sflag:s5] =	ssyncadd.remote.s32 @p0 $0x1;
	_ =	sdelay $0x1  }
0x24: {  	s5 =	simm.s32 @p0 $0x1B8D  }
0x25: {  	_ =	swait.eq @p0 [sflag:s5], $0x1  }
0x26: {  	[sflag:s5] =	ssyncadd.s32 @p0 $0xFFFFFFFF  }
0x27: {  	s6 =	sshll.u32 @!p0 s1, $0xE  }
0x28: {  	s6 =	sor.u32 @!p0 $0x4000, s6;
	s5 =	simm.s32 @!p0 $0x1B8D  }
0x29: {  	s4 =	sshll.u32 @!p0 s4, $0x11;
	s6 =	sadd.s32 @!p0 $0x11B8D, s6;
	_ =	swait.eq @!p0 [sflag:s5], $0x1  }
0x2a: {  	s4 =	sor.u32 @!p0 s4, s6;
	[sflag:s5] =	ssyncadd.s32 @!p0 $0xFFFFFFFF  }
0x2b: {  	s26 =	simm.s32 $0x1B8E;
	s25 =	sld [smem:$0x3FFE];
	[sflag:s4] =	ssyncadd.remote.s32 @!p0 $0x1  }
0x2c: {  	s27 =	simm.s32 $execute0_lowered;
	[smem:$0x3FD2] =	sst s26  }
0x2d: {  	s5 =	sshll.u32 s27, $0x1;
	_ =	strace $0x80000064;
	[dreg:$0x1] =	wrdreg $0xFFFFFFFF  }
0x2e: {  	s28 =	simm.s32 $_size_execute0_lowered;
	s3 =	sadd.s32 s3, s5;
	[dreg:$0x0] =	wrdreg $0x0  }
0x2f: {  	s5 =	sshll.u32 s28, $0x1;
	[dreg:$0x2] =	wrdreg s3  }
0x30: {  	[dreg:$0x3] =	wrdreg s5  }
0x31: {  	[dreg:$0x4] =	wrdreg $0xC0  }
0x32: {  	_ =	task [dreg:s23], $0x5FFFF  }
0x33: {  	[dreg:$0x1] =	wrdreg $0xFFFFFFFF  }
0x34: {  	[dreg:$0x0] =	wrdreg $0x60  }
0x35: {  	[dreg:$0x2] =	wrdreg s25  }
0x36: {  	[dreg:$0x3] =	wrdreg $0xA  }
0x37: {  	_ =	task.clear_ibuf [dreg:s23], $0x4FFFF;
	_ =	strace $0x90000064  }
0x38: {  	s29 =	simm.s32 $0xA;
	_ =	strace $0x80000066  }
0x39: {  	_ =	swait.ge [sflag:s29], $0x1  }
0x3a: {  	[sflag:s29] =	ssyncadd.s32 $0xFFFFFFFF  }
0x3b: {  	_ =	strace $0x90000066  }
0x3c: {  	_ =	sfence  }
0x3d: {  	s30 =	sld [smem:$0x0];
	_ =	sdelay $0x2  }
0x3e: {  	s31 =	sshll.u32 s1, $0xD;
	s1 =	sshrl.u32 s1, $0x2  }
0x3f: {  	s4 =	sand.u32 $0x4000, s31;
	s1 =	sadd.s32 s1, s30  }
0x40: {  	s0 =	sor.u32 s4, s0;
	s1 =	sshll.u32 s1, $0x11  }
0x41: {  	s0 =	sor.u32 s1, s0  }
0x42: {  	s0 =	sadd.s32 $0x8F2B, s0  }
0x43: {  	[sflag:s0] =	ssyncadd.remote.s32 $0x1  }
0x44: {  	_ =	sfence.sel $0xFFFF  }
0x45: {  	[dreg:$0x0] =	wrdreg $0xFFFFFFFF;
	(pc) =	sbr.abs _section_cstart, $3  }
0x46: {  	[dreg:$0x1] =	wrdreg $0xFFFFFFFF  }
0x47: {  	_ =	task.clear_ibuf [dreg:s23], $0x2FFFF;
	_ =	strace $0x9FFFFFFF  }
0x48: {  	(tm) =	ssettm $0x7FFFFFFF  }
0x49: {  	_ =	shalt  }
tec
execute0_lowered:
.L_overlay_start_1:
0x0: {  	(tag) =	ssettag $0x1  }
0x1: {  	s0 =	srdreg.scid  }
0x2: {  	s1 =	rddreg [dreg:$0x0];
	s5 =	simm.s32 $0x1;
	s8 =	simm.s32 $0x2  }
0x3: {  	s14 =	simm.s32 $0x0;
	s9 =	simm.s32 $0x1000;
	s10 =	simm.s32 $0x0  }
0x4: {  	s15 =	simm.s32 $0x0;
	s12 =	stileid.u32;
	s2 =	sshll.u32 s0, $0x1  }
0x5: {  	s13 =	simm.s32 $0x0;
	s0 =	rddreg [dreg:$0x1];
	s2 =	sand.u32 $0x2, s2  }
.Ltmp0:
0x6: {  	_ =	strace $0x80000065;
	s6 =	ssub.s32 $0x40, s2;
	(pc) =	sbr.rel .LBB1_1-.Ltmp0, $4  }
0x7: {  	s3 =	sadd.s32 $0x24D200, s1;
	s4 =	sadd.s32 $0x745200, s1;
	s7 =	sshrl.u32 s6, $0x1  }
0x8: {  	[sflag:s5] =	ssyncpa.u1 $0x0;
	s6 =	sshrl.u32 s6, $0x2;
	s7 =	sand.u32 $0x1, s7  }
0x9: {  	s1 =	stileid.u32;
	[sflag:s8] =	ssyncpa.u1 $0x0;
	s6 =	sadd.s32 s6, s7  }
0xa: {  	s8 =	simm.s32 $0x40;
	s11 =	smov.u32 s2;
	s7 =	sadd.s32 $0x1, s6  }
.LBB1_4:
0xb: {  	[tilespmem:s18+$0x30] =	vst v11;
	v1 =	vpack.i.b32.b16 v7, v1  }
0xc: {  	v51 =	vunpack.i.l.s16.s32 v3;
	v52 =	vunpack.i.l.s16.s32 v5;
	v9 =	vpack.i.b32.b16 v10, v9;
	[tilespmem:s16+$0x20] =	vst v1  }
0xd: {  	v53 =	vunpack.i.u.s16.s32 v3;
	v54 =	vunpack.i.u.s16.s32 v5;
	v55 =	vpack.i.b32.b16 v52, v51;
	[tilespmem:s18+$0xFFFFFFF0] =	vst v9  }
0xe: {  	v56 =	vunpack.i.l.s16.s32 v0;
	v57 =	vunpack.i.l.s16.s32 v2;
	v1 =	vpack.i.b32.b16 v54, v53;
	[tilespmem:s18+$0xFFFFFFD0] =	vst v55  }
0xf: {  	v58 =	vunpack.i.l.s16.s32 v8;
	v59 =	vpack.i.b32.b16 v57, v56;
	[tilespmem:s18+$0x10] =	vst v1  }
0x10: {  	v60 =	vunpack.i.u.s16.s32 v8;
	v5 =	vpack.i.b32.b16 v6, v58;
	[tilespmem:s18+$0xFFFFFFE0] =	vst v59  }
0x11: {  	v61 =	vunpack.i.u.s16.s32 v0;
	v62 =	vunpack.i.u.s16.s32 v2;
	s15 =	sshll.u32 s15, $0x11;
	s14 =	sshll.u32 s14, $0x3;
	v63 =	vpack.i.b32.b16 v4, v60;
	[tilespmem:s18+$0xFFFFFFC0] =	vst v5  }
0x12: {  	v0 =	vpack.i.b32.b16 v62, v61;
	s14 =	sand.u32 $0x1F0, s14;
	s15 =	sadd.s32 s4, s15;
	[tilespmem:s18+$0x0] =	vst v63  }
0x13: {  	[tilespmem:s18+$0x20] =	vst v0;
	s14 =	sadd.s32 s14, s15  }
0x14: {  	[hbm4b:s14+s8] =	stream.strided.scatter [tilespmem:s17], [sflag:$0x2], $0x4000, s9, s8, $0x38;
	[tilespmem:$0x10000] =	vst v63  }
.LBB1_5:
0x15: {  	s16 =	sadd.s32 $0x4, s11  }
0x16: {  	s14 =	sadd.s32 $0x10, s12;
	s18 =	smov.u32 s12;
	p1 =	sgt.s32 s16, $0x3F  }
0x17: {  	s18 =	smov.u32 @p1 s14  }
0x18: {  	s16 =	smov.u32 @p1 s2;
	p1 =	sgt.s32 s18, $0xF  }
0x19: {  	s18 =	smov.u32 @p1 s1;
	p1 =	sne.s32 s13, s7  }
.Ltmp1:
0x1a: {  	p0 =	slt.u32 s13, $0x2;
	(pc) =	sbr.rel @!p1 .LBB1_6-.Ltmp1, $4  }
0x1b: {  	s17 =	simm.s32 @!p0 $0x2  }
0x1c: {  	s15 =	smov.u32 s12;
	s10 =	sadd.s32 $0x8000, s10;
	_ =	swait.ge @!p0 [sflag:s17], $0x4000  }
0x1d: {  	s14 =	smov.u32 s11;
	[sflag:s17] =	ssyncset.done @!p0 $0x0;
	s11 =	smov.u32 s16  }
0x1e: {  	s13 =	sadd.s32 $0x1, s13;
	[sflag:s17] =	ssyncadd.s32 @!p0 $0xFFFFC000;
	s12 =	smov.u32 s18  }
.LBB1_1:
0x1f: {  	p0 =	sge.u32 s13, s6;
	s31 =	sadd.s32 $0xFFFFFFFF, s13  }
0x20: {  	s16 =	sshll.u32 @!p0 s12, $0x11;
	s17 =	sxor.u32 @!p0 $0xFFFFFFFF, s13;
	s18 =	sshll.u32 @!p0 s11, $0xB  }
0x21: {  	s19 =	simm.s32 @!p0 $0x80;
	s16 =	sadd.s32 @!p0 s3, s16;
	s17 =	sshll.u32 @!p0 s17, $0xE  }
0x22: {  	s16 =	sadd.s32 @!p0 s18, s16;
	s17 =	sand.u32 @!p0 $0x4000, s17;
	s18 =	simm.s32 @!p0 $0x40  }
0x23: {  	[tilespmem:s17], [sflag:$0x1] =	stream.strided.gather @!p0 [hbm4b:s16+s18], $0x4000, s19, s18, $0x38;
	[tilespmem:$0x10000] =	vst v63  }
0x24: {  	p0 =	sge.u32 s31, s6  }
.Ltmp2:
0x25: {  	_ = 	snop;
	(pc) =	sbr.rel @p0 .LBB1_5-.Ltmp2, $1  }
0x26: {  	_ =	sdelay $0x3  }
0x27: {  	s16 =	sshrl.u32 s10, $0x1;
	_ =	swait.ge [sflag:s5], $0x4000  }
0x28: {  	s16 =	sand.u32 $0x4000, s16;
	[sflag:s5] =	ssyncset.done $0x0  }
0x29: {  	s17 =	sor.u32 $0x2000, s16;
	[sflag:s5] =	ssyncadd.s32 $0xFFFFC000  }
0x2a: {  	v0 =	vld [tilespmem:s17+$0xFFFFE030]  }
0x2b: {  	v1 =	vld [tilespmem:s17+$0x30]  }
0x2c: {  	v2 =	vld [tilespmem:s17+$0x0]  }
0x2d: {  	v3 =	vld [tilespmem:s17+$0xFFFFE010]  }
0x2e: {  	v4 =	vld [tilespmem:s17+$0x10]  }
0x2f: {  	v5 =	vld [tilespmem:s17+$0xFFFFE020]  }
0x30: {  	v9 =	vld [tilespmem:s17+$0xFFFFE000];
	s18 =	sadd.s32 $0x40, s17  }
0x31: {  	v12 =	vld [tilespmem:s18+$0x30];
	v6 =	vunpack.i.l.s16.s32 v0;
	v0 =	vunpack.i.u.s16.s32 v0;
	v7 =	vunpack.i.u.s16.s32 v1  }
0x32: {  	v8 =	vld [tilespmem:s17+$0x20];
	v1 =	vunpack.i.l.s16.s32 v1;
	v10 =	vunpack.i.u.s16.s32 v2;
	v2 =	vunpack.i.l.s16.s32 v2  }
0x33: {  	s16 =	sor.u32 $0x8040, s16;
	v0 =	vpack.i.b32.b16 v7, v0;
	v7 =	vunpack.i.u.s16.s32 v3;
	v3 =	vunpack.i.l.s16.s32 v3  }
0x34: {  	v11 =	vld [tilespmem:s18+$0xFFFFE030];
	v6 =	vpack.i.b32.b16 v1, v6;
	[tilespmem:s16+$0x30] =	vst v0;
	v0 =	vunpack.i.u.s16.s32 v4;
	v4 =	vunpack.i.l.s16.s32 v4  }
0x35: {  	v13 =	vld [tilespmem:s18+$0x0];
	v14 =	vunpack.i.l.s16.s32 v5;
	v1 =	vunpack.i.u.s16.s32 v5;
	[tilespmem:s16+$0xFFFFFFF0] =	vst v6;
	v4 =	vpack.i.b32.b16 v4, v3  }
0x36: {  	v15 =	vunpack.i.u.s16.s32 v12;
	v6 =	vunpack.i.u.s16.s32 v9;
	v3 =	vld [tilespmem:s18+$0xFFFFE010];
	v0 =	vpack.i.b32.b16 v0, v7;
	[tilespmem:s16+$0xFFFFFFD0] =	vst v4  }
0x37: {  	v5 =	vld [tilespmem:s18+$0x10];
	v7 =	vunpack.i.u.s16.s32 v8;
	v63 =	vpack.i.b32.b16 v10, v6;
	v4 =	vunpack.i.l.s16.s32 v8;
	[tilespmem:s16+$0x10] =	vst v0  }
0x38: {  	s31 =	sshll.u32 s13, $0xE;
	v10 =	vunpack.i.l.s16.s32 v12;
	v8 =	vunpack.i.l.s16.s32 v9;
	v0 =	vld [tilespmem:s18+$0xFFFFE020];
	[tilespmem:s16+$0x0] =	vst v63;
	v4 =	vpack.i.b32.b16 v4, v14  }
0x39: {  	s19 =	simm.s32 $0x2;
	s17 =	sand.u32 $0x4000, s31;
	v9 =	vunpack.i.l.s16.s32 v11;
	v11 =	vunpack.i.u.s16.s32 v11;
	v8 =	vpack.i.b32.b16 v2, v8;
	v2 =	vld [tilespmem:s18+$0x20];
	[tilespmem:s16+$0xFFFFFFE0] =	vst v4  }
0x3a: {  	s17 =	sor.u32 $0x8000, s17;
	s20 =	sadd.s32 $0x40, s18;
	v6 =	vunpack.i.l.s16.s32 v13;
	v11 =	vpack.i.b32.b16 v15, v11;
	[tilespmem:s16+$0xFFFFFFC0] =	vst v8;
	v8 =	vld [tilespmem:s18+$0xFFFFE000];
	v4 =	vunpack.i.u.s16.s32 v13;
	s18 =	sadd.s32 $0x80, s16  }
.LBB1_3:
0x3b: {  	v12 =	vld [tilespmem:s20+$0xFFFFE030];
	v13 =	vunpack.i.u.s16.s32 v3;
	v3 =	vunpack.i.l.s16.s32 v3;
	[tilespmem:s18+$0x30] =	vst v11;
	v1 =	vpack.i.b32.b16 v7, v1  }
0x3c: {  	s19 =	sadd.s32 $0x2, s19;
	v7 =	vunpack.i.u.s16.s32 v5;
	v5 =	vunpack.i.l.s16.s32 v5;
	v9 =	vpack.i.b32.b16 v10, v9;
	v11 =	vld [tilespmem:s20+$0x30];
	[tilespmem:s16+$0x20] =	vst v1;
	s16 =	smov.u32 s18  }
0x3d: {  	p0 =	slt.u32 s19, $0xFE;
	v5 =	vpack.i.b32.b16 v5, v3;
	v1 =	vunpack.i.u.s16.s32 v0;
	v0 =	vunpack.i.l.s16.s32 v0;
	v14 =	vld [tilespmem:s20+$0x0];
	[tilespmem:s18+$0xFFFFFFF0] =	vst v9  }
.Ltmp3:
0x3e: {  	v9 =	vpack.i.b32.b16 v7, v13;
	v7 =	vunpack.i.u.s16.s32 v2;
	v2 =	vunpack.i.l.s16.s32 v2;
	v3 =	vld [tilespmem:s20+$0xFFFFE010];
	[tilespmem:s18+$0xFFFFFFD0] =	vst v5;
	(pc) =	sbr.rel @p0 .LBB1_3-.Ltmp3, $4  }
0x3f: {  	v10 =	vunpack.i.u.s16.s32 v8;
	v8 =	vunpack.i.l.s16.s32 v8;
	v2 =	vpack.i.b32.b16 v2, v0;
	v5 =	vld [tilespmem:s20+$0x10];
	[tilespmem:s18+$0x10] =	vst v9  }
0x40: {  	v6 =	vpack.i.b32.b16 v6, v8;
	v13 =	vpack.i.b32.b16 v4, v10;
	v0 =	vld [tilespmem:s20+$0xFFFFE020];
	v9 =	vunpack.i.l.s16.s32 v12;
	[tilespmem:s18+$0xFFFFFFE0] =	vst v2  }
0x41: {  	v12 =	vunpack.i.u.s16.s32 v12;
	v2 =	vld [tilespmem:s20+$0x20];
	v15 =	vunpack.i.u.s16.s32 v11;
	v10 =	vunpack.i.l.s16.s32 v11;
	[tilespmem:s18+$0xFFFFFFC0] =	vst v6  }
0x42: {  	s18 =	sadd.s32 $0x80, s18;
	v8 =	vld [tilespmem:s20+$0xFFFFE000];
	v4 =	vunpack.i.u.s16.s32 v14;
	v6 =	vunpack.i.l.s16.s32 v14;
	v11 =	vpack.i.b32.b16 v15, v12;
	s20 =	sadd.s32 $0x40, s20;
	[tilespmem:s16+$0x0] =	vst v13  }
.Ltmp4:
0x43: {  	_ = 	snop;
	(pc) =	sbr.rel .LBB1_4-.Ltmp4, $1  }
0x44: {  	_ =	sdelay $0x3  }
.LBB1_6:
0x45: {  	_ =	sfence.sel $0x180000  }
0x46: {  	s2 =	simm.s32 $0x1;
	[bflag:$0x0] =	sbarrier.arrive $0xFFFF  }
0x47: {  	s31 =	simm.s32 $0x2;
	[sflag:s2] =	ssyncpa.u1 $0x1  }
0x48: {  	[sflag:s31] =	ssyncpa.u1 $0x1  }
0x49: {  	p0 =	sne.s32 s1, $0x0;
	_ =	strace $0x90000065  }
0x4a: {  	s0 =	sadd.s32 @!p0 $0x100000, s0;
	[bflag:$0x2] =	sbarrier.arrive $0xFFFF  }
0x4b: {  	[sflag:s0] =	ssyncadd.tile.s32 @!p0 $0x1;
	_ =	shalt  }
.Lfunc_end1:
_tile_overlayer_lowered:
.L_overlay_start_2:
0x4c: {  	(tag) =	ssettag $0x2  }
0x4d: {  	s0 =	rddreg [dreg:$0x0];
	s2 =	stileid.u32  }
0x4e: {  	s1 =	rddreg [dreg:$0x1];
	p0 =	sne.s32 s2, $0x0  }
0x4f: {  	s3 =	rddreg [dreg:$0x2];
	[bflag:$0x3] =	sbarrier.arrive $0xFFFF;
	s2 =	simm.s32 @!p0 $0x1C01  }
0x50: {  	[timem:s3], [sflag:s2] =	dma.local @!p0 [hbm:s0], s1  }
0x51: {  	s0 =	simm.s32 @!p0 $0x1  }
0x52: {  	_ =	swait.ge @!p0 [sflag:s0], s1  }
0x53: {  	s1 =	ssub.s32 @!p0 $0x0, s1;
	[sflag:s0] =	ssyncset.done @!p0 $0x0  }
0x54: {  	[sflag:s0] =	ssyncadd.s32 @!p0 s1  }
0x55: {  	[bflag:$0x3] =	sbarrier.arrive $0xFFFF  }
0x56: {  	_ =	shalt  }

// kernel: sparse-core-data-format-call.2.cloned.1.call-start
scs
called_computation.2_lowered:
.L_overlay_start_0:
0x0: {  	s1 =	sld [smem:$0x3FD9]  }
0x1: {  	s2 =	sld [smem:$0x3FFE];
	_ =	sdelay $0x1  }
0x2: {  	s3 =	srdreg.scid  }
0x3: {  	s0 =	sand.u32 $0x1, s3  }
0x4: {  	s17 =	sshll.u32 s0, $0xA;
	s1 =	sadd.s32 s2, s1  }
0x5: {  	s1 =	sadd.s32 s1, s17  }
0x6: {  	[smem:$0x3FAB] =	sst s1  }
0x7: {  	_ = 	snop  }
0x8: {  	(tm) =	ssettm $0x1  }
0x9: {  	s18 =	sld [smem:$0x3FFB];
	_ =	sdelay $0x3  }
0xa: {  	_ =	strace s18  }
0xb: {  	s1 =	sld [smem:$0x3FFC];
	_ =	sdelay $0x3  }
0xc: {  	_ =	strace s1  }
0xd: {  	s1 =	sld [smem:$0x3FFD];
	_ =	sdelay $0x3  }
0xe: {  	_ =	strace s1  }
0xf: {  	_ =	strace $0x8FFFFFFF  }
0x10: {  	s19 =	sld [smem:$0x3FDB];
	_ =	sdelay $0x1  }
0x11: {  	s20 =	simm.s32 $_scs_section_size  }
0x12: {  	s4 =	simm.s32 $_size__tile_overlayer_lowered;
	s5 =	simm.s32 $_tile_overlayer_lowered  }
0x13: {  	s23 =	simm.s32 $0x1BFF;
	s22 =	sshll.u32 s5, $0x1;
	s1 =	sadd.s32 s20, s19  }
0x14: {  	s6 =	simm.s32 $0x0;
	s21 =	sshll.u32 s4, $0x1;
	s4 =	sadd.s32 s22, s1  }
0x15: {  	[timem:s6], [sflag:s23] =	dma.local [hbm:s4], s21  }
0x16: {  	_ =	swait.ge [sflag:s23], s21  }
0x17: {  	s2 =	ssub.s32 $0x0, s21;
	[sflag:s23] =	ssyncset.done $0x0  }
0x18: {  	[sflag:s23] =	ssyncadd.s32 s2;
	_ =	sdelay $0x1  }
0x19: {  	s24 =	simm.s32 $0x1B8B  }
0x1a: {  	_ =	swait.ge [sflag:s24], $0x1  }
0x1b: {  	[sflag:s24] =	ssyncset.done $0x0  }
0x1c: {  	s26 =	simm.s32 $0x1B8E;
	s25 =	sld [smem:$0x3FFE];
	[sflag:s24] =	ssyncadd.s32 $0xFFFFFFFF  }
0x1d: {  	s27 =	simm.s32 $execute0_lowered;
	[smem:$0x3FD2] =	sst s26  }
0x1e: {  	s4 =	sshll.u32 s27, $0x1;
	_ =	strace $0x8000005E;
	[dreg:$0x1] =	wrdreg $0xFFFFFFFF  }
0x1f: {  	s28 =	simm.s32 $_size_execute0_lowered;
	s1 =	sadd.s32 s1, s4;
	[dreg:$0x0] =	wrdreg $0x0  }
0x20: {  	s4 =	sshll.u32 s28, $0x1;
	[dreg:$0x2] =	wrdreg s1  }
0x21: {  	[dreg:$0x3] =	wrdreg s4  }
0x22: {  	[dreg:$0x4] =	wrdreg $0xC0  }
0x23: {  	_ =	task [dreg:s6], $0x5FFFF  }
0x24: {  	[dreg:$0x1] =	wrdreg $0xFFFFFFFF  }
0x25: {  	[dreg:$0x0] =	wrdreg $0x60  }
0x26: {  	[dreg:$0x2] =	wrdreg s25  }
0x27: {  	[dreg:$0x3] =	wrdreg $0xA  }
0x28: {  	_ =	task.clear_ibuf [dreg:s6], $0x4FFFF;
	_ =	strace $0x9000005E  }
0x29: {  	s29 =	simm.s32 $0xA;
	_ =	strace $0x80000060  }
0x2a: {  	_ =	swait.ge [sflag:s29], $0x1  }
0x2b: {  	[sflag:s29] =	ssyncadd.s32 $0xFFFFFFFF  }
0x2c: {  	_ =	strace $0x90000060  }
0x2d: {  	_ =	sfence  }
0x2e: {  	s30 =	sld [smem:$0x0];
	_ =	sdelay $0x2  }
0x2f: {  	s31 =	sshll.u32 s3, $0xD;
	s3 =	sshrl.u32 s3, $0x2  }
0x30: {  	s2 =	sand.u32 $0x4000, s31;
	s1 =	sadd.s32 s3, s30  }
0x31: {  	s0 =	sor.u32 s2, s0;
	s1 =	sshll.u32 s1, $0x11  }
0x32: {  	s0 =	sor.u32 s1, s0  }
0x33: {  	s0 =	sadd.s32 $0x8F2B, s0  }
0x34: {  	[sflag:s0] =	ssyncadd.remote.s32 $0x1  }
0x35: {  	_ =	sfence.sel $0xFFFF  }
0x36: {  	[dreg:$0x0] =	wrdreg $0xFFFFFFFF;
	(pc) =	sbr.abs _section_cstart, $3  }
0x37: {  	[dreg:$0x1] =	wrdreg $0xFFFFFFFF  }
0x38: {  	_ =	task.clear_ibuf [dreg:s6], $0x2FFFF;
	_ =	strace $0x9FFFFFFF  }
0x39: {  	(tm) =	ssettm $0x7FFFFFFF  }
tec
execute0_lowered:
.L_overlay_start_1:
0x0: {  	(tag) =	ssettag $0x1  }
0x1: {  	s10 =	rddreg [dreg:$0x0]  }
0x2: {  	s0 =	rddreg [dreg:$0x1]  }
0x3: {  	_ =	strace $0x8000005F;
	s1 =	stileid.u32;
	s2 =	srdreg.scid  }
0x4: {  	s6 =	simm.s32 $0x1;
	s31 =	simm.s32 $0x2;
	s16 =	simm.s32 $0x0  }
0x5: {  	s12 =	simm.s32 $0x20000;
	s17 =	simm.s32 $0x0;
	s15 =	simm.s32 $0x0  }
0x6: {  	s3 =	sshll.u32 s1, $0x2;
	s4 =	sshll.u32 s1, $0x5;
	s5 =	sshll.u32 s2, $0x9  }
0x7: {  	s2 =	sadd.s32 $0x225200, s10;
	s3 =	sand.u32 $0xC, s3;
	s5 =	sor.u32 s4, s5  }
0x8: {  	[sflag:s6] =	ssyncpa.u1 $0x0;
	s5 =	sand.u32 $0x380, s5;
	s7 =	ssub.s32 $0x10, s3  }
0x9: {  	s8 =	sand.u32 $0xC, s7;
	s9 =	ssub.s32 $0x4000, s5;
	s7 =	sshrl.u32 s7, $0x4  }
0xa: {  	p0 =	sne.s32 s8, $0x0;
	s8 =	simm.s32 $0x1;
	s11 =	sand.u32 $0x380, s9  }
0xb: {  	s8 =	simm.s32 @!p0 $0x0;
	p0 =	sne.s32 s11, $0x0;
	s11 =	simm.s32 $0x1  }
.Ltmp0:
0xc: {  	s9 =	sshrl.u32 s9, $0xA;
	s11 =	simm.s32 @!p0 $0x0;
	(pc) =	sbr.rel .LBB1_1-.Ltmp0, $4  }
0xd: {  	s4 =	sadd.s32 $0x425200, s10;
	s7 =	sadd.s32 s8, s7;
	s30 =	sadd.s32 s11, s9  }
0xe: {  	[sflag:s31] =	ssyncpa.u1 $0x0;
	s14 =	smov.u32 s3;
	s7 =	smul.u32 s7, s30  }
0xf: {  	s13 =	smov.u32 s5;
	s8 =	sadd.s32 $0x245200, s10;
	p0 =	por $0x0, $0x0  }
0x10: {  	s9 =	sadd.s32 $0x265200, s10;
	s10 =	sadd.s32 $0x285200, s10;
	s11 =	sadd.s32 $0x1, s7  }
.LBB1_7:
0x11: {  	s18 =	sadd.s32 $0x400, s13  }
0x12: {  	s16 =	sadd.s32 $0x10, s14;
	s20 =	smov.u32 s14;
	p2 =	sgt.s32 s18, $0x3FFF  }
0x13: {  	s20 =	smov.u32 @p2 s16  }
0x14: {  	s18 =	smov.u32 @p2 s5;
	p2 =	sgt.s32 s20, $0xF  }
0x15: {  	s20 =	smov.u32 @p2 s3;
	p2 =	sne.s32 s15, s11  }
.Ltmp1:
0x16: {  	p1 =	slt.u32 s15, $0x2;
	(pc) =	sbr.rel @!p2 .LBB1_8-.Ltmp1, $4  }
0x17: {  	s19 =	simm.s32 @!p1 $0x2  }
0x18: {  	s17 =	smov.u32 s14;
	p0 =	por !p0, !p0;
	_ =	swait.ge @!p1 [sflag:s19], $0x4000  }
0x19: {  	s16 =	smov.u32 s13;
	[sflag:s19] =	ssyncset.done @!p1 $0x0;
	s13 =	smov.u32 s18  }
0x1a: {  	s15 =	sadd.s32 $0x1, s15;
	[sflag:s19] =	ssyncadd.s32 @!p1 $0xFFFFC000;
	s14 =	smov.u32 s20  }
.LBB1_1:
0x1b: {  	p1 =	sge.u32 s15, s7  }
0x1c: {  	s18 =	sshll.u32 @!p1 s14, $0x11  }
0x1d: {  	s19 =	sshll.u32 @!p1 s13, $0x3;
	s20 =	sxor.u32 @!p1 $0xFFFFFFFF, s15;
	s22 =	simm.s32 @!p1 $0x40  }
0x1e: {  	s19 =	sand.u32 @!p1 $0x1FFF0, s19;
	s21 =	sadd.s32 @!p1 s2, s18;
	s20 =	sshll.u32 @!p1 s20, $0xE  }
0x1f: {  	s23 =	simm.s32 @!p1 $0x80;
	s21 =	sadd.s32 @!p1 s19, s21;
	s20 =	sand.u32 @!p1 $0x4000, s20  }
0x20: {  	[tilespmem:s20], [sflag:$0x1] =	stream.strided.gather @!p1 [hbm4b:s21+s22], $0x1000, s23, s22, $0x38;
	[tilespmem:$0x10100] =	vst v63  }
0x21: {  	s21 =	sadd.s32 @!p1 s18, s8  }
0x22: {  	s24 =	sor.u32 @!p1 $0x1000, s20;
	s21 =	sadd.s32 @!p1 s19, s21  }
0x23: {  	[tilespmem:s24], [sflag:$0x1] =	stream.strided.gather @!p1 [hbm4b:s21+s22], $0x1000, s23, s22, $0x38;
	[tilespmem:$0x10100] =	vst v63  }
0x24: {  	s21 =	sadd.s32 @!p1 s18, s9  }
0x25: {  	s24 =	sor.u32 @!p1 $0x2000, s20;
	s18 =	sadd.s32 @!p1 s18, s10;
	s21 =	sadd.s32 @!p1 s19, s21  }
0x26: {  	[tilespmem:s24], [sflag:$0x1] =	stream.strided.gather @!p1 [hbm4b:s21+s22], $0x1000, s23, s22, $0x38;
	[tilespmem:$0x10100] =	vst v63  }
0x27: {  	s31 =	sadd.s32 $0xFFFFFFFF, s15;
	s18 =	sadd.s32 @!p1 s19, s18;
	s19 =	sor.u32 @!p1 $0x3000, s20  }
0x28: {  	[tilespmem:s19], [sflag:$0x1] =	stream.strided.gather @!p1 [hbm4b:s18+s22], $0x1000, s23, s22, $0x38;
	[tilespmem:$0x10100] =	vst v63  }
0x29: {  	p1 =	sge.u32 s31, s7  }
.Ltmp2:
0x2a: {  	_ = 	snop;
	(pc) =	sbr.rel @p1 .LBB1_7-.Ltmp2, $1  }
0x2b: {  	_ =	sdelay $0x3  }
0x2c: {  	s19 =	sand.u32 $0x1, s15  }
0x2d: {  	s18 =	simm.s32 $0x1;
	_ =	swait.ge [sflag:s6], $0x4000;
	s20 =	smul.u32 $0x10200, s19  }
0x2e: {  	s18 =	simm.s32 @!p0 $0x0;
	[sflag:s6] =	ssyncset.done $0x0  }
0x2f: {  	s18 =	sshll.u32 s18, $0xE;
	[sflag:s6] =	ssyncadd.s32 $0xFFFFC000;
	s31 =	sshrl.u32 s20, $0x2  }
0x30: {  	s19 =	sor.u32 $0x20, s18;
	s20 =	simm.s32 $0x0;
	s18 =	sor.u32 $0x8000, s31  }
.LBB1_3:
0x31: {  	v0 =	vld [tilespmem:s19+$0x10]  }
0x32: {  	v1 =	vld [tilespmem:s19+$0xFFFFFFF0]  }
0x33: {  	v3 =	vld [tilespmem:s19+$0xFFFFFFE0]  }
0x34: {  	v2 =	vld [tilespmem:s19+$0x0];
	s25 =	sadd.s32 $0x40, s19  }
0x35: {  	s21 =	smul.u32 $0x4080, s20;
	v5 =	vld [tilespmem:s25+$0x10];
	_ =	sdelay $0x1  }
0x36: {  	s21 =	sshra.s32 s21, $0x2  }
0x37: {  	s26 =	simm.s32 $0x0;
	s24 =	simm.s32 $0x2;
	v6 =	vld [tilespmem:s25+$0xFFFFFFE0];
	s22 =	sadd.s32 s21, s18;
	v8 =	vperm.xlane.i2c.b16 v1;
	v9 =	vperm.xlane.i2c.b16 v3  }
0x38: {  	s23 =	simm.s32 $0x4;
	s27 =	sand.u32 $0x3E, s26;
	s21 =	sadd.s32 $0x810, s22;
	v0 =	vperm.xlane.i2c.b16 v0;
	v3 =	vperm.xlane.i2c.b16 v2;
	v2 =	vld [tilespmem:s25+$0xFFFFFFF0]  }
0x39: {  	s26 =	sand.u32 $0x40, s26;
	s28 =	sadd.s32 s27, s22;
	v1 =	vld [tilespmem:s25+$0x0];
	s29 =	sadd.s32 s27, s21;
	v5 =	vperm.xlane.i2c.b16 v5;
	v7 =	vcombine.low v9, v8  }
0x3a: {  	s25 =	sadd.s32 $0x40, s25;
	s27 =	sadd.s32 s26, s28;
	s26 =	sadd.s32 s26, s29;
	v4 =	vcombine.low v3, v0;
	v8 =	vcombine.high v9, v8  }
.LBB1_4:
0x3b: {  	s24 =	sadd.s32 $0x2, s24  }
0x3c: {  	v9 =	vld [tilespmem:s25+$0x10];
	[tilespmem:s27+$0x0 ss:$0x81] =	vst.msk $0xffff, v7;
	v7 =	vcombine.high v3, v0;
	p1 =	slt.u32 s24, $0x7E  }
.Ltmp3:
0x3d: {  	v10 =	vperm.xlane.i2c.b16 v2;
	v2 =	vld [tilespmem:s25+$0xFFFFFFF0];
	[tilespmem:s27+$0x1 ss:$0x81] =	vst.msk $0xffff, v8;
	v0 =	vmov v5;
	(pc) =	sbr.rel @p1 .LBB1_4-.Ltmp3, $4  }
0x3e: {  	s27 =	sshrl.u32 s23, $0x1;
	v3 =	vperm.xlane.i2c.b16 v1;
	v8 =	vperm.xlane.i2c.b16 v6;
	v1 =	vld [tilespmem:s25+$0x0];
	[tilespmem:s26+$0x0 ss:$0x81] =	vst.msk $0xffff, v4  }
0x3f: {  	s23 =	sadd.s32 $0x4, s23;
	s28 =	sand.u32 $0x3E, s27;
	v6 =	vld [tilespmem:s25+$0xFFFFFFE0];
	[tilespmem:s26+$0x1 ss:$0x81] =	vst.msk $0xffff, v7  }
0x40: {  	s29 =	sand.u32 $0x40, s27;
	s26 =	sadd.s32 s28, s22;
	v4 =	vcombine.low v3, v0;
	s28 =	sadd.s32 s28, s21;
	v7 =	vcombine.low v8, v10  }
0x41: {  	s25 =	sadd.s32 $0x40, s25;
	s27 =	sadd.s32 s29, s26;
	v8 =	vcombine.high v8, v10;
	s26 =	sadd.s32 s29, s28;
	v5 =	vperm.xlane.i2c.b16 v9  }
0x42: {  	_ = 	snop  }
0x43: {  	[tilespmem:s27+$0x0 ss:$0x81] =	vst.msk $0xffff, v7;
	v2 =	vperm.xlane.i2c.b16 v2;
	s23 =	sshrl.u32 s23, $0x1;
	v1 =	vperm.xlane.i2c.b16 v1  }
0x44: {  	v0 =	vcombine.high v3, v0;
	[tilespmem:s26+$0x0 ss:$0x81] =	vst.msk $0xffff, v4;
	s20 =	sadd.s32 $0x1, s20;
	s24 =	sand.u32 $0x3E, s23;
	v6 =	vperm.xlane.i2c.b16 v6  }
0x45: {  	[tilespmem:s27+$0x1 ss:$0x81] =	vst.msk $0xffff, v8;
	s23 =	sand.u32 $0x40, s23;
	p1 =	sne.s32 s20, $0x4;
	s21 =	sadd.s32 s24, s21;
	v63 =	vcombine.low v1, v5  }
.Ltmp4:
0x46: {  	s22 =	sadd.s32 s24, s22;
	[tilespmem:s26+$0x1 ss:$0x81] =	vst.msk $0xffff, v0;
	s21 =	sadd.s32 s23, s21;
	v61 =	vcombine.low v6, v2;
	(pc) =	sbr.rel @p1 .LBB1_3-.Ltmp4, $4  }
0x47: {  	s22 =	sadd.s32 s23, s22;
	v1 =	vcombine.high v1, v5;
	[tilespmem:s21+$0x0 ss:$0x81] =	vst.msk $0xffff, v63  }
0x48: {  	v62 =	vcombine.high v6, v2;
	[tilespmem:s22+$0x0 ss:$0x81] =	vst.msk $0xffff, v61  }
0x49: {  	[tilespmem:s21+$0x1 ss:$0x81] =	vst.msk $0xffff, v1  }
0x4a: {  	s19 =	sadd.s32 $0x1000, s19;
	[tilespmem:s22+$0x1 ss:$0x81] =	vst.msk $0xffff, v62  }
0x4b: {  	s19 =	sshll.u32 s16, $0x4  }
0x4c: {  	s20 =	sshll.u32 s16, $0x1;
	s17 =	sshll.u32 s17, $0x10;
	s30 =	sand.u32 $0xFC00, s16  }
.Ltmp5:
0x4d: {  	s20 =	sand.u32 $0xF0, s20;
	s19 =	sand.u32 $0x3800, s19;
	(pc) =	sbr.rel .LBB1_7-.Ltmp5, $4  }
0x4e: {  	s31 =	sand.u32 $0x7, s16;
	s17 =	sadd.s32 s4, s17;
	s19 =	sor.u32 s20, s19  }
0x4f: {  	s16 =	sshll.u32 s31, $0x12;
	s17 =	sadd.s32 s30, s17;
	s19 =	sshrl.u32 s19, $0x4  }
0x50: {  	s16 =	sor.u32 $0x400, s16;
	s17 =	sadd.s32 s19, s17  }
0x51: {  	[hbm4b:s17+s16] =	stream.strided.scatter [tilespmem:s18], [sflag:$0x2], $0x4000, s12, s16, $0x20;
	[tilespmem:$0x10100] =	vst v63  }
.LBB1_8:
0x52: {  	_ =	sfence.sel $0x180000  }
0x53: {  	s2 =	simm.s32 $0x1;
	[bflag:$0x0] =	sbarrier.arrive $0xFFFF  }
0x54: {  	s31 =	simm.s32 $0x2;
	[sflag:s2] =	ssyncpa.u1 $0x1  }
0x55: {  	[sflag:s31] =	ssyncpa.u1 $0x1  }
0x56: {  	p0 =	sne.s32 s1, $0x0;
	_ =	strace $0x9000005F  }
0x57: {  	s0 =	sadd.s32 @!p0 $0x100000, s0;
	[bflag:$0x2] =	sbarrier.arrive $0xFFFF  }
0x58: {  	[sflag:s0] =	ssyncadd.tile.s32 @!p0 $0x1;
	_ =	shalt  }
.Lfunc_end1:
_tile_overlayer_lowered:
.L_overlay_start_2:
0x59: {  	(tag) =	ssettag $0x2  }
0x5a: {  	s0 =	rddreg [dreg:$0x0];
	s2 =	stileid.u32  }
0x5b: {  	s1 =	rddreg [dreg:$0x1];
	p0 =	sne.s32 s2, $0x0  }
0x5c: {  	s3 =	rddreg [dreg:$0x2];
	[bflag:$0x3] =	sbarrier.arrive $0xFFFF;
	s2 =	simm.s32 @!p0 $0x1C01  }
0x5d: {  	[timem:s3], [sflag:s2] =	dma.local @!p0 [hbm:s0], s1  }
0x5e: {  	s0 =	simm.s32 @!p0 $0x1  }
0x5f: {  	_ =	swait.ge @!p0 [sflag:s0], s1  }
0x60: {  	s1 =	ssub.s32 @!p0 $0x0, s1;
	[sflag:s0] =	ssyncset.done @!p0 $0x0  }
0x61: {  	[sflag:s0] =	ssyncadd.s32 @!p0 s1  }
0x62: {  	[bflag:$0x3] =	sbarrier.arrive $0xFFFF  }
0x63: {  	_ =	shalt  }

// kernel: sparse-core-data-format-call.3.cloned.1.call-start
scs
called_computation.3_lowered:
.L_overlay_start_0:
0x0: {  	s2 =	sld [smem:$0x3FD9]  }
0x1: {  	s3 =	sld [smem:$0x3FFE];
	_ =	sdelay $0x1  }
0x2: {  	s1 =	srdreg.scid  }
0x3: {  	s0 =	sand.u32 $0x1, s1  }
0x4: {  	s18 =	sshll.u32 s0, $0xA;
	s2 =	sadd.s32 s3, s2  }
0x5: {  	s2 =	sadd.s32 s2, s18  }
0x6: {  	[smem:$0x3FAB] =	sst s2  }
0x7: {  	_ = 	snop  }
0x8: {  	s19 =	sld [smem:$0x3FD0];
	(tm) =	ssettm $0x1  }
0x9: {  	s20 =	sld [smem:$0x3FFB];
	_ =	sdelay $0x3  }
0xa: {  	_ =	strace s20  }
0xb: {  	s2 =	sld [smem:$0x3FFC];
	_ =	sdelay $0x3  }
0xc: {  	_ =	strace s2  }
0xd: {  	s2 =	sld [smem:$0x3FFD];
	_ =	sdelay $0x3  }
0xe: {  	_ =	strace s2  }
0xf: {  	_ =	strace $0x8FFFFFFF  }
0x10: {  	s21 =	sld [smem:$0x3FDB];
	_ =	sdelay $0x1  }
0x11: {  	s4 =	simm.s32 $_scs_section_size  }
0x12: {  	s5 =	simm.s32 $_size__tile_overlayer_lowered;
	s6 =	simm.s32 $_tile_overlayer_lowered  }
0x13: {  	s7 =	simm.s32 $0x1BFF;
	s22 =	sshll.u32 s6, $0x1;
	s4 =	sadd.s32 s4, s21  }
0x14: {  	s23 =	simm.s32 $0x0;
	s5 =	sshll.u32 s5, $0x1;
	s6 =	sadd.s32 s22, s4  }
0x15: {  	[timem:s23], [sflag:s7] =	dma.local [hbm:s6], s5  }
0x16: {  	_ =	swait.ge [sflag:s7], s5  }
0x17: {  	s5 =	ssub.s32 $0x0, s5;
	[sflag:s7] =	ssyncset.done $0x0  }
0x18: {  	[sflag:s7] =	ssyncadd.s32 s5;
	_ =	sdelay $0x1  }
0x19: {  	s24 =	simm.s32 $0x1B8B  }
0x1a: {  	_ =	swait.ge [sflag:s24], $0x1  }
0x1b: {  	[sflag:s24] =	ssyncset.done $0x0  }
0x1c: {  	[sflag:s24] =	ssyncadd.s32 $0xFFFFFFFF  }
0x1d: {  	s5 =	sld [smem:$0x0]  }
0x1e: {  	s6 =	sand.u32 $0xFFFFFFFE, s1  }
0x1f: {  	p0 =	sne.s32 s1, s6  }
0x20: {  	s6 =	sshll.u32 @p0 s6, $0xE  }
0x21: {  	s6 =	sadd.s32 @p0 $0x11B8D, s6;
	s7 =	sshll.u32 @p0 s5, $0x11  }
0x22: {  	s6 =	sor.u32 @p0 s7, s6  }
0x23: {  	[sflag:s6] =	ssyncadd.remote.s32 @p0 $0x1;
	_ =	sdelay $0x1  }
0x24: {  	s6 =	simm.s32 @p0 $0x1B8D  }
0x25: {  	_ =	swait.eq @p0 [sflag:s6], $0x1  }
0x26: {  	[sflag:s6] =	ssyncadd.s32 @p0 $0xFFFFFFFF  }
0x27: {  	s7 =	sshll.u32 @!p0 s1, $0xE  }
0x28: {  	s7 =	sor.u32 @!p0 $0x4000, s7;
	s6 =	simm.s32 @!p0 $0x1B8D  }
0x29: {  	s5 =	sshll.u32 @!p0 s5, $0x11;
	s7 =	sadd.s32 @!p0 $0x11B8D, s7;
	_ =	swait.eq @!p0 [sflag:s6], $0x1  }
0x2a: {  	s5 =	sor.u32 @!p0 s5, s7;
	[sflag:s6] =	ssyncadd.s32 @!p0 $0xFFFFFFFF  }
0x2b: {  	s26 =	simm.s32 $0x1B8E;
	s25 =	sld [smem:$0x3FFE];
	[sflag:s5] =	ssyncadd.remote.s32 @!p0 $0x1  }
0x2c: {  	s27 =	simm.s32 $execute0_lowered;
	[smem:$0x3FD2] =	sst s26  }
0x2d: {  	s6 =	sshll.u32 s27, $0x1;
	_ =	strace $0x8000004F;
	[dreg:$0x1] =	wrdreg $0xFFFFFFFF  }
0x2e: {  	s28 =	simm.s32 $_size_execute0_lowered;
	s4 =	sadd.s32 s4, s6;
	[dreg:$0x0] =	wrdreg $0x0  }
0x2f: {  	s6 =	sshll.u32 s28, $0x1;
	[dreg:$0x2] =	wrdreg s4  }
0x30: {  	[dreg:$0x3] =	wrdreg s6  }
0x31: {  	[dreg:$0x4] =	wrdreg $0xC0  }
0x32: {  	_ =	task [dreg:s23], $0x5FFFF  }
0x33: {  	[dreg:$0x1] =	wrdreg $0xFFFFFFFF  }
0x34: {  	[dreg:$0x0] =	wrdreg $0x60  }
0x35: {  	[dreg:$0x2] =	wrdreg s19  }
0x36: {  	[dreg:$0x3] =	wrdreg s25  }
0x37: {  	[dreg:$0x4] =	wrdreg $0x9  }
0x38: {  	_ =	task.clear_ibuf [dreg:s23], $0x5FFFF;
	_ =	strace $0x9000004F  }
0x39: {  	s29 =	simm.s32 $0x9;
	_ =	strace $0x80000051  }
0x3a: {  	_ =	swait.ge [sflag:s29], $0x1  }
0x3b: {  	[sflag:s29] =	ssyncadd.s32 $0xFFFFFFFF  }
0x3c: {  	_ =	strace $0x90000051  }
0x3d: {  	_ =	sfence  }
0x3e: {  	s30 =	sld [smem:$0x0];
	_ =	sdelay $0x2  }
0x3f: {  	s31 =	sshll.u32 s1, $0xD;
	s1 =	sshrl.u32 s1, $0x2  }
0x40: {  	s4 =	sand.u32 $0x4000, s31;
	s1 =	sadd.s32 s1, s30  }
0x41: {  	s0 =	sor.u32 s4, s0;
	s1 =	sshll.u32 s1, $0x11  }
0x42: {  	s0 =	sor.u32 s1, s0  }
0x43: {  	s0 =	sadd.s32 $0x8F2B, s0  }
0x44: {  	[sflag:s0] =	ssyncadd.remote.s32 $0x1  }
0x45: {  	_ =	sfence.sel $0xFFFF  }
0x46: {  	[dreg:$0x0] =	wrdreg $0xFFFFFFFF;
	(pc) =	sbr.abs _section_cstart, $3  }
0x47: {  	[dreg:$0x1] =	wrdreg $0xFFFFFFFF  }
0x48: {  	_ =	task.clear_ibuf [dreg:s23], $0x2FFFF;
	_ =	strace $0x9FFFFFFF  }
0x49: {  	(tm) =	ssettm $0x7FFFFFFF  }
tec
execute0_lowered:
.L_overlay_start_1:
0x0: {  	(tag) =	ssettag $0x1  }
0x1: {  	s2 =	rddreg [dreg:$0x0]  }
0x2: {  	s0 =	stileid.u32;
	s1 =	srdreg.scid  }
0x3: {  	s7 =	rddreg [dreg:$0x1];
	s31 =	simm.s32 $0x2;
	s14 =	simm.s32 $0x0  }
0x4: {  	s15 =	simm.s32 $0x0;
	s13 =	simm.s32 $0x0;
	s3 =	sshll.u32 s0, $0x1  }
0x5: {  	s4 =	sshll.u32 s0, $0x4;
	s1 =	sshll.u32 s1, $0x8;
	s7 =	sadd.s32 $0x535200, s7  }
0x6: {  	s3 =	sand.u32 $0xE, s3;
	s4 =	sor.u32 s4, s1;
	s1 =	rddreg [dreg:$0x2]  }
0x7: {  	_ =	strace $0x80000050;
	s4 =	sand.u32 $0x180, s4;
	s5 =	ssub.s32 $0x10, s3  }
0x8: {  	s6 =	sand.u32 $0xE, s5;
	s8 =	ssub.s32 $0x4000, s4;
	s10 =	sshrl.u32 s5, $0x4  }
0x9: {  	p0 =	sne.s32 s6, $0x0;
	s6 =	simm.s32 $0x1;
	s9 =	sand.u32 $0x180, s8  }
0xa: {  	s6 =	simm.s32 @!p0 $0x0;
	p0 =	sne.s32 s9, $0x0;
	s9 =	simm.s32 $0x1  }
.Ltmp0:
0xb: {  	s8 =	sshrl.u32 s8, $0x9;
	s9 =	simm.s32 @!p0 $0x0;
	(pc) =	sbr.rel .LBB1_1-.Ltmp0, $4  }
0xc: {  	s5 =	simm.s32 $0x1;
	s6 =	sadd.s32 s6, s10;
	s8 =	sadd.s32 s9, s8  }
0xd: {  	s12 =	smov.u32 s3;
	[sflag:s5] =	ssyncpa.u1 $0x0;
	s6 =	smul.u32 s6, s8  }
0xe: {  	s11 =	smov.u32 s4;
	[sflag:s31] =	ssyncpa.u1 $0x0;
	p0 =	por $0x0, $0x0  }
0xf: {  	s10 =	simm.s32 $0x20000;
	s8 =	sadd.s32 $0x40000, s2;
	s9 =	sadd.s32 $0x1, s6  }
.LBB1_7:
0x10: {  	s16 =	sadd.s32 $0x200, s11  }
0x11: {  	s14 =	sadd.s32 $0x10, s12;
	s18 =	smov.u32 s12;
	p2 =	sgt.s32 s16, $0x3FFF  }
0x12: {  	s18 =	smov.u32 @p2 s14  }
0x13: {  	s16 =	smov.u32 @p2 s4;
	p2 =	sgt.s32 s18, $0xF  }
0x14: {  	s18 =	smov.u32 @p2 s3;
	p2 =	sne.s32 s13, s9  }
.Ltmp1:
0x15: {  	p1 =	slt.u32 s13, $0x2;
	(pc) =	sbr.rel @!p2 .LBB1_8-.Ltmp1, $4  }
0x16: {  	s17 =	simm.s32 @!p1 $0x2  }
0x17: {  	s15 =	smov.u32 s12;
	p0 =	por !p0, !p0;
	_ =	swait.ge @!p1 [sflag:s17], $0x4000  }
0x18: {  	s14 =	smov.u32 s11;
	[sflag:s17] =	ssyncset.done @!p1 $0x0;
	s11 =	smov.u32 s16  }
0x19: {  	s13 =	sadd.s32 $0x1, s13;
	[sflag:s17] =	ssyncadd.s32 @!p1 $0xFFFFC000;
	s12 =	smov.u32 s18  }
.LBB1_1:
0x1a: {  	p1 =	sge.u32 s13, s6  }
0x1b: {  	s16 =	sxor.u32 @!p1 $0xFFFFFFFF, s13;
	s17 =	sshll.u32 @!p1 s12, $0x12  }
0x1c: {  	s18 =	sshll.u32 @!p1 s11, $0x4;
	s20 =	simm.s32 @!p1 $0x40;
	s21 =	simm.s32 @!p1 $0x80  }
0x1d: {  	s16 =	sshll.u32 @!p1 s16, $0xE;
	s18 =	sand.u32 @!p1 $0x3FFF0, s18;
	s19 =	sadd.s32 @!p1 s2, s17  }
0x1e: {  	s17 =	sadd.s32 @!p1 s17, s8;
	s16 =	sand.u32 @!p1 $0x4000, s16;
	s19 =	sadd.s32 @!p1 s18, s19  }
0x1f: {  	[tilespmem:s16], [sflag:$0x1] =	stream.strided.gather @!p1 [hbm4b:s19+s20], $0x2000, s21, s20, $0x38;
	[tilespmem:$0x10100] =	vst v63  }
0x20: {  	s31 =	sadd.s32 $0xFFFFFFFF, s13;
	s17 =	sadd.s32 @!p1 s18, s17;
	s16 =	sor.u32 @!p1 $0x2000, s16  }
0x21: {  	[tilespmem:s16], [sflag:$0x1] =	stream.strided.gather @!p1 [hbm4b:s17+s20], $0x2000, s21, s20, $0x38;
	[tilespmem:$0x10100] =	vst v63  }
0x22: {  	p1 =	sge.u32 s31, s6  }
.Ltmp2:
0x23: {  	_ = 	snop;
	(pc) =	sbr.rel @p1 .LBB1_7-.Ltmp2, $1  }
0x24: {  	_ =	sdelay $0x3  }
0x25: {  	s16 =	simm.s32 $0x1;
	s18 =	sand.u32 $0x1, s13  }
0x26: {  	_ =	swait.ge [sflag:s5], $0x4000;
	s16 =	simm.s32 @!p0 $0x0;
	s18 =	smul.u32 $0x10200, s18  }
0x27: {  	p2 =	por $0x1, $0x1;
	[sflag:s5] =	ssyncset.done $0x0;
	s17 =	smul.u32 $0x10200, s16  }
0x28: {  	s19 =	sshll.u32 s16, $0x10;
	[sflag:s5] =	ssyncadd.s32 $0xFFFFC000;
	s30 =	sshrl.u32 s18, $0x2  }
0x29: {  	s31 =	sshrl.u32 s19, $0x2;
	s19 =	simm.s32 $0x0;
	s17 =	sshrl.u32 s17, $0x2  }
0x2a: {  	s16 =	sor.u32 $0x8000, s30;
	s18 =	sadd.s32 $0x20, s31;
	s17 =	sor.u32 $0x8000, s17  }
.LBB1_3:
0x2b: {  	s20 =	sshll.u32 s19, $0xD  }
0x2c: {  	s20 =	sand.u32 $0x3FFFE000, s20  }
0x2d: {  	s22 =	sadd.s32 s20, s18  }
0x2e: {  	s31 =	smul.u32 $0x8100, s19;
	v3 =	vld [tilespmem:s22+$0x10]  }
0x2f: {  	v1 =	vld [tilespmem:s22+$0xFFFFFFF0]  }
0x30: {  	s19 =	sshra.s32 s31, $0x2;
	v0 =	vld [tilespmem:s22+$0x0]  }
0x31: {  	s19 =	sadd.s32 s19, s17;
	v2 =	vld [tilespmem:s22+$0xFFFFFFE0]  }
0x32: {  	s20 =	sadd.s32 $0x0, s19  }
0x33: {  	p1 =	por p2, p2;
	s21 =	simm.s32 $0x4;
	s22 =	sadd.s32 $0x40, s22;
	[tilespmem:s20+$0x1830 ss:$0x81] =	vst.msk $0xffff, v3  }
.LBB1_4:
0x34: {  	v3 =	vld [tilespmem:s22+$0x10];
	p2 =	sne.s32 s21, $0x1FC;
	[tilespmem:s20+$0x810 ss:$0x81] =	vst.msk $0xffff, v1;
	s23 =	smov.u32 s21;
	s21 =	sadd.s32 $0x4, s21  }
.Ltmp3:
0x35: {  	v1 =	vld [tilespmem:s22+$0xFFFFFFF0];
	[tilespmem:s20+$0x1020 ss:$0x81] =	vst.msk $0xffff, v0;
	(pc) =	sbr.rel @p2 .LBB1_4-.Ltmp3, $4  }
0x36: {  	v0 =	vld [tilespmem:s22+$0x0];
	[tilespmem:s20+$0x0 ss:$0x81] =	vst.msk $0xffff, v2  }
0x37: {  	s20 =	sshra.s32 s23, $0x2;
	v2 =	vld [tilespmem:s22+$0xFFFFFFE0]  }
0x38: {  	s20 =	sadd.s32 s20, s19  }
0x39: {  	s22 =	sadd.s32 $0x40, s22;
	[tilespmem:s20+$0x1830 ss:$0x81] =	vst.msk $0xffff, v3  }
.Ltmp4:
0x3a: {  	(pc) =	sbr.rel @p1 .LBB1_3-.Ltmp4, $4  }
0x3b: {  	_ = 	snop  }
0x3c: {  	[tilespmem:s20+$0x810 ss:$0x81] =	vst.msk $0xffff, v1  }
0x3d: {  	[tilespmem:s20+$0x1020 ss:$0x81] =	vst.msk $0xffff, v0  }
0x3e: {  	s19 =	simm.s32 $0x1;
	p2 =	por $0x0, $0x0;
	[tilespmem:s20+$0x0 ss:$0x81] =	vst.msk $0xffff, v2  }
0x3f: {  	s17 =	sshll.u32 s14, $0x3;
	s18 =	sand.u32 $0x78, s14;
	s15 =	sshll.u32 s15, $0x11  }
.Ltmp5:
0x40: {  	s30 =	sand.u32 $0x1F800, s14;
	s17 =	sand.u32 $0x3C00, s17;
	(pc) =	sbr.rel .LBB1_7-.Ltmp5, $4  }
0x41: {  	s31 =	sand.u32 $0x7, s14;
	s15 =	sadd.s32 s7, s15;
	s17 =	sor.u32 s18, s17  }
0x42: {  	s14 =	sshll.u32 s31, $0x12;
	s15 =	sadd.s32 s30, s15;
	s17 =	sshrl.u32 s17, $0x3  }
0x43: {  	s14 =	sor.u32 $0x400, s14;
	s15 =	sadd.s32 s17, s15  }
0x44: {  	[hbm4b:s15+s14] =	stream.strided.scatter [tilespmem:s16], [sflag:$0x2], $0x4000, s10, s14, $0x20;
	[tilespmem:$0x10100] =	vst v63  }
.LBB1_8:
0x45: {  	_ =	sfence.sel $0x180000  }
0x46: {  	s2 =	simm.s32 $0x1;
	[bflag:$0x0] =	sbarrier.arrive $0xFFFF  }
0x47: {  	s31 =	simm.s32 $0x2;
	[sflag:s2] =	ssyncpa.u1 $0x1  }
0x48: {  	[sflag:s31] =	ssyncpa.u1 $0x1  }
0x49: {  	p0 =	sne.s32 s0, $0x0;
	_ =	strace $0x90000050  }
0x4a: {  	s0 =	sadd.s32 @!p0 $0x100000, s1;
	[bflag:$0x2] =	sbarrier.arrive $0xFFFF  }
0x4b: {  	[sflag:s0] =	ssyncadd.tile.s32 @!p0 $0x1;
	_ =	shalt  }
.Lfunc_end1:
_tile_overlayer_lowered:
.L_overlay_start_2:
0x4c: {  	(tag) =	ssettag $0x2  }
0x4d: {  	s0 =	rddreg [dreg:$0x0];
	s2 =	stileid.u32  }
0x4e: {  	s1 =	rddreg [dreg:$0x1];
	p0 =	sne.s32 s2, $0x0  }
0x4f: {  	s3 =	rddreg [dreg:$0x2];
	[bflag:$0x3] =	sbarrier.arrive $0xFFFF;
	s2 =	simm.s32 @!p0 $0x1C01  }
0x50: {  	[timem:s3], [sflag:s2] =	dma.local @!p0 [hbm:s0], s1  }
0x51: {  	s0 =	simm.s32 @!p0 $0x1  }
0x52: {  	_ =	swait.ge @!p0 [sflag:s0], s1  }
0x53: {  	s1 =	ssub.s32 @!p0 $0x0, s1;
	[sflag:s0] =	ssyncset.done @!p0 $0x0  }
0x54: {  	[sflag:s0] =	ssyncadd.s32 @!p0 s1  }
0x55: {  	[bflag:$0x3] =	sbarrier.arrive $0xFFFF  }
0x56: {  	_ =	shalt  }

// kernel: sparse-core-data-format-call.4.cloned.1.call-start
scs
called_computation.4_lowered:
.L_overlay_start_0:
0x0: {  	s2 =	sld [smem:$0x3FD9]  }
0x1: {  	s3 =	sld [smem:$0x3FFE];
	_ =	sdelay $0x1  }
0x2: {  	s1 =	srdreg.scid  }
0x3: {  	s0 =	sand.u32 $0x1, s1  }
0x4: {  	s18 =	sshll.u32 s0, $0xA;
	s2 =	sadd.s32 s3, s2  }
0x5: {  	s2 =	sadd.s32 s2, s18  }
0x6: {  	[smem:$0x3FAB] =	sst s2  }
0x7: {  	_ = 	snop  }
0x8: {  	(tm) =	ssettm $0x1  }
0x9: {  	s19 =	sld [smem:$0x3FFB];
	_ =	sdelay $0x3  }
0xa: {  	_ =	strace s19  }
0xb: {  	s2 =	sld [smem:$0x3FFC];
	_ =	sdelay $0x3  }
0xc: {  	_ =	strace s2  }
0xd: {  	s2 =	sld [smem:$0x3FFD];
	_ =	sdelay $0x3  }
0xe: {  	_ =	strace s2  }
0xf: {  	_ =	strace $0x8FFFFFFF  }
0x10: {  	s20 =	sld [smem:$0x3FDB];
	_ =	sdelay $0x1  }
0x11: {  	s21 =	simm.s32 $_scs_section_size  }
0x12: {  	s4 =	simm.s32 $_size__tile_overlayer_lowered;
	s5 =	simm.s32 $_tile_overlayer_lowered  }
0x13: {  	s6 =	simm.s32 $0x1BFF;
	s22 =	sshll.u32 s5, $0x1;
	s3 =	sadd.s32 s21, s20  }
0x14: {  	s23 =	simm.s32 $0x0;
	s4 =	sshll.u32 s4, $0x1;
	s5 =	sadd.s32 s22, s3  }
0x15: {  	[timem:s23], [sflag:s6] =	dma.local [hbm:s5], s4  }
0x16: {  	_ =	swait.ge [sflag:s6], s4  }
0x17: {  	s4 =	ssub.s32 $0x0, s4;
	[sflag:s6] =	ssyncset.done $0x0  }
0x18: {  	[sflag:s6] =	ssyncadd.s32 s4;
	_ =	sdelay $0x1  }
0x19: {  	s24 =	simm.s32 $0x1B8B  }
0x1a: {  	_ =	swait.ge [sflag:s24], $0x1  }
0x1b: {  	[sflag:s24] =	ssyncset.done $0x0  }
0x1c: {  	[sflag:s24] =	ssyncadd.s32 $0xFFFFFFFF  }
0x1d: {  	s4 =	sld [smem:$0x0]  }
0x1e: {  	s5 =	sand.u32 $0xFFFFFFFE, s1  }
0x1f: {  	p0 =	sne.s32 s1, s5  }
0x20: {  	s5 =	sshll.u32 @p0 s5, $0xE  }
0x21: {  	s5 =	sadd.s32 @p0 $0x11B8D, s5;
	s6 =	sshll.u32 @p0 s4, $0x11  }
0x22: {  	s5 =	sor.u32 @p0 s6, s5  }
0x23: {  	[sflag:s5] =	ssyncadd.remote.s32 @p0 $0x1;
	_ =	sdelay $0x1  }
0x24: {  	s5 =	simm.s32 @p0 $0x1B8D  }
0x25: {  	_ =	swait.eq @p0 [sflag:s5], $0x1  }
0x26: {  	[sflag:s5] =	ssyncadd.s32 @p0 $0xFFFFFFFF  }
0x27: {  	s6 =	sshll.u32 @!p0 s1, $0xE  }
0x28: {  	s6 =	sor.u32 @!p0 $0x4000, s6;
	s5 =	simm.s32 @!p0 $0x1B8D  }
0x29: {  	s4 =	sshll.u32 @!p0 s4, $0x11;
	s6 =	sadd.s32 @!p0 $0x11B8D, s6;
	_ =	swait.eq @!p0 [sflag:s5], $0x1  }
0x2a: {  	s4 =	sor.u32 @!p0 s4, s6;
	[sflag:s5] =	ssyncadd.s32 @!p0 $0xFFFFFFFF  }
0x2b: {  	s26 =	simm.s32 $0x1B8E;
	s25 =	sld [smem:$0x3FFE];
	[sflag:s4] =	ssyncadd.remote.s32 @!p0 $0x1  }
0x2c: {  	s27 =	simm.s32 $execute0_lowered;
	[smem:$0x3FD2] =	sst s26  }
0x2d: {  	s5 =	sshll.u32 s27, $0x1;
	_ =	strace $0x80000052;
	[dreg:$0x1] =	wrdreg $0xFFFFFFFF  }
0x2e: {  	s28 =	simm.s32 $_size_execute0_lowered;
	s3 =	sadd.s32 s3, s5;
	[dreg:$0x0] =	wrdreg $0x0  }
0x2f: {  	s5 =	sshll.u32 s28, $0x1;
	[dreg:$0x2] =	wrdreg s3  }
0x30: {  	[dreg:$0x3] =	wrdreg s5  }
0x31: {  	[dreg:$0x4] =	wrdreg $0xC0  }
0x32: {  	_ =	task [dreg:s23], $0x5FFFF  }
0x33: {  	[dreg:$0x1] =	wrdreg $0xFFFFFFFF  }
0x34: {  	[dreg:$0x0] =	wrdreg $0x60  }
0x35: {  	[dreg:$0x2] =	wrdreg s25  }
0x36: {  	[dreg:$0x3] =	wrdreg $0xA  }
0x37: {  	_ =	task.clear_ibuf [dreg:s23], $0x4FFFF;
	_ =	strace $0x90000052  }
0x38: {  	s29 =	simm.s32 $0xA;
	_ =	strace $0x80000054  }
0x39: {  	_ =	swait.ge [sflag:s29], $0x1  }
0x3a: {  	[sflag:s29] =	ssyncadd.s32 $0xFFFFFFFF  }
0x3b: {  	_ =	strace $0x90000054  }
0x3c: {  	_ =	sfence  }
0x3d: {  	s30 =	sld [smem:$0x0];
	_ =	sdelay $0x2  }
0x3e: {  	s31 =	sshll.u32 s1, $0xD;
	s1 =	sshrl.u32 s1, $0x2  }
0x3f: {  	s4 =	sand.u32 $0x4000, s31;
	s1 =	sadd.s32 s1, s30  }
0x40: {  	s0 =	sor.u32 s4, s0;
	s1 =	sshll.u32 s1, $0x11  }
0x41: {  	s0 =	sor.u32 s1, s0  }
0x42: {  	s0 =	sadd.s32 $0x8F2B, s0  }
0x43: {  	[sflag:s0] =	ssyncadd.remote.s32 $0x1  }
0x44: {  	_ =	sfence.sel $0xFFFF  }
0x45: {  	[dreg:$0x0] =	wrdreg $0xFFFFFFFF;
	(pc) =	sbr.abs _section_cstart, $3  }
0x46: {  	[dreg:$0x1] =	wrdreg $0xFFFFFFFF  }
0x47: {  	_ =	task.clear_ibuf [dreg:s23], $0x2FFFF;
	_ =	strace $0x9FFFFFFF  }
0x48: {  	(tm) =	ssettm $0x7FFFFFFF  }
0x49: {  	_ =	shalt  }
tec
execute0_lowered:
.L_overlay_start_1:
0x0: {  	(tag) =	ssettag $0x1  }
0x1: {  	s0 =	srdreg.scid  }
0x2: {  	s1 =	rddreg [dreg:$0x0];
	s5 =	simm.s32 $0x1;
	s8 =	simm.s32 $0x2  }
0x3: {  	s14 =	simm.s32 $0x0;
	s9 =	simm.s32 $0x1000;
	s10 =	simm.s32 $0x0  }
0x4: {  	s15 =	simm.s32 $0x0;
	s12 =	stileid.u32;
	s2 =	sshll.u32 s0, $0x1  }
0x5: {  	s13 =	simm.s32 $0x0;
	s0 =	rddreg [dreg:$0x1];
	s2 =	sand.u32 $0x2, s2  }
.Ltmp0:
0x6: {  	_ =	strace $0x80000053;
	s6 =	ssub.s32 $0x40, s2;
	(pc) =	sbr.rel .LBB1_1-.Ltmp0, $4  }
0x7: {  	s3 =	sadd.s32 $0x235200, s1;
	s4 =	sadd.s32 $0x735200, s1;
	s7 =	sshrl.u32 s6, $0x1  }
0x8: {  	[sflag:s5] =	ssyncpa.u1 $0x0;
	s6 =	sshrl.u32 s6, $0x2;
	s7 =	sand.u32 $0x1, s7  }
0x9: {  	s1 =	stileid.u32;
	[sflag:s8] =	ssyncpa.u1 $0x0;
	s6 =	sadd.s32 s6, s7  }
0xa: {  	s8 =	simm.s32 $0x40;
	s11 =	smov.u32 s2;
	s7 =	sadd.s32 $0x1, s6  }
.LBB1_4:
0xb: {  	[tilespmem:s18+$0x30] =	vst v11;
	v1 =	vpack.i.b32.b16 v7, v1  }
0xc: {  	v51 =	vunpack.i.l.s16.s32 v3;
	v52 =	vunpack.i.l.s16.s32 v5;
	v9 =	vpack.i.b32.b16 v10, v9;
	[tilespmem:s16+$0x20] =	vst v1  }
0xd: {  	v53 =	vunpack.i.u.s16.s32 v3;
	v54 =	vunpack.i.u.s16.s32 v5;
	v55 =	vpack.i.b32.b16 v52, v51;
	[tilespmem:s18+$0xFFFFFFF0] =	vst v9  }
0xe: {  	v56 =	vunpack.i.l.s16.s32 v0;
	v57 =	vunpack.i.l.s16.s32 v2;
	v1 =	vpack.i.b32.b16 v54, v53;
	[tilespmem:s18+$0xFFFFFFD0] =	vst v55  }
0xf: {  	v58 =	vunpack.i.l.s16.s32 v8;
	v59 =	vpack.i.b32.b16 v57, v56;
	[tilespmem:s18+$0x10] =	vst v1  }
0x10: {  	v60 =	vunpack.i.u.s16.s32 v8;
	v5 =	vpack.i.b32.b16 v6, v58;
	[tilespmem:s18+$0xFFFFFFE0] =	vst v59  }
0x11: {  	v61 =	vunpack.i.u.s16.s32 v0;
	v62 =	vunpack.i.u.s16.s32 v2;
	s15 =	sshll.u32 s15, $0x11;
	s14 =	sshll.u32 s14, $0x3;
	v63 =	vpack.i.b32.b16 v4, v60;
	[tilespmem:s18+$0xFFFFFFC0] =	vst v5  }
0x12: {  	v0 =	vpack.i.b32.b16 v62, v61;
	s14 =	sand.u32 $0x1F0, s14;
	s15 =	sadd.s32 s4, s15;
	[tilespmem:s18+$0x0] =	vst v63  }
0x13: {  	[tilespmem:s18+$0x20] =	vst v0;
	s14 =	sadd.s32 s14, s15  }
0x14: {  	[hbm4b:s14+s8] =	stream.strided.scatter [tilespmem:s17], [sflag:$0x2], $0x4000, s9, s8, $0x38;
	[tilespmem:$0x10000] =	vst v63  }
.LBB1_5:
0x15: {  	s16 =	sadd.s32 $0x4, s11  }
0x16: {  	s14 =	sadd.s32 $0x10, s12;
	s18 =	smov.u32 s12;
	p1 =	sgt.s32 s16, $0x3F  }
0x17: {  	s18 =	smov.u32 @p1 s14  }
0x18: {  	s16 =	smov.u32 @p1 s2;
	p1 =	sgt.s32 s18, $0xF  }
0x19: {  	s18 =	smov.u32 @p1 s1;
	p1 =	sne.s32 s13, s7  }
.Ltmp1:
0x1a: {  	p0 =	slt.u32 s13, $0x2;
	(pc) =	sbr.rel @!p1 .LBB1_6-.Ltmp1, $4  }
0x1b: {  	s17 =	simm.s32 @!p0 $0x2  }
0x1c: {  	s15 =	smov.u32 s12;
	s10 =	sadd.s32 $0x8000, s10;
	_ =	swait.ge @!p0 [sflag:s17], $0x4000  }
0x1d: {  	s14 =	smov.u32 s11;
	[sflag:s17] =	ssyncset.done @!p0 $0x0;
	s11 =	smov.u32 s16  }
0x1e: {  	s13 =	sadd.s32 $0x1, s13;
	[sflag:s17] =	ssyncadd.s32 @!p0 $0xFFFFC000;
	s12 =	smov.u32 s18  }
.LBB1_1:
0x1f: {  	p0 =	sge.u32 s13, s6;
	s31 =	sadd.s32 $0xFFFFFFFF, s13  }
0x20: {  	s16 =	sshll.u32 @!p0 s12, $0x11;
	s17 =	sxor.u32 @!p0 $0xFFFFFFFF, s13;
	s18 =	sshll.u32 @!p0 s11, $0xB  }
0x21: {  	s19 =	simm.s32 @!p0 $0x80;
	s16 =	sadd.s32 @!p0 s3, s16;
	s17 =	sshll.u32 @!p0 s17, $0xE  }
0x22: {  	s16 =	sadd.s32 @!p0 s18, s16;
	s17 =	sand.u32 @!p0 $0x4000, s17;
	s18 =	simm.s32 @!p0 $0x40  }
0x23: {  	[tilespmem:s17], [sflag:$0x1] =	stream.strided.gather @!p0 [hbm4b:s16+s18], $0x4000, s19, s18, $0x38;
	[tilespmem:$0x10000] =	vst v63  }
0x24: {  	p0 =	sge.u32 s31, s6  }
.Ltmp2:
0x25: {  	_ = 	snop;
	(pc) =	sbr.rel @p0 .LBB1_5-.Ltmp2, $1  }
0x26: {  	_ =	sdelay $0x3  }
0x27: {  	s16 =	sshrl.u32 s10, $0x1;
	_ =	swait.ge [sflag:s5], $0x4000  }
0x28: {  	s16 =	sand.u32 $0x4000, s16;
	[sflag:s5] =	ssyncset.done $0x0  }
0x29: {  	s17 =	sor.u32 $0x2000, s16;
	[sflag:s5] =	ssyncadd.s32 $0xFFFFC000  }
0x2a: {  	v0 =	vld [tilespmem:s17+$0xFFFFE030]  }
0x2b: {  	v1 =	vld [tilespmem:s17+$0x30]  }
0x2c: {  	v2 =	vld [tilespmem:s17+$0x0]  }
0x2d: {  	v3 =	vld [tilespmem:s17+$0xFFFFE010]  }
0x2e: {  	v4 =	vld [tilespmem:s17+$0x10]  }
0x2f: {  	v5 =	vld [tilespmem:s17+$0xFFFFE020]  }
0x30: {  	v9 =	vld [tilespmem:s17+$0xFFFFE000];
	s18 =	sadd.s32 $0x40, s17  }
0x31: {  	v12 =	vld [tilespmem:s18+$0x30];
	v6 =	vunpack.i.l.s16.s32 v0;
	v0 =	vunpack.i.u.s16.s32 v0;
	v7 =	vunpack.i.u.s16.s32 v1  }
0x32: {  	v8 =	vld [tilespmem:s17+$0x20];
	v1 =	vunpack.i.l.s16.s32 v1;
	v10 =	vunpack.i.u.s16.s32 v2;
	v2 =	vunpack.i.l.s16.s32 v2  }
0x33: {  	s16 =	sor.u32 $0x8040, s16;
	v0 =	vpack.i.b32.b16 v7, v0;
	v7 =	vunpack.i.u.s16.s32 v3;
	v3 =	vunpack.i.l.s16.s32 v3  }
0x34: {  	v11 =	vld [tilespmem:s18+$0xFFFFE030];
	v6 =	vpack.i.b32.b16 v1, v6;
	[tilespmem:s16+$0x30] =	vst v0;
	v0 =	vunpack.i.u.s16.s32 v4;
	v4 =	vunpack.i.l.s16.s32 v4  }
0x35: {  	v13 =	vld [tilespmem:s18+$0x0];
	v14 =	vunpack.i.l.s16.s32 v5;
	v1 =	vunpack.i.u.s16.s32 v5;
	[tilespmem:s16+$0xFFFFFFF0] =	vst v6;
	v4 =	vpack.i.b32.b16 v4, v3  }
0x36: {  	v15 =	vunpack.i.u.s16.s32 v12;
	v6 =	vunpack.i.u.s16.s32 v9;
	v3 =	vld [tilespmem:s18+$0xFFFFE010];
	v0 =	vpack.i.b32.b16 v0, v7;
	[tilespmem:s16+$0xFFFFFFD0] =	vst v4  }
0x37: {  	v5 =	vld [tilespmem:s18+$0x10];
	v7 =	vunpack.i.u.s16.s32 v8;
	v63 =	vpack.i.b32.b16 v10, v6;
	v4 =	vunpack.i.l.s16.s32 v8;
	[tilespmem:s16+$0x10] =	vst v0  }
0x38: {  	s31 =	sshll.u32 s13, $0xE;
	v10 =	vunpack.i.l.s16.s32 v12;
	v8 =	vunpack.i.l.s16.s32 v9;
	v0 =	vld [tilespmem:s18+$0xFFFFE020];
	[tilespmem:s16+$0x0] =	vst v63;
	v4 =	vpack.i.b32.b16 v4, v14  }
0x39: {  	s19 =	simm.s32 $0x2;
	s17 =	sand.u32 $0x4000, s31;
	v9 =	vunpack.i.l.s16.s32 v11;
	v11 =	vunpack.i.u.s16.s32 v11;
	v8 =	vpack.i.b32.b16 v2, v8;
	v2 =	vld [tilespmem:s18+$0x20];
	[tilespmem:s16+$0xFFFFFFE0] =	vst v4  }
0x3a: {  	s17 =	sor.u32 $0x8000, s17;
	s20 =	sadd.s32 $0x40, s18;
	v6 =	vunpack.i.l.s16.s32 v13;
	v11 =	vpack.i.b32.b16 v15, v11;
	[tilespmem:s16+$0xFFFFFFC0] =	vst v8;
	v8 =	vld [tilespmem:s18+$0xFFFFE000];
	v4 =	vunpack.i.u.s16.s32 v13;
	s18 =	sadd.s32 $0x80, s16  }
.LBB1_3:
0x3b: {  	v12 =	vld [tilespmem:s20+$0xFFFFE030];
	v13 =	vunpack.i.u.s16.s32 v3;
	v3 =	vunpack.i.l.s16.s32 v3;
	[tilespmem:s18+$0x30] =	vst v11;
	v1 =	vpack.i.b32.b16 v7, v1  }
0x3c: {  	s19 =	sadd.s32 $0x2, s19;
	v7 =	vunpack.i.u.s16.s32 v5;
	v5 =	vunpack.i.l.s16.s32 v5;
	v9 =	vpack.i.b32.b16 v10, v9;
	v11 =	vld [tilespmem:s20+$0x30];
	[tilespmem:s16+$0x20] =	vst v1;
	s16 =	smov.u32 s18  }
0x3d: {  	p0 =	slt.u32 s19, $0xFE;
	v5 =	vpack.i.b32.b16 v5, v3;
	v1 =	vunpack.i.u.s16.s32 v0;
	v0 =	vunpack.i.l.s16.s32 v0;
	v14 =	vld [tilespmem:s20+$0x0];
	[tilespmem:s18+$0xFFFFFFF0] =	vst v9  }
.Ltmp3:
0x3e: {  	v9 =	vpack.i.b32.b16 v7, v13;
	v7 =	vunpack.i.u.s16.s32 v2;
	v2 =	vunpack.i.l.s16.s32 v2;
	v3 =	vld [tilespmem:s20+$0xFFFFE010];
	[tilespmem:s18+$0xFFFFFFD0] =	vst v5;
	(pc) =	sbr.rel @p0 .LBB1_3-.Ltmp3, $4  }
0x3f: {  	v10 =	vunpack.i.u.s16.s32 v8;
	v8 =	vunpack.i.l.s16.s32 v8;
	v2 =	vpack.i.b32.b16 v2, v0;
	v5 =	vld [tilespmem:s20+$0x10];
	[tilespmem:s18+$0x10] =	vst v9  }
0x40: {  	v6 =	vpack.i.b32.b16 v6, v8;
	v13 =	vpack.i.b32.b16 v4, v10;
	v0 =	vld [tilespmem:s20+$0xFFFFE020];
	v9 =	vunpack.i.l.s16.s32 v12;
	[tilespmem:s18+$0xFFFFFFE0] =	vst v2  }
0x41: {  	v12 =	vunpack.i.u.s16.s32 v12;
	v2 =	vld [tilespmem:s20+$0x20];
	v15 =	vunpack.i.u.s16.s32 v11;
	v10 =	vunpack.i.l.s16.s32 v11;
	[tilespmem:s18+$0xFFFFFFC0] =	vst v6  }
0x42: {  	s18 =	sadd.s32 $0x80, s18;
	v8 =	vld [tilespmem:s20+$0xFFFFE000];
	v4 =	vunpack.i.u.s16.s32 v14;
	v6 =	vunpack.i.l.s16.s32 v14;
	v11 =	vpack.i.b32.b16 v15, v12;
	s20 =	sadd.s32 $0x40, s20;
	[tilespmem:s16+$0x0] =	vst v13  }
.Ltmp4:
0x43: {  	_ = 	snop;
	(pc) =	sbr.rel .LBB1_4-.Ltmp4, $1  }
0x44: {  	_ =	sdelay $0x3  }
.LBB1_6:
0x45: {  	_ =	sfence.sel $0x180000  }
0x46: {  	s2 =	simm.s32 $0x1;
	[bflag:$0x0] =	sbarrier.arrive $0xFFFF  }
0x47: {  	s31 =	simm.s32 $0x2;
	[sflag:s2] =	ssyncpa.u1 $0x1  }
0x48: {  	[sflag:s31] =	ssyncpa.u1 $0x1  }
0x49: {  	p0 =	sne.s32 s1, $0x0;
	_ =	strace $0x90000053  }
0x4a: {  	s0 =	sadd.s32 @!p0 $0x100000, s0;
	[bflag:$0x2] =	sbarrier.arrive $0xFFFF  }
0x4b: {  	[sflag:s0] =	ssyncadd.tile.s32 @!p0 $0x1;
	_ =	shalt  }
.Lfunc_end1:
_tile_overlayer_lowered:
.L_overlay_start_2:
0x4c: {  	(tag) =	ssettag $0x2  }
0x4d: {  	s0 =	rddreg [dreg:$0x0];
	s2 =	stileid.u32  }
0x4e: {  	s1 =	rddreg [dreg:$0x1];
	p0 =	sne.s32 s2, $0x0  }
0x4f: {  	s3 =	rddreg [dreg:$0x2];
	[bflag:$0x3] =	sbarrier.arrive $0xFFFF;
	s2 =	simm.s32 @!p0 $0x1C01  }
0x50: {  	[timem:s3], [sflag:s2] =	dma.local @!p0 [hbm:s0], s1  }
0x51: {  	s0 =	simm.s32 @!p0 $0x1  }
0x52: {  	_ =	swait.ge @!p0 [sflag:s0], s1  }
0x53: {  	s1 =	ssub.s32 @!p0 $0x0, s1;
	[sflag:s0] =	ssyncset.done @!p0 $0x0  }
0x54: {  	[sflag:s0] =	ssyncadd.s32 @!p0 s1  }
0x55: {  	[bflag:$0x3] =	sbarrier.arrive $0xFFFF  }
0x56: {  	_ =	shalt  }

// kernel: sparse-core-data-format-call.5.cloned.1.call-start
scs
called_computation.5_lowered:
.L_overlay_start_0:
0x0: {  	s1 =	sld [smem:$0x3FD9]  }
0x1: {  	s2 =	sld [smem:$0x3FFE];
	_ =	sdelay $0x1  }
0x2: {  	s3 =	srdreg.scid  }
0x3: {  	s0 =	sand.u32 $0x1, s3  }
0x4: {  	s17 =	sshll.u32 s0, $0xA;
	s1 =	sadd.s32 s2, s1  }
0x5: {  	s1 =	sadd.s32 s1, s17  }
0x6: {  	[smem:$0x3FAB] =	sst s1  }
0x7: {  	_ = 	snop  }
0x8: {  	(tm) =	ssettm $0x1  }
0x9: {  	s18 =	sld [smem:$0x3FFB];
	_ =	sdelay $0x3  }
0xa: {  	_ =	strace s18  }
0xb: {  	s1 =	sld [smem:$0x3FFC];
	_ =	sdelay $0x3  }
0xc: {  	_ =	strace s1  }
0xd: {  	s1 =	sld [smem:$0x3FFD];
	_ =	sdelay $0x3  }
0xe: {  	_ =	strace s1  }
0xf: {  	_ =	strace $0x8FFFFFFF  }
0x10: {  	s19 =	sld [smem:$0x3FDB];
	_ =	sdelay $0x1  }
0x11: {  	s20 =	simm.s32 $_scs_section_size  }
0x12: {  	s4 =	simm.s32 $_size__tile_overlayer_lowered;
	s5 =	simm.s32 $_tile_overlayer_lowered  }
0x13: {  	s23 =	simm.s32 $0x1BFF;
	s22 =	sshll.u32 s5, $0x1;
	s1 =	sadd.s32 s20, s19  }
0x14: {  	s6 =	simm.s32 $0x0;
	s21 =	sshll.u32 s4, $0x1;
	s4 =	sadd.s32 s22, s1  }
0x15: {  	[timem:s6], [sflag:s23] =	dma.local [hbm:s4], s21  }
0x16: {  	_ =	swait.ge [sflag:s23], s21  }
0x17: {  	s2 =	ssub.s32 $0x0, s21;
	[sflag:s23] =	ssyncset.done $0x0  }
0x18: {  	[sflag:s23] =	ssyncadd.s32 s2;
	_ =	sdelay $0x1  }
0x19: {  	s24 =	simm.s32 $0x1B8B  }
0x1a: {  	_ =	swait.ge [sflag:s24], $0x1  }
0x1b: {  	[sflag:s24] =	ssyncset.done $0x0  }
0x1c: {  	s26 =	simm.s32 $0x1B8E;
	s25 =	sld [smem:$0x3FFE];
	[sflag:s24] =	ssyncadd.s32 $0xFFFFFFFF  }
0x1d: {  	s27 =	simm.s32 $execute0_lowered;
	[smem:$0x3FD2] =	sst s26  }
0x1e: {  	s4 =	sshll.u32 s27, $0x1;
	_ =	strace $0x8000004C;
	[dreg:$0x1] =	wrdreg $0xFFFFFFFF  }
0x1f: {  	s28 =	simm.s32 $_size_execute0_lowered;
	s1 =	sadd.s32 s1, s4;
	[dreg:$0x0] =	wrdreg $0x0  }
0x20: {  	s4 =	sshll.u32 s28, $0x1;
	[dreg:$0x2] =	wrdreg s1  }
0x21: {  	[dreg:$0x3] =	wrdreg s4  }
0x22: {  	[dreg:$0x4] =	wrdreg $0xC0  }
0x23: {  	_ =	task [dreg:s6], $0x5FFFF  }
0x24: {  	[dreg:$0x1] =	wrdreg $0xFFFFFFFF  }
0x25: {  	[dreg:$0x0] =	wrdreg $0x60  }
0x26: {  	[dreg:$0x2] =	wrdreg s25  }
0x27: {  	[dreg:$0x3] =	wrdreg $0xA  }
0x28: {  	_ =	task.clear_ibuf [dreg:s6], $0x4FFFF;
	_ =	strace $0x9000004C  }
0x29: {  	s29 =	simm.s32 $0xA;
	_ =	strace $0x8000004E  }
0x2a: {  	_ =	swait.ge [sflag:s29], $0x1  }
0x2b: {  	[sflag:s29] =	ssyncadd.s32 $0xFFFFFFFF  }
0x2c: {  	_ =	strace $0x9000004E  }
0x2d: {  	_ =	sfence  }
0x2e: {  	s30 =	sld [smem:$0x0];
	_ =	sdelay $0x2  }
0x2f: {  	s31 =	sshll.u32 s3, $0xD;
	s3 =	sshrl.u32 s3, $0x2  }
0x30: {  	s2 =	sand.u32 $0x4000, s31;
	s1 =	sadd.s32 s3, s30  }
0x31: {  	s0 =	sor.u32 s2, s0;
	s1 =	sshll.u32 s1, $0x11  }
0x32: {  	s0 =	sor.u32 s1, s0  }
0x33: {  	s0 =	sadd.s32 $0x8F2B, s0  }
0x34: {  	[sflag:s0] =	ssyncadd.remote.s32 $0x1  }
0x35: {  	_ =	sfence.sel $0xFFFF  }
0x36: {  	[dreg:$0x0] =	wrdreg $0xFFFFFFFF;
	(pc) =	sbr.abs _section_cstart, $3  }
0x37: {  	[dreg:$0x1] =	wrdreg $0xFFFFFFFF  }
0x38: {  	_ =	task.clear_ibuf [dreg:s6], $0x2FFFF;
	_ =	strace $0x9FFFFFFF  }
0x39: {  	(tm) =	ssettm $0x7FFFFFFF  }
tec
execute0_lowered:
.L_overlay_start_1:
0x0: {  	(tag) =	ssettag $0x1  }
0x1: {  	s10 =	rddreg [dreg:$0x0]  }
0x2: {  	s0 =	rddreg [dreg:$0x1]  }
0x3: {  	_ =	strace $0x8000004D;
	s1 =	stileid.u32;
	s2 =	srdreg.scid  }
0x4: {  	s6 =	simm.s32 $0x1;
	s31 =	simm.s32 $0x2;
	s16 =	simm.s32 $0x0  }
0x5: {  	s12 =	simm.s32 $0x20000;
	s17 =	simm.s32 $0x0;
	s15 =	simm.s32 $0x0  }
0x6: {  	s3 =	sshll.u32 s1, $0x2;
	s4 =	sshll.u32 s1, $0x5;
	s5 =	sshll.u32 s2, $0x9  }
0x7: {  	s2 =	sadd.s32 $0x235200, s10;
	s3 =	sand.u32 $0xC, s3;
	s5 =	sor.u32 s4, s5  }
0x8: {  	[sflag:s6] =	ssyncpa.u1 $0x0;
	s5 =	sand.u32 $0x380, s5;
	s7 =	ssub.s32 $0x10, s3  }
0x9: {  	s8 =	sand.u32 $0xC, s7;
	s9 =	ssub.s32 $0x4000, s5;
	s7 =	sshrl.u32 s7, $0x4  }
0xa: {  	p0 =	sne.s32 s8, $0x0;
	s8 =	simm.s32 $0x1;
	s11 =	sand.u32 $0x380, s9  }
0xb: {  	s8 =	simm.s32 @!p0 $0x0;
	p0 =	sne.s32 s11, $0x0;
	s11 =	simm.s32 $0x1  }
.Ltmp0:
0xc: {  	s9 =	sshrl.u32 s9, $0xA;
	s11 =	simm.s32 @!p0 $0x0;
	(pc) =	sbr.rel .LBB1_1-.Ltmp0, $4  }
0xd: {  	s4 =	sadd.s32 $0x435200, s10;
	s7 =	sadd.s32 s8, s7;
	s30 =	sadd.s32 s11, s9  }
0xe: {  	[sflag:s31] =	ssyncpa.u1 $0x0;
	s14 =	smov.u32 s3;
	s7 =	smul.u32 s7, s30  }
0xf: {  	s13 =	smov.u32 s5;
	s8 =	sadd.s32 $0x255200, s10;
	p0 =	por $0x0, $0x0  }
0x10: {  	s9 =	sadd.s32 $0x275200, s10;
	s10 =	sadd.s32 $0x295200, s10;
	s11 =	sadd.s32 $0x1, s7  }
.LBB1_7:
0x11: {  	s18 =	sadd.s32 $0x400, s13  }
0x12: {  	s16 =	sadd.s32 $0x10, s14;
	s20 =	smov.u32 s14;
	p2 =	sgt.s32 s18, $0x3FFF  }
0x13: {  	s20 =	smov.u32 @p2 s16  }
0x14: {  	s18 =	smov.u32 @p2 s5;
	p2 =	sgt.s32 s20, $0xF  }
0x15: {  	s20 =	smov.u32 @p2 s3;
	p2 =	sne.s32 s15, s11  }
.Ltmp1:
0x16: {  	p1 =	slt.u32 s15, $0x2;
	(pc) =	sbr.rel @!p2 .LBB1_8-.Ltmp1, $4  }
0x17: {  	s19 =	simm.s32 @!p1 $0x2  }
0x18: {  	s17 =	smov.u32 s14;
	p0 =	por !p0, !p0;
	_ =	swait.ge @!p1 [sflag:s19], $0x4000  }
0x19: {  	s16 =	smov.u32 s13;
	[sflag:s19] =	ssyncset.done @!p1 $0x0;
	s13 =	smov.u32 s18  }
0x1a: {  	s15 =	sadd.s32 $0x1, s15;
	[sflag:s19] =	ssyncadd.s32 @!p1 $0xFFFFC000;
	s14 =	smov.u32 s20  }
.LBB1_1:
0x1b: {  	p1 =	sge.u32 s15, s7  }
0x1c: {  	s18 =	sshll.u32 @!p1 s14, $0x11  }
0x1d: {  	s19 =	sshll.u32 @!p1 s13, $0x3;
	s20 =	sxor.u32 @!p1 $0xFFFFFFFF, s15;
	s22 =	simm.s32 @!p1 $0x40  }
0x1e: {  	s19 =	sand.u32 @!p1 $0x1FFF0, s19;
	s21 =	sadd.s32 @!p1 s2, s18;
	s20 =	sshll.u32 @!p1 s20, $0xE  }
0x1f: {  	s23 =	simm.s32 @!p1 $0x80;
	s21 =	sadd.s32 @!p1 s19, s21;
	s20 =	sand.u32 @!p1 $0x4000, s20  }
0x20: {  	[tilespmem:s20], [sflag:$0x1] =	stream.strided.gather @!p1 [hbm4b:s21+s22], $0x1000, s23, s22, $0x38;
	[tilespmem:$0x10100] =	vst v63  }
0x21: {  	s21 =	sadd.s32 @!p1 s18, s8  }
0x22: {  	s24 =	sor.u32 @!p1 $0x1000, s20;
	s21 =	sadd.s32 @!p1 s19, s21  }
0x23: {  	[tilespmem:s24], [sflag:$0x1] =	stream.strided.gather @!p1 [hbm4b:s21+s22], $0x1000, s23, s22, $0x38;
	[tilespmem:$0x10100] =	vst v63  }
0x24: {  	s21 =	sadd.s32 @!p1 s18, s9  }
0x25: {  	s24 =	sor.u32 @!p1 $0x2000, s20;
	s18 =	sadd.s32 @!p1 s18, s10;
	s21 =	sadd.s32 @!p1 s19, s21  }
0x26: {  	[tilespmem:s24], [sflag:$0x1] =	stream.strided.gather @!p1 [hbm4b:s21+s22], $0x1000, s23, s22, $0x38;
	[tilespmem:$0x10100] =	vst v63  }
0x27: {  	s31 =	sadd.s32 $0xFFFFFFFF, s15;
	s18 =	sadd.s32 @!p1 s19, s18;
	s19 =	sor.u32 @!p1 $0x3000, s20  }
0x28: {  	[tilespmem:s19], [sflag:$0x1] =	stream.strided.gather @!p1 [hbm4b:s18+s22], $0x1000, s23, s22, $0x38;
	[tilespmem:$0x10100] =	vst v63  }
0x29: {  	p1 =	sge.u32 s31, s7  }
.Ltmp2:
0x2a: {  	_ = 	snop;
	(pc) =	sbr.rel @p1 .LBB1_7-.Ltmp2, $1  }
0x2b: {  	_ =	sdelay $0x3  }
0x2c: {  	s19 =	sand.u32 $0x1, s15  }
0x2d: {  	s18 =	simm.s32 $0x1;
	_ =	swait.ge [sflag:s6], $0x4000;
	s20 =	smul.u32 $0x10200, s19  }
0x2e: {  	s18 =	simm.s32 @!p0 $0x0;
	[sflag:s6] =	ssyncset.done $0x0  }
0x2f: {  	s18 =	sshll.u32 s18, $0xE;
	[sflag:s6] =	ssyncadd.s32 $0xFFFFC000;
	s31 =	sshrl.u32 s20, $0x2  }
0x30: {  	s19 =	sor.u32 $0x20, s18;
	s20 =	simm.s32 $0x0;
	s18 =	sor.u32 $0x8000, s31  }
.LBB1_3:
0x31: {  	v0 =	vld [tilespmem:s19+$0x10]  }
0x32: {  	v1 =	vld [tilespmem:s19+$0xFFFFFFF0]  }
0x33: {  	v3 =	vld [tilespmem:s19+$0xFFFFFFE0]  }
0x34: {  	v2 =	vld [tilespmem:s19+$0x0];
	s25 =	sadd.s32 $0x40, s19  }
0x35: {  	s21 =	smul.u32 $0x4080, s20;
	v5 =	vld [tilespmem:s25+$0x10];
	_ =	sdelay $0x1  }
0x36: {  	s21 =	sshra.s32 s21, $0x2  }
0x37: {  	s26 =	simm.s32 $0x0;
	s24 =	simm.s32 $0x2;
	v6 =	vld [tilespmem:s25+$0xFFFFFFE0];
	s22 =	sadd.s32 s21, s18;
	v8 =	vperm.xlane.i2c.b16 v1;
	v9 =	vperm.xlane.i2c.b16 v3  }
0x38: {  	s23 =	simm.s32 $0x4;
	s27 =	sand.u32 $0x3E, s26;
	s21 =	sadd.s32 $0x810, s22;
	v0 =	vperm.xlane.i2c.b16 v0;
	v3 =	vperm.xlane.i2c.b16 v2;
	v2 =	vld [tilespmem:s25+$0xFFFFFFF0]  }
0x39: {  	s26 =	sand.u32 $0x40, s26;
	s28 =	sadd.s32 s27, s22;
	v1 =	vld [tilespmem:s25+$0x0];
	s29 =	sadd.s32 s27, s21;
	v5 =	vperm.xlane.i2c.b16 v5;
	v7 =	vcombine.low v9, v8  }
0x3a: {  	s25 =	sadd.s32 $0x40, s25;
	s27 =	sadd.s32 s26, s28;
	s26 =	sadd.s32 s26, s29;
	v4 =	vcombine.low v3, v0;
	v8 =	vcombine.high v9, v8  }
.LBB1_4:
0x3b: {  	s24 =	sadd.s32 $0x2, s24  }
0x3c: {  	v9 =	vld [tilespmem:s25+$0x10];
	[tilespmem:s27+$0x0 ss:$0x81] =	vst.msk $0xffff, v7;
	v7 =	vcombine.high v3, v0;
	p1 =	slt.u32 s24, $0x7E  }
.Ltmp3:
0x3d: {  	v10 =	vperm.xlane.i2c.b16 v2;
	v2 =	vld [tilespmem:s25+$0xFFFFFFF0];
	[tilespmem:s27+$0x1 ss:$0x81] =	vst.msk $0xffff, v8;
	v0 =	vmov v5;
	(pc) =	sbr.rel @p1 .LBB1_4-.Ltmp3, $4  }
0x3e: {  	s27 =	sshrl.u32 s23, $0x1;
	v3 =	vperm.xlane.i2c.b16 v1;
	v8 =	vperm.xlane.i2c.b16 v6;
	v1 =	vld [tilespmem:s25+$0x0];
	[tilespmem:s26+$0x0 ss:$0x81] =	vst.msk $0xffff, v4  }
0x3f: {  	s23 =	sadd.s32 $0x4, s23;
	s28 =	sand.u32 $0x3E, s27;
	v6 =	vld [tilespmem:s25+$0xFFFFFFE0];
	[tilespmem:s26+$0x1 ss:$0x81] =	vst.msk $0xffff, v7  }
0x40: {  	s29 =	sand.u32 $0x40, s27;
	s26 =	sadd.s32 s28, s22;
	v4 =	vcombine.low v3, v0;
	s28 =	sadd.s32 s28, s21;
	v7 =	vcombine.low v8, v10  }
0x41: {  	s25 =	sadd.s32 $0x40, s25;
	s27 =	sadd.s32 s29, s26;
	v8 =	vcombine.high v8, v10;
	s26 =	sadd.s32 s29, s28;
	v5 =	vperm.xlane.i2c.b16 v9  }
0x42: {  	_ = 	snop  }
0x43: {  	[tilespmem:s27+$0x0 ss:$0x81] =	vst.msk $0xffff, v7;
	v2 =	vperm.xlane.i2c.b16 v2;
	s23 =	sshrl.u32 s23, $0x1;
	v1 =	vperm.xlane.i2c.b16 v1  }
0x44: {  	v0 =	vcombine.high v3, v0;
	[tilespmem:s26+$0x0 ss:$0x81] =	vst.msk $0xffff, v4;
	s20 =	sadd.s32 $0x1, s20;
	s24 =	sand.u32 $0x3E, s23;
	v6 =	vperm.xlane.i2c.b16 v6  }
0x45: {  	[tilespmem:s27+$0x1 ss:$0x81] =	vst.msk $0xffff, v8;
	s23 =	sand.u32 $0x40, s23;
	p1 =	sne.s32 s20, $0x4;
	s21 =	sadd.s32 s24, s21;
	v63 =	vcombine.low v1, v5  }
.Ltmp4:
0x46: {  	s22 =	sadd.s32 s24, s22;
	[tilespmem:s26+$0x1 ss:$0x81] =	vst.msk $0xffff, v0;
	s21 =	sadd.s32 s23, s21;
	v61 =	vcombine.low v6, v2;
	(pc) =	sbr.rel @p1 .LBB1_3-.Ltmp4, $4  }
0x47: {  	s22 =	sadd.s32 s23, s22;
	v1 =	vcombine.high v1, v5;
	[tilespmem:s21+$0x0 ss:$0x81] =	vst.msk $0xffff, v63  }
0x48: {  	v62 =	vcombine.high v6, v2;
	[tilespmem:s22+$0x0 ss:$0x81] =	vst.msk $0xffff, v61  }
0x49: {  	[tilespmem:s21+$0x1 ss:$0x81] =	vst.msk $0xffff, v1  }
0x4a: {  	s19 =	sadd.s32 $0x1000, s19;
	[tilespmem:s22+$0x1 ss:$0x81] =	vst.msk $0xffff, v62  }
0x4b: {  	s19 =	sshll.u32 s16, $0x4  }
0x4c: {  	s20 =	sshll.u32 s16, $0x1;
	s17 =	sshll.u32 s17, $0x10;
	s30 =	sand.u32 $0xFC00, s16  }
.Ltmp5:
0x4d: {  	s20 =	sand.u32 $0xF0, s20;
	s19 =	sand.u32 $0x3800, s19;
	(pc) =	sbr.rel .LBB1_7-.Ltmp5, $4  }
0x4e: {  	s31 =	sand.u32 $0x7, s16;
	s17 =	sadd.s32 s4, s17;
	s19 =	sor.u32 s20, s19  }
0x4f: {  	s16 =	sshll.u32 s31, $0x12;
	s17 =	sadd.s32 s30, s17;
	s19 =	sshrl.u32 s19, $0x4  }
0x50: {  	s16 =	sor.u32 $0x400, s16;
	s17 =	sadd.s32 s19, s17  }
0x51: {  	[hbm4b:s17+s16] =	stream.strided.scatter [tilespmem:s18], [sflag:$0x2], $0x4000, s12, s16, $0x20;
	[tilespmem:$0x10100] =	vst v63  }
.LBB1_8:
0x52: {  	_ =	sfence.sel $0x180000  }
0x53: {  	s2 =	simm.s32 $0x1;
	[bflag:$0x0] =	sbarrier.arrive $0xFFFF  }
0x54: {  	s31 =	simm.s32 $0x2;
	[sflag:s2] =	ssyncpa.u1 $0x1  }
0x55: {  	[sflag:s31] =	ssyncpa.u1 $0x1  }
0x56: {  	p0 =	sne.s32 s1, $0x0;
	_ =	strace $0x9000004D  }
0x57: {  	s0 =	sadd.s32 @!p0 $0x100000, s0;
	[bflag:$0x2] =	sbarrier.arrive $0xFFFF  }
0x58: {  	[sflag:s0] =	ssyncadd.tile.s32 @!p0 $0x1;
	_ =	shalt  }
.Lfunc_end1:
_tile_overlayer_lowered:
.L_overlay_start_2:
0x59: {  	(tag) =	ssettag $0x2  }
0x5a: {  	s0 =	rddreg [dreg:$0x0];
	s2 =	stileid.u32  }
0x5b: {  	s1 =	rddreg [dreg:$0x1];
	p0 =	sne.s32 s2, $0x0  }
0x5c: {  	s3 =	rddreg [dreg:$0x2];
	[bflag:$0x3] =	sbarrier.arrive $0xFFFF;
	s2 =	simm.s32 @!p0 $0x1C01  }
0x5d: {  	[timem:s3], [sflag:s2] =	dma.local @!p0 [hbm:s0], s1  }
0x5e: {  	s0 =	simm.s32 @!p0 $0x1  }
0x5f: {  	_ =	swait.ge @!p0 [sflag:s0], s1  }
0x60: {  	s1 =	ssub.s32 @!p0 $0x0, s1;
	[sflag:s0] =	ssyncset.done @!p0 $0x0  }
0x61: {  	[sflag:s0] =	ssyncadd.s32 @!p0 s1  }
0x62: {  	[bflag:$0x3] =	sbarrier.arrive $0xFFFF  }
0x63: {  	_ =	shalt  }

// kernel: sparse-core-data-format-call.cloned.1.call-start
scs
called_computation_lowered:
.L_overlay_start_0:
0x0: {  	s2 =	sld [smem:$0x3FD9]  }
0x1: {  	s3 =	sld [smem:$0x3FFE];
	_ =	sdelay $0x1  }
0x2: {  	s1 =	srdreg.scid  }
0x3: {  	s0 =	sand.u32 $0x1, s1  }
0x4: {  	s18 =	sshll.u32 s0, $0xA;
	s2 =	sadd.s32 s3, s2  }
0x5: {  	s2 =	sadd.s32 s2, s18  }
0x6: {  	[smem:$0x3FAB] =	sst s2  }
0x7: {  	_ = 	snop  }
0x8: {  	s19 =	sld [smem:$0x3FD0];
	(tm) =	ssettm $0x1  }
0x9: {  	s20 =	sld [smem:$0x3FFB];
	_ =	sdelay $0x3  }
0xa: {  	_ =	strace s20  }
0xb: {  	s2 =	sld [smem:$0x3FFC];
	_ =	sdelay $0x3  }
0xc: {  	_ =	strace s2  }
0xd: {  	s2 =	sld [smem:$0x3FFD];
	_ =	sdelay $0x3  }
0xe: {  	_ =	strace s2  }
0xf: {  	_ =	strace $0x8FFFFFFF  }
0x10: {  	s21 =	sld [smem:$0x3FDB];
	_ =	sdelay $0x1  }
0x11: {  	s4 =	simm.s32 $_scs_section_size  }
0x12: {  	s5 =	simm.s32 $_size__tile_overlayer_lowered;
	s6 =	simm.s32 $_tile_overlayer_lowered  }
0x13: {  	s7 =	simm.s32 $0x1BFF;
	s22 =	sshll.u32 s6, $0x1;
	s4 =	sadd.s32 s4, s21  }
0x14: {  	s23 =	simm.s32 $0x0;
	s5 =	sshll.u32 s5, $0x1;
	s6 =	sadd.s32 s22, s4  }
0x15: {  	[timem:s23], [sflag:s7] =	dma.local [hbm:s6], s5  }
0x16: {  	_ =	swait.ge [sflag:s7], s5  }
0x17: {  	s5 =	ssub.s32 $0x0, s5;
	[sflag:s7] =	ssyncset.done $0x0  }
0x18: {  	[sflag:s7] =	ssyncadd.s32 s5;
	_ =	sdelay $0x1  }
0x19: {  	s24 =	simm.s32 $0x1B8B  }
0x1a: {  	_ =	swait.ge [sflag:s24], $0x1  }
0x1b: {  	[sflag:s24] =	ssyncset.done $0x0  }
0x1c: {  	[sflag:s24] =	ssyncadd.s32 $0xFFFFFFFF  }
0x1d: {  	s5 =	sld [smem:$0x0]  }
0x1e: {  	s6 =	sand.u32 $0xFFFFFFFE, s1  }
0x1f: {  	p0 =	sne.s32 s1, s6  }
0x20: {  	s6 =	sshll.u32 @p0 s6, $0xE  }
0x21: {  	s6 =	sadd.s32 @p0 $0x11B8D, s6;
	s7 =	sshll.u32 @p0 s5, $0x11  }
0x22: {  	s6 =	sor.u32 @p0 s7, s6  }
0x23: {  	[sflag:s6] =	ssyncadd.remote.s32 @p0 $0x1;
	_ =	sdelay $0x1  }
0x24: {  	s6 =	simm.s32 @p0 $0x1B8D  }
0x25: {  	_ =	swait.eq @p0 [sflag:s6], $0x1  }
0x26: {  	[sflag:s6] =	ssyncadd.s32 @p0 $0xFFFFFFFF  }
0x27: {  	s7 =	sshll.u32 @!p0 s1, $0xE  }
0x28: {  	s7 =	sor.u32 @!p0 $0x4000, s7;
	s6 =	simm.s32 @!p0 $0x1B8D  }
0x29: {  	s5 =	sshll.u32 @!p0 s5, $0x11;
	s7 =	sadd.s32 @!p0 $0x11B8D, s7;
	_ =	swait.eq @!p0 [sflag:s6], $0x1  }
0x2a: {  	s5 =	sor.u32 @!p0 s5, s7;
	[sflag:s6] =	ssyncadd.s32 @!p0 $0xFFFFFFFF  }
0x2b: {  	s26 =	simm.s32 $0x1B8E;
	s25 =	sld [smem:$0x3FFE];
	[sflag:s5] =	ssyncadd.remote.s32 @!p0 $0x1  }
0x2c: {  	s27 =	simm.s32 $execute0_lowered;
	[smem:$0x3FD2] =	sst s26  }
0x2d: {  	s6 =	sshll.u32 s27, $0x1;
	_ =	strace $0x80000061;
	[dreg:$0x1] =	wrdreg $0xFFFFFFFF  }
0x2e: {  	s28 =	simm.s32 $_size_execute0_lowered;
	s4 =	sadd.s32 s4, s6;
	[dreg:$0x0] =	wrdreg $0x0  }
0x2f: {  	s6 =	sshll.u32 s28, $0x1;
	[dreg:$0x2] =	wrdreg s4  }
0x30: {  	[dreg:$0x3] =	wrdreg s6  }
0x31: {  	[dreg:$0x4] =	wrdreg $0xC0  }
0x32: {  	_ =	task [dreg:s23], $0x5FFFF  }
0x33: {  	[dreg:$0x1] =	wrdreg $0xFFFFFFFF  }
0x34: {  	[dreg:$0x0] =	wrdreg $0x60  }
0x35: {  	[dreg:$0x2] =	wrdreg s19  }
0x36: {  	[dreg:$0x3] =	wrdreg s25  }
0x37: {  	[dreg:$0x4] =	wrdreg $0x9  }
0x38: {  	_ =	task.clear_ibuf [dreg:s23], $0x5FFFF;
	_ =	strace $0x90000061  }
0x39: {  	s29 =	simm.s32 $0x9;
	_ =	strace $0x80000063  }
0x3a: {  	_ =	swait.ge [sflag:s29], $0x1  }
0x3b: {  	[sflag:s29] =	ssyncadd.s32 $0xFFFFFFFF  }
0x3c: {  	_ =	strace $0x90000063  }
0x3d: {  	_ =	sfence  }
0x3e: {  	s30 =	sld [smem:$0x0];
	_ =	sdelay $0x2  }
0x3f: {  	s31 =	sshll.u32 s1, $0xD;
	s1 =	sshrl.u32 s1, $0x2  }
0x40: {  	s4 =	sand.u32 $0x4000, s31;
	s1 =	sadd.s32 s1, s30  }
0x41: {  	s0 =	sor.u32 s4, s0;
	s1 =	sshll.u32 s1, $0x11  }
0x42: {  	s0 =	sor.u32 s1, s0  }
0x43: {  	s0 =	sadd.s32 $0x8F2B, s0  }
0x44: {  	[sflag:s0] =	ssyncadd.remote.s32 $0x1  }
0x45: {  	_ =	sfence.sel $0xFFFF  }
0x46: {  	[dreg:$0x0] =	wrdreg $0xFFFFFFFF;
	(pc) =	sbr.abs _section_cstart, $3  }
0x47: {  	[dreg:$0x1] =	wrdreg $0xFFFFFFFF  }
0x48: {  	_ =	task.clear_ibuf [dreg:s23], $0x2FFFF;
	_ =	strace $0x9FFFFFFF  }
0x49: {  	(tm) =	ssettm $0x7FFFFFFF  }
tec
execute0_lowered:
.L_overlay_start_1:
0x0: {  	(tag) =	ssettag $0x1  }
0x1: {  	s2 =	rddreg [dreg:$0x0]  }
0x2: {  	s0 =	stileid.u32;
	s1 =	srdreg.scid  }
0x3: {  	s7 =	rddreg [dreg:$0x1];
	s31 =	simm.s32 $0x2;
	s14 =	simm.s32 $0x0  }
0x4: {  	s15 =	simm.s32 $0x0;
	s13 =	simm.s32 $0x0;
	s3 =	sshll.u32 s0, $0x1  }
0x5: {  	s4 =	sshll.u32 s0, $0x4;
	s1 =	sshll.u32 s1, $0x8;
	s7 =	sadd.s32 $0x545200, s7  }
0x6: {  	s3 =	sand.u32 $0xE, s3;
	s4 =	sor.u32 s4, s1;
	s1 =	rddreg [dreg:$0x2]  }
0x7: {  	_ =	strace $0x80000062;
	s4 =	sand.u32 $0x180, s4;
	s5 =	ssub.s32 $0x10, s3  }
0x8: {  	s6 =	sand.u32 $0xE, s5;
	s8 =	ssub.s32 $0x4000, s4;
	s10 =	sshrl.u32 s5, $0x4  }
0x9: {  	p0 =	sne.s32 s6, $0x0;
	s6 =	simm.s32 $0x1;
	s9 =	sand.u32 $0x180, s8  }
0xa: {  	s6 =	simm.s32 @!p0 $0x0;
	p0 =	sne.s32 s9, $0x0;
	s9 =	simm.s32 $0x1  }
.Ltmp0:
0xb: {  	s8 =	sshrl.u32 s8, $0x9;
	s9 =	simm.s32 @!p0 $0x0;
	(pc) =	sbr.rel .LBB1_1-.Ltmp0, $4  }
0xc: {  	s5 =	simm.s32 $0x1;
	s6 =	sadd.s32 s6, s10;
	s8 =	sadd.s32 s9, s8  }
0xd: {  	s12 =	smov.u32 s3;
	[sflag:s5] =	ssyncpa.u1 $0x0;
	s6 =	smul.u32 s6, s8  }
0xe: {  	s11 =	smov.u32 s4;
	[sflag:s31] =	ssyncpa.u1 $0x0;
	p0 =	por $0x0, $0x0  }
0xf: {  	s10 =	simm.s32 $0x20000;
	s8 =	sadd.s32 $0x40000, s2;
	s9 =	sadd.s32 $0x1, s6  }
.LBB1_7:
0x10: {  	s16 =	sadd.s32 $0x200, s11  }
0x11: {  	s14 =	sadd.s32 $0x10, s12;
	s18 =	smov.u32 s12;
	p2 =	sgt.s32 s16, $0x3FFF  }
0x12: {  	s18 =	smov.u32 @p2 s14  }
0x13: {  	s16 =	smov.u32 @p2 s4;
	p2 =	sgt.s32 s18, $0xF  }
0x14: {  	s18 =	smov.u32 @p2 s3;
	p2 =	sne.s32 s13, s9  }
.Ltmp1:
0x15: {  	p1 =	slt.u32 s13, $0x2;
	(pc) =	sbr.rel @!p2 .LBB1_8-.Ltmp1, $4  }
0x16: {  	s17 =	simm.s32 @!p1 $0x2  }
0x17: {  	s15 =	smov.u32 s12;
	p0 =	por !p0, !p0;
	_ =	swait.ge @!p1 [sflag:s17], $0x4000  }
0x18: {  	s14 =	smov.u32 s11;
	[sflag:s17] =	ssyncset.done @!p1 $0x0;
	s11 =	smov.u32 s16  }
0x19: {  	s13 =	sadd.s32 $0x1, s13;
	[sflag:s17] =	ssyncadd.s32 @!p1 $0xFFFFC000;
	s12 =	smov.u32 s18  }
.LBB1_1:
0x1a: {  	p1 =	sge.u32 s13, s6  }
0x1b: {  	s16 =	sxor.u32 @!p1 $0xFFFFFFFF, s13;
	s17 =	sshll.u32 @!p1 s12, $0x12  }
0x1c: {  	s18 =	sshll.u32 @!p1 s11, $0x4;
	s20 =	simm.s32 @!p1 $0x40;
	s21 =	simm.s32 @!p1 $0x80  }
0x1d: {  	s16 =	sshll.u32 @!p1 s16, $0xE;
	s18 =	sand.u32 @!p1 $0x3FFF0, s18;
	s19 =	sadd.s32 @!p1 s2, s17  }
0x1e: {  	s17 =	sadd.s32 @!p1 s17, s8;
	s16 =	sand.u32 @!p1 $0x4000, s16;
	s19 =	sadd.s32 @!p1 s18, s19  }
0x1f: {  	[tilespmem:s16], [sflag:$0x1] =	stream.strided.gather @!p1 [hbm4b:s19+s20], $0x2000, s21, s20, $0x38;
	[tilespmem:$0x10100] =	vst v63  }
0x20: {  	s31 =	sadd.s32 $0xFFFFFFFF, s13;
	s17 =	sadd.s32 @!p1 s18, s17;
	s16 =	sor.u32 @!p1 $0x2000, s16  }
0x21: {  	[tilespmem:s16], [sflag:$0x1] =	stream.strided.gather @!p1 [hbm4b:s17+s20], $0x2000, s21, s20, $0x38;
	[tilespmem:$0x10100] =	vst v63  }
0x22: {  	p1 =	sge.u32 s31, s6  }
.Ltmp2:
0x23: {  	_ = 	snop;
	(pc) =	sbr.rel @p1 .LBB1_7-.Ltmp2, $1  }
0x24: {  	_ =	sdelay $0x3  }
0x25: {  	s16 =	simm.s32 $0x1;
	s18 =	sand.u32 $0x1, s13  }
0x26: {  	_ =	swait.ge [sflag:s5], $0x4000;
	s16 =	simm.s32 @!p0 $0x0;
	s18 =	smul.u32 $0x10200, s18  }
0x27: {  	p2 =	por $0x1, $0x1;
	[sflag:s5] =	ssyncset.done $0x0;
	s17 =	smul.u32 $0x10200, s16  }
0x28: {  	s19 =	sshll.u32 s16, $0x10;
	[sflag:s5] =	ssyncadd.s32 $0xFFFFC000;
	s30 =	sshrl.u32 s18, $0x2  }
0x29: {  	s31 =	sshrl.u32 s19, $0x2;
	s19 =	simm.s32 $0x0;
	s17 =	sshrl.u32 s17, $0x2  }
0x2a: {  	s16 =	sor.u32 $0x8000, s30;
	s18 =	sadd.s32 $0x20, s31;
	s17 =	sor.u32 $0x8000, s17  }
.LBB1_3:
0x2b: {  	s20 =	sshll.u32 s19, $0xD  }
0x2c: {  	s20 =	sand.u32 $0x3FFFE000, s20  }
0x2d: {  	s22 =	sadd.s32 s20, s18  }
0x2e: {  	s31 =	smul.u32 $0x8100, s19;
	v3 =	vld [tilespmem:s22+$0x10]  }
0x2f: {  	v1 =	vld [tilespmem:s22+$0xFFFFFFF0]  }
0x30: {  	s19 =	sshra.s32 s31, $0x2;
	v0 =	vld [tilespmem:s22+$0x0]  }
0x31: {  	s19 =	sadd.s32 s19, s17;
	v2 =	vld [tilespmem:s22+$0xFFFFFFE0]  }
0x32: {  	s20 =	sadd.s32 $0x0, s19  }
0x33: {  	p1 =	por p2, p2;
	s21 =	simm.s32 $0x4;
	s22 =	sadd.s32 $0x40, s22;
	[tilespmem:s20+$0x1830 ss:$0x81] =	vst.msk $0xffff, v3  }
.LBB1_4:
0x34: {  	v3 =	vld [tilespmem:s22+$0x10];
	p2 =	sne.s32 s21, $0x1FC;
	[tilespmem:s20+$0x810 ss:$0x81] =	vst.msk $0xffff, v1;
	s23 =	smov.u32 s21;
	s21 =	sadd.s32 $0x4, s21  }
.Ltmp3:
0x35: {  	v1 =	vld [tilespmem:s22+$0xFFFFFFF0];
	[tilespmem:s20+$0x1020 ss:$0x81] =	vst.msk $0xffff, v0;
	(pc) =	sbr.rel @p2 .LBB1_4-.Ltmp3, $4  }
0x36: {  	v0 =	vld [tilespmem:s22+$0x0];
	[tilespmem:s20+$0x0 ss:$0x81] =	vst.msk $0xffff, v2  }
0x37: {  	s20 =	sshra.s32 s23, $0x2;
	v2 =	vld [tilespmem:s22+$0xFFFFFFE0]  }
0x38: {  	s20 =	sadd.s32 s20, s19  }
0x39: {  	s22 =	sadd.s32 $0x40, s22;
	[tilespmem:s20+$0x1830 ss:$0x81] =	vst.msk $0xffff, v3  }
.Ltmp4:
0x3a: {  	(pc) =	sbr.rel @p1 .LBB1_3-.Ltmp4, $4  }
0x3b: {  	_ = 	snop  }
0x3c: {  	[tilespmem:s20+$0x810 ss:$0x81] =	vst.msk $0xffff, v1  }
0x3d: {  	[tilespmem:s20+$0x1020 ss:$0x81] =	vst.msk $0xffff, v0  }
0x3e: {  	s19 =	simm.s32 $0x1;
	p2 =	por $0x0, $0x0;
	[tilespmem:s20+$0x0 ss:$0x81] =	vst.msk $0xffff, v2  }
0x3f: {  	s17 =	sshll.u32 s14, $0x3;
	s18 =	sand.u32 $0x78, s14;
	s15 =	sshll.u32 s15, $0x11  }
.Ltmp5:
0x40: {  	s30 =	sand.u32 $0x1F800, s14;
	s17 =	sand.u32 $0x3C00, s17;
	(pc) =	sbr.rel .LBB1_7-.Ltmp5, $4  }
0x41: {  	s31 =	sand.u32 $0x7, s14;
	s15 =	sadd.s32 s7, s15;
	s17 =	sor.u32 s18, s17  }
0x42: {  	s14 =	sshll.u32 s31, $0x12;
	s15 =	sadd.s32 s30, s15;
	s17 =	sshrl.u32 s17, $0x3  }
0x43: {  	s14 =	sor.u32 $0x400, s14;
	s15 =	sadd.s32 s17, s15  }
0x44: {  	[hbm4b:s15+s14] =	stream.strided.scatter [tilespmem:s16], [sflag:$0x2], $0x4000, s10, s14, $0x20;
	[tilespmem:$0x10100] =	vst v63  }
.LBB1_8:
0x45: {  	_ =	sfence.sel $0x180000  }
0x46: {  	s2 =	simm.s32 $0x1;
	[bflag:$0x0] =	sbarrier.arrive $0xFFFF  }
0x47: {  	s31 =	simm.s32 $0x2;
	[sflag:s2] =	ssyncpa.u1 $0x1  }
0x48: {  	[sflag:s31] =	ssyncpa.u1 $0x1  }
0x49: {  	p0 =	sne.s32 s0, $0x0;
	_ =	strace $0x90000062  }
0x4a: {  	s0 =	sadd.s32 @!p0 $0x100000, s1;
	[bflag:$0x2] =	sbarrier.arrive $0xFFFF  }
0x4b: {  	[sflag:s0] =	ssyncadd.tile.s32 @!p0 $0x1;
	_ =	shalt  }
.Lfunc_end1:
_tile_overlayer_lowered:
.L_overlay_start_2:
0x4c: {  	(tag) =	ssettag $0x2  }
0x4d: {  	s0 =	rddreg [dreg:$0x0];
	s2 =	stileid.u32  }
0x4e: {  	s1 =	rddreg [dreg:$0x1];
	p0 =	sne.s32 s2, $0x0  }
0x4f: {  	s3 =	rddreg [dreg:$0x2];
	[bflag:$0x3] =	sbarrier.arrive $0xFFFF;
	s2 =	simm.s32 @!p0 $0x1C01  }
0x50: {  	[timem:s3], [sflag:s2] =	dma.local @!p0 [hbm:s0], s1  }
0x51: {  	s0 =	simm.s32 @!p0 $0x1  }
0x52: {  	_ =	swait.ge @!p0 [sflag:s0], s1  }
0x53: {  	s1 =	ssub.s32 @!p0 $0x0, s1;
	[sflag:s0] =	ssyncset.done @!p0 $0x0  }
0x54: {  	[sflag:s0] =	ssyncadd.s32 @!p0 s1  }
0x55: {  	[bflag:$0x3] =	sbarrier.arrive $0xFFFF  }
0x56: {  	_ =	shalt  }

</sc_bundles>
